<compile_context>
chip_gen: v7x
topology: tpu7x:2x2x1
jax: 0.10.2.dev20260603
libtpu: 0.0.44.dev20260713+nightly
codegen_flags: <defaults>
</compile_context>

<pallas_src>
import functools

import numpy as np

import jax
import jax.numpy as jnp
from jax import lax
from jax.experimental import pallas as pl
from jax.experimental.pallas import tpu as pltpu
from jax.experimental.pallas import tpu_sc as plsc

N = 10000
E = 320000
D = 128
ZD = 512
HH = 64
NP = 64
ND = 64
NPD = NP + ND

NC = 2
NS = 16
NW = NC * NS
CH = 128
NR = 10240
SLAB = NR // NS
EPAD = 327680
EP2 = 4096



_PGF = (np.arange(EPAD - E, dtype=np.int32) % 64)
_PSF = (N + np.arange(EPAD - E, dtype=np.int32) % 192).astype(np.int32)
_PGB = np.concatenate([
    NR + np.arange(NPD, dtype=np.int32),
    np.arange(EPAD - E - NPD, dtype=np.int32) % 64]).astype(np.int32)
_PSB = (N + np.arange(EPAD - E - NPD, dtype=np.int32) % 192).astype(np.int32)
_GI_D = np.concatenate([
    np.arange(NPD, dtype=np.int32),
    np.arange(EP2 - NPD, dtype=np.int32) % 64]).astype(
        np.int32).reshape(EP2 // CH, CH)
_PS_D = (N + np.arange(EP2 - NPD, dtype=np.int32) % 192).astype(np.int32)


def _segsum_sc(n_tbl_rows: int, epad: int):
    nchunks = epad // (NW * CH)
    nhalf = nchunks // 2 if nchunks > 1 else 1
    assert nchunks == 1 or (nchunks % 2 == 0 and nhalf % 2 == 0)
    mesh = plsc.VectorSubcoreMesh(core_axis_name="c", subcore_axis_name="s")

    @functools.partial(
        pl.kernel,
        out_type=jax.ShapeDtypeStruct((NC, NR, D), jnp.float32),
        mesh=mesh,
        scratch_types=[
            pltpu.VMEM((nhalf, CH), jnp.int32),
            pltpu.VMEM((nhalf, CH), jnp.int32),
            pltpu.VMEM((CH, D), jnp.float32),
            pltpu.VMEM((CH, D), jnp.float32),
            pltpu.VMEM_SHARED((NR, D), jnp.float32),
            pltpu.SemaphoreType.DMA,
            pltpu.SemaphoreType.DMA,
        ],
    )
    def k(tbl, gidx, sidx, zeros, out, gbuf, sbuf, rowsA, rowsB, acc,
          semA, semB):
        c = lax.axis_index("c")
        s = lax.axis_index("s")
        wid = s * NC + c
        pltpu.sync_copy(zeros.at[pl.ds(s * SLAB, SLAB)],
                        acc.at[pl.ds(s * SLAB, SLAB)])
        plsc.subcore_barrier()
        row0 = wid * nchunks

        def issue(j, buf, sem):
            pltpu.async_copy(tbl.at[gbuf.at[j]], buf, sem)

        def drain(buf, sem):
            pltpu.make_async_copy(tbl.at[gbuf.at[0]], buf, sem).wait()

        def scat(j, buf):
            pltpu.sync_copy(buf, acc.at[sbuf.at[j]], add=True)

        if nchunks == 1:
            pltpu.sync_copy(gidx.at[pl.ds(row0, 1)], gbuf)
            pltpu.sync_copy(sidx.at[pl.ds(row0, 1)], sbuf)
            issue(0, rowsA, semA)
            drain(rowsA, semA)
            scat(0, rowsA)
        else:
            for half in range(2):
                r0 = row0 + half * nhalf
                pltpu.sync_copy(gidx.at[pl.ds(r0, nhalf)], gbuf)
                pltpu.sync_copy(sidx.at[pl.ds(r0, nhalf)], sbuf)
                issue(0, rowsA, semA)

                @pl.loop(0, nhalf // 2)
                def _(it):
                    j = it * 2
                    issue(j + 1, rowsB, semB)
                    drain(rowsA, semA)
                    scat(j, rowsA)

                    @pl.when(j + 2 < nhalf)
                    def _():
                        issue(j + 2, rowsA, semA)

                    drain(rowsB, semB)
                    scat(j + 1, rowsB)

        plsc.subcore_barrier()
        pltpu.sync_copy(acc.at[pl.ds(s * SLAB, SLAB)],
                        out.at[c, pl.ds(s * SLAB, SLAB)])

    return k


def _gather4_sc(rows0: int, rows3: int):
    mesh = plsc.VectorSubcoreMesh(core_axis_name="c", subcore_axis_name="s")
    blk = NPD // 16

    @functools.partial(
        pl.kernel,
        out_type=jax.ShapeDtypeStruct((NPD, ZD), jnp.float32),
        mesh=mesh,
        scratch_types=[
            pltpu.VMEM((blk,), jnp.int32),
            pltpu.VMEM((blk, D), jnp.float32),
            pltpu.SemaphoreType.DMA,
        ],
    )
    def k(t0, t1, t2, t3, idx, out, idxv, rows, sem):
        c = lax.axis_index("c")
        s = lax.axis_index("s")
        wid = s * NC + c

        @pl.when(wid < 16)
        def _():
            pltpu.sync_copy(idx.at[pl.ds(wid * blk, blk)], idxv)
            for t, tbl in enumerate((t0, t1, t2, t3)):
                pltpu.async_copy(tbl.at[idxv], rows, sem).wait()
                pltpu.sync_copy(
                    rows, out.at[pl.ds(wid * blk, blk), pl.ds(t * D, D)])

    return k


def _densify_sc():
    nchunks_t = EP2 // (NS * CH)
    mesh = plsc.VectorSubcoreMesh(core_axis_name="c", subcore_axis_name="s")

    @functools.partial(
        pl.kernel,
        out_type=jax.ShapeDtypeStruct((NR + NPD, D), jnp.float32),
        mesh=mesh,
        scratch_types=[
            pltpu.VMEM((1, CH), jnp.int32),
            pltpu.VMEM((1, CH), jnp.int32),
            pltpu.VMEM((CH, D), jnp.float32),
            pltpu.VMEM_SHARED((NR, D), jnp.float32),
            pltpu.SemaphoreType.DMA,
        ],
    )
    def k(tbl, gidx, sidx, zeros, tail, out, gbuf, sbuf, rows, acc, sem):
        c = lax.axis_index("c")
        s = lax.axis_index("s")

        @pl.when(c == 0)
        def _():
            pltpu.sync_copy(zeros.at[pl.ds(s * SLAB, SLAB)],
                            acc.at[pl.ds(s * SLAB, SLAB)])
            plsc.subcore_barrier()
            for j in range(nchunks_t):
                row = s * nchunks_t + j
                pltpu.sync_copy(gidx.at[pl.ds(row, 1)], gbuf)
                pltpu.sync_copy(sidx.at[pl.ds(row, 1)], sbuf)
                pltpu.async_copy(tbl.at[gbuf.at[0]], rows, sem).wait()
                pltpu.sync_copy(rows, acc.at[sbuf.at[0]], add=True)
            plsc.subcore_barrier()
            pltpu.sync_copy(acc.at[pl.ds(s * SLAB, SLAB)],
                            out.at[pl.ds(s * SLAB, SLAB)])

        @pl.when((c == 1) & (s == 0))
        def _():
            pltpu.sync_copy(tail, rows)
            pltpu.sync_copy(rows, out.at[pl.ds(NR, NPD)])

    return k



_BLK = 1024
_NBLK = NR // _BLK


def _p_specs():
    return [
        pl.BlockSpec((1, _BLK, D), lambda i: (0, i, 0)),
        pl.BlockSpec((1, _BLK, D), lambda i: (1, i, 0)),
    ]


def _fwd_body(p0, p1, w, b, out):
    s = jnp.dot(p0[0] + p1[0], w[...], preferred_element_type=jnp.float32)
    out[...] = jnp.maximum(s + b[...], 0.0)


def _fwd_tc(p, w, bvec):
    return pl.pallas_call(
        _fwd_body,
        grid=(_NBLK,),
        in_specs=_p_specs() + [
            pl.BlockSpec((D, D), lambda i: (0, 0)),
            pl.BlockSpec((1, D), lambda i: (0, 0)),
        ],
        out_specs=pl.BlockSpec((_BLK, D), lambda i: (i, 0)),
        out_shape=jax.ShapeDtypeStruct((NR, D), jnp.float32),
    )(p, p, w, bvec)


def _bwd_body(p0, p1, m, w, rows, g_out, q_out):
    i = pl.program_id(0)
    g = p0[0] + p1[0]
    g_out[...] = g
    ds = jnp.where(m[...] > 0.0, g, 0.0)
    q_out[...] = lax.dot_general(ds, w[...], (((1,), (1,)), ((), ())),
                                 preferred_element_type=jnp.float32)

    @pl.when(i == _NBLK)
    def _():
        q_out[:NPD] = rows[...]


def _bwd_tc(p, mask_src, w, tail_rows):
    clamp = lambda i: (jnp.minimum(i, _NBLK - 1), 0)
    clamp3 = [
        pl.BlockSpec((1, _BLK, D), lambda i: (0, jnp.minimum(i, _NBLK - 1), 0)),
        pl.BlockSpec((1, _BLK, D), lambda i: (1, jnp.minimum(i, _NBLK - 1), 0)),
    ]
    return pl.pallas_call(
        _bwd_body,
        grid=(_NBLK + 1,),
        in_specs=clamp3 + [
            pl.BlockSpec((_BLK, D), clamp),
            pl.BlockSpec((D, D), lambda i: (0, 0)),
            pl.BlockSpec((NPD, D), lambda i: (0, 0)),
        ],
        out_specs=[
            pl.BlockSpec((_BLK, D), clamp),
            pl.BlockSpec((_BLK, D), lambda i: (i, 0)),
        ],
        out_shape=[
            jax.ShapeDtypeStruct((N, D), jnp.float32),
            jax.ShapeDtypeStruct((NR + NPD, D), jnp.float32),
        ],
    )(p, p, mask_src, w, tail_rows)


def _add_body(p0, p1, out):
    out[...] = p0[0] + p1[0]


def _add_tc(p):
    return pl.pallas_call(
        _add_body,
        grid=(_NBLK,),
        in_specs=_p_specs(),
        out_specs=pl.BlockSpec((_BLK, D), lambda i: (i, 0)),
        out_shape=jax.ShapeDtypeStruct((N, D), jnp.float32),
    )(p, p)


def _decoder_body(zr, rel, wh1, wh2, bh1, bh2, w3,
                  probas_out, dz_out, q3_out):
    Z = zr[...]
    relv = rel[...]
    Zp = Z[:NP]
    Zd = Z[NP:]
    hi = lax.Precision.HIGHEST
    Dmat = jnp.dot(Zp * relv, Zd.T, preferred_element_type=jnp.float32,
                   precision=hi)
    dmin = jnp.min(Dmat)
    dmax = jnp.max(Dmat)
    dmean = jnp.mean(Dmat)
    ep = jnp.mean(Zp, axis=0, keepdims=True)
    ed = jnp.mean(Zd, axis=0, keepdims=True)
    W1h = wh1[...]
    z1 = (jnp.dot(ep, W1h[:ZD], preferred_element_type=jnp.float32,
                  precision=hi)
          + jnp.dot(ed, W1h[ZD:], preferred_element_type=jnp.float32,
                    precision=hi)
          + bh1[...])
    w2 = wh2[...]
    head = jnp.sum(z1 * w2[:, :HH])
    w_min = w2[0, HH]
    w_mean = w2[0, HH + 1]
    w_max = w2[0, HH + 2]
    probas_out[...] = (head + dmin * w_min + dmean * w_mean + dmax * w_max
                       + bh2[...])

    dz1 = w2[:, :HH]
    du = lax.dot_general(dz1, W1h, (((1,), (1,)), ((), ())),
                         preferred_element_type=jnp.float32,
                         precision=hi)
    dep = du[:, :ZD]
    ded = du[:, ZD:]
    eqmin = jnp.where(Dmat == dmin, 1.0, 0.0)
    eqmax = jnp.where(Dmat == dmax, 1.0, 0.0)
    dD = (w_mean / (NP * ND)
          + w_min * eqmin / jnp.sum(eqmin)
          + w_max * eqmax / jnp.sum(eqmax))
    dZp = (jnp.dot(dD, Zd, preferred_element_type=jnp.float32, precision=hi)
           * relv + dep / NP)
    dZd = (lax.dot_general(dD, Zp, (((0,), (0,)), ((), ())),
                           preferred_element_type=jnp.float32, precision=hi)
           * relv + ded / ND)
    DZ = jnp.concatenate([dZp, dZd], axis=0)
    dz_out[...] = DZ
    ds3 = jnp.where(Z[:, :D] > 0.0, DZ[:, :D], 0.0)
    q3_out[...] = lax.dot_general(ds3, w3[...], (((1,), (1,)), ((), ())),
                                  preferred_element_type=jnp.float32,
                                  precision=hi)


def _decoder_tc(zrows, rel, wh1, wh2, bh1, bh2, w3):
    return pl.pallas_call(
        _decoder_body,
        out_shape=[
            jax.ShapeDtypeStruct((1, 1), jnp.float32),
            jax.ShapeDtypeStruct((NPD, ZD), jnp.float32),
            jax.ShapeDtypeStruct((NPD, D), jnp.float32),
        ],
    )(zrows, rel, wh1, wh2, bh1, bh2, w3)


def kernel(embs, edge_index, proteins, diseases, W1, b1, W2, b2, W3, b3,
           rel, Wh1, bh1, Wh2, bh2):
    src = edge_index[0]
    dst = edge_index[1]

    gi_f = jnp.concatenate([src, _PGF]).reshape(EPAD // CH, CH)
    si_f = jnp.concatenate([dst, _PSF]).reshape(EPAD // CH, CH)

    zeros = jnp.zeros((NR, D), dtype=jnp.float32)
    b1r = b1.reshape(1, D)
    b2r = b2.reshape(1, D)
    b3r = b3.reshape(1, D)

    seg_e = _segsum_sc(N, EPAD)
    seg_r = _segsum_sc(NR, EPAD)
    seg_t = _segsum_sc(NR + NPD, EPAD)

    p = seg_e(embs, gi_f, si_f, zeros)
    a = _fwd_tc(p, W1, b1r)
    p = seg_r(a, gi_f, si_f, zeros)
    b = _fwd_tc(p, W2, b2r)
    p = seg_r(b, gi_f, si_f, zeros)
    c = _fwd_tc(p, W3, b3r)

    idx128 = jnp.concatenate([proteins, diseases])
    zrows = _gather4_sc(NR, N)(c, b, a, embs, idx128)
    probas, DZ, q3_rows = _decoder_tc(
        zrows, rel.reshape(1, ZD), Wh1, Wh2.reshape(1, HH + 3),
        bh1.reshape(1, HH), bh2.reshape(1, 1), W3)
    dbs_rows = DZ[:, D:2 * D]
    das_rows = DZ[:, 2 * D:3 * D]
    des_rows = DZ[:, 3 * D:]

    si_d = jnp.concatenate([idx128, _PS_D]).reshape(EP2 // CH, CH)
    t3 = _densify_sc()(q3_rows, _GI_D, si_d, zeros, dbs_rows)

    gi_b = jnp.concatenate([dst, _PGB]).reshape(EPAD // CH, CH)
    si_b = jnp.concatenate([src, idx128, _PSB]).reshape(EPAD // CH, CH)

    p = seg_t(t3, gi_b, si_b, zeros)
    g1, t2 = _bwd_tc(p, b, W2, das_rows)
    p = seg_t(t2, gi_b, si_b, zeros)
    g2, t1 = _bwd_tc(p, a, W1, des_rows)
    p = seg_t(t1, gi_b, si_b, zeros)
    g3 = _add_tc(p)

    return (probas, g3, g2, g1)

# --- scband reference (transcript-rebuilt; emitter-appended) ---
"""Pipeline reference for scband-whole-model-2542620639903 (READ-ONLY COPY).

The authoritative reference and input builder live on the scoring server;
editing this copy changes nothing except your own understanding.
"""

import jax, jax.numpy as jnp
import numpy as np

N = 10000
E = 320000
D = 128
H = 128
ZD = 3 * H + D
HH = 64
NP = 64
ND = 64


def setup_inputs(seed: int = 0) -> dict:
    key = jax.random.key(seed)
    ks = jax.random.split(key, 12)
    s = 0.05
    inp = {}
    inp['embs'] = jax.random.normal(ks[0], (N, D), dtype=jnp.float32)
    inp['edge_index'] = jax.random.randint(ks[1], (2, E), 0, N, dtype=jnp.int32)
    inp['proteins'] = jax.random.randint(ks[2], (NP,), 0, N, dtype=jnp.int32)
    inp['diseases'] = jax.random.randint(ks[3], (ND,), 0, N, dtype=jnp.int32)
    inp['W1'] = jax.random.normal(ks[4], (D, H), dtype=jnp.float32) * s
    inp['b1'] = jnp.zeros((H,), dtype=jnp.float32)
    inp['W2'] = jax.random.normal(ks[5], (H, H), dtype=jnp.float32) * s
    inp['b2'] = jnp.zeros((H,), dtype=jnp.float32)
    inp['W3'] = jax.random.normal(ks[6], (H, H), dtype=jnp.float32) * s
    inp['b3'] = jnp.zeros((H,), dtype=jnp.float32)
    inp['rel'] = jax.random.normal(ks[7], (ZD,), dtype=jnp.float32) * s
    inp['Wh1'] = jax.random.normal(ks[8], (2 * ZD, HH), dtype=jnp.float32) * s
    inp['bh1'] = jnp.zeros((HH,), dtype=jnp.float32)
    inp['Wh2'] = jax.random.normal(ks[9], (HH + 3, 1), dtype=jnp.float32) * s
    inp['bh2'] = jnp.zeros((1,), dtype=jnp.float32)
    return inp


def _conv(x, src, dst, W, b):
    agg = jax.ops.segment_sum(x[src], dst, num_segments=N)
    return agg @ W + b


def reference(embs, edge_index, proteins, diseases, W1, b1, W2, b2, W3, b3, rel, Wh1, bh1, Wh2, bh2):
    src = edge_index[0]
    dst = edge_index[1]
    pi = jnp.repeat(proteins, ND)
    di = jnp.tile(diseases, NP)

    def fwd(e, da, db):
        a = jax.nn.relu(_conv(e, src, dst, W1, b1)) + da
        b = jax.nn.relu(_conv(a, src, dst, W2, b2)) + db
        c = jax.nn.relu(_conv(b, src, dst, W3, b3))
        z = jnp.concatenate([c, b, a, e], axis=1)
        embs_protein = z[proteins].mean(0)
        embs_disease = z[diseases].mean(0)
        d = jnp.sum(z[pi] * rel * z[di], axis=-1)
        min_mean_max = jnp.stack([d.min(), d.mean(), d.max()])[None, :]
        z1 = jnp.concatenate([embs_protein, embs_disease])[None, :] @ Wh1 + bh1
        probas = jnp.concatenate([z1, min_mean_max], axis=1) @ Wh2 + bh2
        return probas.sum(), probas

    da = jnp.zeros((N, H), dtype=jnp.float32)
    db = jnp.zeros((N, H), dtype=jnp.float32)
    grad_fn = jax.grad(fwd, argnums=(0, 1, 2), has_aux=True)
    (g3, g2, g1), probas = grad_fn(embs, da, db)
    # torch returns (probas, embs.grad, a.grad, b.grad)
    return (probas, g3, g2, g1)

if __name__ == "__main__":
    import jax
    _d = setup_inputs()
    print(jax.jit(kernel)(*tuple(_d.values())))

</pallas_src>

<mosaic_0001>
#map = affine_map<(d0, d1) -> (0, 0)>
#map1 = affine_map<(d0, d1) -> (0, 0, 0)>
module attributes {stable_mosaic.version = 14 : i64} {
  func.func @k(%arg0: i32, %arg1: i32, %arg2: memref<10000x128xf32, #tpu.memory_space<hbm>>, %arg3: memref<2560x128xi32, #tpu.memory_space<hbm>>, %arg4: memref<2560x128xi32, #tpu.memory_space<hbm>>, %arg5: memref<10240x128xf32, #tpu.memory_space<hbm>>, %arg6: memref<2x10240x128xf32, #tpu.memory_space<hbm>>, %arg7: memref<40x128xi32, #tpu.memory_space<vmem>>, %arg8: memref<40x128xi32, #tpu.memory_space<vmem>>, %arg9: memref<128x128xf32, #tpu.memory_space<vmem>>, %arg10: memref<128x128xf32, #tpu.memory_space<vmem>>, %arg11: memref<10240x128xf32, #tpu.memory_space<vmem_shared>>, %arg12: memref<!tpu.dma_semaphore, #tpu.memory_space<semaphore_mem>>, %arg13: memref<!tpu.dma_semaphore, #tpu.memory_space<semaphore_mem>>) attributes {dimension_semantics = [#tpu.dimension_semantics<core_parallel>, #tpu.dimension_semantics<subcore_parallel>], iteration_bounds = array<i64: 2, 16>, scalar_prefetch = 0 : i64, scratch_operands = 7 : i64, tpu.core_type = #tpu.core_type<sc_vector_subcore>, window_params = [{transform_indices = #map}, {transform_indices = #map}, {transform_indices = #map}, {transform_indices = #map}, {transform_indices = #map1}]} {
    %mul3A = arith.constant 2 : i32
    %mul3A_0 = arith.muli %arg1, %mul3A : i32
    %add3A = arith.addi %mul3A_0, %arg0 : i32
    %mul3A_1 = arith.constant 640 : i32
    %mul3A_2 = arith.muli %arg1, %mul3A_1 : i32
    %mul3A_3 = arith.constant 640 : i32
    %mul3A_4 = arith.muli %arg1, %mul3A_3 : i32
    "tpu.region"() ({
      %run_scoped3A = tpu.sem_alloc : memref<!tpu.dma_semaphore, #tpu.memory_space<semaphore_mem>>
      %dma_start3A_38 = arith.constant 0 : i32
      %dma_start3A_39 = tpu.memref_slice %arg11[%mul3A_4, %dma_start3A_38] : memref<10240x128xf32, #tpu.memory_space<vmem_shared>> -> memref<640x128xf32, #tpu.memory_space<vmem_shared>>
      %dma_start3A_40 = arith.constant 0 : i32
      %dma_start3A_41 = tpu.memref_slice %arg5[%mul3A_2, %dma_start3A_40] : memref<10240x128xf32, #tpu.memory_space<hbm>> -> memref<640x128xf32, #tpu.memory_space<hbm>>
      tpu.enqueue_dma source(%dma_start3A_41 : memref<640x128xf32, #tpu.memory_space<hbm>>) target(%dma_start3A_39 : memref<640x128xf32, #tpu.memory_space<vmem_shared>>) target_semaphore(%run_scoped3A : memref<!tpu.dma_semaphore, #tpu.memory_space<semaphore_mem>>)
      %dma_wait3A = arith.constant 0 : i32
      %dma_wait3A_42 = tpu.memref_slice %arg11[%mul3A_4, %dma_wait3A] : memref<10240x128xf32, #tpu.memory_space<vmem_shared>> -> memref<640x128xf32, #tpu.memory_space<vmem_shared>>
      %dma_wait3A_43 = arith.constant 0 : i32
      %dma_wait3A_44 = tpu.memref_slice %arg5[%mul3A_2, %dma_wait3A_43] : memref<10240x128xf32, #tpu.memory_space<hbm>> -> memref<640x128xf32, #tpu.memory_space<hbm>>
      tpu.wait_dma2 semaphore(%run_scoped3A : memref<!tpu.dma_semaphore, #tpu.memory_space<semaphore_mem>>) src(%dma_wait3A_44 : memref<640x128xf32, #tpu.memory_space<hbm>>) dst(%dma_wait3A_42 : memref<640x128xf32, #tpu.memory_space<vmem_shared>>)
      tpu.yield
    }) : () -> ()
    %barrier3A = arith.constant 0 : index
    tpu.barrier barrier_id(%barrier3A)
    %mul3A_5 = arith.constant 80 : i32
    %mul3A_6 = arith.muli %add3A, %mul3A_5 : i32
    %add3A_7 = arith.constant 0 : i32
    %add3A_8 = arith.addi %mul3A_6, %add3A_7 : i32
    "tpu.region"() ({
      %run_scoped3A = tpu.sem_alloc : memref<!tpu.dma_semaphore, #tpu.memory_space<semaphore_mem>>
      %dma_start3A_38 = arith.constant 0 : i32
      %dma_start3A_39 = tpu.memref_slice %arg3[%add3A_8, %dma_start3A_38] : memref<2560x128xi32, #tpu.memory_space<hbm>> -> memref<40x128xi32, #tpu.memory_space<hbm>>
      %dma_start3A_40 = arith.constant 0 : i32
      %dma_start3A_41 = tpu.memref_slice %arg3[%add3A_8, %dma_start3A_40] : memref<2560x128xi32, #tpu.memory_space<hbm>> -> memref<40x128xi32, #tpu.memory_space<hbm>>
      tpu.enqueue_dma source(%dma_start3A_41 : memref<40x128xi32, #tpu.memory_space<hbm>>) target(%arg7 : memref<40x128xi32, #tpu.memory_space<vmem>>) target_semaphore(%run_scoped3A : memref<!tpu.dma_semaphore, #tpu.memory_space<semaphore_mem>>)
      %dma_wait3A = arith.constant 0 : i32
      %dma_wait3A_42 = tpu.memref_slice %arg3[%add3A_8, %dma_wait3A] : memref<2560x128xi32, #tpu.memory_space<hbm>> -> memref<40x128xi32, #tpu.memory_space<hbm>>
      %dma_wait3A_43 = arith.constant 0 : i32
      %dma_wait3A_44 = tpu.memref_slice %arg3[%add3A_8, %dma_wait3A_43] : memref<2560x128xi32, #tpu.memory_space<hbm>> -> memref<40x128xi32, #tpu.memory_space<hbm>>
      tpu.wait_dma2 semaphore(%run_scoped3A : memref<!tpu.dma_semaphore, #tpu.memory_space<semaphore_mem>>) src(%dma_wait3A_44 : memref<40x128xi32, #tpu.memory_space<hbm>>) dst(%arg7 : memref<40x128xi32, #tpu.memory_space<vmem>>)
      tpu.yield
    }) : () -> ()
    "tpu.region"() ({
      %run_scoped3A = tpu.sem_alloc : memref<!tpu.dma_semaphore, #tpu.memory_space<semaphore_mem>>
      %dma_start3A_38 = arith.constant 0 : i32
      %dma_start3A_39 = tpu.memref_slice %arg4[%add3A_8, %dma_start3A_38] : memref<2560x128xi32, #tpu.memory_space<hbm>> -> memref<40x128xi32, #tpu.memory_space<hbm>>
      %dma_start3A_40 = arith.constant 0 : i32
      %dma_start3A_41 = tpu.memref_slice %arg4[%add3A_8, %dma_start3A_40] : memref<2560x128xi32, #tpu.memory_space<hbm>> -> memref<40x128xi32, #tpu.memory_space<hbm>>
      tpu.enqueue_dma source(%dma_start3A_41 : memref<40x128xi32, #tpu.memory_space<hbm>>) target(%arg8 : memref<40x128xi32, #tpu.memory_space<vmem>>) target_semaphore(%run_scoped3A : memref<!tpu.dma_semaphore, #tpu.memory_space<semaphore_mem>>)
      %dma_wait3A = arith.constant 0 : i32
      %dma_wait3A_42 = tpu.memref_slice %arg4[%add3A_8, %dma_wait3A] : memref<2560x128xi32, #tpu.memory_space<hbm>> -> memref<40x128xi32, #tpu.memory_space<hbm>>
      %dma_wait3A_43 = arith.constant 0 : i32
      %dma_wait3A_44 = tpu.memref_slice %arg4[%add3A_8, %dma_wait3A_43] : memref<2560x128xi32, #tpu.memory_space<hbm>> -> memref<40x128xi32, #tpu.memory_space<hbm>>
      tpu.wait_dma2 semaphore(%run_scoped3A : memref<!tpu.dma_semaphore, #tpu.memory_space<semaphore_mem>>) src(%dma_wait3A_44 : memref<40x128xi32, #tpu.memory_space<hbm>>) dst(%arg8 : memref<40x128xi32, #tpu.memory_space<vmem>>)
      tpu.yield
    }) : () -> ()
    %dma_start3A = arith.constant 0 : i32
    %dma_start3A_9 = arith.constant 0 : i32
    %dma_start3A_10 = tpu.memref_slice %arg7[%dma_start3A, %dma_start3A_9] : memref<40x128xi32, #tpu.memory_space<vmem>> -> memref<1x128xi32, #tpu.memory_space<vmem>>
    %dma_start3A_11 = tpu.memref_squeeze %dma_start3A_10 : memref<1x128xi32, #tpu.memory_space<vmem>> -> memref<128xi32, #tpu.memory_space<vmem>>
    %dma_start3A_12 = arith.constant 0 : i32
    %dma_start3A_13 = arith.constant 0 : i32
    %dma_start3A_14 = tpu.memref_slice %arg2[%dma_start3A_12, %dma_start3A_13] : memref<10000x128xf32, #tpu.memory_space<hbm>> -> memref<10000x128xf32, #tpu.memory_space<hbm>>
    tpu.enqueue_indirect_dma source(%dma_start3A_14 : memref<10000x128xf32, #tpu.memory_space<hbm>>) target(%arg9 : memref<128x128xf32, #tpu.memory_space<vmem>>) offsets(%dma_start3A_11 : memref<128xi32, #tpu.memory_space<vmem>>) semaphore(%arg12 : memref<!tpu.dma_semaphore, #tpu.memory_space<semaphore_mem>>)
    %scan3A = arith.constant 0 : i32
    %scan3A_15 = arith.constant 20 : i32
    %scan3A_16 = arith.addi %scan3A, %scan3A_15 : i32
    %scan3A_17 = arith.constant 1 : i32
    scf.for %scan3A_38 = %scan3A to %scan3A_16 step %scan3A_17  : i32 {
      %mul3A_39 = arith.constant 1 : i32
      %mul3A_40 = arith.muli %scan3A_38, %mul3A_39 : i32
      %add3A_41 = arith.constant 0 : i32
      %add3A_42 = arith.addi %add3A_41, %mul3A_40 : i32
      %mul3A_43 = arith.constant 2 : i32
      %mul3A_44 = arith.muli %add3A_42, %mul3A_43 : i32
      %add3A_45 = arith.constant 1 : i32
      %add3A_46 = arith.addi %mul3A_44, %add3A_45 : i32
      %dma_start3A_47 = arith.constant 0 : i32
      %dma_start3A_48 = tpu.memref_slice %arg7[%add3A_46, %dma_start3A_47] : memref<40x128xi32, #tpu.memory_space<vmem>> -> memref<1x128xi32, #tpu.memory_space<vmem>>
      %dma_start3A_49 = tpu.memref_squeeze %dma_start3A_48 : memref<1x128xi32, #tpu.memory_space<vmem>> -> memref<128xi32, #tpu.memory_space<vmem>>
      %dma_start3A_50 = arith.constant 0 : i32
      %dma_start3A_51 = arith.constant 0 : i32
      %dma_start3A_52 = tpu.memref_slice %arg2[%dma_start3A_50, %dma_start3A_51] : memref<10000x128xf32, #tpu.memory_space<hbm>> -> memref<10000x128xf32, #tpu.memory_space<hbm>>
      tpu.enqueue_indirect_dma source(%dma_start3A_52 : memref<10000x128xf32, #tpu.memory_space<hbm>>) target(%arg10 : memref<128x128xf32, #tpu.memory_space<vmem>>) offsets(%dma_start3A_49 : memref<128xi32, #tpu.memory_space<vmem>>) semaphore(%arg13 : memref<!tpu.dma_semaphore, #tpu.memory_space<semaphore_mem>>)
      %dma_wait3A = arith.constant 0 : i32
      %dma_wait3A_53 = arith.constant 0 : i32
      %dma_wait3A_54 = tpu.memref_slice %arg7[%dma_wait3A, %dma_wait3A_53] : memref<40x128xi32, #tpu.memory_space<vmem>> -> memref<1x128xi32, #tpu.memory_space<vmem>>
      %dma_wait3A_55 = tpu.memref_squeeze %dma_wait3A_54 : memref<1x128xi32, #tpu.memory_space<vmem>> -> memref<128xi32, #tpu.memory_space<vmem>>
      %dma_wait3A_56 = arith.constant 0 : i32
      %dma_wait3A_57 = arith.constant 0 : i32
      %dma_wait3A_58 = tpu.memref_slice %arg2[%dma_wait3A_56, %dma_wait3A_57] : memref<10000x128xf32, #tpu.memory_space<hbm>> -> memref<10000x128xf32, #tpu.memory_space<hbm>>
      tpu.wait_indirect_dma semaphore(%arg12 : memref<!tpu.dma_semaphore, #tpu.memory_space<semaphore_mem>>) src(%dma_wait3A_58 : memref<10000x128xf32, #tpu.memory_space<hbm>>) dst(%arg9 : memref<128x128xf32, #tpu.memory_space<vmem>>)
      "tpu.region"() ({
        %run_scoped3A = tpu.sem_alloc : memref<!tpu.dma_semaphore, #tpu.memory_space<semaphore_mem>>
        %dma_start3A_72 = arith.constant 0 : i32
        %dma_start3A_73 = tpu.memref_slice %arg8[%mul3A_44, %dma_start3A_72] : memref<40x128xi32, #tpu.memory_space<vmem>> -> memref<1x128xi32, #tpu.memory_space<vmem>>
        %dma_start3A_74 = tpu.memref_squeeze %dma_start3A_73 : memref<1x128xi32, #tpu.memory_space<vmem>> -> memref<128xi32, #tpu.memory_space<vmem>>
        %dma_start3A_75 = arith.constant 0 : i32
        %dma_start3A_76 = arith.constant 0 : i32
        %dma_start3A_77 = tpu.memref_slice %arg11[%dma_start3A_75, %dma_start3A_76] : memref<10240x128xf32, #tpu.memory_space<vmem_shared>> -> memref<10240x128xf32, #tpu.memory_space<vmem_shared>>
        tpu.enqueue_indirect_dma source(%arg9 : memref<128x128xf32, #tpu.memory_space<vmem>>) target(%dma_start3A_77 : memref<10240x128xf32, #tpu.memory_space<vmem_shared>>) offsets(%dma_start3A_74 : memref<128xi32, #tpu.memory_space<vmem>>) semaphore(%run_scoped3A : memref<!tpu.dma_semaphore, #tpu.memory_space<semaphore_mem>>) {add = true}
        %dma_wait3A_78 = arith.constant 0 : i32
        %dma_wait3A_79 = tpu.memref_slice %arg8[%mul3A_44, %dma_wait3A_78] : memref<40x128xi32, #tpu.memory_space<vmem>> -> memref<1x128xi32, #tpu.memory_space<vmem>>
        %dma_wait3A_80 = tpu.memref_squeeze %dma_wait3A_79 : memref<1x128xi32, #tpu.memory_space<vmem>> -> memref<128xi32, #tpu.memory_space<vmem>>
        %dma_wait3A_81 = arith.constant 0 : i32
        %dma_wait3A_82 = arith.constant 0 : i32
        %dma_wait3A_83 = tpu.memref_slice %arg11[%dma_wait3A_81, %dma_wait3A_82] : memref<10240x128xf32, #tpu.memory_space<vmem_shared>> -> memref<10240x128xf32, #tpu.memory_space<vmem_shared>>
        tpu.wait_indirect_dma semaphore(%run_scoped3A : memref<!tpu.dma_semaphore, #tpu.memory_space<semaphore_mem>>) src(%arg9 : memref<128x128xf32, #tpu.memory_space<vmem>>) dst(%dma_wait3A_83 : memref<10240x128xf32, #tpu.memory_space<vmem_shared>>)
        tpu.yield
      }) : () -> ()
      %add3A_59 = arith.constant 2 : i32
      %add3A_60 = arith.addi %mul3A_44, %add3A_59 : i32
      %lt3A = arith.constant 40 : i32
      %lt3A_61 = arith.cmpi slt, %add3A_60, %lt3A : i32
      %convert_element_type3A = arith.extui %lt3A_61 : i1 to i32
      %cond3A = arith.constant 0 : i32
      %cond3A_62 = arith.cmpi ne, %convert_element_type3A, %cond3A : i32
      scf.if %cond3A_62 {
        %add3A_72 = arith.constant 2 : i32
        %add3A_73 = arith.addi %mul3A_44, %add3A_72 : i32
        %dma_start3A_74 = arith.constant 0 : i32
        %dma_start3A_75 = tpu.memref_slice %arg7[%add3A_73, %dma_start3A_74] : memref<40x128xi32, #tpu.memory_space<vmem>> -> memref<1x128xi32, #tpu.memory_space<vmem>>
        %dma_start3A_76 = tpu.memref_squeeze %dma_start3A_75 : memref<1x128xi32, #tpu.memory_space<vmem>> -> memref<128xi32, #tpu.memory_space<vmem>>
        %dma_start3A_77 = arith.constant 0 : i32
        %dma_start3A_78 = arith.constant 0 : i32
        %dma_start3A_79 = tpu.memref_slice %arg2[%dma_start3A_77, %dma_start3A_78] : memref<10000x128xf32, #tpu.memory_space<hbm>> -> memref<10000x128xf32, #tpu.memory_space<hbm>>
        tpu.enqueue_indirect_dma source(%dma_start3A_79 : memref<10000x128xf32, #tpu.memory_space<hbm>>) target(%arg9 : memref<128x128xf32, #tpu.memory_space<vmem>>) offsets(%dma_start3A_76 : memref<128xi32, #tpu.memory_space<vmem>>) semaphore(%arg12 : memref<!tpu.dma_semaphore, #tpu.memory_space<semaphore_mem>>)
      } else {
      }
      %dma_wait3A_63 = arith.constant 0 : i32
      %dma_wait3A_64 = arith.constant 0 : i32
      %dma_wait3A_65 = tpu.memref_slice %arg7[%dma_wait3A_63, %dma_wait3A_64] : memref<40x128xi32, #tpu.memory_space<vmem>> -> memref<1x128xi32, #tpu.memory_space<vmem>>
      %dma_wait3A_66 = tpu.memref_squeeze %dma_wait3A_65 : memref<1x128xi32, #tpu.memory_space<vmem>> -> memref<128xi32, #tpu.memory_space<vmem>>
      %dma_wait3A_67 = arith.constant 0 : i32
      %dma_wait3A_68 = arith.constant 0 : i32
      %dma_wait3A_69 = tpu.memref_slice %arg2[%dma_wait3A_67, %dma_wait3A_68] : memref<10000x128xf32, #tpu.memory_space<hbm>> -> memref<10000x128xf32, #tpu.memory_space<hbm>>
      tpu.wait_indirect_dma semaphore(%arg13 : memref<!tpu.dma_semaphore, #tpu.memory_space<semaphore_mem>>) src(%dma_wait3A_69 : memref<10000x128xf32, #tpu.memory_space<hbm>>) dst(%arg10 : memref<128x128xf32, #tpu.memory_space<vmem>>)
      %add3A_70 = arith.constant 1 : i32
      %add3A_71 = arith.addi %mul3A_44, %add3A_70 : i32
      "tpu.region"() ({
        %run_scoped3A = tpu.sem_alloc : memref<!tpu.dma_semaphore, #tpu.memory_space<semaphore_mem>>
        %dma_start3A_72 = arith.constant 0 : i32
        %dma_start3A_73 = tpu.memref_slice %arg8[%add3A_71, %dma_start3A_72] : memref<40x128xi32, #tpu.memory_space<vmem>> -> memref<1x128xi32, #tpu.memory_space<vmem>>
        %dma_start3A_74 = tpu.memref_squeeze %dma_start3A_73 : memref<1x128xi32, #tpu.memory_space<vmem>> -> memref<128xi32, #tpu.memory_space<vmem>>
        %dma_start3A_75 = arith.constant 0 : i32
        %dma_start3A_76 = arith.constant 0 : i32
        %dma_start3A_77 = tpu.memref_slice %arg11[%dma_start3A_75, %dma_start3A_76] : memref<10240x128xf32, #tpu.memory_space<vmem_shared>> -> memref<10240x128xf32, #tpu.memory_space<vmem_shared>>
        tpu.enqueue_indirect_dma source(%arg10 : memref<128x128xf32, #tpu.memory_space<vmem>>) target(%dma_start3A_77 : memref<10240x128xf32, #tpu.memory_space<vmem_shared>>) offsets(%dma_start3A_74 : memref<128xi32, #tpu.memory_space<vmem>>) semaphore(%run_scoped3A : memref<!tpu.dma_semaphore, #tpu.memory_space<semaphore_mem>>) {add = true}
        %dma_wait3A_78 = arith.constant 0 : i32
        %dma_wait3A_79 = tpu.memref_slice %arg8[%add3A_71, %dma_wait3A_78] : memref<40x128xi32, #tpu.memory_space<vmem>> -> memref<1x128xi32, #tpu.memory_space<vmem>>
        %dma_wait3A_80 = tpu.memref_squeeze %dma_wait3A_79 : memref<1x128xi32, #tpu.memory_space<vmem>> -> memref<128xi32, #tpu.memory_space<vmem>>
        %dma_wait3A_81 = arith.constant 0 : i32
        %dma_wait3A_82 = arith.constant 0 : i32
        %dma_wait3A_83 = tpu.memref_slice %arg11[%dma_wait3A_81, %dma_wait3A_82] : memref<10240x128xf32, #tpu.memory_space<vmem_shared>> -> memref<10240x128xf32, #tpu.memory_space<vmem_shared>>
        tpu.wait_indirect_dma semaphore(%run_scoped3A : memref<!tpu.dma_semaphore, #tpu.memory_space<semaphore_mem>>) src(%arg10 : memref<128x128xf32, #tpu.memory_space<vmem>>) dst(%dma_wait3A_83 : memref<10240x128xf32, #tpu.memory_space<vmem_shared>>)
        tpu.yield
      }) : () -> ()
    }
    %scan3A_18 = arith.constant 20 : i32
    %add3A_19 = arith.constant 40 : i32
    %add3A_20 = arith.addi %mul3A_6, %add3A_19 : i32
    "tpu.region"() ({
      %run_scoped3A = tpu.sem_alloc : memref<!tpu.dma_semaphore, #tpu.memory_space<semaphore_mem>>
      %dma_start3A_38 = arith.constant 0 : i32
      %dma_start3A_39 = tpu.memref_slice %arg3[%add3A_20, %dma_start3A_38] : memref<2560x128xi32, #tpu.memory_space<hbm>> -> memref<40x128xi32, #tpu.memory_space<hbm>>
      %dma_start3A_40 = arith.constant 0 : i32
      %dma_start3A_41 = tpu.memref_slice %arg3[%add3A_20, %dma_start3A_40] : memref<2560x128xi32, #tpu.memory_space<hbm>> -> memref<40x128xi32, #tpu.memory_space<hbm>>
      tpu.enqueue_dma source(%dma_start3A_41 : memref<40x128xi32, #tpu.memory_space<hbm>>) target(%arg7 : memref<40x128xi32, #tpu.memory_space<vmem>>) target_semaphore(%run_scoped3A : memref<!tpu.dma_semaphore, #tpu.memory_space<semaphore_mem>>)
      %dma_wait3A = arith.constant 0 : i32
      %dma_wait3A_42 = tpu.memref_slice %arg3[%add3A_20, %dma_wait3A] : memref<2560x128xi32, #tpu.memory_space<hbm>> -> memref<40x128xi32, #tpu.memory_space<hbm>>
      %dma_wait3A_43 = arith.constant 0 : i32
      %dma_wait3A_44 = tpu.memref_slice %arg3[%add3A_20, %dma_wait3A_43] : memref<2560x128xi32, #tpu.memory_space<hbm>> -> memref<40x128xi32, #tpu.memory_space<hbm>>
      tpu.wait_dma2 semaphore(%run_scoped3A : memref<!tpu.dma_semaphore, #tpu.memory_space<semaphore_mem>>) src(%dma_wait3A_44 : memref<40x128xi32, #tpu.memory_space<hbm>>) dst(%arg7 : memref<40x128xi32, #tpu.memory_space<vmem>>)
      tpu.yield
    }) : () -> ()
    "tpu.region"() ({
      %run_scoped3A = tpu.sem_alloc : memref<!tpu.dma_semaphore, #tpu.memory_space<semaphore_mem>>
      %dma_start3A_38 = arith.constant 0 : i32
      %dma_start3A_39 = tpu.memref_slice %arg4[%add3A_20, %dma_start3A_38] : memref<2560x128xi32, #tpu.memory_space<hbm>> -> memref<40x128xi32, #tpu.memory_space<hbm>>
      %dma_start3A_40 = arith.constant 0 : i32
      %dma_start3A_41 = tpu.memref_slice %arg4[%add3A_20, %dma_start3A_40] : memref<2560x128xi32, #tpu.memory_space<hbm>> -> memref<40x128xi32, #tpu.memory_space<hbm>>
      tpu.enqueue_dma source(%dma_start3A_41 : memref<40x128xi32, #tpu.memory_space<hbm>>) target(%arg8 : memref<40x128xi32, #tpu.memory_space<vmem>>) target_semaphore(%run_scoped3A : memref<!tpu.dma_semaphore, #tpu.memory_space<semaphore_mem>>)
      %dma_wait3A = arith.constant 0 : i32
      %dma_wait3A_42 = tpu.memref_slice %arg4[%add3A_20, %dma_wait3A] : memref<2560x128xi32, #tpu.memory_space<hbm>> -> memref<40x128xi32, #tpu.memory_space<hbm>>
      %dma_wait3A_43 = arith.constant 0 : i32
      %dma_wait3A_44 = tpu.memref_slice %arg4[%add3A_20, %dma_wait3A_43] : memref<2560x128xi32, #tpu.memory_space<hbm>> -> memref<40x128xi32, #tpu.memory_space<hbm>>
      tpu.wait_dma2 semaphore(%run_scoped3A : memref<!tpu.dma_semaphore, #tpu.memory_space<semaphore_mem>>) src(%dma_wait3A_44 : memref<40x128xi32, #tpu.memory_space<hbm>>) dst(%arg8 : memref<40x128xi32, #tpu.memory_space<vmem>>)
      tpu.yield
    }) : () -> ()
    %dma_start3A_21 = arith.constant 0 : i32
    %dma_start3A_22 = arith.constant 0 : i32
    %dma_start3A_23 = tpu.memref_slice %arg7[%dma_start3A_21, %dma_start3A_22] : memref<40x128xi32, #tpu.memory_space<vmem>> -> memref<1x128xi32, #tpu.memory_space<vmem>>
    %dma_start3A_24 = tpu.memref_squeeze %dma_start3A_23 : memref<1x128xi32, #tpu.memory_space<vmem>> -> memref<128xi32, #tpu.memory_space<vmem>>
    %dma_start3A_25 = arith.constant 0 : i32
    %dma_start3A_26 = arith.constant 0 : i32
    %dma_start3A_27 = tpu.memref_slice %arg2[%dma_start3A_25, %dma_start3A_26] : memref<10000x128xf32, #tpu.memory_space<hbm>> -> memref<10000x128xf32, #tpu.memory_space<hbm>>
    tpu.enqueue_indirect_dma source(%dma_start3A_27 : memref<10000x128xf32, #tpu.memory_space<hbm>>) target(%arg9 : memref<128x128xf32, #tpu.memory_space<vmem>>) offsets(%dma_start3A_24 : memref<128xi32, #tpu.memory_space<vmem>>) semaphore(%arg12 : memref<!tpu.dma_semaphore, #tpu.memory_space<semaphore_mem>>)
    %scan3A_28 = arith.constant 0 : i32
    %scan3A_29 = arith.constant 20 : i32
    %scan3A_30 = arith.addi %scan3A_28, %scan3A_29 : i32
    %scan3A_31 = arith.constant 1 : i32
    scf.for %scan3A_38 = %scan3A_28 to %scan3A_30 step %scan3A_31  : i32 {
      %mul3A_39 = arith.constant 1 : i32
      %mul3A_40 = arith.muli %scan3A_38, %mul3A_39 : i32
      %add3A_41 = arith.constant 0 : i32
      %add3A_42 = arith.addi %add3A_41, %mul3A_40 : i32
      %mul3A_43 = arith.constant 2 : i32
      %mul3A_44 = arith.muli %add3A_42, %mul3A_43 : i32
      %add3A_45 = arith.constant 1 : i32
      %add3A_46 = arith.addi %mul3A_44, %add3A_45 : i32
      %dma_start3A_47 = arith.constant 0 : i32
      %dma_start3A_48 = tpu.memref_slice %arg7[%add3A_46, %dma_start3A_47] : memref<40x128xi32, #tpu.memory_space<vmem>> -> memref<1x128xi32, #tpu.memory_space<vmem>>
      %dma_start3A_49 = tpu.memref_squeeze %dma_start3A_48 : memref<1x128xi32, #tpu.memory_space<vmem>> -> memref<128xi32, #tpu.memory_space<vmem>>
      %dma_start3A_50 = arith.constant 0 : i32
      %dma_start3A_51 = arith.constant 0 : i32
      %dma_start3A_52 = tpu.memref_slice %arg2[%dma_start3A_50, %dma_start3A_51] : memref<10000x128xf32, #tpu.memory_space<hbm>> -> memref<10000x128xf32, #tpu.memory_space<hbm>>
      tpu.enqueue_indirect_dma source(%dma_start3A_52 : memref<10000x128xf32, #tpu.memory_space<hbm>>) target(%arg10 : memref<128x128xf32, #tpu.memory_space<vmem>>) offsets(%dma_start3A_49 : memref<128xi32, #tpu.memory_space<vmem>>) semaphore(%arg13 : memref<!tpu.dma_semaphore, #tpu.memory_space<semaphore_mem>>)
      %dma_wait3A = arith.constant 0 : i32
      %dma_wait3A_53 = arith.constant 0 : i32
      %dma_wait3A_54 = tpu.memref_slice %arg7[%dma_wait3A, %dma_wait3A_53] : memref<40x128xi32, #tpu.memory_space<vmem>> -> memref<1x128xi32, #tpu.memory_space<vmem>>
      %dma_wait3A_55 = tpu.memref_squeeze %dma_wait3A_54 : memref<1x128xi32, #tpu.memory_space<vmem>> -> memref<128xi32, #tpu.memory_space<vmem>>
      %dma_wait3A_56 = arith.constant 0 : i32
      %dma_wait3A_57 = arith.constant 0 : i32
      %dma_wait3A_58 = tpu.memref_slice %arg2[%dma_wait3A_56, %dma_wait3A_57] : memref<10000x128xf32, #tpu.memory_space<hbm>> -> memref<10000x128xf32, #tpu.memory_space<hbm>>
      tpu.wait_indirect_dma semaphore(%arg12 : memref<!tpu.dma_semaphore, #tpu.memory_space<semaphore_mem>>) src(%dma_wait3A_58 : memref<10000x128xf32, #tpu.memory_space<hbm>>) dst(%arg9 : memref<128x128xf32, #tpu.memory_space<vmem>>)
      "tpu.region"() ({
        %run_scoped3A = tpu.sem_alloc : memref<!tpu.dma_semaphore, #tpu.memory_space<semaphore_mem>>
        %dma_start3A_72 = arith.constant 0 : i32
        %dma_start3A_73 = tpu.memref_slice %arg8[%mul3A_44, %dma_start3A_72] : memref<40x128xi32, #tpu.memory_space<vmem>> -> memref<1x128xi32, #tpu.memory_space<vmem>>
        %dma_start3A_74 = tpu.memref_squeeze %dma_start3A_73 : memref<1x128xi32, #tpu.memory_space<vmem>> -> memref<128xi32, #tpu.memory_space<vmem>>
        %dma_start3A_75 = arith.constant 0 : i32
        %dma_start3A_76 = arith.constant 0 : i32
        %dma_start3A_77 = tpu.memref_slice %arg11[%dma_start3A_75, %dma_start3A_76] : memref<10240x128xf32, #tpu.memory_space<vmem_shared>> -> memref<10240x128xf32, #tpu.memory_space<vmem_shared>>
        tpu.enqueue_indirect_dma source(%arg9 : memref<128x128xf32, #tpu.memory_space<vmem>>) target(%dma_start3A_77 : memref<10240x128xf32, #tpu.memory_space<vmem_shared>>) offsets(%dma_start3A_74 : memref<128xi32, #tpu.memory_space<vmem>>) semaphore(%run_scoped3A : memref<!tpu.dma_semaphore, #tpu.memory_space<semaphore_mem>>) {add = true}
        %dma_wait3A_78 = arith.constant 0 : i32
        %dma_wait3A_79 = tpu.memref_slice %arg8[%mul3A_44, %dma_wait3A_78] : memref<40x128xi32, #tpu.memory_space<vmem>> -> memref<1x128xi32, #tpu.memory_space<vmem>>
        %dma_wait3A_80 = tpu.memref_squeeze %dma_wait3A_79 : memref<1x128xi32, #tpu.memory_space<vmem>> -> memref<128xi32, #tpu.memory_space<vmem>>
        %dma_wait3A_81 = arith.constant 0 : i32
        %dma_wait3A_82 = arith.constant 0 : i32
        %dma_wait3A_83 = tpu.memref_slice %arg11[%dma_wait3A_81, %dma_wait3A_82] : memref<10240x128xf32, #tpu.memory_space<vmem_shared>> -> memref<10240x128xf32, #tpu.memory_space<vmem_shared>>
        tpu.wait_indirect_dma semaphore(%run_scoped3A : memref<!tpu.dma_semaphore, #tpu.memory_space<semaphore_mem>>) src(%arg9 : memref<128x128xf32, #tpu.memory_space<vmem>>) dst(%dma_wait3A_83 : memref<10240x128xf32, #tpu.memory_space<vmem_shared>>)
        tpu.yield
      }) : () -> ()
      %add3A_59 = arith.constant 2 : i32
      %add3A_60 = arith.addi %mul3A_44, %add3A_59 : i32
      %lt3A = arith.constant 40 : i32
      %lt3A_61 = arith.cmpi slt, %add3A_60, %lt3A : i32
      %convert_element_type3A = arith.extui %lt3A_61 : i1 to i32
      %cond3A = arith.constant 0 : i32
      %cond3A_62 = arith.cmpi ne, %convert_element_type3A, %cond3A : i32
      scf.if %cond3A_62 {
        %add3A_72 = arith.constant 2 : i32
        %add3A_73 = arith.addi %mul3A_44, %add3A_72 : i32
        %dma_start3A_74 = arith.constant 0 : i32
        %dma_start3A_75 = tpu.memref_slice %arg7[%add3A_73, %dma_start3A_74] : memref<40x128xi32, #tpu.memory_space<vmem>> -> memref<1x128xi32, #tpu.memory_space<vmem>>
        %dma_start3A_76 = tpu.memref_squeeze %dma_start3A_75 : memref<1x128xi32, #tpu.memory_space<vmem>> -> memref<128xi32, #tpu.memory_space<vmem>>
        %dma_start3A_77 = arith.constant 0 : i32
        %dma_start3A_78 = arith.constant 0 : i32
        %dma_start3A_79 = tpu.memref_slice %arg2[%dma_start3A_77, %dma_start3A_78] : memref<10000x128xf32, #tpu.memory_space<hbm>> -> memref<10000x128xf32, #tpu.memory_space<hbm>>
        tpu.enqueue_indirect_dma source(%dma_start3A_79 : memref<10000x128xf32, #tpu.memory_space<hbm>>) target(%arg9 : memref<128x128xf32, #tpu.memory_space<vmem>>) offsets(%dma_start3A_76 : memref<128xi32, #tpu.memory_space<vmem>>) semaphore(%arg12 : memref<!tpu.dma_semaphore, #tpu.memory_space<semaphore_mem>>)
      } else {
      }
      %dma_wait3A_63 = arith.constant 0 : i32
      %dma_wait3A_64 = arith.constant 0 : i32
      %dma_wait3A_65 = tpu.memref_slice %arg7[%dma_wait3A_63, %dma_wait3A_64] : memref<40x128xi32, #tpu.memory_space<vmem>> -> memref<1x128xi32, #tpu.memory_space<vmem>>
      %dma_wait3A_66 = tpu.memref_squeeze %dma_wait3A_65 : memref<1x128xi32, #tpu.memory_space<vmem>> -> memref<128xi32, #tpu.memory_space<vmem>>
      %dma_wait3A_67 = arith.constant 0 : i32
      %dma_wait3A_68 = arith.constant 0 : i32
      %dma_wait3A_69 = tpu.memref_slice %arg2[%dma_wait3A_67, %dma_wait3A_68] : memref<10000x128xf32, #tpu.memory_space<hbm>> -> memref<10000x128xf32, #tpu.memory_space<hbm>>
      tpu.wait_indirect_dma semaphore(%arg13 : memref<!tpu.dma_semaphore, #tpu.memory_space<semaphore_mem>>) src(%dma_wait3A_69 : memref<10000x128xf32, #tpu.memory_space<hbm>>) dst(%arg10 : memref<128x128xf32, #tpu.memory_space<vmem>>)
      %add3A_70 = arith.constant 1 : i32
      %add3A_71 = arith.addi %mul3A_44, %add3A_70 : i32
      "tpu.region"() ({
        %run_scoped3A = tpu.sem_alloc : memref<!tpu.dma_semaphore, #tpu.memory_space<semaphore_mem>>
        %dma_start3A_72 = arith.constant 0 : i32
        %dma_start3A_73 = tpu.memref_slice %arg8[%add3A_71, %dma_start3A_72] : memref<40x128xi32, #tpu.memory_space<vmem>> -> memref<1x128xi32, #tpu.memory_space<vmem>>
        %dma_start3A_74 = tpu.memref_squeeze %dma_start3A_73 : memref<1x128xi32, #tpu.memory_space<vmem>> -> memref<128xi32, #tpu.memory_space<vmem>>
        %dma_start3A_75 = arith.constant 0 : i32
        %dma_start3A_76 = arith.constant 0 : i32
        %dma_start3A_77 = tpu.memref_slice %arg11[%dma_start3A_75, %dma_start3A_76] : memref<10240x128xf32, #tpu.memory_space<vmem_shared>> -> memref<10240x128xf32, #tpu.memory_space<vmem_shared>>
        tpu.enqueue_indirect_dma source(%arg10 : memref<128x128xf32, #tpu.memory_space<vmem>>) target(%dma_start3A_77 : memref<10240x128xf32, #tpu.memory_space<vmem_shared>>) offsets(%dma_start3A_74 : memref<128xi32, #tpu.memory_space<vmem>>) semaphore(%run_scoped3A : memref<!tpu.dma_semaphore, #tpu.memory_space<semaphore_mem>>) {add = true}
        %dma_wait3A_78 = arith.constant 0 : i32
        %dma_wait3A_79 = tpu.memref_slice %arg8[%add3A_71, %dma_wait3A_78] : memref<40x128xi32, #tpu.memory_space<vmem>> -> memref<1x128xi32, #tpu.memory_space<vmem>>
        %dma_wait3A_80 = tpu.memref_squeeze %dma_wait3A_79 : memref<1x128xi32, #tpu.memory_space<vmem>> -> memref<128xi32, #tpu.memory_space<vmem>>
        %dma_wait3A_81 = arith.constant 0 : i32
        %dma_wait3A_82 = arith.constant 0 : i32
        %dma_wait3A_83 = tpu.memref_slice %arg11[%dma_wait3A_81, %dma_wait3A_82] : memref<10240x128xf32, #tpu.memory_space<vmem_shared>> -> memref<10240x128xf32, #tpu.memory_space<vmem_shared>>
        tpu.wait_indirect_dma semaphore(%run_scoped3A : memref<!tpu.dma_semaphore, #tpu.memory_space<semaphore_mem>>) src(%arg10 : memref<128x128xf32, #tpu.memory_space<vmem>>) dst(%dma_wait3A_83 : memref<10240x128xf32, #tpu.memory_space<vmem_shared>>)
        tpu.yield
      }) : () -> ()
    }
    %scan3A_32 = arith.constant 20 : i32
    %barrier3A_33 = arith.constant 0 : index
    tpu.barrier barrier_id(%barrier3A_33)
    %mul3A_34 = arith.constant 640 : i32
    %mul3A_35 = arith.muli %arg1, %mul3A_34 : i32
    %mul3A_36 = arith.constant 640 : i32
    %mul3A_37 = arith.muli %arg1, %mul3A_36 : i32
    "tpu.region"() ({
      %run_scoped3A = tpu.sem_alloc : memref<!tpu.dma_semaphore, #tpu.memory_space<semaphore_mem>>
      %dma_start3A_38 = arith.constant 0 : i32
      %dma_start3A_39 = tpu.memref_slice %arg6[%arg0, %mul3A_37, %dma_start3A_38] : memref<2x10240x128xf32, #tpu.memory_space<hbm>> -> memref<1x640x128xf32, #tpu.memory_space<hbm>>
      %dma_start3A_40 = tpu.memref_squeeze %dma_start3A_39 : memref<1x640x128xf32, #tpu.memory_space<hbm>> -> memref<640x128xf32, #tpu.memory_space<hbm>>
      %dma_start3A_41 = arith.constant 0 : i32
      %dma_start3A_42 = tpu.memref_slice %arg11[%mul3A_35, %dma_start3A_41] : memref<10240x128xf32, #tpu.memory_space<vmem_shared>> -> memref<640x128xf32, #tpu.memory_space<vmem_shared>>
      tpu.enqueue_dma source(%dma_start3A_42 : memref<640x128xf32, #tpu.memory_space<vmem_shared>>) target(%dma_start3A_40 : memref<640x128xf32, #tpu.memory_space<hbm>>) target_semaphore(%run_scoped3A : memref<!tpu.dma_semaphore, #tpu.memory_space<semaphore_mem>>)
      %dma_wait3A = arith.constant 0 : i32
      %dma_wait3A_43 = tpu.memref_slice %arg6[%arg0, %mul3A_37, %dma_wait3A] : memref<2x10240x128xf32, #tpu.memory_space<hbm>> -> memref<1x640x128xf32, #tpu.memory_space<hbm>>
      %dma_wait3A_44 = tpu.memref_squeeze %dma_wait3A_43 : memref<1x640x128xf32, #tpu.memory_space<hbm>> -> memref<640x128xf32, #tpu.memory_space<hbm>>
      %dma_wait3A_45 = arith.constant 0 : i32
      %dma_wait3A_46 = tpu.memref_slice %arg11[%mul3A_35, %dma_wait3A_45] : memref<10240x128xf32, #tpu.memory_space<vmem_shared>> -> memref<640x128xf32, #tpu.memory_space<vmem_shared>>
      tpu.wait_dma2 semaphore(%run_scoped3A : memref<!tpu.dma_semaphore, #tpu.memory_space<semaphore_mem>>) src(%dma_wait3A_46 : memref<640x128xf32, #tpu.memory_space<vmem_shared>>) dst(%dma_wait3A_44 : memref<640x128xf32, #tpu.memory_space<hbm>>)
      tpu.yield
    }) : () -> ()
    return
  }
}

#map = affine_map<(d0, d1) -> (0, 0)>
#map1 = affine_map<(d0, d1) -> (0, 0, 0)>
module attributes {stable_mosaic.version = 14 : i64} {
  func.func @k(%arg0: i32, %arg1: i32, %arg2: memref<10240x128xf32, #tpu.memory_space<hbm>>, %arg3: memref<2560x128xi32, #tpu.memory_space<hbm>>, %arg4: memref<2560x128xi32, #tpu.memory_space<hbm>>, %arg5: memref<10240x128xf32, #tpu.memory_space<hbm>>, %arg6: memref<2x10240x128xf32, #tpu.memory_space<hbm>>, %arg7: memref<40x128xi32, #tpu.memory_space<vmem>>, %arg8: memref<40x128xi32, #tpu.memory_space<vmem>>, %arg9: memref<128x128xf32, #tpu.memory_space<vmem>>, %arg10: memref<128x128xf32, #tpu.memory_space<vmem>>, %arg11: memref<10240x128xf32, #tpu.memory_space<vmem_shared>>, %arg12: memref<!tpu.dma_semaphore, #tpu.memory_space<semaphore_mem>>, %arg13: memref<!tpu.dma_semaphore, #tpu.memory_space<semaphore_mem>>) attributes {dimension_semantics = [#tpu.dimension_semantics<core_parallel>, #tpu.dimension_semantics<subcore_parallel>], iteration_bounds = array<i64: 2, 16>, scalar_prefetch = 0 : i64, scratch_operands = 7 : i64, tpu.core_type = #tpu.core_type<sc_vector_subcore>, window_params = [{transform_indices = #map}, {transform_indices = #map}, {transform_indices = #map}, {transform_indices = #map}, {transform_indices = #map1}]} {
    %mul3A = arith.constant 2 : i32
    %mul3A_0 = arith.muli %arg1, %mul3A : i32
    %add3A = arith.addi %mul3A_0, %arg0 : i32
    %mul3A_1 = arith.constant 640 : i32
    %mul3A_2 = arith.muli %arg1, %mul3A_1 : i32
    %mul3A_3 = arith.constant 640 : i32
    %mul3A_4 = arith.muli %arg1, %mul3A_3 : i32
    "tpu.region"() ({
      %run_scoped3A = tpu.sem_alloc : memref<!tpu.dma_semaphore, #tpu.memory_space<semaphore_mem>>
      %dma_start3A_38 = arith.constant 0 : i32
      %dma_start3A_39 = tpu.memref_slice %arg11[%mul3A_4, %dma_start3A_38] : memref<10240x128xf32, #tpu.memory_space<vmem_shared>> -> memref<640x128xf32, #tpu.memory_space<vmem_shared>>
      %dma_start3A_40 = arith.constant 0 : i32
      %dma_start3A_41 = tpu.memref_slice %arg5[%mul3A_2, %dma_start3A_40] : memref<10240x128xf32, #tpu.memory_space<hbm>> -> memref<640x128xf32, #tpu.memory_space<hbm>>
      tpu.enqueue_dma source(%dma_start3A_41 : memref<640x128xf32, #tpu.memory_space<hbm>>) target(%dma_start3A_39 : memref<640x128xf32, #tpu.memory_space<vmem_shared>>) target_semaphore(%run_scoped3A : memref<!tpu.dma_semaphore, #tpu.memory_space<semaphore_mem>>)
      %dma_wait3A = arith.constant 0 : i32
      %dma_wait3A_42 = tpu.memref_slice %arg11[%mul3A_4, %dma_wait3A] : memref<10240x128xf32, #tpu.memory_space<vmem_shared>> -> memref<640x128xf32, #tpu.memory_space<vmem_shared>>
      %dma_wait3A_43 = arith.constant 0 : i32
      %dma_wait3A_44 = tpu.memref_slice %arg5[%mul3A_2, %dma_wait3A_43] : memref<10240x128xf32, #tpu.memory_space<hbm>> -> memref<640x128xf32, #tpu.memory_space<hbm>>
      tpu.wait_dma2 semaphore(%run_scoped3A : memref<!tpu.dma_semaphore, #tpu.memory_space<semaphore_mem>>) src(%dma_wait3A_44 : memref<640x128xf32, #tpu.memory_space<hbm>>) dst(%dma_wait3A_42 : memref<640x128xf32, #tpu.memory_space<vmem_shared>>)
      tpu.yield
    }) : () -> ()
    %barrier3A = arith.constant 0 : index
    tpu.barrier barrier_id(%barrier3A)
    %mul3A_5 = arith.constant 80 : i32
    %mul3A_6 = arith.muli %add3A, %mul3A_5 : i32
    %add3A_7 = arith.constant 0 : i32
    %add3A_8 = arith.addi %mul3A_6, %add3A_7 : i32
    "tpu.region"() ({
      %run_scoped3A = tpu.sem_alloc : memref<!tpu.dma_semaphore, #tpu.memory_space<semaphore_mem>>
      %dma_start3A_38 = arith.constant 0 : i32
      %dma_start3A_39 = tpu.memref_slice %arg3[%add3A_8, %dma_start3A_38] : memref<2560x128xi32, #tpu.memory_space<hbm>> -> memref<40x128xi32, #tpu.memory_space<hbm>>
      %dma_start3A_40 = arith.constant 0 : i32
      %dma_start3A_41 = tpu.memref_slice %arg3[%add3A_8, %dma_start3A_40] : memref<2560x128xi32, #tpu.memory_space<hbm>> -> memref<40x128xi32, #tpu.memory_space<hbm>>
      tpu.enqueue_dma source(%dma_start3A_41 : memref<40x128xi32, #tpu.memory_space<hbm>>) target(%arg7 : memref<40x128xi32, #tpu.memory_space<vmem>>) target_semaphore(%run_scoped3A : memref<!tpu.dma_semaphore, #tpu.memory_space<semaphore_mem>>)
      %dma_wait3A = arith.constant 0 : i32
      %dma_wait3A_42 = tpu.memref_slice %arg3[%add3A_8, %dma_wait3A] : memref<2560x128xi32, #tpu.memory_space<hbm>> -> memref<40x128xi32, #tpu.memory_space<hbm>>
      %dma_wait3A_43 = arith.constant 0 : i32
      %dma_wait3A_44 = tpu.memref_slice %arg3[%add3A_8, %dma_wait3A_43] : memref<2560x128xi32, #tpu.memory_space<hbm>> -> memref<40x128xi32, #tpu.memory_space<hbm>>
      tpu.wait_dma2 semaphore(%run_scoped3A : memref<!tpu.dma_semaphore, #tpu.memory_space<semaphore_mem>>) src(%dma_wait3A_44 : memref<40x128xi32, #tpu.memory_space<hbm>>) dst(%arg7 : memref<40x128xi32, #tpu.memory_space<vmem>>)
      tpu.yield
    }) : () -> ()
    "tpu.region"() ({
      %run_scoped3A = tpu.sem_alloc : memref<!tpu.dma_semaphore, #tpu.memory_space<semaphore_mem>>
      %dma_start3A_38 = arith.constant 0 : i32
      %dma_start3A_39 = tpu.memref_slice %arg4[%add3A_8, %dma_start3A_38] : memref<2560x128xi32, #tpu.memory_space<hbm>> -> memref<40x128xi32, #tpu.memory_space<hbm>>
      %dma_start3A_40 = arith.constant 0 : i32
      %dma_start3A_41 = tpu.memref_slice %arg4[%add3A_8, %dma_start3A_40] : memref<2560x128xi32, #tpu.memory_space<hbm>> -> memref<40x128xi32, #tpu.memory_space<hbm>>
      tpu.enqueue_dma source(%dma_start3A_41 : memref<40x128xi32, #tpu.memory_space<hbm>>) target(%arg8 : memref<40x128xi32, #tpu.memory_space<vmem>>) target_semaphore(%run_scoped3A : memref<!tpu.dma_semaphore, #tpu.memory_space<semaphore_mem>>)
      %dma_wait3A = arith.constant 0 : i32
      %dma_wait3A_42 = tpu.memref_slice %arg4[%add3A_8, %dma_wait3A] : memref<2560x128xi32, #tpu.memory_space<hbm>> -> memref<40x128xi32, #tpu.memory_space<hbm>>
      %dma_wait3A_43 = arith.constant 0 : i32
      %dma_wait3A_44 = tpu.memref_slice %arg4[%add3A_8, %dma_wait3A_43] : memref<2560x128xi32, #tpu.memory_space<hbm>> -> memref<40x128xi32, #tpu.memory_space<hbm>>
      tpu.wait_dma2 semaphore(%run_scoped3A : memref<!tpu.dma_semaphore, #tpu.memory_space<semaphore_mem>>) src(%dma_wait3A_44 : memref<40x128xi32, #tpu.memory_space<hbm>>) dst(%arg8 : memref<40x128xi32, #tpu.memory_space<vmem>>)
      tpu.yield
    }) : () -> ()
    %dma_start3A = arith.constant 0 : i32
    %dma_start3A_9 = arith.constant 0 : i32
    %dma_start3A_10 = tpu.memref_slice %arg7[%dma_start3A, %dma_start3A_9] : memref<40x128xi32, #tpu.memory_space<vmem>> -> memref<1x128xi32, #tpu.memory_space<vmem>>
    %dma_start3A_11 = tpu.memref_squeeze %dma_start3A_10 : memref<1x128xi32, #tpu.memory_space<vmem>> -> memref<128xi32, #tpu.memory_space<vmem>>
    %dma_start3A_12 = arith.constant 0 : i32
    %dma_start3A_13 = arith.constant 0 : i32
    %dma_start3A_14 = tpu.memref_slice %arg2[%dma_start3A_12, %dma_start3A_13] : memref<10240x128xf32, #tpu.memory_space<hbm>> -> memref<10240x128xf32, #tpu.memory_space<hbm>>
    tpu.enqueue_indirect_dma source(%dma_start3A_14 : memref<10240x128xf32, #tpu.memory_space<hbm>>) target(%arg9 : memref<128x128xf32, #tpu.memory_space<vmem>>) offsets(%dma_start3A_11 : memref<128xi32, #tpu.memory_space<vmem>>) semaphore(%arg12 : memref<!tpu.dma_semaphore, #tpu.memory_space<semaphore_mem>>)
    %scan3A = arith.constant 0 : i32
    %scan3A_15 = arith.constant 20 : i32
    %scan3A_16 = arith.addi %scan3A, %scan3A_15 : i32
    %scan3A_17 = arith.constant 1 : i32
    scf.for %scan3A_38 = %scan3A to %scan3A_16 step %scan3A_17  : i32 {
      %mul3A_39 = arith.constant 1 : i32
      %mul3A_40 = arith.muli %scan3A_38, %mul3A_39 : i32
      %add3A_41 = arith.constant 0 : i32
      %add3A_42 = arith.addi %add3A_41, %mul3A_40 : i32
      %mul3A_43 = arith.constant 2 : i32
      %mul3A_44 = arith.muli %add3A_42, %mul3A_43 : i32
      %add3A_45 = arith.constant 1 : i32
      %add3A_46 = arith.addi %mul3A_44, %add3A_45 : i32
      %dma_start3A_47 = arith.constant 0 : i32
      %dma_start3A_48 = tpu.memref_slice %arg7[%add3A_46, %dma_start3A_47] : memref<40x128xi32, #tpu.memory_space<vmem>> -> memref<1x128xi32, #tpu.memory_space<vmem>>
      %dma_start3A_49 = tpu.memref_squeeze %dma_start3A_48 : memref<1x128xi32, #tpu.memory_space<vmem>> -> memref<128xi32, #tpu.memory_space<vmem>>
      %dma_start3A_50 = arith.constant 0 : i32
      %dma_start3A_51 = arith.constant 0 : i32
      %dma_start3A_52 = tpu.memref_slice %arg2[%dma_start3A_50, %dma_start3A_51] : memref<10240x128xf32, #tpu.memory_space<hbm>> -> memref<10240x128xf32, #tpu.memory_space<hbm>>
      tpu.enqueue_indirect_dma source(%dma_start3A_52 : memref<10240x128xf32, #tpu.memory_space<hbm>>) target(%arg10 : memref<128x128xf32, #tpu.memory_space<vmem>>) offsets(%dma_start3A_49 : memref<128xi32, #tpu.memory_space<vmem>>) semaphore(%arg13 : memref<!tpu.dma_semaphore, #tpu.memory_space<semaphore_mem>>)
      %dma_wait3A = arith.constant 0 : i32
      %dma_wait3A_53 = arith.constant 0 : i32
      %dma_wait3A_54 = tpu.memref_slice %arg7[%dma_wait3A, %dma_wait3A_53] : memref<40x128xi32, #tpu.memory_space<vmem>> -> memref<1x128xi32, #tpu.memory_space<vmem>>
      %dma_wait3A_55 = tpu.memref_squeeze %dma_wait3A_54 : memref<1x128xi32, #tpu.memory_space<vmem>> -> memref<128xi32, #tpu.memory_space<vmem>>
      %dma_wait3A_56 = arith.constant 0 : i32
      %dma_wait3A_57 = arith.constant 0 : i32
      %dma_wait3A_58 = tpu.memref_slice %arg2[%dma_wait3A_56, %dma_wait3A_57] : memref<10240x128xf32, #tpu.memory_space<hbm>> -> memref<10240x128xf32, #tpu.memory_space<hbm>>
      tpu.wait_indirect_dma semaphore(%arg12 : memref<!tpu.dma_semaphore, #tpu.memory_space<semaphore_mem>>) src(%dma_wait3A_58 : memref<10240x128xf32, #tpu.memory_space<hbm>>) dst(%arg9 : memref<128x128xf32, #tpu.memory_space<vmem>>)
      "tpu.region"() ({
        %run_scoped3A = tpu.sem_alloc : memref<!tpu.dma_semaphore, #tpu.memory_space<semaphore_mem>>
        %dma_start3A_72 = arith.constant 0 : i32
        %dma_start3A_73 = tpu.memref_slice %arg8[%mul3A_44, %dma_start3A_72] : memref<40x128xi32, #tpu.memory_space<vmem>> -> memref<1x128xi32, #tpu.memory_space<vmem>>
        %dma_start3A_74 = tpu.memref_squeeze %dma_start3A_73 : memref<1x128xi32, #tpu.memory_space<vmem>> -> memref<128xi32, #tpu.memory_space<vmem>>
        %dma_start3A_75 = arith.constant 0 : i32
        %dma_start3A_76 = arith.constant 0 : i32
        %dma_start3A_77 = tpu.memref_slice %arg11[%dma_start3A_75, %dma_start3A_76] : memref<10240x128xf32, #tpu.memory_space<vmem_shared>> -> memref<10240x128xf32, #tpu.memory_space<vmem_shared>>
        tpu.enqueue_indirect_dma source(%arg9 : memref<128x128xf32, #tpu.memory_space<vmem>>) target(%dma_start3A_77 : memref<10240x128xf32, #tpu.memory_space<vmem_shared>>) offsets(%dma_start3A_74 : memref<128xi32, #tpu.memory_space<vmem>>) semaphore(%run_scoped3A : memref<!tpu.dma_semaphore, #tpu.memory_space<semaphore_mem>>) {add = true}
        %dma_wait3A_78 = arith.constant 0 : i32
        %dma_wait3A_79 = tpu.memref_slice %arg8[%mul3A_44, %dma_wait3A_78] : memref<40x128xi32, #tpu.memory_space<vmem>> -> memref<1x128xi32, #tpu.memory_space<vmem>>
        %dma_wait3A_80 = tpu.memref_squeeze %dma_wait3A_79 : memref<1x128xi32, #tpu.memory_space<vmem>> -> memref<128xi32, #tpu.memory_space<vmem>>
        %dma_wait3A_81 = arith.constant 0 : i32
        %dma_wait3A_82 = arith.constant 0 : i32
        %dma_wait3A_83 = tpu.memref_slice %arg11[%dma_wait3A_81, %dma_wait3A_82] : memref<10240x128xf32, #tpu.memory_space<vmem_shared>> -> memref<10240x128xf32, #tpu.memory_space<vmem_shared>>
        tpu.wait_indirect_dma semaphore(%run_scoped3A : memref<!tpu.dma_semaphore, #tpu.memory_space<semaphore_mem>>) src(%arg9 : memref<128x128xf32, #tpu.memory_space<vmem>>) dst(%dma_wait3A_83 : memref<10240x128xf32, #tpu.memory_space<vmem_shared>>)
        tpu.yield
      }) : () -> ()
      %add3A_59 = arith.constant 2 : i32
      %add3A_60 = arith.addi %mul3A_44, %add3A_59 : i32
      %lt3A = arith.constant 40 : i32
      %lt3A_61 = arith.cmpi slt, %add3A_60, %lt3A : i32
      %convert_element_type3A = arith.extui %lt3A_61 : i1 to i32
      %cond3A = arith.constant 0 : i32
      %cond3A_62 = arith.cmpi ne, %convert_element_type3A, %cond3A : i32
      scf.if %cond3A_62 {
        %add3A_72 = arith.constant 2 : i32
        %add3A_73 = arith.addi %mul3A_44, %add3A_72 : i32
        %dma_start3A_74 = arith.constant 0 : i32
        %dma_start3A_75 = tpu.memref_slice %arg7[%add3A_73, %dma_start3A_74] : memref<40x128xi32, #tpu.memory_space<vmem>> -> memref<1x128xi32, #tpu.memory_space<vmem>>
        %dma_start3A_76 = tpu.memref_squeeze %dma_start3A_75 : memref<1x128xi32, #tpu.memory_space<vmem>> -> memref<128xi32, #tpu.memory_space<vmem>>
        %dma_start3A_77 = arith.constant 0 : i32
        %dma_start3A_78 = arith.constant 0 : i32
        %dma_start3A_79 = tpu.memref_slice %arg2[%dma_start3A_77, %dma_start3A_78] : memref<10240x128xf32, #tpu.memory_space<hbm>> -> memref<10240x128xf32, #tpu.memory_space<hbm>>
        tpu.enqueue_indirect_dma source(%dma_start3A_79 : memref<10240x128xf32, #tpu.memory_space<hbm>>) target(%arg9 : memref<128x128xf32, #tpu.memory_space<vmem>>) offsets(%dma_start3A_76 : memref<128xi32, #tpu.memory_space<vmem>>) semaphore(%arg12 : memref<!tpu.dma_semaphore, #tpu.memory_space<semaphore_mem>>)
      } else {
      }
      %dma_wait3A_63 = arith.constant 0 : i32
      %dma_wait3A_64 = arith.constant 0 : i32
      %dma_wait3A_65 = tpu.memref_slice %arg7[%dma_wait3A_63, %dma_wait3A_64] : memref<40x128xi32, #tpu.memory_space<vmem>> -> memref<1x128xi32, #tpu.memory_space<vmem>>
      %dma_wait3A_66 = tpu.memref_squeeze %dma_wait3A_65 : memref<1x128xi32, #tpu.memory_space<vmem>> -> memref<128xi32, #tpu.memory_space<vmem>>
      %dma_wait3A_67 = arith.constant 0 : i32
      %dma_wait3A_68 = arith.constant 0 : i32
      %dma_wait3A_69 = tpu.memref_slice %arg2[%dma_wait3A_67, %dma_wait3A_68] : memref<10240x128xf32, #tpu.memory_space<hbm>> -> memref<10240x128xf32, #tpu.memory_space<hbm>>
      tpu.wait_indirect_dma semaphore(%arg13 : memref<!tpu.dma_semaphore, #tpu.memory_space<semaphore_mem>>) src(%dma_wait3A_69 : memref<10240x128xf32, #tpu.memory_space<hbm>>) dst(%arg10 : memref<128x128xf32, #tpu.memory_space<vmem>>)
      %add3A_70 = arith.constant 1 : i32
      %add3A_71 = arith.addi %mul3A_44, %add3A_70 : i32
      "tpu.region"() ({
        %run_scoped3A = tpu.sem_alloc : memref<!tpu.dma_semaphore, #tpu.memory_space<semaphore_mem>>
        %dma_start3A_72 = arith.constant 0 : i32
        %dma_start3A_73 = tpu.memref_slice %arg8[%add3A_71, %dma_start3A_72] : memref<40x128xi32, #tpu.memory_space<vmem>> -> memref<1x128xi32, #tpu.memory_space<vmem>>
        %dma_start3A_74 = tpu.memref_squeeze %dma_start3A_73 : memref<1x128xi32, #tpu.memory_space<vmem>> -> memref<128xi32, #tpu.memory_space<vmem>>
        %dma_start3A_75 = arith.constant 0 : i32
        %dma_start3A_76 = arith.constant 0 : i32
        %dma_start3A_77 = tpu.memref_slice %arg11[%dma_start3A_75, %dma_start3A_76] : memref<10240x128xf32, #tpu.memory_space<vmem_shared>> -> memref<10240x128xf32, #tpu.memory_space<vmem_shared>>
        tpu.enqueue_indirect_dma source(%arg10 : memref<128x128xf32, #tpu.memory_space<vmem>>) target(%dma_start3A_77 : memref<10240x128xf32, #tpu.memory_space<vmem_shared>>) offsets(%dma_start3A_74 : memref<128xi32, #tpu.memory_space<vmem>>) semaphore(%run_scoped3A : memref<!tpu.dma_semaphore, #tpu.memory_space<semaphore_mem>>) {add = true}
        %dma_wait3A_78 = arith.constant 0 : i32
        %dma_wait3A_79 = tpu.memref_slice %arg8[%add3A_71, %dma_wait3A_78] : memref<40x128xi32, #tpu.memory_space<vmem>> -> memref<1x128xi32, #tpu.memory_space<vmem>>
        %dma_wait3A_80 = tpu.memref_squeeze %dma_wait3A_79 : memref<1x128xi32, #tpu.memory_space<vmem>> -> memref<128xi32, #tpu.memory_space<vmem>>
        %dma_wait3A_81 = arith.constant 0 : i32
        %dma_wait3A_82 = arith.constant 0 : i32
        %dma_wait3A_83 = tpu.memref_slice %arg11[%dma_wait3A_81, %dma_wait3A_82] : memref<10240x128xf32, #tpu.memory_space<vmem_shared>> -> memref<10240x128xf32, #tpu.memory_space<vmem_shared>>
        tpu.wait_indirect_dma semaphore(%run_scoped3A : memref<!tpu.dma_semaphore, #tpu.memory_space<semaphore_mem>>) src(%arg10 : memref<128x128xf32, #tpu.memory_space<vmem>>) dst(%dma_wait3A_83 : memref<10240x128xf32, #tpu.memory_space<vmem_shared>>)
        tpu.yield
      }) : () -> ()
    }
    %scan3A_18 = arith.constant 20 : i32
    %add3A_19 = arith.constant 40 : i32
    %add3A_20 = arith.addi %mul3A_6, %add3A_19 : i32
    "tpu.region"() ({
      %run_scoped3A = tpu.sem_alloc : memref<!tpu.dma_semaphore, #tpu.memory_space<semaphore_mem>>
      %dma_start3A_38 = arith.constant 0 : i32
      %dma_start3A_39 = tpu.memref_slice %arg3[%add3A_20, %dma_start3A_38] : memref<2560x128xi32, #tpu.memory_space<hbm>> -> memref<40x128xi32, #tpu.memory_space<hbm>>
      %dma_start3A_40 = arith.constant 0 : i32
      %dma_start3A_41 = tpu.memref_slice %arg3[%add3A_20, %dma_start3A_40] : memref<2560x128xi32, #tpu.memory_space<hbm>> -> memref<40x128xi32, #tpu.memory_space<hbm>>
      tpu.enqueue_dma source(%dma_start3A_41 : memref<40x128xi32, #tpu.memory_space<hbm>>) target(%arg7 : memref<40x128xi32, #tpu.memory_space<vmem>>) target_semaphore(%run_scoped3A : memref<!tpu.dma_semaphore, #tpu.memory_space<semaphore_mem>>)
      %dma_wait3A = arith.constant 0 : i32
      %dma_wait3A_42 = tpu.memref_slice %arg3[%add3A_20, %dma_wait3A] : memref<2560x128xi32, #tpu.memory_space<hbm>> -> memref<40x128xi32, #tpu.memory_space<hbm>>
      %dma_wait3A_43 = arith.constant 0 : i32
      %dma_wait3A_44 = tpu.memref_slice %arg3[%add3A_20, %dma_wait3A_43] : memref<2560x128xi32, #tpu.memory_space<hbm>> -> memref<40x128xi32, #tpu.memory_space<hbm>>
      tpu.wait_dma2 semaphore(%run_scoped3A : memref<!tpu.dma_semaphore, #tpu.memory_space<semaphore_mem>>) src(%dma_wait3A_44 : memref<40x128xi32, #tpu.memory_space<hbm>>) dst(%arg7 : memref<40x128xi32, #tpu.memory_space<vmem>>)
      tpu.yield
    }) : () -> ()
    "tpu.region"() ({
      %run_scoped3A = tpu.sem_alloc : memref<!tpu.dma_semaphore, #tpu.memory_space<semaphore_mem>>
      %dma_start3A_38 = arith.constant 0 : i32
      %dma_start3A_39 = tpu.memref_slice %arg4[%add3A_20, %dma_start3A_38] : memref<2560x128xi32, #tpu.memory_space<hbm>> -> memref<40x128xi32, #tpu.memory_space<hbm>>
      %dma_start3A_40 = arith.constant 0 : i32
      %dma_start3A_41 = tpu.memref_slice %arg4[%add3A_20, %dma_start3A_40] : memref<2560x128xi32, #tpu.memory_space<hbm>> -> memref<40x128xi32, #tpu.memory_space<hbm>>
      tpu.enqueue_dma source(%dma_start3A_41 : memref<40x128xi32, #tpu.memory_space<hbm>>) target(%arg8 : memref<40x128xi32, #tpu.memory_space<vmem>>) target_semaphore(%run_scoped3A : memref<!tpu.dma_semaphore, #tpu.memory_space<semaphore_mem>>)
      %dma_wait3A = arith.constant 0 : i32
      %dma_wait3A_42 = tpu.memref_slice %arg4[%add3A_20, %dma_wait3A] : memref<2560x128xi32, #tpu.memory_space<hbm>> -> memref<40x128xi32, #tpu.memory_space<hbm>>
      %dma_wait3A_43 = arith.constant 0 : i32
      %dma_wait3A_44 = tpu.memref_slice %arg4[%add3A_20, %dma_wait3A_43] : memref<2560x128xi32, #tpu.memory_space<hbm>> -> memref<40x128xi32, #tpu.memory_space<hbm>>
      tpu.wait_dma2 semaphore(%run_scoped3A : memref<!tpu.dma_semaphore, #tpu.memory_space<semaphore_mem>>) src(%dma_wait3A_44 : memref<40x128xi32, #tpu.memory_space<hbm>>) dst(%arg8 : memref<40x128xi32, #tpu.memory_space<vmem>>)
      tpu.yield
    }) : () -> ()
    %dma_start3A_21 = arith.constant 0 : i32
    %dma_start3A_22 = arith.constant 0 : i32
    %dma_start3A_23 = tpu.memref_slice %arg7[%dma_start3A_21, %dma_start3A_22] : memref<40x128xi32, #tpu.memory_space<vmem>> -> memref<1x128xi32, #tpu.memory_space<vmem>>
    %dma_start3A_24 = tpu.memref_squeeze %dma_start3A_23 : memref<1x128xi32, #tpu.memory_space<vmem>> -> memref<128xi32, #tpu.memory_space<vmem>>
    %dma_start3A_25 = arith.constant 0 : i32
    %dma_start3A_26 = arith.constant 0 : i32
    %dma_start3A_27 = tpu.memref_slice %arg2[%dma_start3A_25, %dma_start3A_26] : memref<10240x128xf32, #tpu.memory_space<hbm>> -> memref<10240x128xf32, #tpu.memory_space<hbm>>
    tpu.enqueue_indirect_dma source(%dma_start3A_27 : memref<10240x128xf32, #tpu.memory_space<hbm>>) target(%arg9 : memref<128x128xf32, #tpu.memory_space<vmem>>) offsets(%dma_start3A_24 : memref<128xi32, #tpu.memory_space<vmem>>) semaphore(%arg12 : memref<!tpu.dma_semaphore, #tpu.memory_space<semaphore_mem>>)
    %scan3A_28 = arith.constant 0 : i32
    %scan3A_29 = arith.constant 20 : i32
    %scan3A_30 = arith.addi %scan3A_28, %scan3A_29 : i32
    %scan3A_31 = arith.constant 1 : i32
    scf.for %scan3A_38 = %scan3A_28 to %scan3A_30 step %scan3A_31  : i32 {
      %mul3A_39 = arith.constant 1 : i32
      %mul3A_40 = arith.muli %scan3A_38, %mul3A_39 : i32
      %add3A_41 = arith.constant 0 : i32
      %add3A_42 = arith.addi %add3A_41, %mul3A_40 : i32
      %mul3A_43 = arith.constant 2 : i32
      %mul3A_44 = arith.muli %add3A_42, %mul3A_43 : i32
      %add3A_45 = arith.constant 1 : i32
      %add3A_46 = arith.addi %mul3A_44, %add3A_45 : i32
      %dma_start3A_47 = arith.constant 0 : i32
      %dma_start3A_48 = tpu.memref_slice %arg7[%add3A_46, %dma_start3A_47] : memref<40x128xi32, #tpu.memory_space<vmem>> -> memref<1x128xi32, #tpu.memory_space<vmem>>
      %dma_start3A_49 = tpu.memref_squeeze %dma_start3A_48 : memref<1x128xi32, #tpu.memory_space<vmem>> -> memref<128xi32, #tpu.memory_space<vmem>>
      %dma_start3A_50 = arith.constant 0 : i32
      %dma_start3A_51 = arith.constant 0 : i32
      %dma_start3A_52 = tpu.memref_slice %arg2[%dma_start3A_50, %dma_start3A_51] : memref<10240x128xf32, #tpu.memory_space<hbm>> -> memref<10240x128xf32, #tpu.memory_space<hbm>>
      tpu.enqueue_indirect_dma source(%dma_start3A_52 : memref<10240x128xf32, #tpu.memory_space<hbm>>) target(%arg10 : memref<128x128xf32, #tpu.memory_space<vmem>>) offsets(%dma_start3A_49 : memref<128xi32, #tpu.memory_space<vmem>>) semaphore(%arg13 : memref<!tpu.dma_semaphore, #tpu.memory_space<semaphore_mem>>)
      %dma_wait3A = arith.constant 0 : i32
      %dma_wait3A_53 = arith.constant 0 : i32
      %dma_wait3A_54 = tpu.memref_slice %arg7[%dma_wait3A, %dma_wait3A_53] : memref<40x128xi32, #tpu.memory_space<vmem>> -> memref<1x128xi32, #tpu.memory_space<vmem>>
      %dma_wait3A_55 = tpu.memref_squeeze %dma_wait3A_54 : memref<1x128xi32, #tpu.memory_space<vmem>> -> memref<128xi32, #tpu.memory_space<vmem>>
      %dma_wait3A_56 = arith.constant 0 : i32
      %dma_wait3A_57 = arith.constant 0 : i32
      %dma_wait3A_58 = tpu.memref_slice %arg2[%dma_wait3A_56, %dma_wait3A_57] : memref<10240x128xf32, #tpu.memory_space<hbm>> -> memref<10240x128xf32, #tpu.memory_space<hbm>>
      tpu.wait_indirect_dma semaphore(%arg12 : memref<!tpu.dma_semaphore, #tpu.memory_space<semaphore_mem>>) src(%dma_wait3A_58 : memref<10240x128xf32, #tpu.memory_space<hbm>>) dst(%arg9 : memref<128x128xf32, #tpu.memory_space<vmem>>)
      "tpu.region"() ({
        %run_scoped3A = tpu.sem_alloc : memref<!tpu.dma_semaphore, #tpu.memory_space<semaphore_mem>>
        %dma_start3A_72 = arith.constant 0 : i32
        %dma_start3A_73 = tpu.memref_slice %arg8[%mul3A_44, %dma_start3A_72] : memref<40x128xi32, #tpu.memory_space<vmem>> -> memref<1x128xi32, #tpu.memory_space<vmem>>
        %dma_start3A_74 = tpu.memref_squeeze %dma_start3A_73 : memref<1x128xi32, #tpu.memory_space<vmem>> -> memref<128xi32, #tpu.memory_space<vmem>>
        %dma_start3A_75 = arith.constant 0 : i32
        %dma_start3A_76 = arith.constant 0 : i32
        %dma_start3A_77 = tpu.memref_slice %arg11[%dma_start3A_75, %dma_start3A_76] : memref<10240x128xf32, #tpu.memory_space<vmem_shared>> -> memref<10240x128xf32, #tpu.memory_space<vmem_shared>>
        tpu.enqueue_indirect_dma source(%arg9 : memref<128x128xf32, #tpu.memory_space<vmem>>) target(%dma_start3A_77 : memref<10240x128xf32, #tpu.memory_space<vmem_shared>>) offsets(%dma_start3A_74 : memref<128xi32, #tpu.memory_space<vmem>>) semaphore(%run_scoped3A : memref<!tpu.dma_semaphore, #tpu.memory_space<semaphore_mem>>) {add = true}
        %dma_wait3A_78 = arith.constant 0 : i32
        %dma_wait3A_79 = tpu.memref_slice %arg8[%mul3A_44, %dma_wait3A_78] : memref<40x128xi32, #tpu.memory_space<vmem>> -> memref<1x128xi32, #tpu.memory_space<vmem>>
        %dma_wait3A_80 = tpu.memref_squeeze %dma_wait3A_79 : memref<1x128xi32, #tpu.memory_space<vmem>> -> memref<128xi32, #tpu.memory_space<vmem>>
        %dma_wait3A_81 = arith.constant 0 : i32
        %dma_wait3A_82 = arith.constant 0 : i32
        %dma_wait3A_83 = tpu.memref_slice %arg11[%dma_wait3A_81, %dma_wait3A_82] : memref<10240x128xf32, #tpu.memory_space<vmem_shared>> -> memref<10240x128xf32, #tpu.memory_space<vmem_shared>>
        tpu.wait_indirect_dma semaphore(%run_scoped3A : memref<!tpu.dma_semaphore, #tpu.memory_space<semaphore_mem>>) src(%arg9 : memref<128x128xf32, #tpu.memory_space<vmem>>) dst(%dma_wait3A_83 : memref<10240x128xf32, #tpu.memory_space<vmem_shared>>)
        tpu.yield
      }) : () -> ()
      %add3A_59 = arith.constant 2 : i32
      %add3A_60 = arith.addi %mul3A_44, %add3A_59 : i32
      %lt3A = arith.constant 40 : i32
      %lt3A_61 = arith.cmpi slt, %add3A_60, %lt3A : i32
      %convert_element_type3A = arith.extui %lt3A_61 : i1 to i32
      %cond3A = arith.constant 0 : i32
      %cond3A_62 = arith.cmpi ne, %convert_element_type3A, %cond3A : i32
      scf.if %cond3A_62 {
        %add3A_72 = arith.constant 2 : i32
        %add3A_73 = arith.addi %mul3A_44, %add3A_72 : i32
        %dma_start3A_74 = arith.constant 0 : i32
        %dma_start3A_75 = tpu.memref_slice %arg7[%add3A_73, %dma_start3A_74] : memref<40x128xi32, #tpu.memory_space<vmem>> -> memref<1x128xi32, #tpu.memory_space<vmem>>
        %dma_start3A_76 = tpu.memref_squeeze %dma_start3A_75 : memref<1x128xi32, #tpu.memory_space<vmem>> -> memref<128xi32, #tpu.memory_space<vmem>>
        %dma_start3A_77 = arith.constant 0 : i32
        %dma_start3A_78 = arith.constant 0 : i32
        %dma_start3A_79 = tpu.memref_slice %arg2[%dma_start3A_77, %dma_start3A_78] : memref<10240x128xf32, #tpu.memory_space<hbm>> -> memref<10240x128xf32, #tpu.memory_space<hbm>>
        tpu.enqueue_indirect_dma source(%dma_start3A_79 : memref<10240x128xf32, #tpu.memory_space<hbm>>) target(%arg9 : memref<128x128xf32, #tpu.memory_space<vmem>>) offsets(%dma_start3A_76 : memref<128xi32, #tpu.memory_space<vmem>>) semaphore(%arg12 : memref<!tpu.dma_semaphore, #tpu.memory_space<semaphore_mem>>)
      } else {
      }
      %dma_wait3A_63 = arith.constant 0 : i32
      %dma_wait3A_64 = arith.constant 0 : i32
      %dma_wait3A_65 = tpu.memref_slice %arg7[%dma_wait3A_63, %dma_wait3A_64] : memref<40x128xi32, #tpu.memory_space<vmem>> -> memref<1x128xi32, #tpu.memory_space<vmem>>
      %dma_wait3A_66 = tpu.memref_squeeze %dma_wait3A_65 : memref<1x128xi32, #tpu.memory_space<vmem>> -> memref<128xi32, #tpu.memory_space<vmem>>
      %dma_wait3A_67 = arith.constant 0 : i32
      %dma_wait3A_68 = arith.constant 0 : i32
      %dma_wait3A_69 = tpu.memref_slice %arg2[%dma_wait3A_67, %dma_wait3A_68] : memref<10240x128xf32, #tpu.memory_space<hbm>> -> memref<10240x128xf32, #tpu.memory_space<hbm>>
      tpu.wait_indirect_dma semaphore(%arg13 : memref<!tpu.dma_semaphore, #tpu.memory_space<semaphore_mem>>) src(%dma_wait3A_69 : memref<10240x128xf32, #tpu.memory_space<hbm>>) dst(%arg10 : memref<128x128xf32, #tpu.memory_space<vmem>>)
      %add3A_70 = arith.constant 1 : i32
      %add3A_71 = arith.addi %mul3A_44, %add3A_70 : i32
      "tpu.region"() ({
        %run_scoped3A = tpu.sem_alloc : memref<!tpu.dma_semaphore, #tpu.memory_space<semaphore_mem>>
        %dma_start3A_72 = arith.constant 0 : i32
        %dma_start3A_73 = tpu.memref_slice %arg8[%add3A_71, %dma_start3A_72] : memref<40x128xi32, #tpu.memory_space<vmem>> -> memref<1x128xi32, #tpu.memory_space<vmem>>
        %dma_start3A_74 = tpu.memref_squeeze %dma_start3A_73 : memref<1x128xi32, #tpu.memory_space<vmem>> -> memref<128xi32, #tpu.memory_space<vmem>>
        %dma_start3A_75 = arith.constant 0 : i32
        %dma_start3A_76 = arith.constant 0 : i32
        %dma_start3A_77 = tpu.memref_slice %arg11[%dma_start3A_75, %dma_start3A_76] : memref<10240x128xf32, #tpu.memory_space<vmem_shared>> -> memref<10240x128xf32, #tpu.memory_space<vmem_shared>>
        tpu.enqueue_indirect_dma source(%arg10 : memref<128x128xf32, #tpu.memory_space<vmem>>) target(%dma_start3A_77 : memref<10240x128xf32, #tpu.memory_space<vmem_shared>>) offsets(%dma_start3A_74 : memref<128xi32, #tpu.memory_space<vmem>>) semaphore(%run_scoped3A : memref<!tpu.dma_semaphore, #tpu.memory_space<semaphore_mem>>) {add = true}
        %dma_wait3A_78 = arith.constant 0 : i32
        %dma_wait3A_79 = tpu.memref_slice %arg8[%add3A_71, %dma_wait3A_78] : memref<40x128xi32, #tpu.memory_space<vmem>> -> memref<1x128xi32, #tpu.memory_space<vmem>>
        %dma_wait3A_80 = tpu.memref_squeeze %dma_wait3A_79 : memref<1x128xi32, #tpu.memory_space<vmem>> -> memref<128xi32, #tpu.memory_space<vmem>>
        %dma_wait3A_81 = arith.constant 0 : i32
        %dma_wait3A_82 = arith.constant 0 : i32
        %dma_wait3A_83 = tpu.memref_slice %arg11[%dma_wait3A_81, %dma_wait3A_82] : memref<10240x128xf32, #tpu.memory_space<vmem_shared>> -> memref<10240x128xf32, #tpu.memory_space<vmem_shared>>
        tpu.wait_indirect_dma semaphore(%run_scoped3A : memref<!tpu.dma_semaphore, #tpu.memory_space<semaphore_mem>>) src(%arg10 : memref<128x128xf32, #tpu.memory_space<vmem>>) dst(%dma_wait3A_83 : memref<10240x128xf32, #tpu.memory_space<vmem_shared>>)
        tpu.yield
      }) : () -> ()
    }
    %scan3A_32 = arith.constant 20 : i32
    %barrier3A_33 = arith.constant 0 : index
    tpu.barrier barrier_id(%barrier3A_33)
    %mul3A_34 = arith.constant 640 : i32
    %mul3A_35 = arith.muli %arg1, %mul3A_34 : i32
    %mul3A_36 = arith.constant 640 : i32
    %mul3A_37 = arith.muli %arg1, %mul3A_36 : i32
    "tpu.region"() ({
      %run_scoped3A = tpu.sem_alloc : memref<!tpu.dma_semaphore, #tpu.memory_space<semaphore_mem>>
      %dma_start3A_38 = arith.constant 0 : i32
      %dma_start3A_39 = tpu.memref_slice %arg6[%arg0, %mul3A_37, %dma_start3A_38] : memref<2x10240x128xf32, #tpu.memory_space<hbm>> -> memref<1x640x128xf32, #tpu.memory_space<hbm>>
      %dma_start3A_40 = tpu.memref_squeeze %dma_start3A_39 : memref<1x640x128xf32, #tpu.memory_space<hbm>> -> memref<640x128xf32, #tpu.memory_space<hbm>>
      %dma_start3A_41 = arith.constant 0 : i32
      %dma_start3A_42 = tpu.memref_slice %arg11[%mul3A_35, %dma_start3A_41] : memref<10240x128xf32, #tpu.memory_space<vmem_shared>> -> memref<640x128xf32, #tpu.memory_space<vmem_shared>>
      tpu.enqueue_dma source(%dma_start3A_42 : memref<640x128xf32, #tpu.memory_space<vmem_shared>>) target(%dma_start3A_40 : memref<640x128xf32, #tpu.memory_space<hbm>>) target_semaphore(%run_scoped3A : memref<!tpu.dma_semaphore, #tpu.memory_space<semaphore_mem>>)
      %dma_wait3A = arith.constant 0 : i32
      %dma_wait3A_43 = tpu.memref_slice %arg6[%arg0, %mul3A_37, %dma_wait3A] : memref<2x10240x128xf32, #tpu.memory_space<hbm>> -> memref<1x640x128xf32, #tpu.memory_space<hbm>>
      %dma_wait3A_44 = tpu.memref_squeeze %dma_wait3A_43 : memref<1x640x128xf32, #tpu.memory_space<hbm>> -> memref<640x128xf32, #tpu.memory_space<hbm>>
      %dma_wait3A_45 = arith.constant 0 : i32
      %dma_wait3A_46 = tpu.memref_slice %arg11[%mul3A_35, %dma_wait3A_45] : memref<10240x128xf32, #tpu.memory_space<vmem_shared>> -> memref<640x128xf32, #tpu.memory_space<vmem_shared>>
      tpu.wait_dma2 semaphore(%run_scoped3A : memref<!tpu.dma_semaphore, #tpu.memory_space<semaphore_mem>>) src(%dma_wait3A_46 : memref<640x128xf32, #tpu.memory_space<vmem_shared>>) dst(%dma_wait3A_44 : memref<640x128xf32, #tpu.memory_space<hbm>>)
      tpu.yield
    }) : () -> ()
    return
  }
}

#map = affine_map<(d0, d1) -> (0, 0)>
#map1 = affine_map<(d0, d1) -> (0, 0, 0)>
module attributes {stable_mosaic.version = 14 : i64} {
  func.func @k(%arg0: i32, %arg1: i32, %arg2: memref<10240x128xf32, #tpu.memory_space<hbm>>, %arg3: memref<2560x128xi32, #tpu.memory_space<hbm>>, %arg4: memref<2560x128xi32, #tpu.memory_space<hbm>>, %arg5: memref<10240x128xf32, #tpu.memory_space<hbm>>, %arg6: memref<2x10240x128xf32, #tpu.memory_space<hbm>>, %arg7: memref<40x128xi32, #tpu.memory_space<vmem>>, %arg8: memref<40x128xi32, #tpu.memory_space<vmem>>, %arg9: memref<128x128xf32, #tpu.memory_space<vmem>>, %arg10: memref<128x128xf32, #tpu.memory_space<vmem>>, %arg11: memref<10240x128xf32, #tpu.memory_space<vmem_shared>>, %arg12: memref<!tpu.dma_semaphore, #tpu.memory_space<semaphore_mem>>, %arg13: memref<!tpu.dma_semaphore, #tpu.memory_space<semaphore_mem>>) attributes {dimension_semantics = [#tpu.dimension_semantics<core_parallel>, #tpu.dimension_semantics<subcore_parallel>], iteration_bounds = array<i64: 2, 16>, scalar_prefetch = 0 : i64, scratch_operands = 7 : i64, tpu.core_type = #tpu.core_type<sc_vector_subcore>, window_params = [{transform_indices = #map}, {transform_indices = #map}, {transform_indices = #map}, {transform_indices = #map}, {transform_indices = #map1}]} {
    %mul3A = arith.constant 2 : i32
    %mul3A_0 = arith.muli %arg1, %mul3A : i32
    %add3A = arith.addi %mul3A_0, %arg0 : i32
    %mul3A_1 = arith.constant 640 : i32
    %mul3A_2 = arith.muli %arg1, %mul3A_1 : i32
    %mul3A_3 = arith.constant 640 : i32
    %mul3A_4 = arith.muli %arg1, %mul3A_3 : i32
    "tpu.region"() ({
      %run_scoped3A = tpu.sem_alloc : memref<!tpu.dma_semaphore, #tpu.memory_space<semaphore_mem>>
      %dma_start3A_38 = arith.constant 0 : i32
      %dma_start3A_39 = tpu.memref_slice %arg11[%mul3A_4, %dma_start3A_38] : memref<10240x128xf32, #tpu.memory_space<vmem_shared>> -> memref<640x128xf32, #tpu.memory_space<vmem_shared>>
      %dma_start3A_40 = arith.constant 0 : i32
      %dma_start3A_41 = tpu.memref_slice %arg5[%mul3A_2, %dma_start3A_40] : memref<10240x128xf32, #tpu.memory_space<hbm>> -> memref<640x128xf32, #tpu.memory_space<hbm>>
      tpu.enqueue_dma source(%dma_start3A_41 : memref<640x128xf32, #tpu.memory_space<hbm>>) target(%dma_start3A_39 : memref<640x128xf32, #tpu.memory_space<vmem_shared>>) target_semaphore(%run_scoped3A : memref<!tpu.dma_semaphore, #tpu.memory_space<semaphore_mem>>)
      %dma_wait3A = arith.constant 0 : i32
      %dma_wait3A_42 = tpu.memref_slice %arg11[%mul3A_4, %dma_wait3A] : memref<10240x128xf32, #tpu.memory_space<vmem_shared>> -> memref<640x128xf32, #tpu.memory_space<vmem_shared>>
      %dma_wait3A_43 = arith.constant 0 : i32
      %dma_wait3A_44 = tpu.memref_slice %arg5[%mul3A_2, %dma_wait3A_43] : memref<10240x128xf32, #tpu.memory_space<hbm>> -> memref<640x128xf32, #tpu.memory_space<hbm>>
      tpu.wait_dma2 semaphore(%run_scoped3A : memref<!tpu.dma_semaphore, #tpu.memory_space<semaphore_mem>>) src(%dma_wait3A_44 : memref<640x128xf32, #tpu.memory_space<hbm>>) dst(%dma_wait3A_42 : memref<640x128xf32, #tpu.memory_space<vmem_shared>>)
      tpu.yield
    }) : () -> ()
    %barrier3A = arith.constant 0 : index
    tpu.barrier barrier_id(%barrier3A)
    %mul3A_5 = arith.constant 80 : i32
    %mul3A_6 = arith.muli %add3A, %mul3A_5 : i32
    %add3A_7 = arith.constant 0 : i32
    %add3A_8 = arith.addi %mul3A_6, %add3A_7 : i32
    "tpu.region"() ({
      %run_scoped3A = tpu.sem_alloc : memref<!tpu.dma_semaphore, #tpu.memory_space<semaphore_mem>>
      %dma_start3A_38 = arith.constant 0 : i32
      %dma_start3A_39 = tpu.memref_slice %arg3[%add3A_8, %dma_start3A_38] : memref<2560x128xi32, #tpu.memory_space<hbm>> -> memref<40x128xi32, #tpu.memory_space<hbm>>
      %dma_start3A_40 = arith.constant 0 : i32
      %dma_start3A_41 = tpu.memref_slice %arg3[%add3A_8, %dma_start3A_40] : memref<2560x128xi32, #tpu.memory_space<hbm>> -> memref<40x128xi32, #tpu.memory_space<hbm>>
      tpu.enqueue_dma source(%dma_start3A_41 : memref<40x128xi32, #tpu.memory_space<hbm>>) target(%arg7 : memref<40x128xi32, #tpu.memory_space<vmem>>) target_semaphore(%run_scoped3A : memref<!tpu.dma_semaphore, #tpu.memory_space<semaphore_mem>>)
      %dma_wait3A = arith.constant 0 : i32
      %dma_wait3A_42 = tpu.memref_slice %arg3[%add3A_8, %dma_wait3A] : memref<2560x128xi32, #tpu.memory_space<hbm>> -> memref<40x128xi32, #tpu.memory_space<hbm>>
      %dma_wait3A_43 = arith.constant 0 : i32
      %dma_wait3A_44 = tpu.memref_slice %arg3[%add3A_8, %dma_wait3A_43] : memref<2560x128xi32, #tpu.memory_space<hbm>> -> memref<40x128xi32, #tpu.memory_space<hbm>>
      tpu.wait_dma2 semaphore(%run_scoped3A : memref<!tpu.dma_semaphore, #tpu.memory_space<semaphore_mem>>) src(%dma_wait3A_44 : memref<40x128xi32, #tpu.memory_space<hbm>>) dst(%arg7 : memref<40x128xi32, #tpu.memory_space<vmem>>)
      tpu.yield
    }) : () -> ()
    "tpu.region"() ({
      %run_scoped3A = tpu.sem_alloc : memref<!tpu.dma_semaphore, #tpu.memory_space<semaphore_mem>>
      %dma_start3A_38 = arith.constant 0 : i32
      %dma_start3A_39 = tpu.memref_slice %arg4[%add3A_8, %dma_start3A_38] : memref<2560x128xi32, #tpu.memory_space<hbm>> -> memref<40x128xi32, #tpu.memory_space<hbm>>
      %dma_start3A_40 = arith.constant 0 : i32
      %dma_start3A_41 = tpu.memref_slice %arg4[%add3A_8, %dma_start3A_40] : memref<2560x128xi32, #tpu.memory_space<hbm>> -> memref<40x128xi32, #tpu.memory_space<hbm>>
      tpu.enqueue_dma source(%dma_start3A_41 : memref<40x128xi32, #tpu.memory_space<hbm>>) target(%arg8 : memref<40x128xi32, #tpu.memory_space<vmem>>) target_semaphore(%run_scoped3A : memref<!tpu.dma_semaphore, #tpu.memory_space<semaphore_mem>>)
      %dma_wait3A = arith.constant 0 : i32
      %dma_wait3A_42 = tpu.memref_slice %arg4[%add3A_8, %dma_wait3A] : memref<2560x128xi32, #tpu.memory_space<hbm>> -> memref<40x128xi32, #tpu.memory_space<hbm>>
      %dma_wait3A_43 = arith.constant 0 : i32
      %dma_wait3A_44 = tpu.memref_slice %arg4[%add3A_8, %dma_wait3A_43] : memref<2560x128xi32, #tpu.memory_space<hbm>> -> memref<40x128xi32, #tpu.memory_space<hbm>>
      tpu.wait_dma2 semaphore(%run_scoped3A : memref<!tpu.dma_semaphore, #tpu.memory_space<semaphore_mem>>) src(%dma_wait3A_44 : memref<40x128xi32, #tpu.memory_space<hbm>>) dst(%arg8 : memref<40x128xi32, #tpu.memory_space<vmem>>)
      tpu.yield
    }) : () -> ()
    %dma_start3A = arith.constant 0 : i32
    %dma_start3A_9 = arith.constant 0 : i32
    %dma_start3A_10 = tpu.memref_slice %arg7[%dma_start3A, %dma_start3A_9] : memref<40x128xi32, #tpu.memory_space<vmem>> -> memref<1x128xi32, #tpu.memory_space<vmem>>
    %dma_start3A_11 = tpu.memref_squeeze %dma_start3A_10 : memref<1x128xi32, #tpu.memory_space<vmem>> -> memref<128xi32, #tpu.memory_space<vmem>>
    %dma_start3A_12 = arith.constant 0 : i32
    %dma_start3A_13 = arith.constant 0 : i32
    %dma_start3A_14 = tpu.memref_slice %arg2[%dma_start3A_12, %dma_start3A_13] : memref<10240x128xf32, #tpu.memory_space<hbm>> -> memref<10240x128xf32, #tpu.memory_space<hbm>>
    tpu.enqueue_indirect_dma source(%dma_start3A_14 : memref<10240x128xf32, #tpu.memory_space<hbm>>) target(%arg9 : memref<128x128xf32, #tpu.memory_space<vmem>>) offsets(%dma_start3A_11 : memref<128xi32, #tpu.memory_space<vmem>>) semaphore(%arg12 : memref<!tpu.dma_semaphore, #tpu.memory_space<semaphore_mem>>)
    %scan3A = arith.constant 0 : i32
    %scan3A_15 = arith.constant 20 : i32
    %scan3A_16 = arith.addi %scan3A, %scan3A_15 : i32
    %scan3A_17 = arith.constant 1 : i32
    scf.for %scan3A_38 = %scan3A to %scan3A_16 step %scan3A_17  : i32 {
      %mul3A_39 = arith.constant 1 : i32
      %mul3A_40 = arith.muli %scan3A_38, %mul3A_39 : i32
      %add3A_41 = arith.constant 0 : i32
      %add3A_42 = arith.addi %add3A_41, %mul3A_40 : i32
      %mul3A_43 = arith.constant 2 : i32
      %mul3A_44 = arith.muli %add3A_42, %mul3A_43 : i32
      %add3A_45 = arith.constant 1 : i32
      %add3A_46 = arith.addi %mul3A_44, %add3A_45 : i32
      %dma_start3A_47 = arith.constant 0 : i32
      %dma_start3A_48 = tpu.memref_slice %arg7[%add3A_46, %dma_start3A_47] : memref<40x128xi32, #tpu.memory_space<vmem>> -> memref<1x128xi32, #tpu.memory_space<vmem>>
      %dma_start3A_49 = tpu.memref_squeeze %dma_start3A_48 : memref<1x128xi32, #tpu.memory_space<vmem>> -> memref<128xi32, #tpu.memory_space<vmem>>
      %dma_start3A_50 = arith.constant 0 : i32
      %dma_start3A_51 = arith.constant 0 : i32
      %dma_start3A_52 = tpu.memref_slice %arg2[%dma_start3A_50, %dma_start3A_51] : memref<10240x128xf32, #tpu.memory_space<hbm>> -> memref<10240x128xf32, #tpu.memory_space<hbm>>
      tpu.enqueue_indirect_dma source(%dma_start3A_52 : memref<10240x128xf32, #tpu.memory_space<hbm>>) target(%arg10 : memref<128x128xf32, #tpu.memory_space<vmem>>) offsets(%dma_start3A_49 : memref<128xi32, #tpu.memory_space<vmem>>) semaphore(%arg13 : memref<!tpu.dma_semaphore, #tpu.memory_space<semaphore_mem>>)
      %dma_wait3A = arith.constant 0 : i32
      %dma_wait3A_53 = arith.constant 0 : i32
      %dma_wait3A_54 = tpu.memref_slice %arg7[%dma_wait3A, %dma_wait3A_53] : memref<40x128xi32, #tpu.memory_space<vmem>> -> memref<1x128xi32, #tpu.memory_space<vmem>>
      %dma_wait3A_55 = tpu.memref_squeeze %dma_wait3A_54 : memref<1x128xi32, #tpu.memory_space<vmem>> -> memref<128xi32, #tpu.memory_space<vmem>>
      %dma_wait3A_56 = arith.constant 0 : i32
      %dma_wait3A_57 = arith.constant 0 : i32
      %dma_wait3A_58 = tpu.memref_slice %arg2[%dma_wait3A_56, %dma_wait3A_57] : memref<10240x128xf32, #tpu.memory_space<hbm>> -> memref<10240x128xf32, #tpu.memory_space<hbm>>
      tpu.wait_indirect_dma semaphore(%arg12 : memref<!tpu.dma_semaphore, #tpu.memory_space<semaphore_mem>>) src(%dma_wait3A_58 : memref<10240x128xf32, #tpu.memory_space<hbm>>) dst(%arg9 : memref<128x128xf32, #tpu.memory_space<vmem>>)
      "tpu.region"() ({
        %run_scoped3A = tpu.sem_alloc : memref<!tpu.dma_semaphore, #tpu.memory_space<semaphore_mem>>
        %dma_start3A_72 = arith.constant 0 : i32
        %dma_start3A_73 = tpu.memref_slice %arg8[%mul3A_44, %dma_start3A_72] : memref<40x128xi32, #tpu.memory_space<vmem>> -> memref<1x128xi32, #tpu.memory_space<vmem>>
        %dma_start3A_74 = tpu.memref_squeeze %dma_start3A_73 : memref<1x128xi32, #tpu.memory_space<vmem>> -> memref<128xi32, #tpu.memory_space<vmem>>
        %dma_start3A_75 = arith.constant 0 : i32
        %dma_start3A_76 = arith.constant 0 : i32
        %dma_start3A_77 = tpu.memref_slice %arg11[%dma_start3A_75, %dma_start3A_76] : memref<10240x128xf32, #tpu.memory_space<vmem_shared>> -> memref<10240x128xf32, #tpu.memory_space<vmem_shared>>
        tpu.enqueue_indirect_dma source(%arg9 : memref<128x128xf32, #tpu.memory_space<vmem>>) target(%dma_start3A_77 : memref<10240x128xf32, #tpu.memory_space<vmem_shared>>) offsets(%dma_start3A_74 : memref<128xi32, #tpu.memory_space<vmem>>) semaphore(%run_scoped3A : memref<!tpu.dma_semaphore, #tpu.memory_space<semaphore_mem>>) {add = true}
        %dma_wait3A_78 = arith.constant 0 : i32
        %dma_wait3A_79 = tpu.memref_slice %arg8[%mul3A_44, %dma_wait3A_78] : memref<40x128xi32, #tpu.memory_space<vmem>> -> memref<1x128xi32, #tpu.memory_space<vmem>>
        %dma_wait3A_80 = tpu.memref_squeeze %dma_wait3A_79 : memref<1x128xi32, #tpu.memory_space<vmem>> -> memref<128xi32, #tpu.memory_space<vmem>>
        %dma_wait3A_81 = arith.constant 0 : i32
        %dma_wait3A_82 = arith.constant 0 : i32
        %dma_wait3A_83 = tpu.memref_slice %arg11[%dma_wait3A_81, %dma_wait3A_82] : memref<10240x128xf32, #tpu.memory_space<vmem_shared>> -> memref<10240x128xf32, #tpu.memory_space<vmem_shared>>
        tpu.wait_indirect_dma semaphore(%run_scoped3A : memref<!tpu.dma_semaphore, #tpu.memory_space<semaphore_mem>>) src(%arg9 : memref<128x128xf32, #tpu.memory_space<vmem>>) dst(%dma_wait3A_83 : memref<10240x128xf32, #tpu.memory_space<vmem_shared>>)
        tpu.yield
      }) : () -> ()
      %add3A_59 = arith.constant 2 : i32
      %add3A_60 = arith.addi %mul3A_44, %add3A_59 : i32
      %lt3A = arith.constant 40 : i32
      %lt3A_61 = arith.cmpi slt, %add3A_60, %lt3A : i32
      %convert_element_type3A = arith.extui %lt3A_61 : i1 to i32
      %cond3A = arith.constant 0 : i32
      %cond3A_62 = arith.cmpi ne, %convert_element_type3A, %cond3A : i32
      scf.if %cond3A_62 {
        %add3A_72 = arith.constant 2 : i32
        %add3A_73 = arith.addi %mul3A_44, %add3A_72 : i32
        %dma_start3A_74 = arith.constant 0 : i32
        %dma_start3A_75 = tpu.memref_slice %arg7[%add3A_73, %dma_start3A_74] : memref<40x128xi32, #tpu.memory_space<vmem>> -> memref<1x128xi32, #tpu.memory_space<vmem>>
        %dma_start3A_76 = tpu.memref_squeeze %dma_start3A_75 : memref<1x128xi32, #tpu.memory_space<vmem>> -> memref<128xi32, #tpu.memory_space<vmem>>
        %dma_start3A_77 = arith.constant 0 : i32
        %dma_start3A_78 = arith.constant 0 : i32
        %dma_start3A_79 = tpu.memref_slice %arg2[%dma_start3A_77, %dma_start3A_78] : memref<10240x128xf32, #tpu.memory_space<hbm>> -> memref<10240x128xf32, #tpu.memory_space<hbm>>
        tpu.enqueue_indirect_dma source(%dma_start3A_79 : memref<10240x128xf32, #tpu.memory_space<hbm>>) target(%arg9 : memref<128x128xf32, #tpu.memory_space<vmem>>) offsets(%dma_start3A_76 : memref<128xi32, #tpu.memory_space<vmem>>) semaphore(%arg12 : memref<!tpu.dma_semaphore, #tpu.memory_space<semaphore_mem>>)
      } else {
      }
      %dma_wait3A_63 = arith.constant 0 : i32
      %dma_wait3A_64 = arith.constant 0 : i32
      %dma_wait3A_65 = tpu.memref_slice %arg7[%dma_wait3A_63, %dma_wait3A_64] : memref<40x128xi32, #tpu.memory_space<vmem>> -> memref<1x128xi32, #tpu.memory_space<vmem>>
      %dma_wait3A_66 = tpu.memref_squeeze %dma_wait3A_65 : memref<1x128xi32, #tpu.memory_space<vmem>> -> memref<128xi32, #tpu.memory_space<vmem>>
      %dma_wait3A_67 = arith.constant 0 : i32
      %dma_wait3A_68 = arith.constant 0 : i32
      %dma_wait3A_69 = tpu.memref_slice %arg2[%dma_wait3A_67, %dma_wait3A_68] : memref<10240x128xf32, #tpu.memory_space<hbm>> -> memref<10240x128xf32, #tpu.memory_space<hbm>>
      tpu.wait_indirect_dma semaphore(%arg13 : memref<!tpu.dma_semaphore, #tpu.memory_space<semaphore_mem>>) src(%dma_wait3A_69 : memref<10240x128xf32, #tpu.memory_space<hbm>>) dst(%arg10 : memref<128x128xf32, #tpu.memory_space<vmem>>)
      %add3A_70 = arith.constant 1 : i32
      %add3A_71 = arith.addi %mul3A_44, %add3A_70 : i32
      "tpu.region"() ({
        %run_scoped3A = tpu.sem_alloc : memref<!tpu.dma_semaphore, #tpu.memory_space<semaphore_mem>>
        %dma_start3A_72 = arith.constant 0 : i32
        %dma_start3A_73 = tpu.memref_slice %arg8[%add3A_71, %dma_start3A_72] : memref<40x128xi32, #tpu.memory_space<vmem>> -> memref<1x128xi32, #tpu.memory_space<vmem>>
        %dma_start3A_74 = tpu.memref_squeeze %dma_start3A_73 : memref<1x128xi32, #tpu.memory_space<vmem>> -> memref<128xi32, #tpu.memory_space<vmem>>
        %dma_start3A_75 = arith.constant 0 : i32
        %dma_start3A_76 = arith.constant 0 : i32
        %dma_start3A_77 = tpu.memref_slice %arg11[%dma_start3A_75, %dma_start3A_76] : memref<10240x128xf32, #tpu.memory_space<vmem_shared>> -> memref<10240x128xf32, #tpu.memory_space<vmem_shared>>
        tpu.enqueue_indirect_dma source(%arg10 : memref<128x128xf32, #tpu.memory_space<vmem>>) target(%dma_start3A_77 : memref<10240x128xf32, #tpu.memory_space<vmem_shared>>) offsets(%dma_start3A_74 : memref<128xi32, #tpu.memory_space<vmem>>) semaphore(%run_scoped3A : memref<!tpu.dma_semaphore, #tpu.memory_space<semaphore_mem>>) {add = true}
        %dma_wait3A_78 = arith.constant 0 : i32
        %dma_wait3A_79 = tpu.memref_slice %arg8[%add3A_71, %dma_wait3A_78] : memref<40x128xi32, #tpu.memory_space<vmem>> -> memref<1x128xi32, #tpu.memory_space<vmem>>
        %dma_wait3A_80 = tpu.memref_squeeze %dma_wait3A_79 : memref<1x128xi32, #tpu.memory_space<vmem>> -> memref<128xi32, #tpu.memory_space<vmem>>
        %dma_wait3A_81 = arith.constant 0 : i32
        %dma_wait3A_82 = arith.constant 0 : i32
        %dma_wait3A_83 = tpu.memref_slice %arg11[%dma_wait3A_81, %dma_wait3A_82] : memref<10240x128xf32, #tpu.memory_space<vmem_shared>> -> memref<10240x128xf32, #tpu.memory_space<vmem_shared>>
        tpu.wait_indirect_dma semaphore(%run_scoped3A : memref<!tpu.dma_semaphore, #tpu.memory_space<semaphore_mem>>) src(%arg10 : memref<128x128xf32, #tpu.memory_space<vmem>>) dst(%dma_wait3A_83 : memref<10240x128xf32, #tpu.memory_space<vmem_shared>>)
        tpu.yield
      }) : () -> ()
    }
    %scan3A_18 = arith.constant 20 : i32
    %add3A_19 = arith.constant 40 : i32
    %add3A_20 = arith.addi %mul3A_6, %add3A_19 : i32
    "tpu.region"() ({
      %run_scoped3A = tpu.sem_alloc : memref<!tpu.dma_semaphore, #tpu.memory_space<semaphore_mem>>
      %dma_start3A_38 = arith.constant 0 : i32
      %dma_start3A_39 = tpu.memref_slice %arg3[%add3A_20, %dma_start3A_38] : memref<2560x128xi32, #tpu.memory_space<hbm>> -> memref<40x128xi32, #tpu.memory_space<hbm>>
      %dma_start3A_40 = arith.constant 0 : i32
      %dma_start3A_41 = tpu.memref_slice %arg3[%add3A_20, %dma_start3A_40] : memref<2560x128xi32, #tpu.memory_space<hbm>> -> memref<40x128xi32, #tpu.memory_space<hbm>>
      tpu.enqueue_dma source(%dma_start3A_41 : memref<40x128xi32, #tpu.memory_space<hbm>>) target(%arg7 : memref<40x128xi32, #tpu.memory_space<vmem>>) target_semaphore(%run_scoped3A : memref<!tpu.dma_semaphore, #tpu.memory_space<semaphore_mem>>)
      %dma_wait3A = arith.constant 0 : i32
      %dma_wait3A_42 = tpu.memref_slice %arg3[%add3A_20, %dma_wait3A] : memref<2560x128xi32, #tpu.memory_space<hbm>> -> memref<40x128xi32, #tpu.memory_space<hbm>>
      %dma_wait3A_43 = arith.constant 0 : i32
      %dma_wait3A_44 = tpu.memref_slice %arg3[%add3A_20, %dma_wait3A_43] : memref<2560x128xi32, #tpu.memory_space<hbm>> -> memref<40x128xi32, #tpu.memory_space<hbm>>
      tpu.wait_dma2 semaphore(%run_scoped3A : memref<!tpu.dma_semaphore, #tpu.memory_space<semaphore_mem>>) src(%dma_wait3A_44 : memref<40x128xi32, #tpu.memory_space<hbm>>) dst(%arg7 : memref<40x128xi32, #tpu.memory_space<vmem>>)
      tpu.yield
    }) : () -> ()
    "tpu.region"() ({
      %run_scoped3A = tpu.sem_alloc : memref<!tpu.dma_semaphore, #tpu.memory_space<semaphore_mem>>
      %dma_start3A_38 = arith.constant 0 : i32
      %dma_start3A_39 = tpu.memref_slice %arg4[%add3A_20, %dma_start3A_38] : memref<2560x128xi32, #tpu.memory_space<hbm>> -> memref<40x128xi32, #tpu.memory_space<hbm>>
      %dma_start3A_40 = arith.constant 0 : i32
      %dma_start3A_41 = tpu.memref_slice %arg4[%add3A_20, %dma_start3A_40] : memref<2560x128xi32, #tpu.memory_space<hbm>> -> memref<40x128xi32, #tpu.memory_space<hbm>>
      tpu.enqueue_dma source(%dma_start3A_41 : memref<40x128xi32, #tpu.memory_space<hbm>>) target(%arg8 : memref<40x128xi32, #tpu.memory_space<vmem>>) target_semaphore(%run_scoped3A : memref<!tpu.dma_semaphore, #tpu.memory_space<semaphore_mem>>)
      %dma_wait3A = arith.constant 0 : i32
      %dma_wait3A_42 = tpu.memref_slice %arg4[%add3A_20, %dma_wait3A] : memref<2560x128xi32, #tpu.memory_space<hbm>> -> memref<40x128xi32, #tpu.memory_space<hbm>>
      %dma_wait3A_43 = arith.constant 0 : i32
      %dma_wait3A_44 = tpu.memref_slice %arg4[%add3A_20, %dma_wait3A_43] : memref<2560x128xi32, #tpu.memory_space<hbm>> -> memref<40x128xi32, #tpu.memory_space<hbm>>
      tpu.wait_dma2 semaphore(%run_scoped3A : memref<!tpu.dma_semaphore, #tpu.memory_space<semaphore_mem>>) src(%dma_wait3A_44 : memref<40x128xi32, #tpu.memory_space<hbm>>) dst(%arg8 : memref<40x128xi32, #tpu.memory_space<vmem>>)
      tpu.yield
    }) : () -> ()
    %dma_start3A_21 = arith.constant 0 : i32
    %dma_start3A_22 = arith.constant 0 : i32
    %dma_start3A_23 = tpu.memref_slice %arg7[%dma_start3A_21, %dma_start3A_22] : memref<40x128xi32, #tpu.memory_space<vmem>> -> memref<1x128xi32, #tpu.memory_space<vmem>>
    %dma_start3A_24 = tpu.memref_squeeze %dma_start3A_23 : memref<1x128xi32, #tpu.memory_space<vmem>> -> memref<128xi32, #tpu.memory_space<vmem>>
    %dma_start3A_25 = arith.constant 0 : i32
    %dma_start3A_26 = arith.constant 0 : i32
    %dma_start3A_27 = tpu.memref_slice %arg2[%dma_start3A_25, %dma_start3A_26] : memref<10240x128xf32, #tpu.memory_space<hbm>> -> memref<10240x128xf32, #tpu.memory_space<hbm>>
    tpu.enqueue_indirect_dma source(%dma_start3A_27 : memref<10240x128xf32, #tpu.memory_space<hbm>>) target(%arg9 : memref<128x128xf32, #tpu.memory_space<vmem>>) offsets(%dma_start3A_24 : memref<128xi32, #tpu.memory_space<vmem>>) semaphore(%arg12 : memref<!tpu.dma_semaphore, #tpu.memory_space<semaphore_mem>>)
    %scan3A_28 = arith.constant 0 : i32
    %scan3A_29 = arith.constant 20 : i32
    %scan3A_30 = arith.addi %scan3A_28, %scan3A_29 : i32
    %scan3A_31 = arith.constant 1 : i32
    scf.for %scan3A_38 = %scan3A_28 to %scan3A_30 step %scan3A_31  : i32 {
      %mul3A_39 = arith.constant 1 : i32
      %mul3A_40 = arith.muli %scan3A_38, %mul3A_39 : i32
      %add3A_41 = arith.constant 0 : i32
      %add3A_42 = arith.addi %add3A_41, %mul3A_40 : i32
      %mul3A_43 = arith.constant 2 : i32
      %mul3A_44 = arith.muli %add3A_42, %mul3A_43 : i32
      %add3A_45 = arith.constant 1 : i32
      %add3A_46 = arith.addi %mul3A_44, %add3A_45 : i32
      %dma_start3A_47 = arith.constant 0 : i32
      %dma_start3A_48 = tpu.memref_slice %arg7[%add3A_46, %dma_start3A_47] : memref<40x128xi32, #tpu.memory_space<vmem>> -> memref<1x128xi32, #tpu.memory_space<vmem>>
      %dma_start3A_49 = tpu.memref_squeeze %dma_start3A_48 : memref<1x128xi32, #tpu.memory_space<vmem>> -> memref<128xi32, #tpu.memory_space<vmem>>
      %dma_start3A_50 = arith.constant 0 : i32
      %dma_start3A_51 = arith.constant 0 : i32
      %dma_start3A_52 = tpu.memref_slice %arg2[%dma_start3A_50, %dma_start3A_51] : memref<10240x128xf32, #tpu.memory_space<hbm>> -> memref<10240x128xf32, #tpu.memory_space<hbm>>
      tpu.enqueue_indirect_dma source(%dma_start3A_52 : memref<10240x128xf32, #tpu.memory_space<hbm>>) target(%arg10 : memref<128x128xf32, #tpu.memory_space<vmem>>) offsets(%dma_start3A_49 : memref<128xi32, #tpu.memory_space<vmem>>) semaphore(%arg13 : memref<!tpu.dma_semaphore, #tpu.memory_space<semaphore_mem>>)
      %dma_wait3A = arith.constant 0 : i32
      %dma_wait3A_53 = arith.constant 0 : i32
      %dma_wait3A_54 = tpu.memref_slice %arg7[%dma_wait3A, %dma_wait3A_53] : memref<40x128xi32, #tpu.memory_space<vmem>> -> memref<1x128xi32, #tpu.memory_space<vmem>>
      %dma_wait3A_55 = tpu.memref_squeeze %dma_wait3A_54 : memref<1x128xi32, #tpu.memory_space<vmem>> -> memref<128xi32, #tpu.memory_space<vmem>>
      %dma_wait3A_56 = arith.constant 0 : i32
      %dma_wait3A_57 = arith.constant 0 : i32
      %dma_wait3A_58 = tpu.memref_slice %arg2[%dma_wait3A_56, %dma_wait3A_57] : memref<10240x128xf32, #tpu.memory_space<hbm>> -> memref<10240x128xf32, #tpu.memory_space<hbm>>
      tpu.wait_indirect_dma semaphore(%arg12 : memref<!tpu.dma_semaphore, #tpu.memory_space<semaphore_mem>>) src(%dma_wait3A_58 : memref<10240x128xf32, #tpu.memory_space<hbm>>) dst(%arg9 : memref<128x128xf32, #tpu.memory_space<vmem>>)
      "tpu.region"() ({
        %run_scoped3A = tpu.sem_alloc : memref<!tpu.dma_semaphore, #tpu.memory_space<semaphore_mem>>
        %dma_start3A_72 = arith.constant 0 : i32
        %dma_start3A_73 = tpu.memref_slice %arg8[%mul3A_44, %dma_start3A_72] : memref<40x128xi32, #tpu.memory_space<vmem>> -> memref<1x128xi32, #tpu.memory_space<vmem>>
        %dma_start3A_74 = tpu.memref_squeeze %dma_start3A_73 : memref<1x128xi32, #tpu.memory_space<vmem>> -> memref<128xi32, #tpu.memory_space<vmem>>
        %dma_start3A_75 = arith.constant 0 : i32
        %dma_start3A_76 = arith.constant 0 : i32
        %dma_start3A_77 = tpu.memref_slice %arg11[%dma_start3A_75, %dma_start3A_76] : memref<10240x128xf32, #tpu.memory_space<vmem_shared>> -> memref<10240x128xf32, #tpu.memory_space<vmem_shared>>
        tpu.enqueue_indirect_dma source(%arg9 : memref<128x128xf32, #tpu.memory_space<vmem>>) target(%dma_start3A_77 : memref<10240x128xf32, #tpu.memory_space<vmem_shared>>) offsets(%dma_start3A_74 : memref<128xi32, #tpu.memory_space<vmem>>) semaphore(%run_scoped3A : memref<!tpu.dma_semaphore, #tpu.memory_space<semaphore_mem>>) {add = true}
        %dma_wait3A_78 = arith.constant 0 : i32
        %dma_wait3A_79 = tpu.memref_slice %arg8[%mul3A_44, %dma_wait3A_78] : memref<40x128xi32, #tpu.memory_space<vmem>> -> memref<1x128xi32, #tpu.memory_space<vmem>>
        %dma_wait3A_80 = tpu.memref_squeeze %dma_wait3A_79 : memref<1x128xi32, #tpu.memory_space<vmem>> -> memref<128xi32, #tpu.memory_space<vmem>>
        %dma_wait3A_81 = arith.constant 0 : i32
        %dma_wait3A_82 = arith.constant 0 : i32
        %dma_wait3A_83 = tpu.memref_slice %arg11[%dma_wait3A_81, %dma_wait3A_82] : memref<10240x128xf32, #tpu.memory_space<vmem_shared>> -> memref<10240x128xf32, #tpu.memory_space<vmem_shared>>
        tpu.wait_indirect_dma semaphore(%run_scoped3A : memref<!tpu.dma_semaphore, #tpu.memory_space<semaphore_mem>>) src(%arg9 : memref<128x128xf32, #tpu.memory_space<vmem>>) dst(%dma_wait3A_83 : memref<10240x128xf32, #tpu.memory_space<vmem_shared>>)
        tpu.yield
      }) : () -> ()
      %add3A_59 = arith.constant 2 : i32
      %add3A_60 = arith.addi %mul3A_44, %add3A_59 : i32
      %lt3A = arith.constant 40 : i32
      %lt3A_61 = arith.cmpi slt, %add3A_60, %lt3A : i32
      %convert_element_type3A = arith.extui %lt3A_61 : i1 to i32
      %cond3A = arith.constant 0 : i32
      %cond3A_62 = arith.cmpi ne, %convert_element_type3A, %cond3A : i32
      scf.if %cond3A_62 {
        %add3A_72 = arith.constant 2 : i32
        %add3A_73 = arith.addi %mul3A_44, %add3A_72 : i32
        %dma_start3A_74 = arith.constant 0 : i32
        %dma_start3A_75 = tpu.memref_slice %arg7[%add3A_73, %dma_start3A_74] : memref<40x128xi32, #tpu.memory_space<vmem>> -> memref<1x128xi32, #tpu.memory_space<vmem>>
        %dma_start3A_76 = tpu.memref_squeeze %dma_start3A_75 : memref<1x128xi32, #tpu.memory_space<vmem>> -> memref<128xi32, #tpu.memory_space<vmem>>
        %dma_start3A_77 = arith.constant 0 : i32
        %dma_start3A_78 = arith.constant 0 : i32
        %dma_start3A_79 = tpu.memref_slice %arg2[%dma_start3A_77, %dma_start3A_78] : memref<10240x128xf32, #tpu.memory_space<hbm>> -> memref<10240x128xf32, #tpu.memory_space<hbm>>
        tpu.enqueue_indirect_dma source(%dma_start3A_79 : memref<10240x128xf32, #tpu.memory_space<hbm>>) target(%arg9 : memref<128x128xf32, #tpu.memory_space<vmem>>) offsets(%dma_start3A_76 : memref<128xi32, #tpu.memory_space<vmem>>) semaphore(%arg12 : memref<!tpu.dma_semaphore, #tpu.memory_space<semaphore_mem>>)
      } else {
      }
      %dma_wait3A_63 = arith.constant 0 : i32
      %dma_wait3A_64 = arith.constant 0 : i32
      %dma_wait3A_65 = tpu.memref_slice %arg7[%dma_wait3A_63, %dma_wait3A_64] : memref<40x128xi32, #tpu.memory_space<vmem>> -> memref<1x128xi32, #tpu.memory_space<vmem>>
      %dma_wait3A_66 = tpu.memref_squeeze %dma_wait3A_65 : memref<1x128xi32, #tpu.memory_space<vmem>> -> memref<128xi32, #tpu.memory_space<vmem>>
      %dma_wait3A_67 = arith.constant 0 : i32
      %dma_wait3A_68 = arith.constant 0 : i32
      %dma_wait3A_69 = tpu.memref_slice %arg2[%dma_wait3A_67, %dma_wait3A_68] : memref<10240x128xf32, #tpu.memory_space<hbm>> -> memref<10240x128xf32, #tpu.memory_space<hbm>>
      tpu.wait_indirect_dma semaphore(%arg13 : memref<!tpu.dma_semaphore, #tpu.memory_space<semaphore_mem>>) src(%dma_wait3A_69 : memref<10240x128xf32, #tpu.memory_space<hbm>>) dst(%arg10 : memref<128x128xf32, #tpu.memory_space<vmem>>)
      %add3A_70 = arith.constant 1 : i32
      %add3A_71 = arith.addi %mul3A_44, %add3A_70 : i32
      "tpu.region"() ({
        %run_scoped3A = tpu.sem_alloc : memref<!tpu.dma_semaphore, #tpu.memory_space<semaphore_mem>>
        %dma_start3A_72 = arith.constant 0 : i32
        %dma_start3A_73 = tpu.memref_slice %arg8[%add3A_71, %dma_start3A_72] : memref<40x128xi32, #tpu.memory_space<vmem>> -> memref<1x128xi32, #tpu.memory_space<vmem>>
        %dma_start3A_74 = tpu.memref_squeeze %dma_start3A_73 : memref<1x128xi32, #tpu.memory_space<vmem>> -> memref<128xi32, #tpu.memory_space<vmem>>
        %dma_start3A_75 = arith.constant 0 : i32
        %dma_start3A_76 = arith.constant 0 : i32
        %dma_start3A_77 = tpu.memref_slice %arg11[%dma_start3A_75, %dma_start3A_76] : memref<10240x128xf32, #tpu.memory_space<vmem_shared>> -> memref<10240x128xf32, #tpu.memory_space<vmem_shared>>
        tpu.enqueue_indirect_dma source(%arg10 : memref<128x128xf32, #tpu.memory_space<vmem>>) target(%dma_start3A_77 : memref<10240x128xf32, #tpu.memory_space<vmem_shared>>) offsets(%dma_start3A_74 : memref<128xi32, #tpu.memory_space<vmem>>) semaphore(%run_scoped3A : memref<!tpu.dma_semaphore, #tpu.memory_space<semaphore_mem>>) {add = true}
        %dma_wait3A_78 = arith.constant 0 : i32
        %dma_wait3A_79 = tpu.memref_slice %arg8[%add3A_71, %dma_wait3A_78] : memref<40x128xi32, #tpu.memory_space<vmem>> -> memref<1x128xi32, #tpu.memory_space<vmem>>
        %dma_wait3A_80 = tpu.memref_squeeze %dma_wait3A_79 : memref<1x128xi32, #tpu.memory_space<vmem>> -> memref<128xi32, #tpu.memory_space<vmem>>
        %dma_wait3A_81 = arith.constant 0 : i32
        %dma_wait3A_82 = arith.constant 0 : i32
        %dma_wait3A_83 = tpu.memref_slice %arg11[%dma_wait3A_81, %dma_wait3A_82] : memref<10240x128xf32, #tpu.memory_space<vmem_shared>> -> memref<10240x128xf32, #tpu.memory_space<vmem_shared>>
        tpu.wait_indirect_dma semaphore(%run_scoped3A : memref<!tpu.dma_semaphore, #tpu.memory_space<semaphore_mem>>) src(%arg10 : memref<128x128xf32, #tpu.memory_space<vmem>>) dst(%dma_wait3A_83 : memref<10240x128xf32, #tpu.memory_space<vmem_shared>>)
        tpu.yield
      }) : () -> ()
    }
    %scan3A_32 = arith.constant 20 : i32
    %barrier3A_33 = arith.constant 0 : index
    tpu.barrier barrier_id(%barrier3A_33)
    %mul3A_34 = arith.constant 640 : i32
    %mul3A_35 = arith.muli %arg1, %mul3A_34 : i32
    %mul3A_36 = arith.constant 640 : i32
    %mul3A_37 = arith.muli %arg1, %mul3A_36 : i32
    "tpu.region"() ({
      %run_scoped3A = tpu.sem_alloc : memref<!tpu.dma_semaphore, #tpu.memory_space<semaphore_mem>>
      %dma_start3A_38 = arith.constant 0 : i32
      %dma_start3A_39 = tpu.memref_slice %arg6[%arg0, %mul3A_37, %dma_start3A_38] : memref<2x10240x128xf32, #tpu.memory_space<hbm>> -> memref<1x640x128xf32, #tpu.memory_space<hbm>>
      %dma_start3A_40 = tpu.memref_squeeze %dma_start3A_39 : memref<1x640x128xf32, #tpu.memory_space<hbm>> -> memref<640x128xf32, #tpu.memory_space<hbm>>
      %dma_start3A_41 = arith.constant 0 : i32
      %dma_start3A_42 = tpu.memref_slice %arg11[%mul3A_35, %dma_start3A_41] : memref<10240x128xf32, #tpu.memory_space<vmem_shared>> -> memref<640x128xf32, #tpu.memory_space<vmem_shared>>
      tpu.enqueue_dma source(%dma_start3A_42 : memref<640x128xf32, #tpu.memory_space<vmem_shared>>) target(%dma_start3A_40 : memref<640x128xf32, #tpu.memory_space<hbm>>) target_semaphore(%run_scoped3A : memref<!tpu.dma_semaphore, #tpu.memory_space<semaphore_mem>>)
      %dma_wait3A = arith.constant 0 : i32
      %dma_wait3A_43 = tpu.memref_slice %arg6[%arg0, %mul3A_37, %dma_wait3A] : memref<2x10240x128xf32, #tpu.memory_space<hbm>> -> memref<1x640x128xf32, #tpu.memory_space<hbm>>
      %dma_wait3A_44 = tpu.memref_squeeze %dma_wait3A_43 : memref<1x640x128xf32, #tpu.memory_space<hbm>> -> memref<640x128xf32, #tpu.memory_space<hbm>>
      %dma_wait3A_45 = arith.constant 0 : i32
      %dma_wait3A_46 = tpu.memref_slice %arg11[%mul3A_35, %dma_wait3A_45] : memref<10240x128xf32, #tpu.memory_space<vmem_shared>> -> memref<640x128xf32, #tpu.memory_space<vmem_shared>>
      tpu.wait_dma2 semaphore(%run_scoped3A : memref<!tpu.dma_semaphore, #tpu.memory_space<semaphore_mem>>) src(%dma_wait3A_46 : memref<640x128xf32, #tpu.memory_space<vmem_shared>>) dst(%dma_wait3A_44 : memref<640x128xf32, #tpu.memory_space<hbm>>)
      tpu.yield
    }) : () -> ()
    return
  }
}

#map = affine_map<(d0, d1) -> (0, 0)>
#map1 = affine_map<(d0, d1) -> (0)>
module attributes {stable_mosaic.version = 14 : i64} {
  func.func @k(%arg0: i32, %arg1: i32, %arg2: memref<10240x128xf32, #tpu.memory_space<hbm>>, %arg3: memref<10240x128xf32, #tpu.memory_space<hbm>>, %arg4: memref<10240x128xf32, #tpu.memory_space<hbm>>, %arg5: memref<10000x128xf32, #tpu.memory_space<hbm>>, %arg6: memref<128xi32, #tpu.memory_space<hbm>>, %arg7: memref<128x512xf32, #tpu.memory_space<hbm>>, %arg8: memref<8xi32, #tpu.memory_space<vmem>>, %arg9: memref<8x128xf32, #tpu.memory_space<vmem>>, %arg10: memref<!tpu.dma_semaphore, #tpu.memory_space<semaphore_mem>>) attributes {dimension_semantics = [#tpu.dimension_semantics<core_parallel>, #tpu.dimension_semantics<subcore_parallel>], iteration_bounds = array<i64: 2, 16>, scalar_prefetch = 0 : i64, scratch_operands = 3 : i64, tpu.core_type = #tpu.core_type<sc_vector_subcore>, window_params = [{transform_indices = #map}, {transform_indices = #map}, {transform_indices = #map}, {transform_indices = #map}, {transform_indices = #map1}, {transform_indices = #map}]} {
    %mul3A = arith.constant 2 : i32
    %mul3A_0 = arith.muli %arg1, %mul3A : i32
    %add3A = arith.addi %mul3A_0, %arg0 : i32
    %lt3A = arith.constant 16 : i32
    %lt3A_1 = arith.cmpi slt, %add3A, %lt3A : i32
    %convert_element_type3A = arith.extui %lt3A_1 : i1 to i32
    %cond3A = arith.constant 0 : i32
    %cond3A_2 = arith.cmpi ne, %convert_element_type3A, %cond3A : i32
    scf.if %cond3A_2 {
      %mul3A_3 = arith.constant 8 : i32
      %mul3A_4 = arith.muli %add3A, %mul3A_3 : i32
      "tpu.region"() ({
        %run_scoped3A = tpu.sem_alloc : memref<!tpu.dma_semaphore, #tpu.memory_space<semaphore_mem>>
        %dma_start3A_35 = tpu.memref_slice %arg6[%mul3A_4] : memref<128xi32, #tpu.memory_space<hbm>> -> memref<8xi32, #tpu.memory_space<hbm>>
        %dma_start3A_36 = tpu.memref_slice %arg6[%mul3A_4] : memref<128xi32, #tpu.memory_space<hbm>> -> memref<8xi32, #tpu.memory_space<hbm>>
        tpu.enqueue_dma source(%dma_start3A_36 : memref<8xi32, #tpu.memory_space<hbm>>) target(%arg8 : memref<8xi32, #tpu.memory_space<vmem>>) target_semaphore(%run_scoped3A : memref<!tpu.dma_semaphore, #tpu.memory_space<semaphore_mem>>)
        %dma_wait3A_37 = tpu.memref_slice %arg6[%mul3A_4] : memref<128xi32, #tpu.memory_space<hbm>> -> memref<8xi32, #tpu.memory_space<hbm>>
        %dma_wait3A_38 = tpu.memref_slice %arg6[%mul3A_4] : memref<128xi32, #tpu.memory_space<hbm>> -> memref<8xi32, #tpu.memory_space<hbm>>
        tpu.wait_dma2 semaphore(%run_scoped3A : memref<!tpu.dma_semaphore, #tpu.memory_space<semaphore_mem>>) src(%dma_wait3A_38 : memref<8xi32, #tpu.memory_space<hbm>>) dst(%arg8 : memref<8xi32, #tpu.memory_space<vmem>>)
        tpu.yield
      }) : () -> ()
      %dma_start3A = arith.constant 0 : i32
      %dma_start3A_5 = arith.constant 0 : i32
      %dma_start3A_6 = tpu.memref_slice %arg2[%dma_start3A, %dma_start3A_5] : memref<10240x128xf32, #tpu.memory_space<hbm>> -> memref<10240x128xf32, #tpu.memory_space<hbm>>
      tpu.enqueue_indirect_dma source(%dma_start3A_6 : memref<10240x128xf32, #tpu.memory_space<hbm>>) target(%arg9 : memref<8x128xf32, #tpu.memory_space<vmem>>) offsets(%arg8 : memref<8xi32, #tpu.memory_space<vmem>>) semaphore(%arg10 : memref<!tpu.dma_semaphore, #tpu.memory_space<semaphore_mem>>)
      %dma_wait3A = arith.constant 0 : i32
      %dma_wait3A_7 = arith.constant 0 : i32
      %dma_wait3A_8 = tpu.memref_slice %arg2[%dma_wait3A, %dma_wait3A_7] : memref<10240x128xf32, #tpu.memory_space<hbm>> -> memref<10240x128xf32, #tpu.memory_space<hbm>>
      tpu.wait_indirect_dma semaphore(%arg10 : memref<!tpu.dma_semaphore, #tpu.memory_space<semaphore_mem>>) src(%dma_wait3A_8 : memref<10240x128xf32, #tpu.memory_space<hbm>>) dst(%arg9 : memref<8x128xf32, #tpu.memory_space<vmem>>)
      %mul3A_9 = arith.constant 8 : i32
      %mul3A_10 = arith.muli %add3A, %mul3A_9 : i32
      "tpu.region"() ({
        %run_scoped3A = tpu.sem_alloc : memref<!tpu.dma_semaphore, #tpu.memory_space<semaphore_mem>>
        %dma_start3A_35 = arith.constant 0 : i32
        %dma_start3A_36 = tpu.memref_slice %arg7[%mul3A_10, %dma_start3A_35] : memref<128x512xf32, #tpu.memory_space<hbm>> -> memref<8x128xf32, #tpu.memory_space<hbm>>
        %dma_start3A_37 = arith.constant 0 : i32
        %dma_start3A_38 = tpu.memref_slice %arg7[%mul3A_10, %dma_start3A_37] : memref<128x512xf32, #tpu.memory_space<hbm>> -> memref<8x128xf32, #tpu.memory_space<hbm>>
        tpu.enqueue_dma source(%arg9 : memref<8x128xf32, #tpu.memory_space<vmem>>) target(%dma_start3A_38 : memref<8x128xf32, #tpu.memory_space<hbm>>) target_semaphore(%run_scoped3A : memref<!tpu.dma_semaphore, #tpu.memory_space<semaphore_mem>>)
        %dma_wait3A_39 = arith.constant 0 : i32
        %dma_wait3A_40 = tpu.memref_slice %arg7[%mul3A_10, %dma_wait3A_39] : memref<128x512xf32, #tpu.memory_space<hbm>> -> memref<8x128xf32, #tpu.memory_space<hbm>>
        %dma_wait3A_41 = arith.constant 0 : i32
        %dma_wait3A_42 = tpu.memref_slice %arg7[%mul3A_10, %dma_wait3A_41] : memref<128x512xf32, #tpu.memory_space<hbm>> -> memref<8x128xf32, #tpu.memory_space<hbm>>
        tpu.wait_dma2 semaphore(%run_scoped3A : memref<!tpu.dma_semaphore, #tpu.memory_space<semaphore_mem>>) src(%arg9 : memref<8x128xf32, #tpu.memory_space<vmem>>) dst(%dma_wait3A_42 : memref<8x128xf32, #tpu.memory_space<hbm>>)
        tpu.yield
      }) : () -> ()
      %dma_start3A_11 = arith.constant 0 : i32
      %dma_start3A_12 = arith.constant 0 : i32
      %dma_start3A_13 = tpu.memref_slice %arg3[%dma_start3A_11, %dma_start3A_12] : memref<10240x128xf32, #tpu.memory_space<hbm>> -> memref<10240x128xf32, #tpu.memory_space<hbm>>
      tpu.enqueue_indirect_dma source(%dma_start3A_13 : memref<10240x128xf32, #tpu.memory_space<hbm>>) target(%arg9 : memref<8x128xf32, #tpu.memory_space<vmem>>) offsets(%arg8 : memref<8xi32, #tpu.memory_space<vmem>>) semaphore(%arg10 : memref<!tpu.dma_semaphore, #tpu.memory_space<semaphore_mem>>)
      %dma_wait3A_14 = arith.constant 0 : i32
      %dma_wait3A_15 = arith.constant 0 : i32
      %dma_wait3A_16 = tpu.memref_slice %arg3[%dma_wait3A_14, %dma_wait3A_15] : memref<10240x128xf32, #tpu.memory_space<hbm>> -> memref<10240x128xf32, #tpu.memory_space<hbm>>
      tpu.wait_indirect_dma semaphore(%arg10 : memref<!tpu.dma_semaphore, #tpu.memory_space<semaphore_mem>>) src(%dma_wait3A_16 : memref<10240x128xf32, #tpu.memory_space<hbm>>) dst(%arg9 : memref<8x128xf32, #tpu.memory_space<vmem>>)
      %mul3A_17 = arith.constant 8 : i32
      %mul3A_18 = arith.muli %add3A, %mul3A_17 : i32
      "tpu.region"() ({
        %run_scoped3A = tpu.sem_alloc : memref<!tpu.dma_semaphore, #tpu.memory_space<semaphore_mem>>
        %dma_start3A_35 = arith.constant 128 : i32
        %dma_start3A_36 = tpu.memref_slice %arg7[%mul3A_18, %dma_start3A_35] : memref<128x512xf32, #tpu.memory_space<hbm>> -> memref<8x128xf32, #tpu.memory_space<hbm>>
        %dma_start3A_37 = arith.constant 128 : i32
        %dma_start3A_38 = tpu.memref_slice %arg7[%mul3A_18, %dma_start3A_37] : memref<128x512xf32, #tpu.memory_space<hbm>> -> memref<8x128xf32, #tpu.memory_space<hbm>>
        tpu.enqueue_dma source(%arg9 : memref<8x128xf32, #tpu.memory_space<vmem>>) target(%dma_start3A_38 : memref<8x128xf32, #tpu.memory_space<hbm>>) target_semaphore(%run_scoped3A : memref<!tpu.dma_semaphore, #tpu.memory_space<semaphore_mem>>)
        %dma_wait3A_39 = arith.constant 128 : i32
        %dma_wait3A_40 = tpu.memref_slice %arg7[%mul3A_18, %dma_wait3A_39] : memref<128x512xf32, #tpu.memory_space<hbm>> -> memref<8x128xf32, #tpu.memory_space<hbm>>
        %dma_wait3A_41 = arith.constant 128 : i32
        %dma_wait3A_42 = tpu.memref_slice %arg7[%mul3A_18, %dma_wait3A_41] : memref<128x512xf32, #tpu.memory_space<hbm>> -> memref<8x128xf32, #tpu.memory_space<hbm>>
        tpu.wait_dma2 semaphore(%run_scoped3A : memref<!tpu.dma_semaphore, #tpu.memory_space<semaphore_mem>>) src(%arg9 : memref<8x128xf32, #tpu.memory_space<vmem>>) dst(%dma_wait3A_42 : memref<8x128xf32, #tpu.memory_space<hbm>>)
        tpu.yield
      }) : () -> ()
      %dma_start3A_19 = arith.constant 0 : i32
      %dma_start3A_20 = arith.constant 0 : i32
      %dma_start3A_21 = tpu.memref_slice %arg4[%dma_start3A_19, %dma_start3A_20] : memref<10240x128xf32, #tpu.memory_space<hbm>> -> memref<10240x128xf32, #tpu.memory_space<hbm>>
      tpu.enqueue_indirect_dma source(%dma_start3A_21 : memref<10240x128xf32, #tpu.memory_space<hbm>>) target(%arg9 : memref<8x128xf32, #tpu.memory_space<vmem>>) offsets(%arg8 : memref<8xi32, #tpu.memory_space<vmem>>) semaphore(%arg10 : memref<!tpu.dma_semaphore, #tpu.memory_space<semaphore_mem>>)
      %dma_wait3A_22 = arith.constant 0 : i32
      %dma_wait3A_23 = arith.constant 0 : i32
      %dma_wait3A_24 = tpu.memref_slice %arg4[%dma_wait3A_22, %dma_wait3A_23] : memref<10240x128xf32, #tpu.memory_space<hbm>> -> memref<10240x128xf32, #tpu.memory_space<hbm>>
      tpu.wait_indirect_dma semaphore(%arg10 : memref<!tpu.dma_semaphore, #tpu.memory_space<semaphore_mem>>) src(%dma_wait3A_24 : memref<10240x128xf32, #tpu.memory_space<hbm>>) dst(%arg9 : memref<8x128xf32, #tpu.memory_space<vmem>>)
      %mul3A_25 = arith.constant 8 : i32
      %mul3A_26 = arith.muli %add3A, %mul3A_25 : i32
      "tpu.region"() ({
        %run_scoped3A = tpu.sem_alloc : memref<!tpu.dma_semaphore, #tpu.memory_space<semaphore_mem>>
        %dma_start3A_35 = arith.constant 256 : i32
        %dma_start3A_36 = tpu.memref_slice %arg7[%mul3A_26, %dma_start3A_35] : memref<128x512xf32, #tpu.memory_space<hbm>> -> memref<8x128xf32, #tpu.memory_space<hbm>>
        %dma_start3A_37 = arith.constant 256 : i32
        %dma_start3A_38 = tpu.memref_slice %arg7[%mul3A_26, %dma_start3A_37] : memref<128x512xf32, #tpu.memory_space<hbm>> -> memref<8x128xf32, #tpu.memory_space<hbm>>
        tpu.enqueue_dma source(%arg9 : memref<8x128xf32, #tpu.memory_space<vmem>>) target(%dma_start3A_38 : memref<8x128xf32, #tpu.memory_space<hbm>>) target_semaphore(%run_scoped3A : memref<!tpu.dma_semaphore, #tpu.memory_space<semaphore_mem>>)
        %dma_wait3A_39 = arith.constant 256 : i32
        %dma_wait3A_40 = tpu.memref_slice %arg7[%mul3A_26, %dma_wait3A_39] : memref<128x512xf32, #tpu.memory_space<hbm>> -> memref<8x128xf32, #tpu.memory_space<hbm>>
        %dma_wait3A_41 = arith.constant 256 : i32
        %dma_wait3A_42 = tpu.memref_slice %arg7[%mul3A_26, %dma_wait3A_41] : memref<128x512xf32, #tpu.memory_space<hbm>> -> memref<8x128xf32, #tpu.memory_space<hbm>>
        tpu.wait_dma2 semaphore(%run_scoped3A : memref<!tpu.dma_semaphore, #tpu.memory_space<semaphore_mem>>) src(%arg9 : memref<8x128xf32, #tpu.memory_space<vmem>>) dst(%dma_wait3A_42 : memref<8x128xf32, #tpu.memory_space<hbm>>)
        tpu.yield
      }) : () -> ()
      %dma_start3A_27 = arith.constant 0 : i32
      %dma_start3A_28 = arith.constant 0 : i32
      %dma_start3A_29 = tpu.memref_slice %arg5[%dma_start3A_27, %dma_start3A_28] : memref<10000x128xf32, #tpu.memory_space<hbm>> -> memref<10000x128xf32, #tpu.memory_space<hbm>>
      tpu.enqueue_indirect_dma source(%dma_start3A_29 : memref<10000x128xf32, #tpu.memory_space<hbm>>) target(%arg9 : memref<8x128xf32, #tpu.memory_space<vmem>>) offsets(%arg8 : memref<8xi32, #tpu.memory_space<vmem>>) semaphore(%arg10 : memref<!tpu.dma_semaphore, #tpu.memory_space<semaphore_mem>>)
      %dma_wait3A_30 = arith.constant 0 : i32
      %dma_wait3A_31 = arith.constant 0 : i32
      %dma_wait3A_32 = tpu.memref_slice %arg5[%dma_wait3A_30, %dma_wait3A_31] : memref<10000x128xf32, #tpu.memory_space<hbm>> -> memref<10000x128xf32, #tpu.memory_space<hbm>>
      tpu.wait_indirect_dma semaphore(%arg10 : memref<!tpu.dma_semaphore, #tpu.memory_space<semaphore_mem>>) src(%dma_wait3A_32 : memref<10000x128xf32, #tpu.memory_space<hbm>>) dst(%arg9 : memref<8x128xf32, #tpu.memory_space<vmem>>)
      %mul3A_33 = arith.constant 8 : i32
      %mul3A_34 = arith.muli %add3A, %mul3A_33 : i32
      "tpu.region"() ({
        %run_scoped3A = tpu.sem_alloc : memref<!tpu.dma_semaphore, #tpu.memory_space<semaphore_mem>>
        %dma_start3A_35 = arith.constant 384 : i32
        %dma_start3A_36 = tpu.memref_slice %arg7[%mul3A_34, %dma_start3A_35] : memref<128x512xf32, #tpu.memory_space<hbm>> -> memref<8x128xf32, #tpu.memory_space<hbm>>
        %dma_start3A_37 = arith.constant 384 : i32
        %dma_start3A_38 = tpu.memref_slice %arg7[%mul3A_34, %dma_start3A_37] : memref<128x512xf32, #tpu.memory_space<hbm>> -> memref<8x128xf32, #tpu.memory_space<hbm>>
        tpu.enqueue_dma source(%arg9 : memref<8x128xf32, #tpu.memory_space<vmem>>) target(%dma_start3A_38 : memref<8x128xf32, #tpu.memory_space<hbm>>) target_semaphore(%run_scoped3A : memref<!tpu.dma_semaphore, #tpu.memory_space<semaphore_mem>>)
        %dma_wait3A_39 = arith.constant 384 : i32
        %dma_wait3A_40 = tpu.memref_slice %arg7[%mul3A_34, %dma_wait3A_39] : memref<128x512xf32, #tpu.memory_space<hbm>> -> memref<8x128xf32, #tpu.memory_space<hbm>>
        %dma_wait3A_41 = arith.constant 384 : i32
        %dma_wait3A_42 = tpu.memref_slice %arg7[%mul3A_34, %dma_wait3A_41] : memref<128x512xf32, #tpu.memory_space<hbm>> -> memref<8x128xf32, #tpu.memory_space<hbm>>
        tpu.wait_dma2 semaphore(%run_scoped3A : memref<!tpu.dma_semaphore, #tpu.memory_space<semaphore_mem>>) src(%arg9 : memref<8x128xf32, #tpu.memory_space<vmem>>) dst(%dma_wait3A_42 : memref<8x128xf32, #tpu.memory_space<hbm>>)
        tpu.yield
      }) : () -> ()
    } else {
    }
    return
  }
}

#map = affine_map<(d0, d1) -> (0, 0)>
module attributes {stable_mosaic.version = 14 : i64} {
  func.func @k(%arg0: i32, %arg1: i32, %arg2: memref<128x128xf32, #tpu.memory_space<hbm>>, %arg3: memref<32x128xi32, #tpu.memory_space<hbm>>, %arg4: memref<32x128xi32, #tpu.memory_space<hbm>>, %arg5: memref<10240x128xf32, #tpu.memory_space<hbm>>, %arg6: memref<128x128xf32, #tpu.memory_space<hbm>>, %arg7: memref<10368x128xf32, #tpu.memory_space<hbm>>, %arg8: memref<1x128xi32, #tpu.memory_space<vmem>>, %arg9: memref<1x128xi32, #tpu.memory_space<vmem>>, %arg10: memref<128x128xf32, #tpu.memory_space<vmem>>, %arg11: memref<10240x128xf32, #tpu.memory_space<vmem_shared>>, %arg12: memref<!tpu.dma_semaphore, #tpu.memory_space<semaphore_mem>>) attributes {dimension_semantics = [#tpu.dimension_semantics<core_parallel>, #tpu.dimension_semantics<subcore_parallel>], iteration_bounds = array<i64: 2, 16>, scalar_prefetch = 0 : i64, scratch_operands = 5 : i64, tpu.core_type = #tpu.core_type<sc_vector_subcore>, window_params = [{transform_indices = #map}, {transform_indices = #map}, {transform_indices = #map}, {transform_indices = #map}, {transform_indices = #map}, {transform_indices = #map}]} {
    %eq3A = arith.constant 0 : i32
    %eq3A_0 = arith.cmpi eq, %arg0, %eq3A : i32
    %convert_element_type3A = arith.extui %eq3A_0 : i1 to i32
    %cond3A = arith.constant 0 : i32
    %cond3A_1 = arith.cmpi ne, %convert_element_type3A, %cond3A : i32
    scf.if %cond3A_1 {
      %mul3A = arith.constant 640 : i32
      %mul3A_9 = arith.muli %arg1, %mul3A : i32
      %mul3A_10 = arith.constant 640 : i32
      %mul3A_11 = arith.muli %arg1, %mul3A_10 : i32
      "tpu.region"() ({
        %run_scoped3A_51 = tpu.sem_alloc : memref<!tpu.dma_semaphore, #tpu.memory_space<semaphore_mem>>
        %dma_start3A_52 = arith.constant 0 : i32
        %dma_start3A_53 = tpu.memref_slice %arg11[%mul3A_11, %dma_start3A_52] : memref<10240x128xf32, #tpu.memory_space<vmem_shared>> -> memref<640x128xf32, #tpu.memory_space<vmem_shared>>
        %dma_start3A_54 = arith.constant 0 : i32
        %dma_start3A_55 = tpu.memref_slice %arg5[%mul3A_9, %dma_start3A_54] : memref<10240x128xf32, #tpu.memory_space<hbm>> -> memref<640x128xf32, #tpu.memory_space<hbm>>
        tpu.enqueue_dma source(%dma_start3A_55 : memref<640x128xf32, #tpu.memory_space<hbm>>) target(%dma_start3A_53 : memref<640x128xf32, #tpu.memory_space<vmem_shared>>) target_semaphore(%run_scoped3A_51 : memref<!tpu.dma_semaphore, #tpu.memory_space<semaphore_mem>>)
        %dma_wait3A_56 = arith.constant 0 : i32
        %dma_wait3A_57 = tpu.memref_slice %arg11[%mul3A_11, %dma_wait3A_56] : memref<10240x128xf32, #tpu.memory_space<vmem_shared>> -> memref<640x128xf32, #tpu.memory_space<vmem_shared>>
        %dma_wait3A_58 = arith.constant 0 : i32
        %dma_wait3A_59 = tpu.memref_slice %arg5[%mul3A_9, %dma_wait3A_58] : memref<10240x128xf32, #tpu.memory_space<hbm>> -> memref<640x128xf32, #tpu.memory_space<hbm>>
        tpu.wait_dma2 semaphore(%run_scoped3A_51 : memref<!tpu.dma_semaphore, #tpu.memory_space<semaphore_mem>>) src(%dma_wait3A_59 : memref<640x128xf32, #tpu.memory_space<hbm>>) dst(%dma_wait3A_57 : memref<640x128xf32, #tpu.memory_space<vmem_shared>>)
        tpu.yield
      }) : () -> ()
      %barrier3A = arith.constant 0 : index
      tpu.barrier barrier_id(%barrier3A)
      %mul3A_12 = arith.constant 2 : i32
      %mul3A_13 = arith.muli %arg1, %mul3A_12 : i32
      %add3A = arith.constant 0 : i32
      %add3A_14 = arith.addi %mul3A_13, %add3A : i32
      "tpu.region"() ({
        %run_scoped3A_51 = tpu.sem_alloc : memref<!tpu.dma_semaphore, #tpu.memory_space<semaphore_mem>>
        %dma_start3A_52 = arith.constant 0 : i32
        %dma_start3A_53 = tpu.memref_slice %arg3[%add3A_14, %dma_start3A_52] : memref<32x128xi32, #tpu.memory_space<hbm>> -> memref<1x128xi32, #tpu.memory_space<hbm>>
        %dma_start3A_54 = arith.constant 0 : i32
        %dma_start3A_55 = tpu.memref_slice %arg3[%add3A_14, %dma_start3A_54] : memref<32x128xi32, #tpu.memory_space<hbm>> -> memref<1x128xi32, #tpu.memory_space<hbm>>
        tpu.enqueue_dma source(%dma_start3A_55 : memref<1x128xi32, #tpu.memory_space<hbm>>) target(%arg8 : memref<1x128xi32, #tpu.memory_space<vmem>>) target_semaphore(%run_scoped3A_51 : memref<!tpu.dma_semaphore, #tpu.memory_space<semaphore_mem>>)
        %dma_wait3A_56 = arith.constant 0 : i32
        %dma_wait3A_57 = tpu.memref_slice %arg3[%add3A_14, %dma_wait3A_56] : memref<32x128xi32, #tpu.memory_space<hbm>> -> memref<1x128xi32, #tpu.memory_space<hbm>>
        %dma_wait3A_58 = arith.constant 0 : i32
        %dma_wait3A_59 = tpu.memref_slice %arg3[%add3A_14, %dma_wait3A_58] : memref<32x128xi32, #tpu.memory_space<hbm>> -> memref<1x128xi32, #tpu.memory_space<hbm>>
        tpu.wait_dma2 semaphore(%run_scoped3A_51 : memref<!tpu.dma_semaphore, #tpu.memory_space<semaphore_mem>>) src(%dma_wait3A_59 : memref<1x128xi32, #tpu.memory_space<hbm>>) dst(%arg8 : memref<1x128xi32, #tpu.memory_space<vmem>>)
        tpu.yield
      }) : () -> ()
      "tpu.region"() ({
        %run_scoped3A_51 = tpu.sem_alloc : memref<!tpu.dma_semaphore, #tpu.memory_space<semaphore_mem>>
        %dma_start3A_52 = arith.constant 0 : i32
        %dma_start3A_53 = tpu.memref_slice %arg4[%add3A_14, %dma_start3A_52] : memref<32x128xi32, #tpu.memory_space<hbm>> -> memref<1x128xi32, #tpu.memory_space<hbm>>
        %dma_start3A_54 = arith.constant 0 : i32
        %dma_start3A_55 = tpu.memref_slice %arg4[%add3A_14, %dma_start3A_54] : memref<32x128xi32, #tpu.memory_space<hbm>> -> memref<1x128xi32, #tpu.memory_space<hbm>>
        tpu.enqueue_dma source(%dma_start3A_55 : memref<1x128xi32, #tpu.memory_space<hbm>>) target(%arg9 : memref<1x128xi32, #tpu.memory_space<vmem>>) target_semaphore(%run_scoped3A_51 : memref<!tpu.dma_semaphore, #tpu.memory_space<semaphore_mem>>)
        %dma_wait3A_56 = arith.constant 0 : i32
        %dma_wait3A_57 = tpu.memref_slice %arg4[%add3A_14, %dma_wait3A_56] : memref<32x128xi32, #tpu.memory_space<hbm>> -> memref<1x128xi32, #tpu.memory_space<hbm>>
        %dma_wait3A_58 = arith.constant 0 : i32
        %dma_wait3A_59 = tpu.memref_slice %arg4[%add3A_14, %dma_wait3A_58] : memref<32x128xi32, #tpu.memory_space<hbm>> -> memref<1x128xi32, #tpu.memory_space<hbm>>
        tpu.wait_dma2 semaphore(%run_scoped3A_51 : memref<!tpu.dma_semaphore, #tpu.memory_space<semaphore_mem>>) src(%dma_wait3A_59 : memref<1x128xi32, #tpu.memory_space<hbm>>) dst(%arg9 : memref<1x128xi32, #tpu.memory_space<vmem>>)
        tpu.yield
      }) : () -> ()
      %dma_start3A = arith.constant 0 : i32
      %dma_start3A_15 = arith.constant 0 : i32
      %dma_start3A_16 = tpu.memref_slice %arg8[%dma_start3A, %dma_start3A_15] : memref<1x128xi32, #tpu.memory_space<vmem>> -> memref<1x128xi32, #tpu.memory_space<vmem>>
      %dma_start3A_17 = tpu.memref_squeeze %dma_start3A_16 : memref<1x128xi32, #tpu.memory_space<vmem>> -> memref<128xi32, #tpu.memory_space<vmem>>
      %dma_start3A_18 = arith.constant 0 : i32
      %dma_start3A_19 = arith.constant 0 : i32
      %dma_start3A_20 = tpu.memref_slice %arg2[%dma_start3A_18, %dma_start3A_19] : memref<128x128xf32, #tpu.memory_space<hbm>> -> memref<128x128xf32, #tpu.memory_space<hbm>>
      tpu.enqueue_indirect_dma source(%dma_start3A_20 : memref<128x128xf32, #tpu.memory_space<hbm>>) target(%arg10 : memref<128x128xf32, #tpu.memory_space<vmem>>) offsets(%dma_start3A_17 : memref<128xi32, #tpu.memory_space<vmem>>) semaphore(%arg12 : memref<!tpu.dma_semaphore, #tpu.memory_space<semaphore_mem>>)
      %dma_wait3A = arith.constant 0 : i32
      %dma_wait3A_21 = arith.constant 0 : i32
      %dma_wait3A_22 = tpu.memref_slice %arg8[%dma_wait3A, %dma_wait3A_21] : memref<1x128xi32, #tpu.memory_space<vmem>> -> memref<1x128xi32, #tpu.memory_space<vmem>>
      %dma_wait3A_23 = tpu.memref_squeeze %dma_wait3A_22 : memref<1x128xi32, #tpu.memory_space<vmem>> -> memref<128xi32, #tpu.memory_space<vmem>>
      %dma_wait3A_24 = arith.constant 0 : i32
      %dma_wait3A_25 = arith.constant 0 : i32
      %dma_wait3A_26 = tpu.memref_slice %arg2[%dma_wait3A_24, %dma_wait3A_25] : memref<128x128xf32, #tpu.memory_space<hbm>> -> memref<128x128xf32, #tpu.memory_space<hbm>>
      tpu.wait_indirect_dma semaphore(%arg12 : memref<!tpu.dma_semaphore, #tpu.memory_space<semaphore_mem>>) src(%dma_wait3A_26 : memref<128x128xf32, #tpu.memory_space<hbm>>) dst(%arg10 : memref<128x128xf32, #tpu.memory_space<vmem>>)
      %run_scoped3A = arith.constant 0 : i32
      "tpu.region"() ({
        %run_scoped3A_51 = tpu.sem_alloc : memref<!tpu.dma_semaphore, #tpu.memory_space<semaphore_mem>>
        %dma_start3A_52 = arith.constant 0 : i32
        %dma_start3A_53 = tpu.memref_slice %arg9[%run_scoped3A, %dma_start3A_52] : memref<1x128xi32, #tpu.memory_space<vmem>> -> memref<1x128xi32, #tpu.memory_space<vmem>>
        %dma_start3A_54 = tpu.memref_squeeze %dma_start3A_53 : memref<1x128xi32, #tpu.memory_space<vmem>> -> memref<128xi32, #tpu.memory_space<vmem>>
        %dma_start3A_55 = arith.constant 0 : i32
        %dma_start3A_56 = arith.constant 0 : i32
        %dma_start3A_57 = tpu.memref_slice %arg11[%dma_start3A_55, %dma_start3A_56] : memref<10240x128xf32, #tpu.memory_space<vmem_shared>> -> memref<10240x128xf32, #tpu.memory_space<vmem_shared>>
        tpu.enqueue_indirect_dma source(%arg10 : memref<128x128xf32, #tpu.memory_space<vmem>>) target(%dma_start3A_57 : memref<10240x128xf32, #tpu.memory_space<vmem_shared>>) offsets(%dma_start3A_54 : memref<128xi32, #tpu.memory_space<vmem>>) semaphore(%run_scoped3A_51 : memref<!tpu.dma_semaphore, #tpu.memory_space<semaphore_mem>>) {add = true}
        %dma_wait3A_58 = arith.constant 0 : i32
        %dma_wait3A_59 = tpu.memref_slice %arg9[%run_scoped3A, %dma_wait3A_58] : memref<1x128xi32, #tpu.memory_space<vmem>> -> memref<1x128xi32, #tpu.memory_space<vmem>>
        %dma_wait3A_60 = tpu.memref_squeeze %dma_wait3A_59 : memref<1x128xi32, #tpu.memory_space<vmem>> -> memref<128xi32, #tpu.memory_space<vmem>>
        %dma_wait3A_61 = arith.constant 0 : i32
        %dma_wait3A_62 = arith.constant 0 : i32
        %dma_wait3A_63 = tpu.memref_slice %arg11[%dma_wait3A_61, %dma_wait3A_62] : memref<10240x128xf32, #tpu.memory_space<vmem_shared>> -> memref<10240x128xf32, #tpu.memory_space<vmem_shared>>
        tpu.wait_indirect_dma semaphore(%run_scoped3A_51 : memref<!tpu.dma_semaphore, #tpu.memory_space<semaphore_mem>>) src(%arg10 : memref<128x128xf32, #tpu.memory_space<vmem>>) dst(%dma_wait3A_63 : memref<10240x128xf32, #tpu.memory_space<vmem_shared>>)
        tpu.yield
      }) : () -> ()
      %mul3A_27 = arith.constant 2 : i32
      %mul3A_28 = arith.muli %arg1, %mul3A_27 : i32
      %add3A_29 = arith.constant 1 : i32
      %add3A_30 = arith.addi %mul3A_28, %add3A_29 : i32
      "tpu.region"() ({
        %run_scoped3A_51 = tpu.sem_alloc : memref<!tpu.dma_semaphore, #tpu.memory_space<semaphore_mem>>
        %dma_start3A_52 = arith.constant 0 : i32
        %dma_start3A_53 = tpu.memref_slice %arg3[%add3A_30, %dma_start3A_52] : memref<32x128xi32, #tpu.memory_space<hbm>> -> memref<1x128xi32, #tpu.memory_space<hbm>>
        %dma_start3A_54 = arith.constant 0 : i32
        %dma_start3A_55 = tpu.memref_slice %arg3[%add3A_30, %dma_start3A_54] : memref<32x128xi32, #tpu.memory_space<hbm>> -> memref<1x128xi32, #tpu.memory_space<hbm>>
        tpu.enqueue_dma source(%dma_start3A_55 : memref<1x128xi32, #tpu.memory_space<hbm>>) target(%arg8 : memref<1x128xi32, #tpu.memory_space<vmem>>) target_semaphore(%run_scoped3A_51 : memref<!tpu.dma_semaphore, #tpu.memory_space<semaphore_mem>>)
        %dma_wait3A_56 = arith.constant 0 : i32
        %dma_wait3A_57 = tpu.memref_slice %arg3[%add3A_30, %dma_wait3A_56] : memref<32x128xi32, #tpu.memory_space<hbm>> -> memref<1x128xi32, #tpu.memory_space<hbm>>
        %dma_wait3A_58 = arith.constant 0 : i32
        %dma_wait3A_59 = tpu.memref_slice %arg3[%add3A_30, %dma_wait3A_58] : memref<32x128xi32, #tpu.memory_space<hbm>> -> memref<1x128xi32, #tpu.memory_space<hbm>>
        tpu.wait_dma2 semaphore(%run_scoped3A_51 : memref<!tpu.dma_semaphore, #tpu.memory_space<semaphore_mem>>) src(%dma_wait3A_59 : memref<1x128xi32, #tpu.memory_space<hbm>>) dst(%arg8 : memref<1x128xi32, #tpu.memory_space<vmem>>)
        tpu.yield
      }) : () -> ()
      "tpu.region"() ({
        %run_scoped3A_51 = tpu.sem_alloc : memref<!tpu.dma_semaphore, #tpu.memory_space<semaphore_mem>>
        %dma_start3A_52 = arith.constant 0 : i32
        %dma_start3A_53 = tpu.memref_slice %arg4[%add3A_30, %dma_start3A_52] : memref<32x128xi32, #tpu.memory_space<hbm>> -> memref<1x128xi32, #tpu.memory_space<hbm>>
        %dma_start3A_54 = arith.constant 0 : i32
        %dma_start3A_55 = tpu.memref_slice %arg4[%add3A_30, %dma_start3A_54] : memref<32x128xi32, #tpu.memory_space<hbm>> -> memref<1x128xi32, #tpu.memory_space<hbm>>
        tpu.enqueue_dma source(%dma_start3A_55 : memref<1x128xi32, #tpu.memory_space<hbm>>) target(%arg9 : memref<1x128xi32, #tpu.memory_space<vmem>>) target_semaphore(%run_scoped3A_51 : memref<!tpu.dma_semaphore, #tpu.memory_space<semaphore_mem>>)
        %dma_wait3A_56 = arith.constant 0 : i32
        %dma_wait3A_57 = tpu.memref_slice %arg4[%add3A_30, %dma_wait3A_56] : memref<32x128xi32, #tpu.memory_space<hbm>> -> memref<1x128xi32, #tpu.memory_space<hbm>>
        %dma_wait3A_58 = arith.constant 0 : i32
        %dma_wait3A_59 = tpu.memref_slice %arg4[%add3A_30, %dma_wait3A_58] : memref<32x128xi32, #tpu.memory_space<hbm>> -> memref<1x128xi32, #tpu.memory_space<hbm>>
        tpu.wait_dma2 semaphore(%run_scoped3A_51 : memref<!tpu.dma_semaphore, #tpu.memory_space<semaphore_mem>>) src(%dma_wait3A_59 : memref<1x128xi32, #tpu.memory_space<hbm>>) dst(%arg9 : memref<1x128xi32, #tpu.memory_space<vmem>>)
        tpu.yield
      }) : () -> ()
      %dma_start3A_31 = arith.constant 0 : i32
      %dma_start3A_32 = arith.constant 0 : i32
      %dma_start3A_33 = tpu.memref_slice %arg8[%dma_start3A_31, %dma_start3A_32] : memref<1x128xi32, #tpu.memory_space<vmem>> -> memref<1x128xi32, #tpu.memory_space<vmem>>
      %dma_start3A_34 = tpu.memref_squeeze %dma_start3A_33 : memref<1x128xi32, #tpu.memory_space<vmem>> -> memref<128xi32, #tpu.memory_space<vmem>>
      %dma_start3A_35 = arith.constant 0 : i32
      %dma_start3A_36 = arith.constant 0 : i32
      %dma_start3A_37 = tpu.memref_slice %arg2[%dma_start3A_35, %dma_start3A_36] : memref<128x128xf32, #tpu.memory_space<hbm>> -> memref<128x128xf32, #tpu.memory_space<hbm>>
      tpu.enqueue_indirect_dma source(%dma_start3A_37 : memref<128x128xf32, #tpu.memory_space<hbm>>) target(%arg10 : memref<128x128xf32, #tpu.memory_space<vmem>>) offsets(%dma_start3A_34 : memref<128xi32, #tpu.memory_space<vmem>>) semaphore(%arg12 : memref<!tpu.dma_semaphore, #tpu.memory_space<semaphore_mem>>)
      %dma_wait3A_38 = arith.constant 0 : i32
      %dma_wait3A_39 = arith.constant 0 : i32
      %dma_wait3A_40 = tpu.memref_slice %arg8[%dma_wait3A_38, %dma_wait3A_39] : memref<1x128xi32, #tpu.memory_space<vmem>> -> memref<1x128xi32, #tpu.memory_space<vmem>>
      %dma_wait3A_41 = tpu.memref_squeeze %dma_wait3A_40 : memref<1x128xi32, #tpu.memory_space<vmem>> -> memref<128xi32, #tpu.memory_space<vmem>>
      %dma_wait3A_42 = arith.constant 0 : i32
      %dma_wait3A_43 = arith.constant 0 : i32
      %dma_wait3A_44 = tpu.memref_slice %arg2[%dma_wait3A_42, %dma_wait3A_43] : memref<128x128xf32, #tpu.memory_space<hbm>> -> memref<128x128xf32, #tpu.memory_space<hbm>>
      tpu.wait_indirect_dma semaphore(%arg12 : memref<!tpu.dma_semaphore, #tpu.memory_space<semaphore_mem>>) src(%dma_wait3A_44 : memref<128x128xf32, #tpu.memory_space<hbm>>) dst(%arg10 : memref<128x128xf32, #tpu.memory_space<vmem>>)
      %run_scoped3A_45 = arith.constant 0 : i32
      "tpu.region"() ({
        %run_scoped3A_51 = tpu.sem_alloc : memref<!tpu.dma_semaphore, #tpu.memory_space<semaphore_mem>>
        %dma_start3A_52 = arith.constant 0 : i32
        %dma_start3A_53 = tpu.memref_slice %arg9[%run_scoped3A_45, %dma_start3A_52] : memref<1x128xi32, #tpu.memory_space<vmem>> -> memref<1x128xi32, #tpu.memory_space<vmem>>
        %dma_start3A_54 = tpu.memref_squeeze %dma_start3A_53 : memref<1x128xi32, #tpu.memory_space<vmem>> -> memref<128xi32, #tpu.memory_space<vmem>>
        %dma_start3A_55 = arith.constant 0 : i32
        %dma_start3A_56 = arith.constant 0 : i32
        %dma_start3A_57 = tpu.memref_slice %arg11[%dma_start3A_55, %dma_start3A_56] : memref<10240x128xf32, #tpu.memory_space<vmem_shared>> -> memref<10240x128xf32, #tpu.memory_space<vmem_shared>>
        tpu.enqueue_indirect_dma source(%arg10 : memref<128x128xf32, #tpu.memory_space<vmem>>) target(%dma_start3A_57 : memref<10240x128xf32, #tpu.memory_space<vmem_shared>>) offsets(%dma_start3A_54 : memref<128xi32, #tpu.memory_space<vmem>>) semaphore(%run_scoped3A_51 : memref<!tpu.dma_semaphore, #tpu.memory_space<semaphore_mem>>) {add = true}
        %dma_wait3A_58 = arith.constant 0 : i32
        %dma_wait3A_59 = tpu.memref_slice %arg9[%run_scoped3A_45, %dma_wait3A_58] : memref<1x128xi32, #tpu.memory_space<vmem>> -> memref<1x128xi32, #tpu.memory_space<vmem>>
        %dma_wait3A_60 = tpu.memref_squeeze %dma_wait3A_59 : memref<1x128xi32, #tpu.memory_space<vmem>> -> memref<128xi32, #tpu.memory_space<vmem>>
        %dma_wait3A_61 = arith.constant 0 : i32
        %dma_wait3A_62 = arith.constant 0 : i32
        %dma_wait3A_63 = tpu.memref_slice %arg11[%dma_wait3A_61, %dma_wait3A_62] : memref<10240x128xf32, #tpu.memory_space<vmem_shared>> -> memref<10240x128xf32, #tpu.memory_space<vmem_shared>>
        tpu.wait_indirect_dma semaphore(%run_scoped3A_51 : memref<!tpu.dma_semaphore, #tpu.memory_space<semaphore_mem>>) src(%arg10 : memref<128x128xf32, #tpu.memory_space<vmem>>) dst(%dma_wait3A_63 : memref<10240x128xf32, #tpu.memory_space<vmem_shared>>)
        tpu.yield
      }) : () -> ()
      %barrier3A_46 = arith.constant 0 : index
      tpu.barrier barrier_id(%barrier3A_46)
      %mul3A_47 = arith.constant 640 : i32
      %mul3A_48 = arith.muli %arg1, %mul3A_47 : i32
      %mul3A_49 = arith.constant 640 : i32
      %mul3A_50 = arith.muli %arg1, %mul3A_49 : i32
      "tpu.region"() ({
        %run_scoped3A_51 = tpu.sem_alloc : memref<!tpu.dma_semaphore, #tpu.memory_space<semaphore_mem>>
        %dma_start3A_52 = arith.constant 0 : i32
        %dma_start3A_53 = tpu.memref_slice %arg7[%mul3A_50, %dma_start3A_52] : memref<10368x128xf32, #tpu.memory_space<hbm>> -> memref<640x128xf32, #tpu.memory_space<hbm>>
        %dma_start3A_54 = arith.constant 0 : i32
        %dma_start3A_55 = tpu.memref_slice %arg11[%mul3A_48, %dma_start3A_54] : memref<10240x128xf32, #tpu.memory_space<vmem_shared>> -> memref<640x128xf32, #tpu.memory_space<vmem_shared>>
        tpu.enqueue_dma source(%dma_start3A_55 : memref<640x128xf32, #tpu.memory_space<vmem_shared>>) target(%dma_start3A_53 : memref<640x128xf32, #tpu.memory_space<hbm>>) target_semaphore(%run_scoped3A_51 : memref<!tpu.dma_semaphore, #tpu.memory_space<semaphore_mem>>)
        %dma_wait3A_56 = arith.constant 0 : i32
        %dma_wait3A_57 = tpu.memref_slice %arg7[%mul3A_50, %dma_wait3A_56] : memref<10368x128xf32, #tpu.memory_space<hbm>> -> memref<640x128xf32, #tpu.memory_space<hbm>>
        %dma_wait3A_58 = arith.constant 0 : i32
        %dma_wait3A_59 = tpu.memref_slice %arg11[%mul3A_48, %dma_wait3A_58] : memref<10240x128xf32, #tpu.memory_space<vmem_shared>> -> memref<640x128xf32, #tpu.memory_space<vmem_shared>>
        tpu.wait_dma2 semaphore(%run_scoped3A_51 : memref<!tpu.dma_semaphore, #tpu.memory_space<semaphore_mem>>) src(%dma_wait3A_59 : memref<640x128xf32, #tpu.memory_space<vmem_shared>>) dst(%dma_wait3A_57 : memref<640x128xf32, #tpu.memory_space<hbm>>)
        tpu.yield
      }) : () -> ()
    } else {
    }
    %eq3A_2 = arith.constant 1 : i32
    %eq3A_3 = arith.cmpi eq, %arg0, %eq3A_2 : i32
    %eq3A_4 = arith.constant 0 : i32
    %eq3A_5 = arith.cmpi eq, %arg1, %eq3A_4 : i32
    %and3A = arith.andi %eq3A_3, %eq3A_5 : i1
    %convert_element_type3A_6 = arith.extui %and3A : i1 to i32
    %cond3A_7 = arith.constant 0 : i32
    %cond3A_8 = arith.cmpi ne, %convert_element_type3A_6, %cond3A_7 : i32
    scf.if %cond3A_8 {
      "tpu.region"() ({
        %run_scoped3A = tpu.sem_alloc : memref<!tpu.dma_semaphore, #tpu.memory_space<semaphore_mem>>
        tpu.enqueue_dma source(%arg6 : memref<128x128xf32, #tpu.memory_space<hbm>>) target(%arg10 : memref<128x128xf32, #tpu.memory_space<vmem>>) target_semaphore(%run_scoped3A : memref<!tpu.dma_semaphore, #tpu.memory_space<semaphore_mem>>)
        tpu.wait_dma2 semaphore(%run_scoped3A : memref<!tpu.dma_semaphore, #tpu.memory_space<semaphore_mem>>) src(%arg6 : memref<128x128xf32, #tpu.memory_space<hbm>>) dst(%arg10 : memref<128x128xf32, #tpu.memory_space<vmem>>)
        tpu.yield
      }) : () -> ()
      "tpu.region"() ({
        %run_scoped3A = tpu.sem_alloc : memref<!tpu.dma_semaphore, #tpu.memory_space<semaphore_mem>>
        %dma_start3A = arith.constant 10240 : i32
        %dma_start3A_9 = arith.constant 0 : i32
        %dma_start3A_10 = tpu.memref_slice %arg7[%dma_start3A, %dma_start3A_9] : memref<10368x128xf32, #tpu.memory_space<hbm>> -> memref<128x128xf32, #tpu.memory_space<hbm>>
        %dma_start3A_11 = arith.constant 10240 : i32
        %dma_start3A_12 = arith.constant 0 : i32
        %dma_start3A_13 = tpu.memref_slice %arg7[%dma_start3A_11, %dma_start3A_12] : memref<10368x128xf32, #tpu.memory_space<hbm>> -> memref<128x128xf32, #tpu.memory_space<hbm>>
        tpu.enqueue_dma source(%arg10 : memref<128x128xf32, #tpu.memory_space<vmem>>) target(%dma_start3A_13 : memref<128x128xf32, #tpu.memory_space<hbm>>) target_semaphore(%run_scoped3A : memref<!tpu.dma_semaphore, #tpu.memory_space<semaphore_mem>>)
        %dma_wait3A = arith.constant 10240 : i32
        %dma_wait3A_14 = arith.constant 0 : i32
        %dma_wait3A_15 = tpu.memref_slice %arg7[%dma_wait3A, %dma_wait3A_14] : memref<10368x128xf32, #tpu.memory_space<hbm>> -> memref<128x128xf32, #tpu.memory_space<hbm>>
        %dma_wait3A_16 = arith.constant 10240 : i32
        %dma_wait3A_17 = arith.constant 0 : i32
        %dma_wait3A_18 = tpu.memref_slice %arg7[%dma_wait3A_16, %dma_wait3A_17] : memref<10368x128xf32, #tpu.memory_space<hbm>> -> memref<128x128xf32, #tpu.memory_space<hbm>>
        tpu.wait_dma2 semaphore(%run_scoped3A : memref<!tpu.dma_semaphore, #tpu.memory_space<semaphore_mem>>) src(%arg10 : memref<128x128xf32, #tpu.memory_space<vmem>>) dst(%dma_wait3A_18 : memref<128x128xf32, #tpu.memory_space<hbm>>)
        tpu.yield
      }) : () -> ()
    } else {
    }
    return
  }
}

#map = affine_map<(d0, d1) -> (0, 0)>
#map1 = affine_map<(d0, d1) -> (0, 0, 0)>
module attributes {stable_mosaic.version = 14 : i64} {
  func.func @k(%arg0: i32, %arg1: i32, %arg2: memref<10368x128xf32, #tpu.memory_space<hbm>>, %arg3: memref<2560x128xi32, #tpu.memory_space<hbm>>, %arg4: memref<2560x128xi32, #tpu.memory_space<hbm>>, %arg5: memref<10240x128xf32, #tpu.memory_space<hbm>>, %arg6: memref<2x10240x128xf32, #tpu.memory_space<hbm>>, %arg7: memref<40x128xi32, #tpu.memory_space<vmem>>, %arg8: memref<40x128xi32, #tpu.memory_space<vmem>>, %arg9: memref<128x128xf32, #tpu.memory_space<vmem>>, %arg10: memref<128x128xf32, #tpu.memory_space<vmem>>, %arg11: memref<10240x128xf32, #tpu.memory_space<vmem_shared>>, %arg12: memref<!tpu.dma_semaphore, #tpu.memory_space<semaphore_mem>>, %arg13: memref<!tpu.dma_semaphore, #tpu.memory_space<semaphore_mem>>) attributes {dimension_semantics = [#tpu.dimension_semantics<core_parallel>, #tpu.dimension_semantics<subcore_parallel>], iteration_bounds = array<i64: 2, 16>, scalar_prefetch = 0 : i64, scratch_operands = 7 : i64, tpu.core_type = #tpu.core_type<sc_vector_subcore>, window_params = [{transform_indices = #map}, {transform_indices = #map}, {transform_indices = #map}, {transform_indices = #map}, {transform_indices = #map1}]} {
    %mul3A = arith.constant 2 : i32
    %mul3A_0 = arith.muli %arg1, %mul3A : i32
    %add3A = arith.addi %mul3A_0, %arg0 : i32
    %mul3A_1 = arith.constant 640 : i32
    %mul3A_2 = arith.muli %arg1, %mul3A_1 : i32
    %mul3A_3 = arith.constant 640 : i32
    %mul3A_4 = arith.muli %arg1, %mul3A_3 : i32
    "tpu.region"() ({
      %run_scoped3A = tpu.sem_alloc : memref<!tpu.dma_semaphore, #tpu.memory_space<semaphore_mem>>
      %dma_start3A_38 = arith.constant 0 : i32
      %dma_start3A_39 = tpu.memref_slice %arg11[%mul3A_4, %dma_start3A_38] : memref<10240x128xf32, #tpu.memory_space<vmem_shared>> -> memref<640x128xf32, #tpu.memory_space<vmem_shared>>
      %dma_start3A_40 = arith.constant 0 : i32
      %dma_start3A_41 = tpu.memref_slice %arg5[%mul3A_2, %dma_start3A_40] : memref<10240x128xf32, #tpu.memory_space<hbm>> -> memref<640x128xf32, #tpu.memory_space<hbm>>
      tpu.enqueue_dma source(%dma_start3A_41 : memref<640x128xf32, #tpu.memory_space<hbm>>) target(%dma_start3A_39 : memref<640x128xf32, #tpu.memory_space<vmem_shared>>) target_semaphore(%run_scoped3A : memref<!tpu.dma_semaphore, #tpu.memory_space<semaphore_mem>>)
      %dma_wait3A = arith.constant 0 : i32
      %dma_wait3A_42 = tpu.memref_slice %arg11[%mul3A_4, %dma_wait3A] : memref<10240x128xf32, #tpu.memory_space<vmem_shared>> -> memref<640x128xf32, #tpu.memory_space<vmem_shared>>
      %dma_wait3A_43 = arith.constant 0 : i32
      %dma_wait3A_44 = tpu.memref_slice %arg5[%mul3A_2, %dma_wait3A_43] : memref<10240x128xf32, #tpu.memory_space<hbm>> -> memref<640x128xf32, #tpu.memory_space<hbm>>
      tpu.wait_dma2 semaphore(%run_scoped3A : memref<!tpu.dma_semaphore, #tpu.memory_space<semaphore_mem>>) src(%dma_wait3A_44 : memref<640x128xf32, #tpu.memory_space<hbm>>) dst(%dma_wait3A_42 : memref<640x128xf32, #tpu.memory_space<vmem_shared>>)
      tpu.yield
    }) : () -> ()
    %barrier3A = arith.constant 0 : index
    tpu.barrier barrier_id(%barrier3A)
    %mul3A_5 = arith.constant 80 : i32
    %mul3A_6 = arith.muli %add3A, %mul3A_5 : i32
    %add3A_7 = arith.constant 0 : i32
    %add3A_8 = arith.addi %mul3A_6, %add3A_7 : i32
    "tpu.region"() ({
      %run_scoped3A = tpu.sem_alloc : memref<!tpu.dma_semaphore, #tpu.memory_space<semaphore_mem>>
      %dma_start3A_38 = arith.constant 0 : i32
      %dma_start3A_39 = tpu.memref_slice %arg3[%add3A_8, %dma_start3A_38] : memref<2560x128xi32, #tpu.memory_space<hbm>> -> memref<40x128xi32, #tpu.memory_space<hbm>>
      %dma_start3A_40 = arith.constant 0 : i32
      %dma_start3A_41 = tpu.memref_slice %arg3[%add3A_8, %dma_start3A_40] : memref<2560x128xi32, #tpu.memory_space<hbm>> -> memref<40x128xi32, #tpu.memory_space<hbm>>
      tpu.enqueue_dma source(%dma_start3A_41 : memref<40x128xi32, #tpu.memory_space<hbm>>) target(%arg7 : memref<40x128xi32, #tpu.memory_space<vmem>>) target_semaphore(%run_scoped3A : memref<!tpu.dma_semaphore, #tpu.memory_space<semaphore_mem>>)
      %dma_wait3A = arith.constant 0 : i32
      %dma_wait3A_42 = tpu.memref_slice %arg3[%add3A_8, %dma_wait3A] : memref<2560x128xi32, #tpu.memory_space<hbm>> -> memref<40x128xi32, #tpu.memory_space<hbm>>
      %dma_wait3A_43 = arith.constant 0 : i32
      %dma_wait3A_44 = tpu.memref_slice %arg3[%add3A_8, %dma_wait3A_43] : memref<2560x128xi32, #tpu.memory_space<hbm>> -> memref<40x128xi32, #tpu.memory_space<hbm>>
      tpu.wait_dma2 semaphore(%run_scoped3A : memref<!tpu.dma_semaphore, #tpu.memory_space<semaphore_mem>>) src(%dma_wait3A_44 : memref<40x128xi32, #tpu.memory_space<hbm>>) dst(%arg7 : memref<40x128xi32, #tpu.memory_space<vmem>>)
      tpu.yield
    }) : () -> ()
    "tpu.region"() ({
      %run_scoped3A = tpu.sem_alloc : memref<!tpu.dma_semaphore, #tpu.memory_space<semaphore_mem>>
      %dma_start3A_38 = arith.constant 0 : i32
      %dma_start3A_39 = tpu.memref_slice %arg4[%add3A_8, %dma_start3A_38] : memref<2560x128xi32, #tpu.memory_space<hbm>> -> memref<40x128xi32, #tpu.memory_space<hbm>>
      %dma_start3A_40 = arith.constant 0 : i32
      %dma_start3A_41 = tpu.memref_slice %arg4[%add3A_8, %dma_start3A_40] : memref<2560x128xi32, #tpu.memory_space<hbm>> -> memref<40x128xi32, #tpu.memory_space<hbm>>
      tpu.enqueue_dma source(%dma_start3A_41 : memref<40x128xi32, #tpu.memory_space<hbm>>) target(%arg8 : memref<40x128xi32, #tpu.memory_space<vmem>>) target_semaphore(%run_scoped3A : memref<!tpu.dma_semaphore, #tpu.memory_space<semaphore_mem>>)
      %dma_wait3A = arith.constant 0 : i32
      %dma_wait3A_42 = tpu.memref_slice %arg4[%add3A_8, %dma_wait3A] : memref<2560x128xi32, #tpu.memory_space<hbm>> -> memref<40x128xi32, #tpu.memory_space<hbm>>
      %dma_wait3A_43 = arith.constant 0 : i32
      %dma_wait3A_44 = tpu.memref_slice %arg4[%add3A_8, %dma_wait3A_43] : memref<2560x128xi32, #tpu.memory_space<hbm>> -> memref<40x128xi32, #tpu.memory_space<hbm>>
      tpu.wait_dma2 semaphore(%run_scoped3A : memref<!tpu.dma_semaphore, #tpu.memory_space<semaphore_mem>>) src(%dma_wait3A_44 : memref<40x128xi32, #tpu.memory_space<hbm>>) dst(%arg8 : memref<40x128xi32, #tpu.memory_space<vmem>>)
      tpu.yield
    }) : () -> ()
    %dma_start3A = arith.constant 0 : i32
    %dma_start3A_9 = arith.constant 0 : i32
    %dma_start3A_10 = tpu.memref_slice %arg7[%dma_start3A, %dma_start3A_9] : memref<40x128xi32, #tpu.memory_space<vmem>> -> memref<1x128xi32, #tpu.memory_space<vmem>>
    %dma_start3A_11 = tpu.memref_squeeze %dma_start3A_10 : memref<1x128xi32, #tpu.memory_space<vmem>> -> memref<128xi32, #tpu.memory_space<vmem>>
    %dma_start3A_12 = arith.constant 0 : i32
    %dma_start3A_13 = arith.constant 0 : i32
    %dma_start3A_14 = tpu.memref_slice %arg2[%dma_start3A_12, %dma_start3A_13] : memref<10368x128xf32, #tpu.memory_space<hbm>> -> memref<10368x128xf32, #tpu.memory_space<hbm>>
    tpu.enqueue_indirect_dma source(%dma_start3A_14 : memref<10368x128xf32, #tpu.memory_space<hbm>>) target(%arg9 : memref<128x128xf32, #tpu.memory_space<vmem>>) offsets(%dma_start3A_11 : memref<128xi32, #tpu.memory_space<vmem>>) semaphore(%arg12 : memref<!tpu.dma_semaphore, #tpu.memory_space<semaphore_mem>>)
    %scan3A = arith.constant 0 : i32
    %scan3A_15 = arith.constant 20 : i32
    %scan3A_16 = arith.addi %scan3A, %scan3A_15 : i32
    %scan3A_17 = arith.constant 1 : i32
    scf.for %scan3A_38 = %scan3A to %scan3A_16 step %scan3A_17  : i32 {
      %mul3A_39 = arith.constant 1 : i32
      %mul3A_40 = arith.muli %scan3A_38, %mul3A_39 : i32
      %add3A_41 = arith.constant 0 : i32
      %add3A_42 = arith.addi %add3A_41, %mul3A_40 : i32
      %mul3A_43 = arith.constant 2 : i32
      %mul3A_44 = arith.muli %add3A_42, %mul3A_43 : i32
      %add3A_45 = arith.constant 1 : i32
      %add3A_46 = arith.addi %mul3A_44, %add3A_45 : i32
      %dma_start3A_47 = arith.constant 0 : i32
      %dma_start3A_48 = tpu.memref_slice %arg7[%add3A_46, %dma_start3A_47] : memref<40x128xi32, #tpu.memory_space<vmem>> -> memref<1x128xi32, #tpu.memory_space<vmem>>
      %dma_start3A_49 = tpu.memref_squeeze %dma_start3A_48 : memref<1x128xi32, #tpu.memory_space<vmem>> -> memref<128xi32, #tpu.memory_space<vmem>>
      %dma_start3A_50 = arith.constant 0 : i32
      %dma_start3A_51 = arith.constant 0 : i32
      %dma_start3A_52 = tpu.memref_slice %arg2[%dma_start3A_50, %dma_start3A_51] : memref<10368x128xf32, #tpu.memory_space<hbm>> -> memref<10368x128xf32, #tpu.memory_space<hbm>>
      tpu.enqueue_indirect_dma source(%dma_start3A_52 : memref<10368x128xf32, #tpu.memory_space<hbm>>) target(%arg10 : memref<128x128xf32, #tpu.memory_space<vmem>>) offsets(%dma_start3A_49 : memref<128xi32, #tpu.memory_space<vmem>>) semaphore(%arg13 : memref<!tpu.dma_semaphore, #tpu.memory_space<semaphore_mem>>)
      %dma_wait3A = arith.constant 0 : i32
      %dma_wait3A_53 = arith.constant 0 : i32
      %dma_wait3A_54 = tpu.memref_slice %arg7[%dma_wait3A, %dma_wait3A_53] : memref<40x128xi32, #tpu.memory_space<vmem>> -> memref<1x128xi32, #tpu.memory_space<vmem>>
      %dma_wait3A_55 = tpu.memref_squeeze %dma_wait3A_54 : memref<1x128xi32, #tpu.memory_space<vmem>> -> memref<128xi32, #tpu.memory_space<vmem>>
      %dma_wait3A_56 = arith.constant 0 : i32
      %dma_wait3A_57 = arith.constant 0 : i32
      %dma_wait3A_58 = tpu.memref_slice %arg2[%dma_wait3A_56, %dma_wait3A_57] : memref<10368x128xf32, #tpu.memory_space<hbm>> -> memref<10368x128xf32, #tpu.memory_space<hbm>>
      tpu.wait_indirect_dma semaphore(%arg12 : memref<!tpu.dma_semaphore, #tpu.memory_space<semaphore_mem>>) src(%dma_wait3A_58 : memref<10368x128xf32, #tpu.memory_space<hbm>>) dst(%arg9 : memref<128x128xf32, #tpu.memory_space<vmem>>)
      "tpu.region"() ({
        %run_scoped3A = tpu.sem_alloc : memref<!tpu.dma_semaphore, #tpu.memory_space<semaphore_mem>>
        %dma_start3A_72 = arith.constant 0 : i32
        %dma_start3A_73 = tpu.memref_slice %arg8[%mul3A_44, %dma_start3A_72] : memref<40x128xi32, #tpu.memory_space<vmem>> -> memref<1x128xi32, #tpu.memory_space<vmem>>
        %dma_start3A_74 = tpu.memref_squeeze %dma_start3A_73 : memref<1x128xi32, #tpu.memory_space<vmem>> -> memref<128xi32, #tpu.memory_space<vmem>>
        %dma_start3A_75 = arith.constant 0 : i32
        %dma_start3A_76 = arith.constant 0 : i32
        %dma_start3A_77 = tpu.memref_slice %arg11[%dma_start3A_75, %dma_start3A_76] : memref<10240x128xf32, #tpu.memory_space<vmem_shared>> -> memref<10240x128xf32, #tpu.memory_space<vmem_shared>>
        tpu.enqueue_indirect_dma source(%arg9 : memref<128x128xf32, #tpu.memory_space<vmem>>) target(%dma_start3A_77 : memref<10240x128xf32, #tpu.memory_space<vmem_shared>>) offsets(%dma_start3A_74 : memref<128xi32, #tpu.memory_space<vmem>>) semaphore(%run_scoped3A : memref<!tpu.dma_semaphore, #tpu.memory_space<semaphore_mem>>) {add = true}
        %dma_wait3A_78 = arith.constant 0 : i32
        %dma_wait3A_79 = tpu.memref_slice %arg8[%mul3A_44, %dma_wait3A_78] : memref<40x128xi32, #tpu.memory_space<vmem>> -> memref<1x128xi32, #tpu.memory_space<vmem>>
        %dma_wait3A_80 = tpu.memref_squeeze %dma_wait3A_79 : memref<1x128xi32, #tpu.memory_space<vmem>> -> memref<128xi32, #tpu.memory_space<vmem>>
        %dma_wait3A_81 = arith.constant 0 : i32
        %dma_wait3A_82 = arith.constant 0 : i32
        %dma_wait3A_83 = tpu.memref_slice %arg11[%dma_wait3A_81, %dma_wait3A_82] : memref<10240x128xf32, #tpu.memory_space<vmem_shared>> -> memref<10240x128xf32, #tpu.memory_space<vmem_shared>>
        tpu.wait_indirect_dma semaphore(%run_scoped3A : memref<!tpu.dma_semaphore, #tpu.memory_space<semaphore_mem>>) src(%arg9 : memref<128x128xf32, #tpu.memory_space<vmem>>) dst(%dma_wait3A_83 : memref<10240x128xf32, #tpu.memory_space<vmem_shared>>)
        tpu.yield
      }) : () -> ()
      %add3A_59 = arith.constant 2 : i32
      %add3A_60 = arith.addi %mul3A_44, %add3A_59 : i32
      %lt3A = arith.constant 40 : i32
      %lt3A_61 = arith.cmpi slt, %add3A_60, %lt3A : i32
      %convert_element_type3A = arith.extui %lt3A_61 : i1 to i32
      %cond3A = arith.constant 0 : i32
      %cond3A_62 = arith.cmpi ne, %convert_element_type3A, %cond3A : i32
      scf.if %cond3A_62 {
        %add3A_72 = arith.constant 2 : i32
        %add3A_73 = arith.addi %mul3A_44, %add3A_72 : i32
        %dma_start3A_74 = arith.constant 0 : i32
        %dma_start3A_75 = tpu.memref_slice %arg7[%add3A_73, %dma_start3A_74] : memref<40x128xi32, #tpu.memory_space<vmem>> -> memref<1x128xi32, #tpu.memory_space<vmem>>
        %dma_start3A_76 = tpu.memref_squeeze %dma_start3A_75 : memref<1x128xi32, #tpu.memory_space<vmem>> -> memref<128xi32, #tpu.memory_space<vmem>>
        %dma_start3A_77 = arith.constant 0 : i32
        %dma_start3A_78 = arith.constant 0 : i32
        %dma_start3A_79 = tpu.memref_slice %arg2[%dma_start3A_77, %dma_start3A_78] : memref<10368x128xf32, #tpu.memory_space<hbm>> -> memref<10368x128xf32, #tpu.memory_space<hbm>>
        tpu.enqueue_indirect_dma source(%dma_start3A_79 : memref<10368x128xf32, #tpu.memory_space<hbm>>) target(%arg9 : memref<128x128xf32, #tpu.memory_space<vmem>>) offsets(%dma_start3A_76 : memref<128xi32, #tpu.memory_space<vmem>>) semaphore(%arg12 : memref<!tpu.dma_semaphore, #tpu.memory_space<semaphore_mem>>)
      } else {
      }
      %dma_wait3A_63 = arith.constant 0 : i32
      %dma_wait3A_64 = arith.constant 0 : i32
      %dma_wait3A_65 = tpu.memref_slice %arg7[%dma_wait3A_63, %dma_wait3A_64] : memref<40x128xi32, #tpu.memory_space<vmem>> -> memref<1x128xi32, #tpu.memory_space<vmem>>
      %dma_wait3A_66 = tpu.memref_squeeze %dma_wait3A_65 : memref<1x128xi32, #tpu.memory_space<vmem>> -> memref<128xi32, #tpu.memory_space<vmem>>
      %dma_wait3A_67 = arith.constant 0 : i32
      %dma_wait3A_68 = arith.constant 0 : i32
      %dma_wait3A_69 = tpu.memref_slice %arg2[%dma_wait3A_67, %dma_wait3A_68] : memref<10368x128xf32, #tpu.memory_space<hbm>> -> memref<10368x128xf32, #tpu.memory_space<hbm>>
      tpu.wait_indirect_dma semaphore(%arg13 : memref<!tpu.dma_semaphore, #tpu.memory_space<semaphore_mem>>) src(%dma_wait3A_69 : memref<10368x128xf32, #tpu.memory_space<hbm>>) dst(%arg10 : memref<128x128xf32, #tpu.memory_space<vmem>>)
      %add3A_70 = arith.constant 1 : i32
      %add3A_71 = arith.addi %mul3A_44, %add3A_70 : i32
      "tpu.region"() ({
        %run_scoped3A = tpu.sem_alloc : memref<!tpu.dma_semaphore, #tpu.memory_space<semaphore_mem>>
        %dma_start3A_72 = arith.constant 0 : i32
        %dma_start3A_73 = tpu.memref_slice %arg8[%add3A_71, %dma_start3A_72] : memref<40x128xi32, #tpu.memory_space<vmem>> -> memref<1x128xi32, #tpu.memory_space<vmem>>
        %dma_start3A_74 = tpu.memref_squeeze %dma_start3A_73 : memref<1x128xi32, #tpu.memory_space<vmem>> -> memref<128xi32, #tpu.memory_space<vmem>>
        %dma_start3A_75 = arith.constant 0 : i32
        %dma_start3A_76 = arith.constant 0 : i32
        %dma_start3A_77 = tpu.memref_slice %arg11[%dma_start3A_75, %dma_start3A_76] : memref<10240x128xf32, #tpu.memory_space<vmem_shared>> -> memref<10240x128xf32, #tpu.memory_space<vmem_shared>>
        tpu.enqueue_indirect_dma source(%arg10 : memref<128x128xf32, #tpu.memory_space<vmem>>) target(%dma_start3A_77 : memref<10240x128xf32, #tpu.memory_space<vmem_shared>>) offsets(%dma_start3A_74 : memref<128xi32, #tpu.memory_space<vmem>>) semaphore(%run_scoped3A : memref<!tpu.dma_semaphore, #tpu.memory_space<semaphore_mem>>) {add = true}
        %dma_wait3A_78 = arith.constant 0 : i32
        %dma_wait3A_79 = tpu.memref_slice %arg8[%add3A_71, %dma_wait3A_78] : memref<40x128xi32, #tpu.memory_space<vmem>> -> memref<1x128xi32, #tpu.memory_space<vmem>>
        %dma_wait3A_80 = tpu.memref_squeeze %dma_wait3A_79 : memref<1x128xi32, #tpu.memory_space<vmem>> -> memref<128xi32, #tpu.memory_space<vmem>>
        %dma_wait3A_81 = arith.constant 0 : i32
        %dma_wait3A_82 = arith.constant 0 : i32
        %dma_wait3A_83 = tpu.memref_slice %arg11[%dma_wait3A_81, %dma_wait3A_82] : memref<10240x128xf32, #tpu.memory_space<vmem_shared>> -> memref<10240x128xf32, #tpu.memory_space<vmem_shared>>
        tpu.wait_indirect_dma semaphore(%run_scoped3A : memref<!tpu.dma_semaphore, #tpu.memory_space<semaphore_mem>>) src(%arg10 : memref<128x128xf32, #tpu.memory_space<vmem>>) dst(%dma_wait3A_83 : memref<10240x128xf32, #tpu.memory_space<vmem_shared>>)
        tpu.yield
      }) : () -> ()
    }
    %scan3A_18 = arith.constant 20 : i32
    %add3A_19 = arith.constant 40 : i32
    %add3A_20 = arith.addi %mul3A_6, %add3A_19 : i32
    "tpu.region"() ({
      %run_scoped3A = tpu.sem_alloc : memref<!tpu.dma_semaphore, #tpu.memory_space<semaphore_mem>>
      %dma_start3A_38 = arith.constant 0 : i32
      %dma_start3A_39 = tpu.memref_slice %arg3[%add3A_20, %dma_start3A_38] : memref<2560x128xi32, #tpu.memory_space<hbm>> -> memref<40x128xi32, #tpu.memory_space<hbm>>
      %dma_start3A_40 = arith.constant 0 : i32
      %dma_start3A_41 = tpu.memref_slice %arg3[%add3A_20, %dma_start3A_40] : memref<2560x128xi32, #tpu.memory_space<hbm>> -> memref<40x128xi32, #tpu.memory_space<hbm>>
      tpu.enqueue_dma source(%dma_start3A_41 : memref<40x128xi32, #tpu.memory_space<hbm>>) target(%arg7 : memref<40x128xi32, #tpu.memory_space<vmem>>) target_semaphore(%run_scoped3A : memref<!tpu.dma_semaphore, #tpu.memory_space<semaphore_mem>>)
      %dma_wait3A = arith.constant 0 : i32
      %dma_wait3A_42 = tpu.memref_slice %arg3[%add3A_20, %dma_wait3A] : memref<2560x128xi32, #tpu.memory_space<hbm>> -> memref<40x128xi32, #tpu.memory_space<hbm>>
      %dma_wait3A_43 = arith.constant 0 : i32
      %dma_wait3A_44 = tpu.memref_slice %arg3[%add3A_20, %dma_wait3A_43] : memref<2560x128xi32, #tpu.memory_space<hbm>> -> memref<40x128xi32, #tpu.memory_space<hbm>>
      tpu.wait_dma2 semaphore(%run_scoped3A : memref<!tpu.dma_semaphore, #tpu.memory_space<semaphore_mem>>) src(%dma_wait3A_44 : memref<40x128xi32, #tpu.memory_space<hbm>>) dst(%arg7 : memref<40x128xi32, #tpu.memory_space<vmem>>)
      tpu.yield
    }) : () -> ()
    "tpu.region"() ({
      %run_scoped3A = tpu.sem_alloc : memref<!tpu.dma_semaphore, #tpu.memory_space<semaphore_mem>>
      %dma_start3A_38 = arith.constant 0 : i32
      %dma_start3A_39 = tpu.memref_slice %arg4[%add3A_20, %dma_start3A_38] : memref<2560x128xi32, #tpu.memory_space<hbm>> -> memref<40x128xi32, #tpu.memory_space<hbm>>
      %dma_start3A_40 = arith.constant 0 : i32
      %dma_start3A_41 = tpu.memref_slice %arg4[%add3A_20, %dma_start3A_40] : memref<2560x128xi32, #tpu.memory_space<hbm>> -> memref<40x128xi32, #tpu.memory_space<hbm>>
      tpu.enqueue_dma source(%dma_start3A_41 : memref<40x128xi32, #tpu.memory_space<hbm>>) target(%arg8 : memref<40x128xi32, #tpu.memory_space<vmem>>) target_semaphore(%run_scoped3A : memref<!tpu.dma_semaphore, #tpu.memory_space<semaphore_mem>>)
      %dma_wait3A = arith.constant 0 : i32
      %dma_wait3A_42 = tpu.memref_slice %arg4[%add3A_20, %dma_wait3A] : memref<2560x128xi32, #tpu.memory_space<hbm>> -> memref<40x128xi32, #tpu.memory_space<hbm>>
      %dma_wait3A_43 = arith.constant 0 : i32
      %dma_wait3A_44 = tpu.memref_slice %arg4[%add3A_20, %dma_wait3A_43] : memref<2560x128xi32, #tpu.memory_space<hbm>> -> memref<40x128xi32, #tpu.memory_space<hbm>>
      tpu.wait_dma2 semaphore(%run_scoped3A : memref<!tpu.dma_semaphore, #tpu.memory_space<semaphore_mem>>) src(%dma_wait3A_44 : memref<40x128xi32, #tpu.memory_space<hbm>>) dst(%arg8 : memref<40x128xi32, #tpu.memory_space<vmem>>)
      tpu.yield
    }) : () -> ()
    %dma_start3A_21 = arith.constant 0 : i32
    %dma_start3A_22 = arith.constant 0 : i32
    %dma_start3A_23 = tpu.memref_slice %arg7[%dma_start3A_21, %dma_start3A_22] : memref<40x128xi32, #tpu.memory_space<vmem>> -> memref<1x128xi32, #tpu.memory_space<vmem>>
    %dma_start3A_24 = tpu.memref_squeeze %dma_start3A_23 : memref<1x128xi32, #tpu.memory_space<vmem>> -> memref<128xi32, #tpu.memory_space<vmem>>
    %dma_start3A_25 = arith.constant 0 : i32
    %dma_start3A_26 = arith.constant 0 : i32
    %dma_start3A_27 = tpu.memref_slice %arg2[%dma_start3A_25, %dma_start3A_26] : memref<10368x128xf32, #tpu.memory_space<hbm>> -> memref<10368x128xf32, #tpu.memory_space<hbm>>
    tpu.enqueue_indirect_dma source(%dma_start3A_27 : memref<10368x128xf32, #tpu.memory_space<hbm>>) target(%arg9 : memref<128x128xf32, #tpu.memory_space<vmem>>) offsets(%dma_start3A_24 : memref<128xi32, #tpu.memory_space<vmem>>) semaphore(%arg12 : memref<!tpu.dma_semaphore, #tpu.memory_space<semaphore_mem>>)
    %scan3A_28 = arith.constant 0 : i32
    %scan3A_29 = arith.constant 20 : i32
    %scan3A_30 = arith.addi %scan3A_28, %scan3A_29 : i32
    %scan3A_31 = arith.constant 1 : i32
    scf.for %scan3A_38 = %scan3A_28 to %scan3A_30 step %scan3A_31  : i32 {
      %mul3A_39 = arith.constant 1 : i32
      %mul3A_40 = arith.muli %scan3A_38, %mul3A_39 : i32
      %add3A_41 = arith.constant 0 : i32
      %add3A_42 = arith.addi %add3A_41, %mul3A_40 : i32
      %mul3A_43 = arith.constant 2 : i32
      %mul3A_44 = arith.muli %add3A_42, %mul3A_43 : i32
      %add3A_45 = arith.constant 1 : i32
      %add3A_46 = arith.addi %mul3A_44, %add3A_45 : i32
      %dma_start3A_47 = arith.constant 0 : i32
      %dma_start3A_48 = tpu.memref_slice %arg7[%add3A_46, %dma_start3A_47] : memref<40x128xi32, #tpu.memory_space<vmem>> -> memref<1x128xi32, #tpu.memory_space<vmem>>
      %dma_start3A_49 = tpu.memref_squeeze %dma_start3A_48 : memref<1x128xi32, #tpu.memory_space<vmem>> -> memref<128xi32, #tpu.memory_space<vmem>>
      %dma_start3A_50 = arith.constant 0 : i32
      %dma_start3A_51 = arith.constant 0 : i32
      %dma_start3A_52 = tpu.memref_slice %arg2[%dma_start3A_50, %dma_start3A_51] : memref<10368x128xf32, #tpu.memory_space<hbm>> -> memref<10368x128xf32, #tpu.memory_space<hbm>>
      tpu.enqueue_indirect_dma source(%dma_start3A_52 : memref<10368x128xf32, #tpu.memory_space<hbm>>) target(%arg10 : memref<128x128xf32, #tpu.memory_space<vmem>>) offsets(%dma_start3A_49 : memref<128xi32, #tpu.memory_space<vmem>>) semaphore(%arg13 : memref<!tpu.dma_semaphore, #tpu.memory_space<semaphore_mem>>)
      %dma_wait3A = arith.constant 0 : i32
      %dma_wait3A_53 = arith.constant 0 : i32
      %dma_wait3A_54 = tpu.memref_slice %arg7[%dma_wait3A, %dma_wait3A_53] : memref<40x128xi32, #tpu.memory_space<vmem>> -> memref<1x128xi32, #tpu.memory_space<vmem>>
      %dma_wait3A_55 = tpu.memref_squeeze %dma_wait3A_54 : memref<1x128xi32, #tpu.memory_space<vmem>> -> memref<128xi32, #tpu.memory_space<vmem>>
      %dma_wait3A_56 = arith.constant 0 : i32
      %dma_wait3A_57 = arith.constant 0 : i32
      %dma_wait3A_58 = tpu.memref_slice %arg2[%dma_wait3A_56, %dma_wait3A_57] : memref<10368x128xf32, #tpu.memory_space<hbm>> -> memref<10368x128xf32, #tpu.memory_space<hbm>>
      tpu.wait_indirect_dma semaphore(%arg12 : memref<!tpu.dma_semaphore, #tpu.memory_space<semaphore_mem>>) src(%dma_wait3A_58 : memref<10368x128xf32, #tpu.memory_space<hbm>>) dst(%arg9 : memref<128x128xf32, #tpu.memory_space<vmem>>)
      "tpu.region"() ({
        %run_scoped3A = tpu.sem_alloc : memref<!tpu.dma_semaphore, #tpu.memory_space<semaphore_mem>>
        %dma_start3A_72 = arith.constant 0 : i32
        %dma_start3A_73 = tpu.memref_slice %arg8[%mul3A_44, %dma_start3A_72] : memref<40x128xi32, #tpu.memory_space<vmem>> -> memref<1x128xi32, #tpu.memory_space<vmem>>
        %dma_start3A_74 = tpu.memref_squeeze %dma_start3A_73 : memref<1x128xi32, #tpu.memory_space<vmem>> -> memref<128xi32, #tpu.memory_space<vmem>>
        %dma_start3A_75 = arith.constant 0 : i32
        %dma_start3A_76 = arith.constant 0 : i32
        %dma_start3A_77 = tpu.memref_slice %arg11[%dma_start3A_75, %dma_start3A_76] : memref<10240x128xf32, #tpu.memory_space<vmem_shared>> -> memref<10240x128xf32, #tpu.memory_space<vmem_shared>>
        tpu.enqueue_indirect_dma source(%arg9 : memref<128x128xf32, #tpu.memory_space<vmem>>) target(%dma_start3A_77 : memref<10240x128xf32, #tpu.memory_space<vmem_shared>>) offsets(%dma_start3A_74 : memref<128xi32, #tpu.memory_space<vmem>>) semaphore(%run_scoped3A : memref<!tpu.dma_semaphore, #tpu.memory_space<semaphore_mem>>) {add = true}
        %dma_wait3A_78 = arith.constant 0 : i32
        %dma_wait3A_79 = tpu.memref_slice %arg8[%mul3A_44, %dma_wait3A_78] : memref<40x128xi32, #tpu.memory_space<vmem>> -> memref<1x128xi32, #tpu.memory_space<vmem>>
        %dma_wait3A_80 = tpu.memref_squeeze %dma_wait3A_79 : memref<1x128xi32, #tpu.memory_space<vmem>> -> memref<128xi32, #tpu.memory_space<vmem>>
        %dma_wait3A_81 = arith.constant 0 : i32
        %dma_wait3A_82 = arith.constant 0 : i32
        %dma_wait3A_83 = tpu.memref_slice %arg11[%dma_wait3A_81, %dma_wait3A_82] : memref<10240x128xf32, #tpu.memory_space<vmem_shared>> -> memref<10240x128xf32, #tpu.memory_space<vmem_shared>>
        tpu.wait_indirect_dma semaphore(%run_scoped3A : memref<!tpu.dma_semaphore, #tpu.memory_space<semaphore_mem>>) src(%arg9 : memref<128x128xf32, #tpu.memory_space<vmem>>) dst(%dma_wait3A_83 : memref<10240x128xf32, #tpu.memory_space<vmem_shared>>)
        tpu.yield
      }) : () -> ()
      %add3A_59 = arith.constant 2 : i32
      %add3A_60 = arith.addi %mul3A_44, %add3A_59 : i32
      %lt3A = arith.constant 40 : i32
      %lt3A_61 = arith.cmpi slt, %add3A_60, %lt3A : i32
      %convert_element_type3A = arith.extui %lt3A_61 : i1 to i32
      %cond3A = arith.constant 0 : i32
      %cond3A_62 = arith.cmpi ne, %convert_element_type3A, %cond3A : i32
      scf.if %cond3A_62 {
        %add3A_72 = arith.constant 2 : i32
        %add3A_73 = arith.addi %mul3A_44, %add3A_72 : i32
        %dma_start3A_74 = arith.constant 0 : i32
        %dma_start3A_75 = tpu.memref_slice %arg7[%add3A_73, %dma_start3A_74] : memref<40x128xi32, #tpu.memory_space<vmem>> -> memref<1x128xi32, #tpu.memory_space<vmem>>
        %dma_start3A_76 = tpu.memref_squeeze %dma_start3A_75 : memref<1x128xi32, #tpu.memory_space<vmem>> -> memref<128xi32, #tpu.memory_space<vmem>>
        %dma_start3A_77 = arith.constant 0 : i32
        %dma_start3A_78 = arith.constant 0 : i32
        %dma_start3A_79 = tpu.memref_slice %arg2[%dma_start3A_77, %dma_start3A_78] : memref<10368x128xf32, #tpu.memory_space<hbm>> -> memref<10368x128xf32, #tpu.memory_space<hbm>>
        tpu.enqueue_indirect_dma source(%dma_start3A_79 : memref<10368x128xf32, #tpu.memory_space<hbm>>) target(%arg9 : memref<128x128xf32, #tpu.memory_space<vmem>>) offsets(%dma_start3A_76 : memref<128xi32, #tpu.memory_space<vmem>>) semaphore(%arg12 : memref<!tpu.dma_semaphore, #tpu.memory_space<semaphore_mem>>)
      } else {
      }
      %dma_wait3A_63 = arith.constant 0 : i32
      %dma_wait3A_64 = arith.constant 0 : i32
      %dma_wait3A_65 = tpu.memref_slice %arg7[%dma_wait3A_63, %dma_wait3A_64] : memref<40x128xi32, #tpu.memory_space<vmem>> -> memref<1x128xi32, #tpu.memory_space<vmem>>
      %dma_wait3A_66 = tpu.memref_squeeze %dma_wait3A_65 : memref<1x128xi32, #tpu.memory_space<vmem>> -> memref<128xi32, #tpu.memory_space<vmem>>
      %dma_wait3A_67 = arith.constant 0 : i32
      %dma_wait3A_68 = arith.constant 0 : i32
      %dma_wait3A_69 = tpu.memref_slice %arg2[%dma_wait3A_67, %dma_wait3A_68] : memref<10368x128xf32, #tpu.memory_space<hbm>> -> memref<10368x128xf32, #tpu.memory_space<hbm>>
      tpu.wait_indirect_dma semaphore(%arg13 : memref<!tpu.dma_semaphore, #tpu.memory_space<semaphore_mem>>) src(%dma_wait3A_69 : memref<10368x128xf32, #tpu.memory_space<hbm>>) dst(%arg10 : memref<128x128xf32, #tpu.memory_space<vmem>>)
      %add3A_70 = arith.constant 1 : i32
      %add3A_71 = arith.addi %mul3A_44, %add3A_70 : i32
      "tpu.region"() ({
        %run_scoped3A = tpu.sem_alloc : memref<!tpu.dma_semaphore, #tpu.memory_space<semaphore_mem>>
        %dma_start3A_72 = arith.constant 0 : i32
        %dma_start3A_73 = tpu.memref_slice %arg8[%add3A_71, %dma_start3A_72] : memref<40x128xi32, #tpu.memory_space<vmem>> -> memref<1x128xi32, #tpu.memory_space<vmem>>
        %dma_start3A_74 = tpu.memref_squeeze %dma_start3A_73 : memref<1x128xi32, #tpu.memory_space<vmem>> -> memref<128xi32, #tpu.memory_space<vmem>>
        %dma_start3A_75 = arith.constant 0 : i32
        %dma_start3A_76 = arith.constant 0 : i32
        %dma_start3A_77 = tpu.memref_slice %arg11[%dma_start3A_75, %dma_start3A_76] : memref<10240x128xf32, #tpu.memory_space<vmem_shared>> -> memref<10240x128xf32, #tpu.memory_space<vmem_shared>>
        tpu.enqueue_indirect_dma source(%arg10 : memref<128x128xf32, #tpu.memory_space<vmem>>) target(%dma_start3A_77 : memref<10240x128xf32, #tpu.memory_space<vmem_shared>>) offsets(%dma_start3A_74 : memref<128xi32, #tpu.memory_space<vmem>>) semaphore(%run_scoped3A : memref<!tpu.dma_semaphore, #tpu.memory_space<semaphore_mem>>) {add = true}
        %dma_wait3A_78 = arith.constant 0 : i32
        %dma_wait3A_79 = tpu.memref_slice %arg8[%add3A_71, %dma_wait3A_78] : memref<40x128xi32, #tpu.memory_space<vmem>> -> memref<1x128xi32, #tpu.memory_space<vmem>>
        %dma_wait3A_80 = tpu.memref_squeeze %dma_wait3A_79 : memref<1x128xi32, #tpu.memory_space<vmem>> -> memref<128xi32, #tpu.memory_space<vmem>>
        %dma_wait3A_81 = arith.constant 0 : i32
        %dma_wait3A_82 = arith.constant 0 : i32
        %dma_wait3A_83 = tpu.memref_slice %arg11[%dma_wait3A_81, %dma_wait3A_82] : memref<10240x128xf32, #tpu.memory_space<vmem_shared>> -> memref<10240x128xf32, #tpu.memory_space<vmem_shared>>
        tpu.wait_indirect_dma semaphore(%run_scoped3A : memref<!tpu.dma_semaphore, #tpu.memory_space<semaphore_mem>>) src(%arg10 : memref<128x128xf32, #tpu.memory_space<vmem>>) dst(%dma_wait3A_83 : memref<10240x128xf32, #tpu.memory_space<vmem_shared>>)
        tpu.yield
      }) : () -> ()
    }
    %scan3A_32 = arith.constant 20 : i32
    %barrier3A_33 = arith.constant 0 : index
    tpu.barrier barrier_id(%barrier3A_33)
    %mul3A_34 = arith.constant 640 : i32
    %mul3A_35 = arith.muli %arg1, %mul3A_34 : i32
    %mul3A_36 = arith.constant 640 : i32
    %mul3A_37 = arith.muli %arg1, %mul3A_36 : i32
    "tpu.region"() ({
      %run_scoped3A = tpu.sem_alloc : memref<!tpu.dma_semaphore, #tpu.memory_space<semaphore_mem>>
      %dma_start3A_38 = arith.constant 0 : i32
      %dma_start3A_39 = tpu.memref_slice %arg6[%arg0, %mul3A_37, %dma_start3A_38] : memref<2x10240x128xf32, #tpu.memory_space<hbm>> -> memref<1x640x128xf32, #tpu.memory_space<hbm>>
      %dma_start3A_40 = tpu.memref_squeeze %dma_start3A_39 : memref<1x640x128xf32, #tpu.memory_space<hbm>> -> memref<640x128xf32, #tpu.memory_space<hbm>>
      %dma_start3A_41 = arith.constant 0 : i32
      %dma_start3A_42 = tpu.memref_slice %arg11[%mul3A_35, %dma_start3A_41] : memref<10240x128xf32, #tpu.memory_space<vmem_shared>> -> memref<640x128xf32, #tpu.memory_space<vmem_shared>>
      tpu.enqueue_dma source(%dma_start3A_42 : memref<640x128xf32, #tpu.memory_space<vmem_shared>>) target(%dma_start3A_40 : memref<640x128xf32, #tpu.memory_space<hbm>>) target_semaphore(%run_scoped3A : memref<!tpu.dma_semaphore, #tpu.memory_space<semaphore_mem>>)
      %dma_wait3A = arith.constant 0 : i32
      %dma_wait3A_43 = tpu.memref_slice %arg6[%arg0, %mul3A_37, %dma_wait3A] : memref<2x10240x128xf32, #tpu.memory_space<hbm>> -> memref<1x640x128xf32, #tpu.memory_space<hbm>>
      %dma_wait3A_44 = tpu.memref_squeeze %dma_wait3A_43 : memref<1x640x128xf32, #tpu.memory_space<hbm>> -> memref<640x128xf32, #tpu.memory_space<hbm>>
      %dma_wait3A_45 = arith.constant 0 : i32
      %dma_wait3A_46 = tpu.memref_slice %arg11[%mul3A_35, %dma_wait3A_45] : memref<10240x128xf32, #tpu.memory_space<vmem_shared>> -> memref<640x128xf32, #tpu.memory_space<vmem_shared>>
      tpu.wait_dma2 semaphore(%run_scoped3A : memref<!tpu.dma_semaphore, #tpu.memory_space<semaphore_mem>>) src(%dma_wait3A_46 : memref<640x128xf32, #tpu.memory_space<vmem_shared>>) dst(%dma_wait3A_44 : memref<640x128xf32, #tpu.memory_space<hbm>>)
      tpu.yield
    }) : () -> ()
    return
  }
}

#map = affine_map<(d0, d1) -> (0, 0)>
#map1 = affine_map<(d0, d1) -> (0, 0, 0)>
module attributes {stable_mosaic.version = 14 : i64} {
  func.func @k(%arg0: i32, %arg1: i32, %arg2: memref<10368x128xf32, #tpu.memory_space<hbm>>, %arg3: memref<2560x128xi32, #tpu.memory_space<hbm>>, %arg4: memref<2560x128xi32, #tpu.memory_space<hbm>>, %arg5: memref<10240x128xf32, #tpu.memory_space<hbm>>, %arg6: memref<2x10240x128xf32, #tpu.memory_space<hbm>>, %arg7: memref<40x128xi32, #tpu.memory_space<vmem>>, %arg8: memref<40x128xi32, #tpu.memory_space<vmem>>, %arg9: memref<128x128xf32, #tpu.memory_space<vmem>>, %arg10: memref<128x128xf32, #tpu.memory_space<vmem>>, %arg11: memref<10240x128xf32, #tpu.memory_space<vmem_shared>>, %arg12: memref<!tpu.dma_semaphore, #tpu.memory_space<semaphore_mem>>, %arg13: memref<!tpu.dma_semaphore, #tpu.memory_space<semaphore_mem>>) attributes {dimension_semantics = [#tpu.dimension_semantics<core_parallel>, #tpu.dimension_semantics<subcore_parallel>], iteration_bounds = array<i64: 2, 16>, scalar_prefetch = 0 : i64, scratch_operands = 7 : i64, tpu.core_type = #tpu.core_type<sc_vector_subcore>, window_params = [{transform_indices = #map}, {transform_indices = #map}, {transform_indices = #map}, {transform_indices = #map}, {transform_indices = #map1}]} {
    %mul3A = arith.constant 2 : i32
    %mul3A_0 = arith.muli %arg1, %mul3A : i32
    %add3A = arith.addi %mul3A_0, %arg0 : i32
    %mul3A_1 = arith.constant 640 : i32
    %mul3A_2 = arith.muli %arg1, %mul3A_1 : i32
    %mul3A_3 = arith.constant 640 : i32
    %mul3A_4 = arith.muli %arg1, %mul3A_3 : i32
    "tpu.region"() ({
      %run_scoped3A = tpu.sem_alloc : memref<!tpu.dma_semaphore, #tpu.memory_space<semaphore_mem>>
      %dma_start3A_38 = arith.constant 0 : i32
      %dma_start3A_39 = tpu.memref_slice %arg11[%mul3A_4, %dma_start3A_38] : memref<10240x128xf32, #tpu.memory_space<vmem_shared>> -> memref<640x128xf32, #tpu.memory_space<vmem_shared>>
      %dma_start3A_40 = arith.constant 0 : i32
      %dma_start3A_41 = tpu.memref_slice %arg5[%mul3A_2, %dma_start3A_40] : memref<10240x128xf32, #tpu.memory_space<hbm>> -> memref<640x128xf32, #tpu.memory_space<hbm>>
      tpu.enqueue_dma source(%dma_start3A_41 : memref<640x128xf32, #tpu.memory_space<hbm>>) target(%dma_start3A_39 : memref<640x128xf32, #tpu.memory_space<vmem_shared>>) target_semaphore(%run_scoped3A : memref<!tpu.dma_semaphore, #tpu.memory_space<semaphore_mem>>)
      %dma_wait3A = arith.constant 0 : i32
      %dma_wait3A_42 = tpu.memref_slice %arg11[%mul3A_4, %dma_wait3A] : memref<10240x128xf32, #tpu.memory_space<vmem_shared>> -> memref<640x128xf32, #tpu.memory_space<vmem_shared>>
      %dma_wait3A_43 = arith.constant 0 : i32
      %dma_wait3A_44 = tpu.memref_slice %arg5[%mul3A_2, %dma_wait3A_43] : memref<10240x128xf32, #tpu.memory_space<hbm>> -> memref<640x128xf32, #tpu.memory_space<hbm>>
      tpu.wait_dma2 semaphore(%run_scoped3A : memref<!tpu.dma_semaphore, #tpu.memory_space<semaphore_mem>>) src(%dma_wait3A_44 : memref<640x128xf32, #tpu.memory_space<hbm>>) dst(%dma_wait3A_42 : memref<640x128xf32, #tpu.memory_space<vmem_shared>>)
      tpu.yield
    }) : () -> ()
    %barrier3A = arith.constant 0 : index
    tpu.barrier barrier_id(%barrier3A)
    %mul3A_5 = arith.constant 80 : i32
    %mul3A_6 = arith.muli %add3A, %mul3A_5 : i32
    %add3A_7 = arith.constant 0 : i32
    %add3A_8 = arith.addi %mul3A_6, %add3A_7 : i32
    "tpu.region"() ({
      %run_scoped3A = tpu.sem_alloc : memref<!tpu.dma_semaphore, #tpu.memory_space<semaphore_mem>>
      %dma_start3A_38 = arith.constant 0 : i32
      %dma_start3A_39 = tpu.memref_slice %arg3[%add3A_8, %dma_start3A_38] : memref<2560x128xi32, #tpu.memory_space<hbm>> -> memref<40x128xi32, #tpu.memory_space<hbm>>
      %dma_start3A_40 = arith.constant 0 : i32
      %dma_start3A_41 = tpu.memref_slice %arg3[%add3A_8, %dma_start3A_40] : memref<2560x128xi32, #tpu.memory_space<hbm>> -> memref<40x128xi32, #tpu.memory_space<hbm>>
      tpu.enqueue_dma source(%dma_start3A_41 : memref<40x128xi32, #tpu.memory_space<hbm>>) target(%arg7 : memref<40x128xi32, #tpu.memory_space<vmem>>) target_semaphore(%run_scoped3A : memref<!tpu.dma_semaphore, #tpu.memory_space<semaphore_mem>>)
      %dma_wait3A = arith.constant 0 : i32
      %dma_wait3A_42 = tpu.memref_slice %arg3[%add3A_8, %dma_wait3A] : memref<2560x128xi32, #tpu.memory_space<hbm>> -> memref<40x128xi32, #tpu.memory_space<hbm>>
      %dma_wait3A_43 = arith.constant 0 : i32
      %dma_wait3A_44 = tpu.memref_slice %arg3[%add3A_8, %dma_wait3A_43] : memref<2560x128xi32, #tpu.memory_space<hbm>> -> memref<40x128xi32, #tpu.memory_space<hbm>>
      tpu.wait_dma2 semaphore(%run_scoped3A : memref<!tpu.dma_semaphore, #tpu.memory_space<semaphore_mem>>) src(%dma_wait3A_44 : memref<40x128xi32, #tpu.memory_space<hbm>>) dst(%arg7 : memref<40x128xi32, #tpu.memory_space<vmem>>)
      tpu.yield
    }) : () -> ()
    "tpu.region"() ({
      %run_scoped3A = tpu.sem_alloc : memref<!tpu.dma_semaphore, #tpu.memory_space<semaphore_mem>>
      %dma_start3A_38 = arith.constant 0 : i32
      %dma_start3A_39 = tpu.memref_slice %arg4[%add3A_8, %dma_start3A_38] : memref<2560x128xi32, #tpu.memory_space<hbm>> -> memref<40x128xi32, #tpu.memory_space<hbm>>
      %dma_start3A_40 = arith.constant 0 : i32
      %dma_start3A_41 = tpu.memref_slice %arg4[%add3A_8, %dma_start3A_40] : memref<2560x128xi32, #tpu.memory_space<hbm>> -> memref<40x128xi32, #tpu.memory_space<hbm>>
      tpu.enqueue_dma source(%dma_start3A_41 : memref<40x128xi32, #tpu.memory_space<hbm>>) target(%arg8 : memref<40x128xi32, #tpu.memory_space<vmem>>) target_semaphore(%run_scoped3A : memref<!tpu.dma_semaphore, #tpu.memory_space<semaphore_mem>>)
      %dma_wait3A = arith.constant 0 : i32
      %dma_wait3A_42 = tpu.memref_slice %arg4[%add3A_8, %dma_wait3A] : memref<2560x128xi32, #tpu.memory_space<hbm>> -> memref<40x128xi32, #tpu.memory_space<hbm>>
      %dma_wait3A_43 = arith.constant 0 : i32
      %dma_wait3A_44 = tpu.memref_slice %arg4[%add3A_8, %dma_wait3A_43] : memref<2560x128xi32, #tpu.memory_space<hbm>> -> memref<40x128xi32, #tpu.memory_space<hbm>>
      tpu.wait_dma2 semaphore(%run_scoped3A : memref<!tpu.dma_semaphore, #tpu.memory_space<semaphore_mem>>) src(%dma_wait3A_44 : memref<40x128xi32, #tpu.memory_space<hbm>>) dst(%arg8 : memref<40x128xi32, #tpu.memory_space<vmem>>)
      tpu.yield
    }) : () -> ()
    %dma_start3A = arith.constant 0 : i32
    %dma_start3A_9 = arith.constant 0 : i32
    %dma_start3A_10 = tpu.memref_slice %arg7[%dma_start3A, %dma_start3A_9] : memref<40x128xi32, #tpu.memory_space<vmem>> -> memref<1x128xi32, #tpu.memory_space<vmem>>
    %dma_start3A_11 = tpu.memref_squeeze %dma_start3A_10 : memref<1x128xi32, #tpu.memory_space<vmem>> -> memref<128xi32, #tpu.memory_space<vmem>>
    %dma_start3A_12 = arith.constant 0 : i32
    %dma_start3A_13 = arith.constant 0 : i32
    %dma_start3A_14 = tpu.memref_slice %arg2[%dma_start3A_12, %dma_start3A_13] : memref<10368x128xf32, #tpu.memory_space<hbm>> -> memref<10368x128xf32, #tpu.memory_space<hbm>>
    tpu.enqueue_indirect_dma source(%dma_start3A_14 : memref<10368x128xf32, #tpu.memory_space<hbm>>) target(%arg9 : memref<128x128xf32, #tpu.memory_space<vmem>>) offsets(%dma_start3A_11 : memref<128xi32, #tpu.memory_space<vmem>>) semaphore(%arg12 : memref<!tpu.dma_semaphore, #tpu.memory_space<semaphore_mem>>)
    %scan3A = arith.constant 0 : i32
    %scan3A_15 = arith.constant 20 : i32
    %scan3A_16 = arith.addi %scan3A, %scan3A_15 : i32
    %scan3A_17 = arith.constant 1 : i32
    scf.for %scan3A_38 = %scan3A to %scan3A_16 step %scan3A_17  : i32 {
      %mul3A_39 = arith.constant 1 : i32
      %mul3A_40 = arith.muli %scan3A_38, %mul3A_39 : i32
      %add3A_41 = arith.constant 0 : i32
      %add3A_42 = arith.addi %add3A_41, %mul3A_40 : i32
      %mul3A_43 = arith.constant 2 : i32
      %mul3A_44 = arith.muli %add3A_42, %mul3A_43 : i32
      %add3A_45 = arith.constant 1 : i32
      %add3A_46 = arith.addi %mul3A_44, %add3A_45 : i32
      %dma_start3A_47 = arith.constant 0 : i32
      %dma_start3A_48 = tpu.memref_slice %arg7[%add3A_46, %dma_start3A_47] : memref<40x128xi32, #tpu.memory_space<vmem>> -> memref<1x128xi32, #tpu.memory_space<vmem>>
      %dma_start3A_49 = tpu.memref_squeeze %dma_start3A_48 : memref<1x128xi32, #tpu.memory_space<vmem>> -> memref<128xi32, #tpu.memory_space<vmem>>
      %dma_start3A_50 = arith.constant 0 : i32
      %dma_start3A_51 = arith.constant 0 : i32
      %dma_start3A_52 = tpu.memref_slice %arg2[%dma_start3A_50, %dma_start3A_51] : memref<10368x128xf32, #tpu.memory_space<hbm>> -> memref<10368x128xf32, #tpu.memory_space<hbm>>
      tpu.enqueue_indirect_dma source(%dma_start3A_52 : memref<10368x128xf32, #tpu.memory_space<hbm>>) target(%arg10 : memref<128x128xf32, #tpu.memory_space<vmem>>) offsets(%dma_start3A_49 : memref<128xi32, #tpu.memory_space<vmem>>) semaphore(%arg13 : memref<!tpu.dma_semaphore, #tpu.memory_space<semaphore_mem>>)
      %dma_wait3A = arith.constant 0 : i32
      %dma_wait3A_53 = arith.constant 0 : i32
      %dma_wait3A_54 = tpu.memref_slice %arg7[%dma_wait3A, %dma_wait3A_53] : memref<40x128xi32, #tpu.memory_space<vmem>> -> memref<1x128xi32, #tpu.memory_space<vmem>>
      %dma_wait3A_55 = tpu.memref_squeeze %dma_wait3A_54 : memref<1x128xi32, #tpu.memory_space<vmem>> -> memref<128xi32, #tpu.memory_space<vmem>>
      %dma_wait3A_56 = arith.constant 0 : i32
      %dma_wait3A_57 = arith.constant 0 : i32
      %dma_wait3A_58 = tpu.memref_slice %arg2[%dma_wait3A_56, %dma_wait3A_57] : memref<10368x128xf32, #tpu.memory_space<hbm>> -> memref<10368x128xf32, #tpu.memory_space<hbm>>
      tpu.wait_indirect_dma semaphore(%arg12 : memref<!tpu.dma_semaphore, #tpu.memory_space<semaphore_mem>>) src(%dma_wait3A_58 : memref<10368x128xf32, #tpu.memory_space<hbm>>) dst(%arg9 : memref<128x128xf32, #tpu.memory_space<vmem>>)
      "tpu.region"() ({
        %run_scoped3A = tpu.sem_alloc : memref<!tpu.dma_semaphore, #tpu.memory_space<semaphore_mem>>
        %dma_start3A_72 = arith.constant 0 : i32
        %dma_start3A_73 = tpu.memref_slice %arg8[%mul3A_44, %dma_start3A_72] : memref<40x128xi32, #tpu.memory_space<vmem>> -> memref<1x128xi32, #tpu.memory_space<vmem>>
        %dma_start3A_74 = tpu.memref_squeeze %dma_start3A_73 : memref<1x128xi32, #tpu.memory_space<vmem>> -> memref<128xi32, #tpu.memory_space<vmem>>
        %dma_start3A_75 = arith.constant 0 : i32
        %dma_start3A_76 = arith.constant 0 : i32
        %dma_start3A_77 = tpu.memref_slice %arg11[%dma_start3A_75, %dma_start3A_76] : memref<10240x128xf32, #tpu.memory_space<vmem_shared>> -> memref<10240x128xf32, #tpu.memory_space<vmem_shared>>
        tpu.enqueue_indirect_dma source(%arg9 : memref<128x128xf32, #tpu.memory_space<vmem>>) target(%dma_start3A_77 : memref<10240x128xf32, #tpu.memory_space<vmem_shared>>) offsets(%dma_start3A_74 : memref<128xi32, #tpu.memory_space<vmem>>) semaphore(%run_scoped3A : memref<!tpu.dma_semaphore, #tpu.memory_space<semaphore_mem>>) {add = true}
        %dma_wait3A_78 = arith.constant 0 : i32
        %dma_wait3A_79 = tpu.memref_slice %arg8[%mul3A_44, %dma_wait3A_78] : memref<40x128xi32, #tpu.memory_space<vmem>> -> memref<1x128xi32, #tpu.memory_space<vmem>>
        %dma_wait3A_80 = tpu.memref_squeeze %dma_wait3A_79 : memref<1x128xi32, #tpu.memory_space<vmem>> -> memref<128xi32, #tpu.memory_space<vmem>>
        %dma_wait3A_81 = arith.constant 0 : i32
        %dma_wait3A_82 = arith.constant 0 : i32
        %dma_wait3A_83 = tpu.memref_slice %arg11[%dma_wait3A_81, %dma_wait3A_82] : memref<10240x128xf32, #tpu.memory_space<vmem_shared>> -> memref<10240x128xf32, #tpu.memory_space<vmem_shared>>
        tpu.wait_indirect_dma semaphore(%run_scoped3A : memref<!tpu.dma_semaphore, #tpu.memory_space<semaphore_mem>>) src(%arg9 : memref<128x128xf32, #tpu.memory_space<vmem>>) dst(%dma_wait3A_83 : memref<10240x128xf32, #tpu.memory_space<vmem_shared>>)
        tpu.yield
      }) : () -> ()
      %add3A_59 = arith.constant 2 : i32
      %add3A_60 = arith.addi %mul3A_44, %add3A_59 : i32
      %lt3A = arith.constant 40 : i32
      %lt3A_61 = arith.cmpi slt, %add3A_60, %lt3A : i32
      %convert_element_type3A = arith.extui %lt3A_61 : i1 to i32
      %cond3A = arith.constant 0 : i32
      %cond3A_62 = arith.cmpi ne, %convert_element_type3A, %cond3A : i32
      scf.if %cond3A_62 {
        %add3A_72 = arith.constant 2 : i32
        %add3A_73 = arith.addi %mul3A_44, %add3A_72 : i32
        %dma_start3A_74 = arith.constant 0 : i32
        %dma_start3A_75 = tpu.memref_slice %arg7[%add3A_73, %dma_start3A_74] : memref<40x128xi32, #tpu.memory_space<vmem>> -> memref<1x128xi32, #tpu.memory_space<vmem>>
        %dma_start3A_76 = tpu.memref_squeeze %dma_start3A_75 : memref<1x128xi32, #tpu.memory_space<vmem>> -> memref<128xi32, #tpu.memory_space<vmem>>
        %dma_start3A_77 = arith.constant 0 : i32
        %dma_start3A_78 = arith.constant 0 : i32
        %dma_start3A_79 = tpu.memref_slice %arg2[%dma_start3A_77, %dma_start3A_78] : memref<10368x128xf32, #tpu.memory_space<hbm>> -> memref<10368x128xf32, #tpu.memory_space<hbm>>
        tpu.enqueue_indirect_dma source(%dma_start3A_79 : memref<10368x128xf32, #tpu.memory_space<hbm>>) target(%arg9 : memref<128x128xf32, #tpu.memory_space<vmem>>) offsets(%dma_start3A_76 : memref<128xi32, #tpu.memory_space<vmem>>) semaphore(%arg12 : memref<!tpu.dma_semaphore, #tpu.memory_space<semaphore_mem>>)
      } else {
      }
      %dma_wait3A_63 = arith.constant 0 : i32
      %dma_wait3A_64 = arith.constant 0 : i32
      %dma_wait3A_65 = tpu.memref_slice %arg7[%dma_wait3A_63, %dma_wait3A_64] : memref<40x128xi32, #tpu.memory_space<vmem>> -> memref<1x128xi32, #tpu.memory_space<vmem>>
      %dma_wait3A_66 = tpu.memref_squeeze %dma_wait3A_65 : memref<1x128xi32, #tpu.memory_space<vmem>> -> memref<128xi32, #tpu.memory_space<vmem>>
      %dma_wait3A_67 = arith.constant 0 : i32
      %dma_wait3A_68 = arith.constant 0 : i32
      %dma_wait3A_69 = tpu.memref_slice %arg2[%dma_wait3A_67, %dma_wait3A_68] : memref<10368x128xf32, #tpu.memory_space<hbm>> -> memref<10368x128xf32, #tpu.memory_space<hbm>>
      tpu.wait_indirect_dma semaphore(%arg13 : memref<!tpu.dma_semaphore, #tpu.memory_space<semaphore_mem>>) src(%dma_wait3A_69 : memref<10368x128xf32, #tpu.memory_space<hbm>>) dst(%arg10 : memref<128x128xf32, #tpu.memory_space<vmem>>)
      %add3A_70 = arith.constant 1 : i32
      %add3A_71 = arith.addi %mul3A_44, %add3A_70 : i32
      "tpu.region"() ({
        %run_scoped3A = tpu.sem_alloc : memref<!tpu.dma_semaphore, #tpu.memory_space<semaphore_mem>>
        %dma_start3A_72 = arith.constant 0 : i32
        %dma_start3A_73 = tpu.memref_slice %arg8[%add3A_71, %dma_start3A_72] : memref<40x128xi32, #tpu.memory_space<vmem>> -> memref<1x128xi32, #tpu.memory_space<vmem>>
        %dma_start3A_74 = tpu.memref_squeeze %dma_start3A_73 : memref<1x128xi32, #tpu.memory_space<vmem>> -> memref<128xi32, #tpu.memory_space<vmem>>
        %dma_start3A_75 = arith.constant 0 : i32
        %dma_start3A_76 = arith.constant 0 : i32
        %dma_start3A_77 = tpu.memref_slice %arg11[%dma_start3A_75, %dma_start3A_76] : memref<10240x128xf32, #tpu.memory_space<vmem_shared>> -> memref<10240x128xf32, #tpu.memory_space<vmem_shared>>
        tpu.enqueue_indirect_dma source(%arg10 : memref<128x128xf32, #tpu.memory_space<vmem>>) target(%dma_start3A_77 : memref<10240x128xf32, #tpu.memory_space<vmem_shared>>) offsets(%dma_start3A_74 : memref<128xi32, #tpu.memory_space<vmem>>) semaphore(%run_scoped3A : memref<!tpu.dma_semaphore, #tpu.memory_space<semaphore_mem>>) {add = true}
        %dma_wait3A_78 = arith.constant 0 : i32
        %dma_wait3A_79 = tpu.memref_slice %arg8[%add3A_71, %dma_wait3A_78] : memref<40x128xi32, #tpu.memory_space<vmem>> -> memref<1x128xi32, #tpu.memory_space<vmem>>
        %dma_wait3A_80 = tpu.memref_squeeze %dma_wait3A_79 : memref<1x128xi32, #tpu.memory_space<vmem>> -> memref<128xi32, #tpu.memory_space<vmem>>
        %dma_wait3A_81 = arith.constant 0 : i32
        %dma_wait3A_82 = arith.constant 0 : i32
        %dma_wait3A_83 = tpu.memref_slice %arg11[%dma_wait3A_81, %dma_wait3A_82] : memref<10240x128xf32, #tpu.memory_space<vmem_shared>> -> memref<10240x128xf32, #tpu.memory_space<vmem_shared>>
        tpu.wait_indirect_dma semaphore(%run_scoped3A : memref<!tpu.dma_semaphore, #tpu.memory_space<semaphore_mem>>) src(%arg10 : memref<128x128xf32, #tpu.memory_space<vmem>>) dst(%dma_wait3A_83 : memref<10240x128xf32, #tpu.memory_space<vmem_shared>>)
        tpu.yield
      }) : () -> ()
    }
    %scan3A_18 = arith.constant 20 : i32
    %add3A_19 = arith.constant 40 : i32
    %add3A_20 = arith.addi %mul3A_6, %add3A_19 : i32
    "tpu.region"() ({
      %run_scoped3A = tpu.sem_alloc : memref<!tpu.dma_semaphore, #tpu.memory_space<semaphore_mem>>
      %dma_start3A_38 = arith.constant 0 : i32
      %dma_start3A_39 = tpu.memref_slice %arg3[%add3A_20, %dma_start3A_38] : memref<2560x128xi32, #tpu.memory_space<hbm>> -> memref<40x128xi32, #tpu.memory_space<hbm>>
      %dma_start3A_40 = arith.constant 0 : i32
      %dma_start3A_41 = tpu.memref_slice %arg3[%add3A_20, %dma_start3A_40] : memref<2560x128xi32, #tpu.memory_space<hbm>> -> memref<40x128xi32, #tpu.memory_space<hbm>>
      tpu.enqueue_dma source(%dma_start3A_41 : memref<40x128xi32, #tpu.memory_space<hbm>>) target(%arg7 : memref<40x128xi32, #tpu.memory_space<vmem>>) target_semaphore(%run_scoped3A : memref<!tpu.dma_semaphore, #tpu.memory_space<semaphore_mem>>)
      %dma_wait3A = arith.constant 0 : i32
      %dma_wait3A_42 = tpu.memref_slice %arg3[%add3A_20, %dma_wait3A] : memref<2560x128xi32, #tpu.memory_space<hbm>> -> memref<40x128xi32, #tpu.memory_space<hbm>>
      %dma_wait3A_43 = arith.constant 0 : i32
      %dma_wait3A_44 = tpu.memref_slice %arg3[%add3A_20, %dma_wait3A_43] : memref<2560x128xi32, #tpu.memory_space<hbm>> -> memref<40x128xi32, #tpu.memory_space<hbm>>
      tpu.wait_dma2 semaphore(%run_scoped3A : memref<!tpu.dma_semaphore, #tpu.memory_space<semaphore_mem>>) src(%dma_wait3A_44 : memref<40x128xi32, #tpu.memory_space<hbm>>) dst(%arg7 : memref<40x128xi32, #tpu.memory_space<vmem>>)
      tpu.yield
    }) : () -> ()
    "tpu.region"() ({
      %run_scoped3A = tpu.sem_alloc : memref<!tpu.dma_semaphore, #tpu.memory_space<semaphore_mem>>
      %dma_start3A_38 = arith.constant 0 : i32
      %dma_start3A_39 = tpu.memref_slice %arg4[%add3A_20, %dma_start3A_38] : memref<2560x128xi32, #tpu.memory_space<hbm>> -> memref<40x128xi32, #tpu.memory_space<hbm>>
      %dma_start3A_40 = arith.constant 0 : i32
      %dma_start3A_41 = tpu.memref_slice %arg4[%add3A_20, %dma_start3A_40] : memref<2560x128xi32, #tpu.memory_space<hbm>> -> memref<40x128xi32, #tpu.memory_space<hbm>>
      tpu.enqueue_dma source(%dma_start3A_41 : memref<40x128xi32, #tpu.memory_space<hbm>>) target(%arg8 : memref<40x128xi32, #tpu.memory_space<vmem>>) target_semaphore(%run_scoped3A : memref<!tpu.dma_semaphore, #tpu.memory_space<semaphore_mem>>)
      %dma_wait3A = arith.constant 0 : i32
      %dma_wait3A_42 = tpu.memref_slice %arg4[%add3A_20, %dma_wait3A] : memref<2560x128xi32, #tpu.memory_space<hbm>> -> memref<40x128xi32, #tpu.memory_space<hbm>>
      %dma_wait3A_43 = arith.constant 0 : i32
      %dma_wait3A_44 = tpu.memref_slice %arg4[%add3A_20, %dma_wait3A_43] : memref<2560x128xi32, #tpu.memory_space<hbm>> -> memref<40x128xi32, #tpu.memory_space<hbm>>
      tpu.wait_dma2 semaphore(%run_scoped3A : memref<!tpu.dma_semaphore, #tpu.memory_space<semaphore_mem>>) src(%dma_wait3A_44 : memref<40x128xi32, #tpu.memory_space<hbm>>) dst(%arg8 : memref<40x128xi32, #tpu.memory_space<vmem>>)
      tpu.yield
    }) : () -> ()
    %dma_start3A_21 = arith.constant 0 : i32
    %dma_start3A_22 = arith.constant 0 : i32
    %dma_start3A_23 = tpu.memref_slice %arg7[%dma_start3A_21, %dma_start3A_22] : memref<40x128xi32, #tpu.memory_space<vmem>> -> memref<1x128xi32, #tpu.memory_space<vmem>>
    %dma_start3A_24 = tpu.memref_squeeze %dma_start3A_23 : memref<1x128xi32, #tpu.memory_space<vmem>> -> memref<128xi32, #tpu.memory_space<vmem>>
    %dma_start3A_25 = arith.constant 0 : i32
    %dma_start3A_26 = arith.constant 0 : i32
    %dma_start3A_27 = tpu.memref_slice %arg2[%dma_start3A_25, %dma_start3A_26] : memref<10368x128xf32, #tpu.memory_space<hbm>> -> memref<10368x128xf32, #tpu.memory_space<hbm>>
    tpu.enqueue_indirect_dma source(%dma_start3A_27 : memref<10368x128xf32, #tpu.memory_space<hbm>>) target(%arg9 : memref<128x128xf32, #tpu.memory_space<vmem>>) offsets(%dma_start3A_24 : memref<128xi32, #tpu.memory_space<vmem>>) semaphore(%arg12 : memref<!tpu.dma_semaphore, #tpu.memory_space<semaphore_mem>>)
    %scan3A_28 = arith.constant 0 : i32
    %scan3A_29 = arith.constant 20 : i32
    %scan3A_30 = arith.addi %scan3A_28, %scan3A_29 : i32
    %scan3A_31 = arith.constant 1 : i32
    scf.for %scan3A_38 = %scan3A_28 to %scan3A_30 step %scan3A_31  : i32 {
      %mul3A_39 = arith.constant 1 : i32
      %mul3A_40 = arith.muli %scan3A_38, %mul3A_39 : i32
      %add3A_41 = arith.constant 0 : i32
      %add3A_42 = arith.addi %add3A_41, %mul3A_40 : i32
      %mul3A_43 = arith.constant 2 : i32
      %mul3A_44 = arith.muli %add3A_42, %mul3A_43 : i32
      %add3A_45 = arith.constant 1 : i32
      %add3A_46 = arith.addi %mul3A_44, %add3A_45 : i32
      %dma_start3A_47 = arith.constant 0 : i32
      %dma_start3A_48 = tpu.memref_slice %arg7[%add3A_46, %dma_start3A_47] : memref<40x128xi32, #tpu.memory_space<vmem>> -> memref<1x128xi32, #tpu.memory_space<vmem>>
      %dma_start3A_49 = tpu.memref_squeeze %dma_start3A_48 : memref<1x128xi32, #tpu.memory_space<vmem>> -> memref<128xi32, #tpu.memory_space<vmem>>
      %dma_start3A_50 = arith.constant 0 : i32
      %dma_start3A_51 = arith.constant 0 : i32
      %dma_start3A_52 = tpu.memref_slice %arg2[%dma_start3A_50, %dma_start3A_51] : memref<10368x128xf32, #tpu.memory_space<hbm>> -> memref<10368x128xf32, #tpu.memory_space<hbm>>
      tpu.enqueue_indirect_dma source(%dma_start3A_52 : memref<10368x128xf32, #tpu.memory_space<hbm>>) target(%arg10 : memref<128x128xf32, #tpu.memory_space<vmem>>) offsets(%dma_start3A_49 : memref<128xi32, #tpu.memory_space<vmem>>) semaphore(%arg13 : memref<!tpu.dma_semaphore, #tpu.memory_space<semaphore_mem>>)
      %dma_wait3A = arith.constant 0 : i32
      %dma_wait3A_53 = arith.constant 0 : i32
      %dma_wait3A_54 = tpu.memref_slice %arg7[%dma_wait3A, %dma_wait3A_53] : memref<40x128xi32, #tpu.memory_space<vmem>> -> memref<1x128xi32, #tpu.memory_space<vmem>>
      %dma_wait3A_55 = tpu.memref_squeeze %dma_wait3A_54 : memref<1x128xi32, #tpu.memory_space<vmem>> -> memref<128xi32, #tpu.memory_space<vmem>>
      %dma_wait3A_56 = arith.constant 0 : i32
      %dma_wait3A_57 = arith.constant 0 : i32
      %dma_wait3A_58 = tpu.memref_slice %arg2[%dma_wait3A_56, %dma_wait3A_57] : memref<10368x128xf32, #tpu.memory_space<hbm>> -> memref<10368x128xf32, #tpu.memory_space<hbm>>
      tpu.wait_indirect_dma semaphore(%arg12 : memref<!tpu.dma_semaphore, #tpu.memory_space<semaphore_mem>>) src(%dma_wait3A_58 : memref<10368x128xf32, #tpu.memory_space<hbm>>) dst(%arg9 : memref<128x128xf32, #tpu.memory_space<vmem>>)
      "tpu.region"() ({
        %run_scoped3A = tpu.sem_alloc : memref<!tpu.dma_semaphore, #tpu.memory_space<semaphore_mem>>
        %dma_start3A_72 = arith.constant 0 : i32
        %dma_start3A_73 = tpu.memref_slice %arg8[%mul3A_44, %dma_start3A_72] : memref<40x128xi32, #tpu.memory_space<vmem>> -> memref<1x128xi32, #tpu.memory_space<vmem>>
        %dma_start3A_74 = tpu.memref_squeeze %dma_start3A_73 : memref<1x128xi32, #tpu.memory_space<vmem>> -> memref<128xi32, #tpu.memory_space<vmem>>
        %dma_start3A_75 = arith.constant 0 : i32
        %dma_start3A_76 = arith.constant 0 : i32
        %dma_start3A_77 = tpu.memref_slice %arg11[%dma_start3A_75, %dma_start3A_76] : memref<10240x128xf32, #tpu.memory_space<vmem_shared>> -> memref<10240x128xf32, #tpu.memory_space<vmem_shared>>
        tpu.enqueue_indirect_dma source(%arg9 : memref<128x128xf32, #tpu.memory_space<vmem>>) target(%dma_start3A_77 : memref<10240x128xf32, #tpu.memory_space<vmem_shared>>) offsets(%dma_start3A_74 : memref<128xi32, #tpu.memory_space<vmem>>) semaphore(%run_scoped3A : memref<!tpu.dma_semaphore, #tpu.memory_space<semaphore_mem>>) {add = true}
        %dma_wait3A_78 = arith.constant 0 : i32
        %dma_wait3A_79 = tpu.memref_slice %arg8[%mul3A_44, %dma_wait3A_78] : memref<40x128xi32, #tpu.memory_space<vmem>> -> memref<1x128xi32, #tpu.memory_space<vmem>>
        %dma_wait3A_80 = tpu.memref_squeeze %dma_wait3A_79 : memref<1x128xi32, #tpu.memory_space<vmem>> -> memref<128xi32, #tpu.memory_space<vmem>>
        %dma_wait3A_81 = arith.constant 0 : i32
        %dma_wait3A_82 = arith.constant 0 : i32
        %dma_wait3A_83 = tpu.memref_slice %arg11[%dma_wait3A_81, %dma_wait3A_82] : memref<10240x128xf32, #tpu.memory_space<vmem_shared>> -> memref<10240x128xf32, #tpu.memory_space<vmem_shared>>
        tpu.wait_indirect_dma semaphore(%run_scoped3A : memref<!tpu.dma_semaphore, #tpu.memory_space<semaphore_mem>>) src(%arg9 : memref<128x128xf32, #tpu.memory_space<vmem>>) dst(%dma_wait3A_83 : memref<10240x128xf32, #tpu.memory_space<vmem_shared>>)
        tpu.yield
      }) : () -> ()
      %add3A_59 = arith.constant 2 : i32
      %add3A_60 = arith.addi %mul3A_44, %add3A_59 : i32
      %lt3A = arith.constant 40 : i32
      %lt3A_61 = arith.cmpi slt, %add3A_60, %lt3A : i32
      %convert_element_type3A = arith.extui %lt3A_61 : i1 to i32
      %cond3A = arith.constant 0 : i32
      %cond3A_62 = arith.cmpi ne, %convert_element_type3A, %cond3A : i32
      scf.if %cond3A_62 {
        %add3A_72 = arith.constant 2 : i32
        %add3A_73 = arith.addi %mul3A_44, %add3A_72 : i32
        %dma_start3A_74 = arith.constant 0 : i32
        %dma_start3A_75 = tpu.memref_slice %arg7[%add3A_73, %dma_start3A_74] : memref<40x128xi32, #tpu.memory_space<vmem>> -> memref<1x128xi32, #tpu.memory_space<vmem>>
        %dma_start3A_76 = tpu.memref_squeeze %dma_start3A_75 : memref<1x128xi32, #tpu.memory_space<vmem>> -> memref<128xi32, #tpu.memory_space<vmem>>
        %dma_start3A_77 = arith.constant 0 : i32
        %dma_start3A_78 = arith.constant 0 : i32
        %dma_start3A_79 = tpu.memref_slice %arg2[%dma_start3A_77, %dma_start3A_78] : memref<10368x128xf32, #tpu.memory_space<hbm>> -> memref<10368x128xf32, #tpu.memory_space<hbm>>
        tpu.enqueue_indirect_dma source(%dma_start3A_79 : memref<10368x128xf32, #tpu.memory_space<hbm>>) target(%arg9 : memref<128x128xf32, #tpu.memory_space<vmem>>) offsets(%dma_start3A_76 : memref<128xi32, #tpu.memory_space<vmem>>) semaphore(%arg12 : memref<!tpu.dma_semaphore, #tpu.memory_space<semaphore_mem>>)
      } else {
      }
      %dma_wait3A_63 = arith.constant 0 : i32
      %dma_wait3A_64 = arith.constant 0 : i32
      %dma_wait3A_65 = tpu.memref_slice %arg7[%dma_wait3A_63, %dma_wait3A_64] : memref<40x128xi32, #tpu.memory_space<vmem>> -> memref<1x128xi32, #tpu.memory_space<vmem>>
      %dma_wait3A_66 = tpu.memref_squeeze %dma_wait3A_65 : memref<1x128xi32, #tpu.memory_space<vmem>> -> memref<128xi32, #tpu.memory_space<vmem>>
      %dma_wait3A_67 = arith.constant 0 : i32
      %dma_wait3A_68 = arith.constant 0 : i32
      %dma_wait3A_69 = tpu.memref_slice %arg2[%dma_wait3A_67, %dma_wait3A_68] : memref<10368x128xf32, #tpu.memory_space<hbm>> -> memref<10368x128xf32, #tpu.memory_space<hbm>>
      tpu.wait_indirect_dma semaphore(%arg13 : memref<!tpu.dma_semaphore, #tpu.memory_space<semaphore_mem>>) src(%dma_wait3A_69 : memref<10368x128xf32, #tpu.memory_space<hbm>>) dst(%arg10 : memref<128x128xf32, #tpu.memory_space<vmem>>)
      %add3A_70 = arith.constant 1 : i32
      %add3A_71 = arith.addi %mul3A_44, %add3A_70 : i32
      "tpu.region"() ({
        %run_scoped3A = tpu.sem_alloc : memref<!tpu.dma_semaphore, #tpu.memory_space<semaphore_mem>>
        %dma_start3A_72 = arith.constant 0 : i32
        %dma_start3A_73 = tpu.memref_slice %arg8[%add3A_71, %dma_start3A_72] : memref<40x128xi32, #tpu.memory_space<vmem>> -> memref<1x128xi32, #tpu.memory_space<vmem>>
        %dma_start3A_74 = tpu.memref_squeeze %dma_start3A_73 : memref<1x128xi32, #tpu.memory_space<vmem>> -> memref<128xi32, #tpu.memory_space<vmem>>
        %dma_start3A_75 = arith.constant 0 : i32
        %dma_start3A_76 = arith.constant 0 : i32
        %dma_start3A_77 = tpu.memref_slice %arg11[%dma_start3A_75, %dma_start3A_76] : memref<10240x128xf32, #tpu.memory_space<vmem_shared>> -> memref<10240x128xf32, #tpu.memory_space<vmem_shared>>
        tpu.enqueue_indirect_dma source(%arg10 : memref<128x128xf32, #tpu.memory_space<vmem>>) target(%dma_start3A_77 : memref<10240x128xf32, #tpu.memory_space<vmem_shared>>) offsets(%dma_start3A_74 : memref<128xi32, #tpu.memory_space<vmem>>) semaphore(%run_scoped3A : memref<!tpu.dma_semaphore, #tpu.memory_space<semaphore_mem>>) {add = true}
        %dma_wait3A_78 = arith.constant 0 : i32
        %dma_wait3A_79 = tpu.memref_slice %arg8[%add3A_71, %dma_wait3A_78] : memref<40x128xi32, #tpu.memory_space<vmem>> -> memref<1x128xi32, #tpu.memory_space<vmem>>
        %dma_wait3A_80 = tpu.memref_squeeze %dma_wait3A_79 : memref<1x128xi32, #tpu.memory_space<vmem>> -> memref<128xi32, #tpu.memory_space<vmem>>
        %dma_wait3A_81 = arith.constant 0 : i32
        %dma_wait3A_82 = arith.constant 0 : i32
        %dma_wait3A_83 = tpu.memref_slice %arg11[%dma_wait3A_81, %dma_wait3A_82] : memref<10240x128xf32, #tpu.memory_space<vmem_shared>> -> memref<10240x128xf32, #tpu.memory_space<vmem_shared>>
        tpu.wait_indirect_dma semaphore(%run_scoped3A : memref<!tpu.dma_semaphore, #tpu.memory_space<semaphore_mem>>) src(%arg10 : memref<128x128xf32, #tpu.memory_space<vmem>>) dst(%dma_wait3A_83 : memref<10240x128xf32, #tpu.memory_space<vmem_shared>>)
        tpu.yield
      }) : () -> ()
    }
    %scan3A_32 = arith.constant 20 : i32
    %barrier3A_33 = arith.constant 0 : index
    tpu.barrier barrier_id(%barrier3A_33)
    %mul3A_34 = arith.constant 640 : i32
    %mul3A_35 = arith.muli %arg1, %mul3A_34 : i32
    %mul3A_36 = arith.constant 640 : i32
    %mul3A_37 = arith.muli %arg1, %mul3A_36 : i32
    "tpu.region"() ({
      %run_scoped3A = tpu.sem_alloc : memref<!tpu.dma_semaphore, #tpu.memory_space<semaphore_mem>>
      %dma_start3A_38 = arith.constant 0 : i32
      %dma_start3A_39 = tpu.memref_slice %arg6[%arg0, %mul3A_37, %dma_start3A_38] : memref<2x10240x128xf32, #tpu.memory_space<hbm>> -> memref<1x640x128xf32, #tpu.memory_space<hbm>>
      %dma_start3A_40 = tpu.memref_squeeze %dma_start3A_39 : memref<1x640x128xf32, #tpu.memory_space<hbm>> -> memref<640x128xf32, #tpu.memory_space<hbm>>
      %dma_start3A_41 = arith.constant 0 : i32
      %dma_start3A_42 = tpu.memref_slice %arg11[%mul3A_35, %dma_start3A_41] : memref<10240x128xf32, #tpu.memory_space<vmem_shared>> -> memref<640x128xf32, #tpu.memory_space<vmem_shared>>
      tpu.enqueue_dma source(%dma_start3A_42 : memref<640x128xf32, #tpu.memory_space<vmem_shared>>) target(%dma_start3A_40 : memref<640x128xf32, #tpu.memory_space<hbm>>) target_semaphore(%run_scoped3A : memref<!tpu.dma_semaphore, #tpu.memory_space<semaphore_mem>>)
      %dma_wait3A = arith.constant 0 : i32
      %dma_wait3A_43 = tpu.memref_slice %arg6[%arg0, %mul3A_37, %dma_wait3A] : memref<2x10240x128xf32, #tpu.memory_space<hbm>> -> memref<1x640x128xf32, #tpu.memory_space<hbm>>
      %dma_wait3A_44 = tpu.memref_squeeze %dma_wait3A_43 : memref<1x640x128xf32, #tpu.memory_space<hbm>> -> memref<640x128xf32, #tpu.memory_space<hbm>>
      %dma_wait3A_45 = arith.constant 0 : i32
      %dma_wait3A_46 = tpu.memref_slice %arg11[%mul3A_35, %dma_wait3A_45] : memref<10240x128xf32, #tpu.memory_space<vmem_shared>> -> memref<640x128xf32, #tpu.memory_space<vmem_shared>>
      tpu.wait_dma2 semaphore(%run_scoped3A : memref<!tpu.dma_semaphore, #tpu.memory_space<semaphore_mem>>) src(%dma_wait3A_46 : memref<640x128xf32, #tpu.memory_space<vmem_shared>>) dst(%dma_wait3A_44 : memref<640x128xf32, #tpu.memory_space<hbm>>)
      tpu.yield
    }) : () -> ()
    return
  }
}

#map = affine_map<(d0, d1) -> (0, 0)>
#map1 = affine_map<(d0, d1) -> (0, 0, 0)>
module attributes {stable_mosaic.version = 14 : i64} {
  func.func @k(%arg0: i32, %arg1: i32, %arg2: memref<10368x128xf32, #tpu.memory_space<hbm>>, %arg3: memref<2560x128xi32, #tpu.memory_space<hbm>>, %arg4: memref<2560x128xi32, #tpu.memory_space<hbm>>, %arg5: memref<10240x128xf32, #tpu.memory_space<hbm>>, %arg6: memref<2x10240x128xf32, #tpu.memory_space<hbm>>, %arg7: memref<40x128xi32, #tpu.memory_space<vmem>>, %arg8: memref<40x128xi32, #tpu.memory_space<vmem>>, %arg9: memref<128x128xf32, #tpu.memory_space<vmem>>, %arg10: memref<128x128xf32, #tpu.memory_space<vmem>>, %arg11: memref<10240x128xf32, #tpu.memory_space<vmem_shared>>, %arg12: memref<!tpu.dma_semaphore, #tpu.memory_space<semaphore_mem>>, %arg13: memref<!tpu.dma_semaphore, #tpu.memory_space<semaphore_mem>>) attributes {dimension_semantics = [#tpu.dimension_semantics<core_parallel>, #tpu.dimension_semantics<subcore_parallel>], iteration_bounds = array<i64: 2, 16>, scalar_prefetch = 0 : i64, scratch_operands = 7 : i64, tpu.core_type = #tpu.core_type<sc_vector_subcore>, window_params = [{transform_indices = #map}, {transform_indices = #map}, {transform_indices = #map}, {transform_indices = #map}, {transform_indices = #map1}]} {
    %mul3A = arith.constant 2 : i32
    %mul3A_0 = arith.muli %arg1, %mul3A : i32
    %add3A = arith.addi %mul3A_0, %arg0 : i32
    %mul3A_1 = arith.constant 640 : i32
    %mul3A_2 = arith.muli %arg1, %mul3A_1 : i32
    %mul3A_3 = arith.constant 640 : i32
    %mul3A_4 = arith.muli %arg1, %mul3A_3 : i32
    "tpu.region"() ({
      %run_scoped3A = tpu.sem_alloc : memref<!tpu.dma_semaphore, #tpu.memory_space<semaphore_mem>>
      %dma_start3A_38 = arith.constant 0 : i32
      %dma_start3A_39 = tpu.memref_slice %arg11[%mul3A_4, %dma_start3A_38] : memref<10240x128xf32, #tpu.memory_space<vmem_shared>> -> memref<640x128xf32, #tpu.memory_space<vmem_shared>>
      %dma_start3A_40 = arith.constant 0 : i32
      %dma_start3A_41 = tpu.memref_slice %arg5[%mul3A_2, %dma_start3A_40] : memref<10240x128xf32, #tpu.memory_space<hbm>> -> memref<640x128xf32, #tpu.memory_space<hbm>>
      tpu.enqueue_dma source(%dma_start3A_41 : memref<640x128xf32, #tpu.memory_space<hbm>>) target(%dma_start3A_39 : memref<640x128xf32, #tpu.memory_space<vmem_shared>>) target_semaphore(%run_scoped3A : memref<!tpu.dma_semaphore, #tpu.memory_space<semaphore_mem>>)
      %dma_wait3A = arith.constant 0 : i32
      %dma_wait3A_42 = tpu.memref_slice %arg11[%mul3A_4, %dma_wait3A] : memref<10240x128xf32, #tpu.memory_space<vmem_shared>> -> memref<640x128xf32, #tpu.memory_space<vmem_shared>>
      %dma_wait3A_43 = arith.constant 0 : i32
      %dma_wait3A_44 = tpu.memref_slice %arg5[%mul3A_2, %dma_wait3A_43] : memref<10240x128xf32, #tpu.memory_space<hbm>> -> memref<640x128xf32, #tpu.memory_space<hbm>>
      tpu.wait_dma2 semaphore(%run_scoped3A : memref<!tpu.dma_semaphore, #tpu.memory_space<semaphore_mem>>) src(%dma_wait3A_44 : memref<640x128xf32, #tpu.memory_space<hbm>>) dst(%dma_wait3A_42 : memref<640x128xf32, #tpu.memory_space<vmem_shared>>)
      tpu.yield
    }) : () -> ()
    %barrier3A = arith.constant 0 : index
    tpu.barrier barrier_id(%barrier3A)
    %mul3A_5 = arith.constant 80 : i32
    %mul3A_6 = arith.muli %add3A, %mul3A_5 : i32
    %add3A_7 = arith.constant 0 : i32
    %add3A_8 = arith.addi %mul3A_6, %add3A_7 : i32
    "tpu.region"() ({
      %run_scoped3A = tpu.sem_alloc : memref<!tpu.dma_semaphore, #tpu.memory_space<semaphore_mem>>
      %dma_start3A_38 = arith.constant 0 : i32
      %dma_start3A_39 = tpu.memref_slice %arg3[%add3A_8, %dma_start3A_38] : memref<2560x128xi32, #tpu.memory_space<hbm>> -> memref<40x128xi32, #tpu.memory_space<hbm>>
      %dma_start3A_40 = arith.constant 0 : i32
      %dma_start3A_41 = tpu.memref_slice %arg3[%add3A_8, %dma_start3A_40] : memref<2560x128xi32, #tpu.memory_space<hbm>> -> memref<40x128xi32, #tpu.memory_space<hbm>>
      tpu.enqueue_dma source(%dma_start3A_41 : memref<40x128xi32, #tpu.memory_space<hbm>>) target(%arg7 : memref<40x128xi32, #tpu.memory_space<vmem>>) target_semaphore(%run_scoped3A : memref<!tpu.dma_semaphore, #tpu.memory_space<semaphore_mem>>)
      %dma_wait3A = arith.constant 0 : i32
      %dma_wait3A_42 = tpu.memref_slice %arg3[%add3A_8, %dma_wait3A] : memref<2560x128xi32, #tpu.memory_space<hbm>> -> memref<40x128xi32, #tpu.memory_space<hbm>>
      %dma_wait3A_43 = arith.constant 0 : i32
      %dma_wait3A_44 = tpu.memref_slice %arg3[%add3A_8, %dma_wait3A_43] : memref<2560x128xi32, #tpu.memory_space<hbm>> -> memref<40x128xi32, #tpu.memory_space<hbm>>
      tpu.wait_dma2 semaphore(%run_scoped3A : memref<!tpu.dma_semaphore, #tpu.memory_space<semaphore_mem>>) src(%dma_wait3A_44 : memref<40x128xi32, #tpu.memory_space<hbm>>) dst(%arg7 : memref<40x128xi32, #tpu.memory_space<vmem>>)
      tpu.yield
    }) : () -> ()
    "tpu.region"() ({
      %run_scoped3A = tpu.sem_alloc : memref<!tpu.dma_semaphore, #tpu.memory_space<semaphore_mem>>
      %dma_start3A_38 = arith.constant 0 : i32
      %dma_start3A_39 = tpu.memref_slice %arg4[%add3A_8, %dma_start3A_38] : memref<2560x128xi32, #tpu.memory_space<hbm>> -> memref<40x128xi32, #tpu.memory_space<hbm>>
      %dma_start3A_40 = arith.constant 0 : i32
      %dma_start3A_41 = tpu.memref_slice %arg4[%add3A_8, %dma_start3A_40] : memref<2560x128xi32, #tpu.memory_space<hbm>> -> memref<40x128xi32, #tpu.memory_space<hbm>>
      tpu.enqueue_dma source(%dma_start3A_41 : memref<40x128xi32, #tpu.memory_space<hbm>>) target(%arg8 : memref<40x128xi32, #tpu.memory_space<vmem>>) target_semaphore(%run_scoped3A : memref<!tpu.dma_semaphore, #tpu.memory_space<semaphore_mem>>)
      %dma_wait3A = arith.constant 0 : i32
      %dma_wait3A_42 = tpu.memref_slice %arg4[%add3A_8, %dma_wait3A] : memref<2560x128xi32, #tpu.memory_space<hbm>> -> memref<40x128xi32, #tpu.memory_space<hbm>>
      %dma_wait3A_43 = arith.constant 0 : i32
      %dma_wait3A_44 = tpu.memref_slice %arg4[%add3A_8, %dma_wait3A_43] : memref<2560x128xi32, #tpu.memory_space<hbm>> -> memref<40x128xi32, #tpu.memory_space<hbm>>
      tpu.wait_dma2 semaphore(%run_scoped3A : memref<!tpu.dma_semaphore, #tpu.memory_space<semaphore_mem>>) src(%dma_wait3A_44 : memref<40x128xi32, #tpu.memory_space<hbm>>) dst(%arg8 : memref<40x128xi32, #tpu.memory_space<vmem>>)
      tpu.yield
    }) : () -> ()
    %dma_start3A = arith.constant 0 : i32
    %dma_start3A_9 = arith.constant 0 : i32
    %dma_start3A_10 = tpu.memref_slice %arg7[%dma_start3A, %dma_start3A_9] : memref<40x128xi32, #tpu.memory_space<vmem>> -> memref<1x128xi32, #tpu.memory_space<vmem>>
    %dma_start3A_11 = tpu.memref_squeeze %dma_start3A_10 : memref<1x128xi32, #tpu.memory_space<vmem>> -> memref<128xi32, #tpu.memory_space<vmem>>
    %dma_start3A_12 = arith.constant 0 : i32
    %dma_start3A_13 = arith.constant 0 : i32
    %dma_start3A_14 = tpu.memref_slice %arg2[%dma_start3A_12, %dma_start3A_13] : memref<10368x128xf32, #tpu.memory_space<hbm>> -> memref<10368x128xf32, #tpu.memory_space<hbm>>
    tpu.enqueue_indirect_dma source(%dma_start3A_14 : memref<10368x128xf32, #tpu.memory_space<hbm>>) target(%arg9 : memref<128x128xf32, #tpu.memory_space<vmem>>) offsets(%dma_start3A_11 : memref<128xi32, #tpu.memory_space<vmem>>) semaphore(%arg12 : memref<!tpu.dma_semaphore, #tpu.memory_space<semaphore_mem>>)
    %scan3A = arith.constant 0 : i32
    %scan3A_15 = arith.constant 20 : i32
    %scan3A_16 = arith.addi %scan3A, %scan3A_15 : i32
    %scan3A_17 = arith.constant 1 : i32
    scf.for %scan3A_38 = %scan3A to %scan3A_16 step %scan3A_17  : i32 {
      %mul3A_39 = arith.constant 1 : i32
      %mul3A_40 = arith.muli %scan3A_38, %mul3A_39 : i32
      %add3A_41 = arith.constant 0 : i32
      %add3A_42 = arith.addi %add3A_41, %mul3A_40 : i32
      %mul3A_43 = arith.constant 2 : i32
      %mul3A_44 = arith.muli %add3A_42, %mul3A_43 : i32
      %add3A_45 = arith.constant 1 : i32
      %add3A_46 = arith.addi %mul3A_44, %add3A_45 : i32
      %dma_start3A_47 = arith.constant 0 : i32
      %dma_start3A_48 = tpu.memref_slice %arg7[%add3A_46, %dma_start3A_47] : memref<40x128xi32, #tpu.memory_space<vmem>> -> memref<1x128xi32, #tpu.memory_space<vmem>>
      %dma_start3A_49 = tpu.memref_squeeze %dma_start3A_48 : memref<1x128xi32, #tpu.memory_space<vmem>> -> memref<128xi32, #tpu.memory_space<vmem>>
      %dma_start3A_50 = arith.constant 0 : i32
      %dma_start3A_51 = arith.constant 0 : i32
      %dma_start3A_52 = tpu.memref_slice %arg2[%dma_start3A_50, %dma_start3A_51] : memref<10368x128xf32, #tpu.memory_space<hbm>> -> memref<10368x128xf32, #tpu.memory_space<hbm>>
      tpu.enqueue_indirect_dma source(%dma_start3A_52 : memref<10368x128xf32, #tpu.memory_space<hbm>>) target(%arg10 : memref<128x128xf32, #tpu.memory_space<vmem>>) offsets(%dma_start3A_49 : memref<128xi32, #tpu.memory_space<vmem>>) semaphore(%arg13 : memref<!tpu.dma_semaphore, #tpu.memory_space<semaphore_mem>>)
      %dma_wait3A = arith.constant 0 : i32
      %dma_wait3A_53 = arith.constant 0 : i32
      %dma_wait3A_54 = tpu.memref_slice %arg7[%dma_wait3A, %dma_wait3A_53] : memref<40x128xi32, #tpu.memory_space<vmem>> -> memref<1x128xi32, #tpu.memory_space<vmem>>
      %dma_wait3A_55 = tpu.memref_squeeze %dma_wait3A_54 : memref<1x128xi32, #tpu.memory_space<vmem>> -> memref<128xi32, #tpu.memory_space<vmem>>
      %dma_wait3A_56 = arith.constant 0 : i32
      %dma_wait3A_57 = arith.constant 0 : i32
      %dma_wait3A_58 = tpu.memref_slice %arg2[%dma_wait3A_56, %dma_wait3A_57] : memref<10368x128xf32, #tpu.memory_space<hbm>> -> memref<10368x128xf32, #tpu.memory_space<hbm>>
      tpu.wait_indirect_dma semaphore(%arg12 : memref<!tpu.dma_semaphore, #tpu.memory_space<semaphore_mem>>) src(%dma_wait3A_58 : memref<10368x128xf32, #tpu.memory_space<hbm>>) dst(%arg9 : memref<128x128xf32, #tpu.memory_space<vmem>>)
      "tpu.region"() ({
        %run_scoped3A = tpu.sem_alloc : memref<!tpu.dma_semaphore, #tpu.memory_space<semaphore_mem>>
        %dma_start3A_72 = arith.constant 0 : i32
        %dma_start3A_73 = tpu.memref_slice %arg8[%mul3A_44, %dma_start3A_72] : memref<40x128xi32, #tpu.memory_space<vmem>> -> memref<1x128xi32, #tpu.memory_space<vmem>>
        %dma_start3A_74 = tpu.memref_squeeze %dma_start3A_73 : memref<1x128xi32, #tpu.memory_space<vmem>> -> memref<128xi32, #tpu.memory_space<vmem>>
        %dma_start3A_75 = arith.constant 0 : i32
        %dma_start3A_76 = arith.constant 0 : i32
        %dma_start3A_77 = tpu.memref_slice %arg11[%dma_start3A_75, %dma_start3A_76] : memref<10240x128xf32, #tpu.memory_space<vmem_shared>> -> memref<10240x128xf32, #tpu.memory_space<vmem_shared>>
        tpu.enqueue_indirect_dma source(%arg9 : memref<128x128xf32, #tpu.memory_space<vmem>>) target(%dma_start3A_77 : memref<10240x128xf32, #tpu.memory_space<vmem_shared>>) offsets(%dma_start3A_74 : memref<128xi32, #tpu.memory_space<vmem>>) semaphore(%run_scoped3A : memref<!tpu.dma_semaphore, #tpu.memory_space<semaphore_mem>>) {add = true}
        %dma_wait3A_78 = arith.constant 0 : i32
        %dma_wait3A_79 = tpu.memref_slice %arg8[%mul3A_44, %dma_wait3A_78] : memref<40x128xi32, #tpu.memory_space<vmem>> -> memref<1x128xi32, #tpu.memory_space<vmem>>
        %dma_wait3A_80 = tpu.memref_squeeze %dma_wait3A_79 : memref<1x128xi32, #tpu.memory_space<vmem>> -> memref<128xi32, #tpu.memory_space<vmem>>
        %dma_wait3A_81 = arith.constant 0 : i32
        %dma_wait3A_82 = arith.constant 0 : i32
        %dma_wait3A_83 = tpu.memref_slice %arg11[%dma_wait3A_81, %dma_wait3A_82] : memref<10240x128xf32, #tpu.memory_space<vmem_shared>> -> memref<10240x128xf32, #tpu.memory_space<vmem_shared>>
        tpu.wait_indirect_dma semaphore(%run_scoped3A : memref<!tpu.dma_semaphore, #tpu.memory_space<semaphore_mem>>) src(%arg9 : memref<128x128xf32, #tpu.memory_space<vmem>>) dst(%dma_wait3A_83 : memref<10240x128xf32, #tpu.memory_space<vmem_shared>>)
        tpu.yield
      }) : () -> ()
      %add3A_59 = arith.constant 2 : i32
      %add3A_60 = arith.addi %mul3A_44, %add3A_59 : i32
      %lt3A = arith.constant 40 : i32
      %lt3A_61 = arith.cmpi slt, %add3A_60, %lt3A : i32
      %convert_element_type3A = arith.extui %lt3A_61 : i1 to i32
      %cond3A = arith.constant 0 : i32
      %cond3A_62 = arith.cmpi ne, %convert_element_type3A, %cond3A : i32
      scf.if %cond3A_62 {
        %add3A_72 = arith.constant 2 : i32
        %add3A_73 = arith.addi %mul3A_44, %add3A_72 : i32
        %dma_start3A_74 = arith.constant 0 : i32
        %dma_start3A_75 = tpu.memref_slice %arg7[%add3A_73, %dma_start3A_74] : memref<40x128xi32, #tpu.memory_space<vmem>> -> memref<1x128xi32, #tpu.memory_space<vmem>>
        %dma_start3A_76 = tpu.memref_squeeze %dma_start3A_75 : memref<1x128xi32, #tpu.memory_space<vmem>> -> memref<128xi32, #tpu.memory_space<vmem>>
        %dma_start3A_77 = arith.constant 0 : i32
        %dma_start3A_78 = arith.constant 0 : i32
        %dma_start3A_79 = tpu.memref_slice %arg2[%dma_start3A_77, %dma_start3A_78] : memref<10368x128xf32, #tpu.memory_space<hbm>> -> memref<10368x128xf32, #tpu.memory_space<hbm>>
        tpu.enqueue_indirect_dma source(%dma_start3A_79 : memref<10368x128xf32, #tpu.memory_space<hbm>>) target(%arg9 : memref<128x128xf32, #tpu.memory_space<vmem>>) offsets(%dma_start3A_76 : memref<128xi32, #tpu.memory_space<vmem>>) semaphore(%arg12 : memref<!tpu.dma_semaphore, #tpu.memory_space<semaphore_mem>>)
      } else {
      }
      %dma_wait3A_63 = arith.constant 0 : i32
      %dma_wait3A_64 = arith.constant 0 : i32
      %dma_wait3A_65 = tpu.memref_slice %arg7[%dma_wait3A_63, %dma_wait3A_64] : memref<40x128xi32, #tpu.memory_space<vmem>> -> memref<1x128xi32, #tpu.memory_space<vmem>>
      %dma_wait3A_66 = tpu.memref_squeeze %dma_wait3A_65 : memref<1x128xi32, #tpu.memory_space<vmem>> -> memref<128xi32, #tpu.memory_space<vmem>>
      %dma_wait3A_67 = arith.constant 0 : i32
      %dma_wait3A_68 = arith.constant 0 : i32
      %dma_wait3A_69 = tpu.memref_slice %arg2[%dma_wait3A_67, %dma_wait3A_68] : memref<10368x128xf32, #tpu.memory_space<hbm>> -> memref<10368x128xf32, #tpu.memory_space<hbm>>
      tpu.wait_indirect_dma semaphore(%arg13 : memref<!tpu.dma_semaphore, #tpu.memory_space<semaphore_mem>>) src(%dma_wait3A_69 : memref<10368x128xf32, #tpu.memory_space<hbm>>) dst(%arg10 : memref<128x128xf32, #tpu.memory_space<vmem>>)
      %add3A_70 = arith.constant 1 : i32
      %add3A_71 = arith.addi %mul3A_44, %add3A_70 : i32
      "tpu.region"() ({
        %run_scoped3A = tpu.sem_alloc : memref<!tpu.dma_semaphore, #tpu.memory_space<semaphore_mem>>
        %dma_start3A_72 = arith.constant 0 : i32
        %dma_start3A_73 = tpu.memref_slice %arg8[%add3A_71, %dma_start3A_72] : memref<40x128xi32, #tpu.memory_space<vmem>> -> memref<1x128xi32, #tpu.memory_space<vmem>>
        %dma_start3A_74 = tpu.memref_squeeze %dma_start3A_73 : memref<1x128xi32, #tpu.memory_space<vmem>> -> memref<128xi32, #tpu.memory_space<vmem>>
        %dma_start3A_75 = arith.constant 0 : i32
        %dma_start3A_76 = arith.constant 0 : i32
        %dma_start3A_77 = tpu.memref_slice %arg11[%dma_start3A_75, %dma_start3A_76] : memref<10240x128xf32, #tpu.memory_space<vmem_shared>> -> memref<10240x128xf32, #tpu.memory_space<vmem_shared>>
        tpu.enqueue_indirect_dma source(%arg10 : memref<128x128xf32, #tpu.memory_space<vmem>>) target(%dma_start3A_77 : memref<10240x128xf32, #tpu.memory_space<vmem_shared>>) offsets(%dma_start3A_74 : memref<128xi32, #tpu.memory_space<vmem>>) semaphore(%run_scoped3A : memref<!tpu.dma_semaphore, #tpu.memory_space<semaphore_mem>>) {add = true}
        %dma_wait3A_78 = arith.constant 0 : i32
        %dma_wait3A_79 = tpu.memref_slice %arg8[%add3A_71, %dma_wait3A_78] : memref<40x128xi32, #tpu.memory_space<vmem>> -> memref<1x128xi32, #tpu.memory_space<vmem>>
        %dma_wait3A_80 = tpu.memref_squeeze %dma_wait3A_79 : memref<1x128xi32, #tpu.memory_space<vmem>> -> memref<128xi32, #tpu.memory_space<vmem>>
        %dma_wait3A_81 = arith.constant 0 : i32
        %dma_wait3A_82 = arith.constant 0 : i32
        %dma_wait3A_83 = tpu.memref_slice %arg11[%dma_wait3A_81, %dma_wait3A_82] : memref<10240x128xf32, #tpu.memory_space<vmem_shared>> -> memref<10240x128xf32, #tpu.memory_space<vmem_shared>>
        tpu.wait_indirect_dma semaphore(%run_scoped3A : memref<!tpu.dma_semaphore, #tpu.memory_space<semaphore_mem>>) src(%arg10 : memref<128x128xf32, #tpu.memory_space<vmem>>) dst(%dma_wait3A_83 : memref<10240x128xf32, #tpu.memory_space<vmem_shared>>)
        tpu.yield
      }) : () -> ()
    }
    %scan3A_18 = arith.constant 20 : i32
    %add3A_19 = arith.constant 40 : i32
    %add3A_20 = arith.addi %mul3A_6, %add3A_19 : i32
    "tpu.region"() ({
      %run_scoped3A = tpu.sem_alloc : memref<!tpu.dma_semaphore, #tpu.memory_space<semaphore_mem>>
      %dma_start3A_38 = arith.constant 0 : i32
      %dma_start3A_39 = tpu.memref_slice %arg3[%add3A_20, %dma_start3A_38] : memref<2560x128xi32, #tpu.memory_space<hbm>> -> memref<40x128xi32, #tpu.memory_space<hbm>>
      %dma_start3A_40 = arith.constant 0 : i32
      %dma_start3A_41 = tpu.memref_slice %arg3[%add3A_20, %dma_start3A_40] : memref<2560x128xi32, #tpu.memory_space<hbm>> -> memref<40x128xi32, #tpu.memory_space<hbm>>
      tpu.enqueue_dma source(%dma_start3A_41 : memref<40x128xi32, #tpu.memory_space<hbm>>) target(%arg7 : memref<40x128xi32, #tpu.memory_space<vmem>>) target_semaphore(%run_scoped3A : memref<!tpu.dma_semaphore, #tpu.memory_space<semaphore_mem>>)
      %dma_wait3A = arith.constant 0 : i32
      %dma_wait3A_42 = tpu.memref_slice %arg3[%add3A_20, %dma_wait3A] : memref<2560x128xi32, #tpu.memory_space<hbm>> -> memref<40x128xi32, #tpu.memory_space<hbm>>
      %dma_wait3A_43 = arith.constant 0 : i32
      %dma_wait3A_44 = tpu.memref_slice %arg3[%add3A_20, %dma_wait3A_43] : memref<2560x128xi32, #tpu.memory_space<hbm>> -> memref<40x128xi32, #tpu.memory_space<hbm>>
      tpu.wait_dma2 semaphore(%run_scoped3A : memref<!tpu.dma_semaphore, #tpu.memory_space<semaphore_mem>>) src(%dma_wait3A_44 : memref<40x128xi32, #tpu.memory_space<hbm>>) dst(%arg7 : memref<40x128xi32, #tpu.memory_space<vmem>>)
      tpu.yield
    }) : () -> ()
    "tpu.region"() ({
      %run_scoped3A = tpu.sem_alloc : memref<!tpu.dma_semaphore, #tpu.memory_space<semaphore_mem>>
      %dma_start3A_38 = arith.constant 0 : i32
      %dma_start3A_39 = tpu.memref_slice %arg4[%add3A_20, %dma_start3A_38] : memref<2560x128xi32, #tpu.memory_space<hbm>> -> memref<40x128xi32, #tpu.memory_space<hbm>>
      %dma_start3A_40 = arith.constant 0 : i32
      %dma_start3A_41 = tpu.memref_slice %arg4[%add3A_20, %dma_start3A_40] : memref<2560x128xi32, #tpu.memory_space<hbm>> -> memref<40x128xi32, #tpu.memory_space<hbm>>
      tpu.enqueue_dma source(%dma_start3A_41 : memref<40x128xi32, #tpu.memory_space<hbm>>) target(%arg8 : memref<40x128xi32, #tpu.memory_space<vmem>>) target_semaphore(%run_scoped3A : memref<!tpu.dma_semaphore, #tpu.memory_space<semaphore_mem>>)
      %dma_wait3A = arith.constant 0 : i32
      %dma_wait3A_42 = tpu.memref_slice %arg4[%add3A_20, %dma_wait3A] : memref<2560x128xi32, #tpu.memory_space<hbm>> -> memref<40x128xi32, #tpu.memory_space<hbm>>
      %dma_wait3A_43 = arith.constant 0 : i32
      %dma_wait3A_44 = tpu.memref_slice %arg4[%add3A_20, %dma_wait3A_43] : memref<2560x128xi32, #tpu.memory_space<hbm>> -> memref<40x128xi32, #tpu.memory_space<hbm>>
      tpu.wait_dma2 semaphore(%run_scoped3A : memref<!tpu.dma_semaphore, #tpu.memory_space<semaphore_mem>>) src(%dma_wait3A_44 : memref<40x128xi32, #tpu.memory_space<hbm>>) dst(%arg8 : memref<40x128xi32, #tpu.memory_space<vmem>>)
      tpu.yield
    }) : () -> ()
    %dma_start3A_21 = arith.constant 0 : i32
    %dma_start3A_22 = arith.constant 0 : i32
    %dma_start3A_23 = tpu.memref_slice %arg7[%dma_start3A_21, %dma_start3A_22] : memref<40x128xi32, #tpu.memory_space<vmem>> -> memref<1x128xi32, #tpu.memory_space<vmem>>
    %dma_start3A_24 = tpu.memref_squeeze %dma_start3A_23 : memref<1x128xi32, #tpu.memory_space<vmem>> -> memref<128xi32, #tpu.memory_space<vmem>>
    %dma_start3A_25 = arith.constant 0 : i32
    %dma_start3A_26 = arith.constant 0 : i32
    %dma_start3A_27 = tpu.memref_slice %arg2[%dma_start3A_25, %dma_start3A_26] : memref<10368x128xf32, #tpu.memory_space<hbm>> -> memref<10368x128xf32, #tpu.memory_space<hbm>>
    tpu.enqueue_indirect_dma source(%dma_start3A_27 : memref<10368x128xf32, #tpu.memory_space<hbm>>) target(%arg9 : memref<128x128xf32, #tpu.memory_space<vmem>>) offsets(%dma_start3A_24 : memref<128xi32, #tpu.memory_space<vmem>>) semaphore(%arg12 : memref<!tpu.dma_semaphore, #tpu.memory_space<semaphore_mem>>)
    %scan3A_28 = arith.constant 0 : i32
    %scan3A_29 = arith.constant 20 : i32
    %scan3A_30 = arith.addi %scan3A_28, %scan3A_29 : i32
    %scan3A_31 = arith.constant 1 : i32
    scf.for %scan3A_38 = %scan3A_28 to %scan3A_30 step %scan3A_31  : i32 {
      %mul3A_39 = arith.constant 1 : i32
      %mul3A_40 = arith.muli %scan3A_38, %mul3A_39 : i32
      %add3A_41 = arith.constant 0 : i32
      %add3A_42 = arith.addi %add3A_41, %mul3A_40 : i32
      %mul3A_43 = arith.constant 2 : i32
      %mul3A_44 = arith.muli %add3A_42, %mul3A_43 : i32
      %add3A_45 = arith.constant 1 : i32
      %add3A_46 = arith.addi %mul3A_44, %add3A_45 : i32
      %dma_start3A_47 = arith.constant 0 : i32
      %dma_start3A_48 = tpu.memref_slice %arg7[%add3A_46, %dma_start3A_47] : memref<40x128xi32, #tpu.memory_space<vmem>> -> memref<1x128xi32, #tpu.memory_space<vmem>>
      %dma_start3A_49 = tpu.memref_squeeze %dma_start3A_48 : memref<1x128xi32, #tpu.memory_space<vmem>> -> memref<128xi32, #tpu.memory_space<vmem>>
      %dma_start3A_50 = arith.constant 0 : i32
      %dma_start3A_51 = arith.constant 0 : i32
      %dma_start3A_52 = tpu.memref_slice %arg2[%dma_start3A_50, %dma_start3A_51] : memref<10368x128xf32, #tpu.memory_space<hbm>> -> memref<10368x128xf32, #tpu.memory_space<hbm>>
      tpu.enqueue_indirect_dma source(%dma_start3A_52 : memref<10368x128xf32, #tpu.memory_space<hbm>>) target(%arg10 : memref<128x128xf32, #tpu.memory_space<vmem>>) offsets(%dma_start3A_49 : memref<128xi32, #tpu.memory_space<vmem>>) semaphore(%arg13 : memref<!tpu.dma_semaphore, #tpu.memory_space<semaphore_mem>>)
      %dma_wait3A = arith.constant 0 : i32
      %dma_wait3A_53 = arith.constant 0 : i32
      %dma_wait3A_54 = tpu.memref_slice %arg7[%dma_wait3A, %dma_wait3A_53] : memref<40x128xi32, #tpu.memory_space<vmem>> -> memref<1x128xi32, #tpu.memory_space<vmem>>
      %dma_wait3A_55 = tpu.memref_squeeze %dma_wait3A_54 : memref<1x128xi32, #tpu.memory_space<vmem>> -> memref<128xi32, #tpu.memory_space<vmem>>
      %dma_wait3A_56 = arith.constant 0 : i32
      %dma_wait3A_57 = arith.constant 0 : i32
      %dma_wait3A_58 = tpu.memref_slice %arg2[%dma_wait3A_56, %dma_wait3A_57] : memref<10368x128xf32, #tpu.memory_space<hbm>> -> memref<10368x128xf32, #tpu.memory_space<hbm>>
      tpu.wait_indirect_dma semaphore(%arg12 : memref<!tpu.dma_semaphore, #tpu.memory_space<semaphore_mem>>) src(%dma_wait3A_58 : memref<10368x128xf32, #tpu.memory_space<hbm>>) dst(%arg9 : memref<128x128xf32, #tpu.memory_space<vmem>>)
      "tpu.region"() ({
        %run_scoped3A = tpu.sem_alloc : memref<!tpu.dma_semaphore, #tpu.memory_space<semaphore_mem>>
        %dma_start3A_72 = arith.constant 0 : i32
        %dma_start3A_73 = tpu.memref_slice %arg8[%mul3A_44, %dma_start3A_72] : memref<40x128xi32, #tpu.memory_space<vmem>> -> memref<1x128xi32, #tpu.memory_space<vmem>>
        %dma_start3A_74 = tpu.memref_squeeze %dma_start3A_73 : memref<1x128xi32, #tpu.memory_space<vmem>> -> memref<128xi32, #tpu.memory_space<vmem>>
        %dma_start3A_75 = arith.constant 0 : i32
        %dma_start3A_76 = arith.constant 0 : i32
        %dma_start3A_77 = tpu.memref_slice %arg11[%dma_start3A_75, %dma_start3A_76] : memref<10240x128xf32, #tpu.memory_space<vmem_shared>> -> memref<10240x128xf32, #tpu.memory_space<vmem_shared>>
        tpu.enqueue_indirect_dma source(%arg9 : memref<128x128xf32, #tpu.memory_space<vmem>>) target(%dma_start3A_77 : memref<10240x128xf32, #tpu.memory_space<vmem_shared>>) offsets(%dma_start3A_74 : memref<128xi32, #tpu.memory_space<vmem>>) semaphore(%run_scoped3A : memref<!tpu.dma_semaphore, #tpu.memory_space<semaphore_mem>>) {add = true}
        %dma_wait3A_78 = arith.constant 0 : i32
        %dma_wait3A_79 = tpu.memref_slice %arg8[%mul3A_44, %dma_wait3A_78] : memref<40x128xi32, #tpu.memory_space<vmem>> -> memref<1x128xi32, #tpu.memory_space<vmem>>
        %dma_wait3A_80 = tpu.memref_squeeze %dma_wait3A_79 : memref<1x128xi32, #tpu.memory_space<vmem>> -> memref<128xi32, #tpu.memory_space<vmem>>
        %dma_wait3A_81 = arith.constant 0 : i32
        %dma_wait3A_82 = arith.constant 0 : i32
        %dma_wait3A_83 = tpu.memref_slice %arg11[%dma_wait3A_81, %dma_wait3A_82] : memref<10240x128xf32, #tpu.memory_space<vmem_shared>> -> memref<10240x128xf32, #tpu.memory_space<vmem_shared>>
        tpu.wait_indirect_dma semaphore(%run_scoped3A : memref<!tpu.dma_semaphore, #tpu.memory_space<semaphore_mem>>) src(%arg9 : memref<128x128xf32, #tpu.memory_space<vmem>>) dst(%dma_wait3A_83 : memref<10240x128xf32, #tpu.memory_space<vmem_shared>>)
        tpu.yield
      }) : () -> ()
      %add3A_59 = arith.constant 2 : i32
      %add3A_60 = arith.addi %mul3A_44, %add3A_59 : i32
      %lt3A = arith.constant 40 : i32
      %lt3A_61 = arith.cmpi slt, %add3A_60, %lt3A : i32
      %convert_element_type3A = arith.extui %lt3A_61 : i1 to i32
      %cond3A = arith.constant 0 : i32
      %cond3A_62 = arith.cmpi ne, %convert_element_type3A, %cond3A : i32
      scf.if %cond3A_62 {
        %add3A_72 = arith.constant 2 : i32
        %add3A_73 = arith.addi %mul3A_44, %add3A_72 : i32
        %dma_start3A_74 = arith.constant 0 : i32
        %dma_start3A_75 = tpu.memref_slice %arg7[%add3A_73, %dma_start3A_74] : memref<40x128xi32, #tpu.memory_space<vmem>> -> memref<1x128xi32, #tpu.memory_space<vmem>>
        %dma_start3A_76 = tpu.memref_squeeze %dma_start3A_75 : memref<1x128xi32, #tpu.memory_space<vmem>> -> memref<128xi32, #tpu.memory_space<vmem>>
        %dma_start3A_77 = arith.constant 0 : i32
        %dma_start3A_78 = arith.constant 0 : i32
        %dma_start3A_79 = tpu.memref_slice %arg2[%dma_start3A_77, %dma_start3A_78] : memref<10368x128xf32, #tpu.memory_space<hbm>> -> memref<10368x128xf32, #tpu.memory_space<hbm>>
        tpu.enqueue_indirect_dma source(%dma_start3A_79 : memref<10368x128xf32, #tpu.memory_space<hbm>>) target(%arg9 : memref<128x128xf32, #tpu.memory_space<vmem>>) offsets(%dma_start3A_76 : memref<128xi32, #tpu.memory_space<vmem>>) semaphore(%arg12 : memref<!tpu.dma_semaphore, #tpu.memory_space<semaphore_mem>>)
      } else {
      }
      %dma_wait3A_63 = arith.constant 0 : i32
      %dma_wait3A_64 = arith.constant 0 : i32
      %dma_wait3A_65 = tpu.memref_slice %arg7[%dma_wait3A_63, %dma_wait3A_64] : memref<40x128xi32, #tpu.memory_space<vmem>> -> memref<1x128xi32, #tpu.memory_space<vmem>>
      %dma_wait3A_66 = tpu.memref_squeeze %dma_wait3A_65 : memref<1x128xi32, #tpu.memory_space<vmem>> -> memref<128xi32, #tpu.memory_space<vmem>>
      %dma_wait3A_67 = arith.constant 0 : i32
      %dma_wait3A_68 = arith.constant 0 : i32
      %dma_wait3A_69 = tpu.memref_slice %arg2[%dma_wait3A_67, %dma_wait3A_68] : memref<10368x128xf32, #tpu.memory_space<hbm>> -> memref<10368x128xf32, #tpu.memory_space<hbm>>
      tpu.wait_indirect_dma semaphore(%arg13 : memref<!tpu.dma_semaphore, #tpu.memory_space<semaphore_mem>>) src(%dma_wait3A_69 : memref<10368x128xf32, #tpu.memory_space<hbm>>) dst(%arg10 : memref<128x128xf32, #tpu.memory_space<vmem>>)
      %add3A_70 = arith.constant 1 : i32
      %add3A_71 = arith.addi %mul3A_44, %add3A_70 : i32
      "tpu.region"() ({
        %run_scoped3A = tpu.sem_alloc : memref<!tpu.dma_semaphore, #tpu.memory_space<semaphore_mem>>
        %dma_start3A_72 = arith.constant 0 : i32
        %dma_start3A_73 = tpu.memref_slice %arg8[%add3A_71, %dma_start3A_72] : memref<40x128xi32, #tpu.memory_space<vmem>> -> memref<1x128xi32, #tpu.memory_space<vmem>>
        %dma_start3A_74 = tpu.memref_squeeze %dma_start3A_73 : memref<1x128xi32, #tpu.memory_space<vmem>> -> memref<128xi32, #tpu.memory_space<vmem>>
        %dma_start3A_75 = arith.constant 0 : i32
        %dma_start3A_76 = arith.constant 0 : i32
        %dma_start3A_77 = tpu.memref_slice %arg11[%dma_start3A_75, %dma_start3A_76] : memref<10240x128xf32, #tpu.memory_space<vmem_shared>> -> memref<10240x128xf32, #tpu.memory_space<vmem_shared>>
        tpu.enqueue_indirect_dma source(%arg10 : memref<128x128xf32, #tpu.memory_space<vmem>>) target(%dma_start3A_77 : memref<10240x128xf32, #tpu.memory_space<vmem_shared>>) offsets(%dma_start3A_74 : memref<128xi32, #tpu.memory_space<vmem>>) semaphore(%run_scoped3A : memref<!tpu.dma_semaphore, #tpu.memory_space<semaphore_mem>>) {add = true}
        %dma_wait3A_78 = arith.constant 0 : i32
        %dma_wait3A_79 = tpu.memref_slice %arg8[%add3A_71, %dma_wait3A_78] : memref<40x128xi32, #tpu.memory_space<vmem>> -> memref<1x128xi32, #tpu.memory_space<vmem>>
        %dma_wait3A_80 = tpu.memref_squeeze %dma_wait3A_79 : memref<1x128xi32, #tpu.memory_space<vmem>> -> memref<128xi32, #tpu.memory_space<vmem>>
        %dma_wait3A_81 = arith.constant 0 : i32
        %dma_wait3A_82 = arith.constant 0 : i32
        %dma_wait3A_83 = tpu.memref_slice %arg11[%dma_wait3A_81, %dma_wait3A_82] : memref<10240x128xf32, #tpu.memory_space<vmem_shared>> -> memref<10240x128xf32, #tpu.memory_space<vmem_shared>>
        tpu.wait_indirect_dma semaphore(%run_scoped3A : memref<!tpu.dma_semaphore, #tpu.memory_space<semaphore_mem>>) src(%arg10 : memref<128x128xf32, #tpu.memory_space<vmem>>) dst(%dma_wait3A_83 : memref<10240x128xf32, #tpu.memory_space<vmem_shared>>)
        tpu.yield
      }) : () -> ()
    }
    %scan3A_32 = arith.constant 20 : i32
    %barrier3A_33 = arith.constant 0 : index
    tpu.barrier barrier_id(%barrier3A_33)
    %mul3A_34 = arith.constant 640 : i32
    %mul3A_35 = arith.muli %arg1, %mul3A_34 : i32
    %mul3A_36 = arith.constant 640 : i32
    %mul3A_37 = arith.muli %arg1, %mul3A_36 : i32
    "tpu.region"() ({
      %run_scoped3A = tpu.sem_alloc : memref<!tpu.dma_semaphore, #tpu.memory_space<semaphore_mem>>
      %dma_start3A_38 = arith.constant 0 : i32
      %dma_start3A_39 = tpu.memref_slice %arg6[%arg0, %mul3A_37, %dma_start3A_38] : memref<2x10240x128xf32, #tpu.memory_space<hbm>> -> memref<1x640x128xf32, #tpu.memory_space<hbm>>
      %dma_start3A_40 = tpu.memref_squeeze %dma_start3A_39 : memref<1x640x128xf32, #tpu.memory_space<hbm>> -> memref<640x128xf32, #tpu.memory_space<hbm>>
      %dma_start3A_41 = arith.constant 0 : i32
      %dma_start3A_42 = tpu.memref_slice %arg11[%mul3A_35, %dma_start3A_41] : memref<10240x128xf32, #tpu.memory_space<vmem_shared>> -> memref<640x128xf32, #tpu.memory_space<vmem_shared>>
      tpu.enqueue_dma source(%dma_start3A_42 : memref<640x128xf32, #tpu.memory_space<vmem_shared>>) target(%dma_start3A_40 : memref<640x128xf32, #tpu.memory_space<hbm>>) target_semaphore(%run_scoped3A : memref<!tpu.dma_semaphore, #tpu.memory_space<semaphore_mem>>)
      %dma_wait3A = arith.constant 0 : i32
      %dma_wait3A_43 = tpu.memref_slice %arg6[%arg0, %mul3A_37, %dma_wait3A] : memref<2x10240x128xf32, #tpu.memory_space<hbm>> -> memref<1x640x128xf32, #tpu.memory_space<hbm>>
      %dma_wait3A_44 = tpu.memref_squeeze %dma_wait3A_43 : memref<1x640x128xf32, #tpu.memory_space<hbm>> -> memref<640x128xf32, #tpu.memory_space<hbm>>
      %dma_wait3A_45 = arith.constant 0 : i32
      %dma_wait3A_46 = tpu.memref_slice %arg11[%mul3A_35, %dma_wait3A_45] : memref<10240x128xf32, #tpu.memory_space<vmem_shared>> -> memref<640x128xf32, #tpu.memory_space<vmem_shared>>
      tpu.wait_dma2 semaphore(%run_scoped3A : memref<!tpu.dma_semaphore, #tpu.memory_space<semaphore_mem>>) src(%dma_wait3A_46 : memref<640x128xf32, #tpu.memory_space<vmem_shared>>) dst(%dma_wait3A_44 : memref<640x128xf32, #tpu.memory_space<hbm>>)
      tpu.yield
    }) : () -> ()
    return
  }
}

module attributes {stable_mosaic.version = 14 : i64} {
  func.func @_fwd_body(%arg0: i32, %arg1: memref<1x1024x128xf32, #tpu.memory_space<vmem>>, %arg2: memref<1x1024x128xf32, #tpu.memory_space<vmem>>, %arg3: memref<128x128xf32, #tpu.memory_space<vmem>>, %arg4: memref<1x128xf32, #tpu.memory_space<vmem>>, %arg5: memref<1024x128xf32, #tpu.memory_space<vmem>>) attributes {dimension_semantics = [#tpu.dimension_semantics<arbitrary>], iteration_bounds = array<i64: 10>, scalar_prefetch = 0 : i64, scratch_operands = 0 : i64, tpu.core_type = #tpu.core_type<tc>, window_params = [{transform_indices = @transform_0, window_bounds = array<i64: 1, 1024, 128>}, {transform_indices = @transform_1, window_bounds = array<i64: 1, 1024, 128>}, {pipeline_mode = #tpu.pipeline_mode<synchronous>, transform_indices = @transform_2, window_bounds = array<i64: 128, 128>}, {pipeline_mode = #tpu.pipeline_mode<synchronous>, transform_indices = @transform_3, window_bounds = array<i64: 1, 128>}, {transform_indices = @transform_4, window_bounds = array<i64: 1024, 128>}]} {
    %get3A = arith.constant 0 : index
    %get3A_0 = arith.constant 0 : index
    %get3A_1 = arith.constant 0 : index
    %get3A_2 = vector.load %arg1[%get3A, %get3A_0, %get3A_1] : memref<1x1024x128xf32, #tpu.memory_space<vmem>>, vector<1x1024x128xf32>
    %get3A_3 = vector.shape_cast %get3A_2 : vector<1x1024x128xf32> to vector<1024x128xf32>
    %get3A_4 = arith.constant 0 : index
    %get3A_5 = arith.constant 0 : index
    %get3A_6 = arith.constant 0 : index
    %get3A_7 = vector.load %arg2[%get3A_4, %get3A_5, %get3A_6] : memref<1x1024x128xf32, #tpu.memory_space<vmem>>, vector<1x1024x128xf32>
    %get3A_8 = vector.shape_cast %get3A_7 : vector<1x1024x128xf32> to vector<1024x128xf32>
    %add3A = arith.addf %get3A_3, %get3A_8 : vector<1024x128xf32>
    %get3A_9 = arith.constant 0 : index
    %get3A_10 = arith.constant 0 : index
    %get3A_11 = vector.load %arg3[%get3A_9, %get3A_10] : memref<128x128xf32, #tpu.memory_space<vmem>>, vector<128x128xf32>
    %dot_general3A = arith.constant dense<0.000000e+00> : vector<1024x128xf32>
    %dot_general3A_12 = tpu.matmul %add3A, %get3A_11, %dot_general3A {dimension_numbers = #tpu.dot_dimension_numbers<[1], [0], [0], [1], [0, 0, 1, 1], [], []>, transpose_lhs_hint = false} : vector<1024x128xf32>, vector<128x128xf32>, vector<1024x128xf32> -> vector<1024x128xf32>
    %get3A_13 = arith.constant 0 : index
    %get3A_14 = arith.constant 0 : index
    %get3A_15 = vector.load %arg4[%get3A_13, %get3A_14] : memref<1x128xf32, #tpu.memory_space<vmem>>, vector<1x128xf32>
    %add3A_16 = vector.broadcast %get3A_15 : vector<1x128xf32> to vector<1024x128xf32>
    %add3A_17 = arith.addf %dot_general3A_12, %add3A_16 : vector<1024x128xf32>
    %max3A = arith.constant 0.000000e+00 : f32
    %max3A_18 = vector.broadcast %max3A : f32 to vector<1024x128xf32>
    %max3A_19 = arith.maximumf %add3A_17, %max3A_18 : vector<1024x128xf32>
    %swap3A = arith.constant 0 : index
    %swap3A_20 = arith.constant 0 : index
    %swap3A_21 = vector.load %arg5[%swap3A, %swap3A_20] : memref<1024x128xf32, #tpu.memory_space<vmem>>, vector<1024x128xf32>
    tpu.vector_store %arg5[%swap3A, %swap3A_20], %max3A_19 {strides = array<i32>} : memref<1024x128xf32, #tpu.memory_space<vmem>>, vector<1024x128xf32>,
    return
  }
  func.func @transform_0(%arg0: i32) -> (i32, i32, i32) {
    %c0_i32 = arith.constant 0 : i32
    %c0_i32_0 = arith.constant 0 : i32
    %c0_i32_1 = arith.constant 0 : i32
    return %c0_i32, %arg0, %c0_i32_0 : i32, i32, i32
  }
  func.func @transform_1(%arg0: i32) -> (i32, i32, i32) {
    %c1_i32 = arith.constant 1 : i32
    %c0_i32 = arith.constant 0 : i32
    %c0_i32_0 = arith.constant 0 : i32
    return %c1_i32, %arg0, %c0_i32 : i32, i32, i32
  }
  func.func @transform_2(%arg0: i32) -> (i32, i32) {
    %c0_i32 = arith.constant 0 : i32
    %c0_i32_0 = arith.constant 0 : i32
    %c0_i32_1 = arith.constant 0 : i32
    return %c0_i32, %c0_i32_0 : i32, i32
  }
  func.func @transform_3(%arg0: i32) -> (i32, i32) {
    %c0_i32 = arith.constant 0 : i32
    %c0_i32_0 = arith.constant 0 : i32
    %c0_i32_1 = arith.constant 0 : i32
    return %c0_i32, %c0_i32_0 : i32, i32
  }
  func.func @transform_4(%arg0: i32) -> (i32, i32) {
    %c0_i32 = arith.constant 0 : i32
    %c0_i32_0 = arith.constant 0 : i32
    return %arg0, %c0_i32 : i32, i32
  }
}

module attributes {stable_mosaic.version = 14 : i64} {
  func.func @_decoder_body(%arg0: memref<128x512xf32, #tpu.memory_space<vmem>>, %arg1: memref<1x512xf32, #tpu.memory_space<vmem>>, %arg2: memref<1024x64xf32, #tpu.memory_space<vmem>>, %arg3: memref<1x67xf32, #tpu.memory_space<vmem>>, %arg4: memref<1x64xf32, #tpu.memory_space<vmem>>, %arg5: memref<1x1xf32, #tpu.memory_space<vmem>>, %arg6: memref<128x128xf32, #tpu.memory_space<vmem>>, %arg7: memref<1x1xf32, #tpu.memory_space<vmem>>, %arg8: memref<128x512xf32, #tpu.memory_space<vmem>>, %arg9: memref<128x128xf32, #tpu.memory_space<vmem>>) attributes {dimension_semantics = [], scalar_prefetch = 0 : i64, scratch_operands = 0 : i64, tpu.core_type = #tpu.core_type<tc>} {
    %get3A = arith.constant 0 : index
    %get3A_0 = arith.constant 0 : index
    %get3A_1 = vector.load %arg0[%get3A, %get3A_0] : memref<128x512xf32, #tpu.memory_space<vmem>>, vector<128x512xf32>
    %get3A_2 = arith.constant 0 : index
    %get3A_3 = arith.constant 0 : index
    %get3A_4 = vector.load %arg1[%get3A_2, %get3A_3] : memref<1x512xf32, #tpu.memory_space<vmem>>, vector<1x512xf32>
    %slice3A = vector.extract_strided_slice %get3A_1 {offsets = [0, 0], sizes = [64, 512], strides = [1, 1]} : vector<128x512xf32> to vector<64x512xf32>
    %slice3A_5 = vector.extract_strided_slice %get3A_1 {offsets = [64, 0], sizes = [64, 512], strides = [1, 1]} : vector<128x512xf32> to vector<64x512xf32>
    %mul3A = vector.broadcast %get3A_4 : vector<1x512xf32> to vector<64x512xf32>
    %mul3A_6 = arith.mulf %slice3A, %mul3A : vector<64x512xf32>
    %transpose3A = tpu.transpose %slice3A_5, [1, 0] : vector<64x512xf32> -> vector<512x64xf32>
    %dot_general3A = arith.constant dense<0.000000e+00> : vector<64x64xf32>
    %dot_general3A_7 = tpu.matmul %mul3A_6, %transpose3A, %dot_general3A {dimension_numbers = #tpu.dot_dimension_numbers<[1], [0], [0], [1], [0, 0, 1, 1], [], []>, precision = #tpu.contract_precision<fp32>, transpose_lhs_hint = false} : vector<64x512xf32>, vector<512x64xf32>, vector<64x64xf32> -> vector<64x64xf32>
    %reduce_min3A = vector.shape_cast %dot_general3A_7 : vector<64x64xf32> to vector<1x64x64xf32>
    %reduce_min3A_8 = arith.constant dense<0x7F800000> : vector<1xf32>
    %reduce_min3A_9 = vector.multi_reduction <minimumf>, %reduce_min3A, %reduce_min3A_8 [1, 2] : vector<1x64x64xf32> to vector<1xf32>
    %reduce_min3A_10 = vector.shape_cast %reduce_min3A_9 : vector<1xf32> to vector<1x1x1xf32>
    %reduce_min3A_11 = vector.extract %reduce_min3A_10[0, 0, 0] : f32 from vector<1x1x1xf32>
    %reduce_max3A = vector.shape_cast %dot_general3A_7 : vector<64x64xf32> to vector<1x64x64xf32>
    %reduce_max3A_12 = arith.constant dense<0xFF800000> : vector<1xf32>
    %reduce_max3A_13 = vector.multi_reduction <maximumf>, %reduce_max3A, %reduce_max3A_12 [1, 2] : vector<1x64x64xf32> to vector<1xf32>
    %reduce_max3A_14 = vector.shape_cast %reduce_max3A_13 : vector<1xf32> to vector<1x1x1xf32>
    %reduce_max3A_15 = vector.extract %reduce_max3A_14[0, 0, 0] : f32 from vector<1x1x1xf32>
    %reduce_sum3A = vector.shape_cast %dot_general3A_7 : vector<64x64xf32> to vector<1x64x64xf32>
    %reduce_sum3A_16 = arith.constant dense<0.000000e+00> : vector<1xf32>
    %reduce_sum3A_17 = vector.multi_reduction <add>, %reduce_sum3A, %reduce_sum3A_16 [1, 2] : vector<1x64x64xf32> to vector<1xf32>
    %reduce_sum3A_18 = vector.shape_cast %reduce_sum3A_17 : vector<1xf32> to vector<1x1x1xf32>
    %reduce_sum3A_19 = vector.extract %reduce_sum3A_18[0, 0, 0] : f32 from vector<1x1x1xf32>
    %div3A = arith.constant 4.096000e+03 : f32
    %div3A_20 = arith.divf %reduce_sum3A_19, %div3A : f32
    %reduce_sum3A_21 = arith.constant dense<0.000000e+00> : vector<512xf32>
    %reduce_sum3A_22 = vector.multi_reduction <add>, %slice3A, %reduce_sum3A_21 [0] : vector<64x512xf32> to vector<512xf32>
    %broadcast_in_dim3A = vector.shape_cast %reduce_sum3A_22 : vector<512xf32> to vector<1x512xf32>
    %div3A_23 = arith.constant 6.400000e+01 : f32
    %div3A_24 = vector.broadcast %div3A_23 : f32 to vector<1x512xf32>
    %div3A_25 = arith.divf %broadcast_in_dim3A, %div3A_24 : vector<1x512xf32>
    %reduce_sum3A_26 = arith.constant dense<0.000000e+00> : vector<512xf32>
    %reduce_sum3A_27 = vector.multi_reduction <add>, %slice3A_5, %reduce_sum3A_26 [0] : vector<64x512xf32> to vector<512xf32>
    %broadcast_in_dim3A_28 = vector.shape_cast %reduce_sum3A_27 : vector<512xf32> to vector<1x512xf32>
    %div3A_29 = arith.constant 6.400000e+01 : f32
    %div3A_30 = vector.broadcast %div3A_29 : f32 to vector<1x512xf32>
    %div3A_31 = arith.divf %broadcast_in_dim3A_28, %div3A_30 : vector<1x512xf32>
    %get3A_32 = arith.constant 0 : index
    %get3A_33 = arith.constant 0 : index
    %get3A_34 = vector.load %arg2[%get3A_32, %get3A_33] : memref<1024x64xf32, #tpu.memory_space<vmem>>, vector<1024x64xf32>
    %slice3A_35 = vector.extract_strided_slice %get3A_34 {offsets = [0, 0], sizes = [512, 64], strides = [1, 1]} : vector<1024x64xf32> to vector<512x64xf32>
    %dot_general3A_36 = arith.constant dense<0.000000e+00> : vector<1x64xf32>
    %dot_general3A_37 = tpu.matmul %div3A_25, %slice3A_35, %dot_general3A_36 {dimension_numbers = #tpu.dot_dimension_numbers<[1], [0], [0], [1], [0, 0, 1, 1], [], []>, precision = #tpu.contract_precision<fp32>, transpose_lhs_hint = false} : vector<1x512xf32>, vector<512x64xf32>, vector<1x64xf32> -> vector<1x64xf32>
    %slice3A_38 = vector.extract_strided_slice %get3A_34 {offsets = [512, 0], sizes = [512, 64], strides = [1, 1]} : vector<1024x64xf32> to vector<512x64xf32>
    %dot_general3A_39 = arith.constant dense<0.000000e+00> : vector<1x64xf32>
    %dot_general3A_40 = tpu.matmul %div3A_31, %slice3A_38, %dot_general3A_39 {dimension_numbers = #tpu.dot_dimension_numbers<[1], [0], [0], [1], [0, 0, 1, 1], [], []>, precision = #tpu.contract_precision<fp32>, transpose_lhs_hint = false} : vector<1x512xf32>, vector<512x64xf32>, vector<1x64xf32> -> vector<1x64xf32>
    %add3A = arith.addf %dot_general3A_37, %dot_general3A_40 : vector<1x64xf32>
    %get3A_41 = arith.constant 0 : index
    %get3A_42 = arith.constant 0 : index
    %get3A_43 = vector.load %arg4[%get3A_41, %get3A_42] : memref<1x64xf32, #tpu.memory_space<vmem>>, vector<1x64xf32>
    %add3A_44 = arith.addf %add3A, %get3A_43 : vector<1x64xf32>
    %get3A_45 = arith.constant 0 : index
    %get3A_46 = arith.constant 0 : index
    %get3A_47 = vector.load %arg3[%get3A_45, %get3A_46] : memref<1x67xf32, #tpu.memory_space<vmem>>, vector<1x67xf32>
    %slice3A_48 = vector.extract_strided_slice %get3A_47 {offsets = [0, 0], sizes = [1, 64], strides = [1, 1]} : vector<1x67xf32> to vector<1x64xf32>
    %mul3A_49 = arith.mulf %add3A_44, %slice3A_48 : vector<1x64xf32>
    %reduce_sum3A_50 = vector.shape_cast %mul3A_49 : vector<1x64xf32> to vector<1x1x64xf32>
    %reduce_sum3A_51 = arith.constant dense<0.000000e+00> : vector<1xf32>
    %reduce_sum3A_52 = vector.multi_reduction <add>, %reduce_sum3A_50, %reduce_sum3A_51 [1, 2] : vector<1x1x64xf32> to vector<1xf32>
    %reduce_sum3A_53 = vector.shape_cast %reduce_sum3A_52 : vector<1xf32> to vector<1x1x1xf32>
    %reduce_sum3A_54 = vector.extract %reduce_sum3A_53[0, 0, 0] : f32 from vector<1x1x1xf32>
    %slice3A_55 = vector.extract_strided_slice %get3A_47 {offsets = [0, 64], sizes = [1, 1], strides = [1, 1]} : vector<1x67xf32> to vector<1x1xf32>
    %squeeze3A = vector.extract %slice3A_55[0, 0] : f32 from vector<1x1xf32>
    %slice3A_56 = vector.extract_strided_slice %get3A_47 {offsets = [0, 65], sizes = [1, 1], strides = [1, 1]} : vector<1x67xf32> to vector<1x1xf32>
    %squeeze3A_57 = vector.extract %slice3A_56[0, 0] : f32 from vector<1x1xf32>
    %slice3A_58 = vector.extract_strided_slice %get3A_47 {offsets = [0, 66], sizes = [1, 1], strides = [1, 1]} : vector<1x67xf32> to vector<1x1xf32>
    %squeeze3A_59 = vector.extract %slice3A_58[0, 0] : f32 from vector<1x1xf32>
    %mul3A_60 = arith.mulf %reduce_min3A_11, %squeeze3A : f32
    %add3A_61 = arith.addf %reduce_sum3A_54, %mul3A_60 : f32
    %mul3A_62 = arith.mulf %div3A_20, %squeeze3A_57 : f32
    %add3A_63 = arith.addf %add3A_61, %mul3A_62 : f32
    %mul3A_64 = arith.mulf %reduce_max3A_15, %squeeze3A_59 : f32
    %add3A_65 = arith.addf %add3A_63, %mul3A_64 : f32
    %get3A_66 = arith.constant 0 : index
    %get3A_67 = arith.constant 0 : index
    %get3A_68 = vector.load %arg5[%get3A_66, %get3A_67] : memref<1x1xf32, #tpu.memory_space<vmem>>, vector<1x1xf32>
    %add3A_69 = vector.broadcast %add3A_65 : f32 to vector<1x1xf32>
    %add3A_70 = arith.addf %add3A_69, %get3A_68 : vector<1x1xf32>
    %swap3A = arith.constant 0 : index
    %swap3A_71 = arith.constant 0 : index
    %swap3A_72 = vector.load %arg7[%swap3A, %swap3A_71] : memref<1x1xf32, #tpu.memory_space<vmem>>, vector<1x1xf32>
    tpu.vector_store %arg7[%swap3A, %swap3A_71], %add3A_70 {strides = array<i32>} : memref<1x1xf32, #tpu.memory_space<vmem>>, vector<1x1xf32>,
    %slice3A_73 = vector.extract_strided_slice %get3A_47 {offsets = [0, 0], sizes = [1, 64], strides = [1, 1]} : vector<1x67xf32> to vector<1x64xf32>
    %dot_general3A_74 = arith.constant dense<0.000000e+00> : vector<1x1024xf32>
    %dot_general3A_75 = tpu.matmul %slice3A_73, %get3A_34, %dot_general3A_74 {dimension_numbers = #tpu.dot_dimension_numbers<[1], [1], [0], [0], [0, 0, 1, 0], [], []>, precision = #tpu.contract_precision<fp32>, transpose_lhs_hint = false} : vector<1x64xf32>, vector<1024x64xf32>, vector<1x1024xf32> -> vector<1x1024xf32>
    %slice3A_76 = vector.extract_strided_slice %dot_general3A_75 {offsets = [0, 0], sizes = [1, 512], strides = [1, 1]} : vector<1x1024xf32> to vector<1x512xf32>
    %slice3A_77 = vector.extract_strided_slice %dot_general3A_75 {offsets = [0, 512], sizes = [1, 512], strides = [1, 1]} : vector<1x1024xf32> to vector<1x512xf32>
    %eq3A = vector.broadcast %reduce_min3A_11 : f32 to vector<64x64xf32>
    %eq3A_78 = arith.cmpf oeq, %dot_general3A_7, %eq3A : vector<64x64xf32>
    %jit3A = arith.constant 1.000000e+00 : f32
    %jit3A_79 = arith.constant 0.000000e+00 : f32
    %broadcast_in_dim3A_80 = vector.broadcast %jit3A : f32 to vector<64x64xf32>
    %broadcast_in_dim3A_81 = vector.broadcast %jit3A_79 : f32 to vector<64x64xf32>
    %select_n3A = arith.select %eq3A_78, %broadcast_in_dim3A_80, %broadcast_in_dim3A_81 : vector<64x64xi1>, vector<64x64xf32>
    %eq3A_82 = vector.broadcast %reduce_max3A_15 : f32 to vector<64x64xf32>
    %eq3A_83 = arith.cmpf oeq, %dot_general3A_7, %eq3A_82 : vector<64x64xf32>
    %jit3A_84 = arith.constant 1.000000e+00 : f32
    %jit3A_85 = arith.constant 0.000000e+00 : f32
    %broadcast_in_dim3A_86 = vector.broadcast %jit3A_84 : f32 to vector<64x64xf32>
    %broadcast_in_dim3A_87 = vector.broadcast %jit3A_85 : f32 to vector<64x64xf32>
    %select_n3A_88 = arith.select %eq3A_83, %broadcast_in_dim3A_86, %broadcast_in_dim3A_87 : vector<64x64xi1>, vector<64x64xf32>
    %div3A_89 = arith.constant 4.096000e+03 : f32
    %div3A_90 = arith.divf %squeeze3A_57, %div3A_89 : f32
    %mul3A_91 = vector.broadcast %squeeze3A : f32 to vector<64x64xf32>
    %mul3A_92 = arith.mulf %mul3A_91, %select_n3A : vector<64x64xf32>
    %reduce_sum3A_93 = vector.shape_cast %select_n3A : vector<64x64xf32> to vector<1x64x64xf32>
    %reduce_sum3A_94 = arith.constant dense<0.000000e+00> : vector<1xf32>
    %reduce_sum3A_95 = vector.multi_reduction <add>, %reduce_sum3A_93, %reduce_sum3A_94 [1, 2] : vector<1x64x64xf32> to vector<1xf32>
    %reduce_sum3A_96 = vector.shape_cast %reduce_sum3A_95 : vector<1xf32> to vector<1x1x1xf32>
    %reduce_sum3A_97 = vector.extract %reduce_sum3A_96[0, 0, 0] : f32 from vector<1x1x1xf32>
    %div3A_98 = vector.broadcast %reduce_sum3A_97 : f32 to vector<64x64xf32>
    %div3A_99 = arith.divf %mul3A_92, %div3A_98 : vector<64x64xf32>
    %add3A_100 = vector.broadcast %div3A_90 : f32 to vector<64x64xf32>
    %add3A_101 = arith.addf %add3A_100, %div3A_99 : vector<64x64xf32>
    %mul3A_102 = vector.broadcast %squeeze3A_59 : f32 to vector<64x64xf32>
    %mul3A_103 = arith.mulf %mul3A_102, %select_n3A_88 : vector<64x64xf32>
    %reduce_sum3A_104 = vector.shape_cast %select_n3A_88 : vector<64x64xf32> to vector<1x64x64xf32>
    %reduce_sum3A_105 = arith.constant dense<0.000000e+00> : vector<1xf32>
    %reduce_sum3A_106 = vector.multi_reduction <add>, %reduce_sum3A_104, %reduce_sum3A_105 [1, 2] : vector<1x64x64xf32> to vector<1xf32>
    %reduce_sum3A_107 = vector.shape_cast %reduce_sum3A_106 : vector<1xf32> to vector<1x1x1xf32>
    %reduce_sum3A_108 = vector.extract %reduce_sum3A_107[0, 0, 0] : f32 from vector<1x1x1xf32>
    %div3A_109 = vector.broadcast %reduce_sum3A_108 : f32 to vector<64x64xf32>
    %div3A_110 = arith.divf %mul3A_103, %div3A_109 : vector<64x64xf32>
    %add3A_111 = arith.addf %add3A_101, %div3A_110 : vector<64x64xf32>
    %dot_general3A_112 = arith.constant dense<0.000000e+00> : vector<64x512xf32>
    %dot_general3A_113 = tpu.matmul %add3A_111, %slice3A_5, %dot_general3A_112 {dimension_numbers = #tpu.dot_dimension_numbers<[1], [0], [0], [1], [0, 0, 1, 1], [], []>, precision = #tpu.contract_precision<fp32>, transpose_lhs_hint = false} : vector<64x64xf32>, vector<64x512xf32>, vector<64x512xf32> -> vector<64x512xf32>
    %mul3A_114 = vector.broadcast %get3A_4 : vector<1x512xf32> to vector<64x512xf32>
    %mul3A_115 = arith.mulf %dot_general3A_113, %mul3A_114 : vector<64x512xf32>
    %div3A_116 = arith.constant 6.400000e+01 : f32
    %div3A_117 = vector.broadcast %div3A_116 : f32 to vector<1x512xf32>
    %div3A_118 = arith.divf %slice3A_76, %div3A_117 : vector<1x512xf32>
    %add3A_119 = vector.broadcast %div3A_118 : vector<1x512xf32> to vector<64x512xf32>
    %add3A_120 = arith.addf %mul3A_115, %add3A_119 : vector<64x512xf32>
    %dot_general3A_121 = arith.constant dense<0.000000e+00> : vector<64x512xf32>
    %dot_general3A_122 = tpu.matmul %add3A_111, %slice3A, %dot_general3A_121 {dimension_numbers = #tpu.dot_dimension_numbers<[0], [0], [1], [1], [0, 1, 1, 1], [], []>, precision = #tpu.contract_precision<fp32>, transpose_lhs_hint = false} : vector<64x64xf32>, vector<64x512xf32>, vector<64x512xf32> -> vector<64x512xf32>
    %mul3A_123 = vector.broadcast %get3A_4 : vector<1x512xf32> to vector<64x512xf32>
    %mul3A_124 = arith.mulf %dot_general3A_122, %mul3A_123 : vector<64x512xf32>
    %div3A_125 = arith.constant 6.400000e+01 : f32
    %div3A_126 = vector.broadcast %div3A_125 : f32 to vector<1x512xf32>
    %div3A_127 = arith.divf %slice3A_77, %div3A_126 : vector<1x512xf32>
    %add3A_128 = vector.broadcast %div3A_127 : vector<1x512xf32> to vector<64x512xf32>
    %add3A_129 = arith.addf %mul3A_124, %add3A_128 : vector<64x512xf32>
    %concatenate3A = tpu.concatenate %add3A_120, %add3A_129 in 0 : vector<64x512xf32>, vector<64x512xf32> -> vector<128x512xf32>
    %swap3A_130 = arith.constant 0 : index
    %swap3A_131 = arith.constant 0 : index
    %swap3A_132 = vector.load %arg8[%swap3A_130, %swap3A_131] : memref<128x512xf32, #tpu.memory_space<vmem>>, vector<128x512xf32>
    tpu.vector_store %arg8[%swap3A_130, %swap3A_131], %concatenate3A {strides = array<i32>} : memref<128x512xf32, #tpu.memory_space<vmem>>, vector<128x512xf32>,
    %slice3A_133 = vector.extract_strided_slice %get3A_1 {offsets = [0, 0], sizes = [128, 128], strides = [1, 1]} : vector<128x512xf32> to vector<128x128xf32>
    %gt3A = arith.constant 0.000000e+00 : f32
    %gt3A_134 = vector.broadcast %gt3A : f32 to vector<128x128xf32>
    %gt3A_135 = arith.cmpf ogt, %slice3A_133, %gt3A_134 : vector<128x128xf32>
    %slice3A_136 = vector.extract_strided_slice %concatenate3A {offsets = [0, 0], sizes = [128, 128], strides = [1, 1]} : vector<128x512xf32> to vector<128x128xf32>
    %jit3A_137 = arith.constant 0.000000e+00 : f32
    %broadcast_in_dim3A_138 = vector.broadcast %jit3A_137 : f32 to vector<128x128xf32>
    %select_n3A_139 = arith.select %gt3A_135, %slice3A_136, %broadcast_in_dim3A_138 : vector<128x128xi1>, vector<128x128xf32>
    %get3A_140 = arith.constant 0 : index
    %get3A_141 = arith.constant 0 : index
    %get3A_142 = vector.load %arg6[%get3A_140, %get3A_141] : memref<128x128xf32, #tpu.memory_space<vmem>>, vector<128x128xf32>
    %dot_general3A_143 = arith.constant dense<0.000000e+00> : vector<128x128xf32>
    %dot_general3A_144 = tpu.matmul %select_n3A_139, %get3A_142, %dot_general3A_143 {dimension_numbers = #tpu.dot_dimension_numbers<[1], [1], [0], [0], [0, 0, 1, 0], [], []>, precision = #tpu.contract_precision<fp32>, transpose_lhs_hint = false} : vector<128x128xf32>, vector<128x128xf32>, vector<128x128xf32> -> vector<128x128xf32>
    %swap3A_145 = arith.constant 0 : index
    %swap3A_146 = arith.constant 0 : index
    %swap3A_147 = vector.load %arg9[%swap3A_145, %swap3A_146] : memref<128x128xf32, #tpu.memory_space<vmem>>, vector<128x128xf32>
    tpu.vector_store %arg9[%swap3A_145, %swap3A_146], %dot_general3A_144 {strides = array<i32>} : memref<128x128xf32, #tpu.memory_space<vmem>>, vector<128x128xf32>,
    return
  }
}

module attributes {stable_mosaic.version = 14 : i64} {
  func.func @_bwd_body(%arg0: i32, %arg1: memref<1x1024x128xf32, #tpu.memory_space<vmem>>, %arg2: memref<1x1024x128xf32, #tpu.memory_space<vmem>>, %arg3: memref<1024x128xf32, #tpu.memory_space<vmem>>, %arg4: memref<128x128xf32, #tpu.memory_space<vmem>>, %arg5: memref<128x128xf32, #tpu.memory_space<vmem>>, %arg6: memref<1024x128xf32, #tpu.memory_space<vmem>>, %arg7: memref<1024x128xf32, #tpu.memory_space<vmem>>) attributes {dimension_semantics = [#tpu.dimension_semantics<arbitrary>], iteration_bounds = array<i64: 11>, scalar_prefetch = 0 : i64, scratch_operands = 0 : i64, tpu.core_type = #tpu.core_type<tc>, window_params = [{transform_indices = @transform_0, window_bounds = array<i64: 1, 1024, 128>}, {transform_indices = @transform_1, window_bounds = array<i64: 1, 1024, 128>}, {transform_indices = @transform_2, window_bounds = array<i64: 1024, 128>}, {pipeline_mode = #tpu.pipeline_mode<synchronous>, transform_indices = @transform_3, window_bounds = array<i64: 128, 128>}, {pipeline_mode = #tpu.pipeline_mode<synchronous>, transform_indices = @transform_4, window_bounds = array<i64: 128, 128>}, {transform_indices = @transform_5, window_bounds = array<i64: 1024, 128>}, {transform_indices = @transform_6, window_bounds = array<i64: 1024, 128>}]} {
    %get3A = arith.constant 0 : index
    %get3A_0 = arith.constant 0 : index
    %get3A_1 = arith.constant 0 : index
    %get3A_2 = vector.load %arg1[%get3A, %get3A_0, %get3A_1] : memref<1x1024x128xf32, #tpu.memory_space<vmem>>, vector<1x1024x128xf32>
    %get3A_3 = vector.shape_cast %get3A_2 : vector<1x1024x128xf32> to vector<1024x128xf32>
    %get3A_4 = arith.constant 0 : index
    %get3A_5 = arith.constant 0 : index
    %get3A_6 = arith.constant 0 : index
    %get3A_7 = vector.load %arg2[%get3A_4, %get3A_5, %get3A_6] : memref<1x1024x128xf32, #tpu.memory_space<vmem>>, vector<1x1024x128xf32>
    %get3A_8 = vector.shape_cast %get3A_7 : vector<1x1024x128xf32> to vector<1024x128xf32>
    %add3A = arith.addf %get3A_3, %get3A_8 : vector<1024x128xf32>
    %swap3A = arith.constant 0 : index
    %swap3A_9 = arith.constant 0 : index
    %swap3A_10 = vector.load %arg6[%swap3A, %swap3A_9] : memref<1024x128xf32, #tpu.memory_space<vmem>>, vector<1024x128xf32>
    tpu.vector_store %arg6[%swap3A, %swap3A_9], %add3A {strides = array<i32>} : memref<1024x128xf32, #tpu.memory_space<vmem>>, vector<1024x128xf32>,
    %get3A_11 = arith.constant 0 : index
    %get3A_12 = arith.constant 0 : index
    %get3A_13 = vector.load %arg3[%get3A_11, %get3A_12] : memref<1024x128xf32, #tpu.memory_space<vmem>>, vector<1024x128xf32>
    %gt3A = arith.constant 0.000000e+00 : f32
    %gt3A_14 = vector.broadcast %gt3A : f32 to vector<1024x128xf32>
    %gt3A_15 = arith.cmpf ogt, %get3A_13, %gt3A_14 : vector<1024x128xf32>
    %jit3A = arith.constant 0.000000e+00 : f32
    %broadcast_in_dim3A = vector.broadcast %jit3A : f32 to vector<1024x128xf32>
    %select_n3A = arith.select %gt3A_15, %add3A, %broadcast_in_dim3A : vector<1024x128xi1>, vector<1024x128xf32>
    %get3A_16 = arith.constant 0 : index
    %get3A_17 = arith.constant 0 : index
    %get3A_18 = vector.load %arg4[%get3A_16, %get3A_17] : memref<128x128xf32, #tpu.memory_space<vmem>>, vector<128x128xf32>
    %dot_general3A = arith.constant dense<0.000000e+00> : vector<1024x128xf32>
    %dot_general3A_19 = tpu.matmul %select_n3A, %get3A_18, %dot_general3A {dimension_numbers = #tpu.dot_dimension_numbers<[1], [1], [0], [0], [0, 0, 1, 0], [], []>, transpose_lhs_hint = false} : vector<1024x128xf32>, vector<128x128xf32>, vector<1024x128xf32> -> vector<1024x128xf32>
    %swap3A_20 = arith.constant 0 : index
    %swap3A_21 = arith.constant 0 : index
    %swap3A_22 = vector.load %arg7[%swap3A_20, %swap3A_21] : memref<1024x128xf32, #tpu.memory_space<vmem>>, vector<1024x128xf32>
    tpu.vector_store %arg7[%swap3A_20, %swap3A_21], %dot_general3A_19 {strides = array<i32>} : memref<1024x128xf32, #tpu.memory_space<vmem>>, vector<1024x128xf32>,
    %eq3A = arith.constant 10 : i32
    %eq3A_23 = arith.cmpi eq, %arg0, %eq3A : i32
    %convert_element_type3A = arith.extui %eq3A_23 : i1 to i32
    %cond3A = arith.constant 0 : i32
    %cond3A_24 = arith.cmpi ne, %convert_element_type3A, %cond3A : i32
    scf.if %cond3A_24 {
      %get3A_25 = arith.constant 0 : index
      %get3A_26 = arith.constant 0 : index
      %get3A_27 = vector.load %arg5[%get3A_25, %get3A_26] : memref<128x128xf32, #tpu.memory_space<vmem>>, vector<128x128xf32>
      %swap3A_28 = arith.constant 0 : index
      %swap3A_29 = arith.constant 0 : index
      %swap3A_30 = vector.load %arg7[%swap3A_28, %swap3A_29] : memref<1024x128xf32, #tpu.memory_space<vmem>>, vector<128x128xf32>
      tpu.vector_store %arg7[%swap3A_28, %swap3A_29], %get3A_27 {strides = array<i32>} : memref<1024x128xf32, #tpu.memory_space<vmem>>, vector<128x128xf32>,
    } else {
    }
    return
  }
  func.func @transform_0(%arg0: i32) -> (i32, i32, i32) {
    %min3A = arith.constant 9 : i32
    %min3A_0 = arith.minsi %arg0, %min3A : i32
    %c0_i32 = arith.constant 0 : i32
    %c0_i32_1 = arith.constant 0 : i32
    %c0_i32_2 = arith.constant 0 : i32
    return %c0_i32, %min3A_0, %c0_i32_1 : i32, i32, i32
  }
  func.func @transform_1(%arg0: i32) -> (i32, i32, i32) {
    %min3A = arith.constant 9 : i32
    %min3A_0 = arith.minsi %arg0, %min3A : i32
    %c1_i32 = arith.constant 1 : i32
    %c0_i32 = arith.constant 0 : i32
    %c0_i32_1 = arith.constant 0 : i32
    return %c1_i32, %min3A_0, %c0_i32 : i32, i32, i32
  }
  func.func @transform_2(%arg0: i32) -> (i32, i32) {
    %min3A = arith.constant 9 : i32
    %min3A_0 = arith.minsi %arg0, %min3A : i32
    %c0_i32 = arith.constant 0 : i32
    %c0_i32_1 = arith.constant 0 : i32
    return %min3A_0, %c0_i32 : i32, i32
  }
  func.func @transform_3(%arg0: i32) -> (i32, i32) {
    %c0_i32 = arith.constant 0 : i32
    %c0_i32_0 = arith.constant 0 : i32
    %c0_i32_1 = arith.constant 0 : i32
    return %c0_i32, %c0_i32_0 : i32, i32
  }
  func.func @transform_4(%arg0: i32) -> (i32, i32) {
    %c0_i32 = arith.constant 0 : i32
    %c0_i32_0 = arith.constant 0 : i32
    %c0_i32_1 = arith.constant 0 : i32
    return %c0_i32, %c0_i32_0 : i32, i32
  }
  func.func @transform_5(%arg0: i32) -> (i32, i32) {
    %min3A = arith.constant 9 : i32
    %min3A_0 = arith.minsi %arg0, %min3A : i32
    %c0_i32 = arith.constant 0 : i32
    %c0_i32_1 = arith.constant 0 : i32
    return %min3A_0, %c0_i32 : i32, i32
  }
  func.func @transform_6(%arg0: i32) -> (i32, i32) {
    %c0_i32 = arith.constant 0 : i32
    %c0_i32_0 = arith.constant 0 : i32
    return %arg0, %c0_i32 : i32, i32
  }
}

module attributes {stable_mosaic.version = 14 : i64} {
  func.func @_add_body(%arg0: i32, %arg1: memref<1x1024x128xf32, #tpu.memory_space<vmem>>, %arg2: memref<1x1024x128xf32, #tpu.memory_space<vmem>>, %arg3: memref<1024x128xf32, #tpu.memory_space<vmem>>) attributes {dimension_semantics = [#tpu.dimension_semantics<arbitrary>], iteration_bounds = array<i64: 10>, scalar_prefetch = 0 : i64, scratch_operands = 0 : i64, tpu.core_type = #tpu.core_type<tc>, window_params = [{transform_indices = @transform_0, window_bounds = array<i64: 1, 1024, 128>}, {transform_indices = @transform_1, window_bounds = array<i64: 1, 1024, 128>}, {transform_indices = @transform_2, window_bounds = array<i64: 1024, 128>}]} {
    %get3A = arith.constant 0 : index
    %get3A_0 = arith.constant 0 : index
    %get3A_1 = arith.constant 0 : index
    %get3A_2 = vector.load %arg1[%get3A, %get3A_0, %get3A_1] : memref<1x1024x128xf32, #tpu.memory_space<vmem>>, vector<1x1024x128xf32>
    %get3A_3 = vector.shape_cast %get3A_2 : vector<1x1024x128xf32> to vector<1024x128xf32>
    %get3A_4 = arith.constant 0 : index
    %get3A_5 = arith.constant 0 : index
    %get3A_6 = arith.constant 0 : index
    %get3A_7 = vector.load %arg2[%get3A_4, %get3A_5, %get3A_6] : memref<1x1024x128xf32, #tpu.memory_space<vmem>>, vector<1x1024x128xf32>
    %get3A_8 = vector.shape_cast %get3A_7 : vector<1x1024x128xf32> to vector<1024x128xf32>
    %add3A = arith.addf %get3A_3, %get3A_8 : vector<1024x128xf32>
    %swap3A = arith.constant 0 : index
    %swap3A_9 = arith.constant 0 : index
    %swap3A_10 = vector.load %arg3[%swap3A, %swap3A_9] : memref<1024x128xf32, #tpu.memory_space<vmem>>, vector<1024x128xf32>
    tpu.vector_store %arg3[%swap3A, %swap3A_9], %add3A {strides = array<i32>} : memref<1024x128xf32, #tpu.memory_space<vmem>>, vector<1024x128xf32>,
    return
  }
  func.func @transform_0(%arg0: i32) -> (i32, i32, i32) {
    %c0_i32 = arith.constant 0 : i32
    %c0_i32_0 = arith.constant 0 : i32
    %c0_i32_1 = arith.constant 0 : i32
    return %c0_i32, %arg0, %c0_i32_0 : i32, i32, i32
  }
  func.func @transform_1(%arg0: i32) -> (i32, i32, i32) {
    %c1_i32 = arith.constant 1 : i32
    %c0_i32 = arith.constant 0 : i32
    %c0_i32_0 = arith.constant 0 : i32
    return %c1_i32, %arg0, %c0_i32 : i32, i32, i32
  }
  func.func @transform_2(%arg0: i32) -> (i32, i32) {
    %c0_i32 = arith.constant 0 : i32
    %c0_i32_0 = arith.constant 0 : i32
    return %arg0, %c0_i32 : i32, i32
  }
}

</mosaic_0001>

<sc_bundles>
// kernel: kernel.17.cloned.1.call-start
scs
__scs_entry_jumppad:
0x0: {  	(pc) =	sbr.rel $0x88, $3  }
0x1: {  	(tag) =	ssettag $0x0;
	lr =	simm.s32 $0x1  }
0x2: {  	[smem:$0x3F92] =	sst lr;
	_ =	strace $0xD0000000  }
0x3: {  	_ = 	snop  }
0x4: {  	_ = 	snop  }
0x5: {  	_ = 	snop  }
0x6: {  	_ = 	snop  }
0x7: {  	_ = 	snop  }
__scs_overlays_trampoline_lowered:
0x8: {  	[smem:$0x3FA1] =	sst s0  }
0x9: {  	[smem:$0x3FA2] =	sst s1  }
0xa: {  	[smem:$0x3FA3] =	sst s2  }
0xb: {  	[smem:$0x3FA4] =	sst s3  }
0xc: {  	[smem:$0x3FA5] =	sst s4  }
0xd: {  	[smem:$0x3FA6] =	sst s5  }
0xe: {  	[smem:$0x3FA7] =	sst s6  }
0xf: {  	[smem:$0x3FA8] =	sst s7  }
0x10: {  	[smem:$0x3FA9] =	sst s8  }
0x11: {  	[smem:$0x3FAA] =	sst s9;
	s0 =	simm.s32 @!p0 $0x0  }
0x12: {  	s1 =	sld [smem:$0x3F90];
	s0 =	simm.s32 @p0 $0x1  }
0x13: {  	[smem:$0x3FAB] =	sst s0;
	s0 =	simm.s32 @!p1 $0x0  }
0x14: {  	s2 =	sld [smem:$0x3F8F];
	s0 =	simm.s32 @p1 $0x1  }
0x15: {  	[smem:$0x3FAC] =	sst s0;
	s0 =	simm.s32 @!p2 $0x0  }
0x16: {  	s3 =	sld [smem:$0x3FDB];
	s0 =	simm.s32 @p2 $0x1  }
0x17: {  	s4 =	simm.s32 $0x1BF5;
	[smem:$0x3FAE] =	sst s0  }
0x18: {  	s0 =	sld [smem:$0x3F91];
	_ =	swait.ge [sflag:s4], $0x0  }
0x19: {  	s7 =	sld [smem:$0x3F92]  }
0x1a: {  	s8 =	sadd.s32 $0xFFFFE003, lr  }
0x1b: {  	s9 =	sadd.s32 $0xFFFFFEF7, lr;
	s5 =	simm.s32 $0xFFFFFFFF;
	p2 =	slt.u32 s8, $0xFFFFF086  }
0x1c: {  	p1 =	slt.u32 s9, $0xF7A;
	s5 =	simm.s32 @!p2 $0x0  }
0x1d: {  	s5 =	simm.s32 @p1 $0x1;
	p0 =	seq.s32 s7, s2  }
0x1e: {  	s7 =	smul.u32 @!p0 $0xF7A, s2;
	p2 =	seq.s32 @!p0 s5, $0x0  }
0x1f: {  	s9 =	smul.u32 $0xF7A, s1;
	s8 =	simm.s32 @!p0 $0x1BF5;
	p2 =	por !p2, p0  }
0x20: {  	[sflag:s8] =	ssyncset.s32 @!p0 $0xFFFFF086;
	s6 =	sadd.s32 @!p0 s3, s7;
	s7 =	simm.s32 @!p0 $0x108  }
0x21: {  	s3 =	sadd.s32 s3, s9;
	s6 =	sadd.s32 @!p0 $0x88, s6;
	s7 =	simm.s32 @p2 $0x1082  }
0x22: {  	[simem:s7], [sflag:s8] =	dma.local @!p0 [hbm:s6], $0xF7A  }
0x23: {  	s9 =	sor.u32 $0xD0000000, s2;
	s6 =	simm.s32 $0x108;
	_ =	swait.ge @!p0 [sflag:s8], $0x0  }
0x24: {  	s3 =	sadd.s32 $0x88, s3;
	s6 =	simm.s32 @!p1 $0x1082;
	[sflag:s4] =	ssyncset.s32 $0xFFFFF086  }
0x25: {  	[simem:s6], [sflag:s4] =	dma.local [hbm:s3], $0xF7A  }
0x26: {  	[smem:$0x3F92] =	sst s1;
	(tag) =	ssettag s2;
	_ =	strace s9  }
0x27: {  	s1 =	sld [smem:$0x3FA2]  }
0x28: {  	s2 =	sld [smem:$0x3FA3]  }
0x29: {  	s4 =	sld [smem:$0x3FA5]  }
0x2a: {  	p0 =	seq.s32 s5, $0x0;
	s5 =	sld [smem:$0x3FA6]  }
0x2b: {  	s6 =	sld [smem:$0x3FA7]  }
0x2c: {  	s7 =	sld [smem:$0x3FA8]  }
0x2d: {  	s3 =	simm.s32 $0x108;
	s8 =	sld [smem:$0x3FA9]  }
0x2e: {  	s3 =	simm.s32 @!p0 $0x1082;
	s9 =	sld [smem:$0x3FAA]  }
0x2f: {  	lr =	sadd.s32 s0, s3;
	s0 =	sld [smem:$0x3FA1]  }
0x30: {  	s3 =	sld [smem:$0x3FA4]  }
0x31: {  	[smem:$0x3FAD] =	sst s10  }
0x32: {  	s10 =	sld [smem:$0x3FAB];
	_ =	sdelay $0x3  }
0x33: {  	p0 =	seq.s32 s10, $0x1;
	s10 =	sld [smem:$0x3FAD];
	_ =	sdelay $0x3  }
0x34: {  	[smem:$0x3FAD] =	sst s10  }
0x35: {  	s10 =	sld [smem:$0x3FAC];
	_ =	sdelay $0x3  }
0x36: {  	p1 =	seq.s32 s10, $0x1;
	s10 =	sld [smem:$0x3FAD];
	_ =	sdelay $0x3  }
0x37: {  	[smem:$0x3FAD] =	sst s10  }
0x38: {  	s10 =	sld [smem:$0x3FAE]  }
0x39: {  	_ = 	snop;
	(pc) =	sbr.ind lr, $3  }
0x3a: {  	_ = 	snop  }
0x3b: {  	_ = 	snop  }
0x3c: {  	p2 =	seq.s32 s10, $0x1;
	s10 =	sld [smem:$0x3FAD]  }
0x3d: {  	_ =	shalt  }
0x3e: {  	_ =	shalt  }
0x3f: {  	_ =	shalt  }
0x40: {  	_ =	shalt  }
0x41: {  	_ =	shalt  }
0x42: {  	_ =	shalt  }
0x43: {  	_ =	shalt  }
0x44: {  	_ =	shalt  }
0x45: {  	_ =	shalt  }
0x46: {  	_ =	shalt  }
0x47: {  	_ =	shalt  }
0x48: {  	_ =	shalt  }
0x49: {  	_ =	shalt  }
0x4a: {  	_ =	shalt  }
0x4b: {  	_ =	shalt  }
0x4c: {  	_ =	shalt  }
0x4d: {  	_ =	shalt  }
0x4e: {  	_ =	shalt  }
0x4f: {  	_ =	shalt  }
0x50: {  	_ =	shalt  }
0x51: {  	_ =	shalt  }
0x52: {  	_ =	shalt  }
0x53: {  	_ =	shalt  }
0x54: {  	_ =	shalt  }
0x55: {  	_ =	shalt  }
0x56: {  	_ =	shalt  }
0x57: {  	_ =	shalt  }
0x58: {  	_ =	shalt  }
0x59: {  	_ =	shalt  }
0x5a: {  	_ =	shalt  }
0x5b: {  	_ =	shalt  }
0x5c: {  	_ =	shalt  }
0x5d: {  	_ =	shalt  }
0x5e: {  	_ =	shalt  }
0x5f: {  	_ =	shalt  }
0x60: {  	_ =	shalt  }
0x61: {  	_ =	shalt  }
0x62: {  	_ =	shalt  }
0x63: {  	_ =	shalt  }
0x64: {  	_ =	shalt  }
0x65: {  	_ =	shalt  }
0x66: {  	_ =	shalt  }
0x67: {  	_ =	shalt  }
0x68: {  	_ =	shalt  }
0x69: {  	_ =	shalt  }
0x6a: {  	_ =	shalt  }
0x6b: {  	_ =	shalt  }
0x6c: {  	_ =	shalt  }
0x6d: {  	_ =	shalt  }
0x6e: {  	_ =	shalt  }
0x6f: {  	_ =	shalt  }
0x70: {  	_ =	shalt  }
0x71: {  	_ =	shalt  }
0x72: {  	_ =	shalt  }
0x73: {  	_ =	shalt  }
0x74: {  	_ =	shalt  }
0x75: {  	_ =	shalt  }
0x76: {  	_ =	shalt  }
0x77: {  	_ =	shalt  }
0x78: {  	_ =	shalt  }
0x79: {  	_ =	shalt  }
0x7a: {  	_ =	shalt  }
0x7b: {  	_ =	shalt  }
0x7c: {  	_ =	shalt  }
0x7d: {  	_ =	shalt  }
0x7e: {  	_ =	shalt  }
0x7f: {  	_ =	shalt  }
0x80: {  	_ =	shalt  }
0x81: {  	_ =	shalt  }
0x82: {  	_ =	shalt  }
0x83: {  	_ =	shalt  }
0x84: {  	_ =	shalt  }
0x85: {  	_ =	shalt  }
0x86: {  	_ =	shalt  }
0x87: {  	_ =	shalt  }
.Lfunc_end0:
.L_simem_size_0:
called_computation_lowered:
.L_overlay_start_0:
0x88: {  	s2 =	sld [smem:$0x3FD9]  }
0x89: {  	s3 =	sld [smem:$0x3FFE];
	_ =	sdelay $0x1  }
0x8a: {  	s1 =	srdreg.scid  }
0x8b: {  	s0 =	sand.u32 $0x1, s1  }
0x8c: {  	s14 =	sshll.u32 s0, $0xA;
	s2 =	sadd.s32 s3, s2  }
0x8d: {  	s2 =	sadd.s32 s2, s14  }
0x8e: {  	[smem:$0x3FB9] =	sst s2  }
0x8f: {  	_ = 	snop  }
0x90: {  	s2 =	sld [smem:$0x3FD0];
	_ =	sdelay $0x2  }
0x91: {  	s4 =	simm.s32 $0xA;
	s5 =	simm.s32 $0x10;
	s15 =	sld [smem:$0x3FC9]  }
0x92: {  	[smem:s5], [sflag:s4] =	dma.local [hbm:s2], $0x1  }
0x93: {  	_ =	swait.eq [sflag:s4], $0x1  }
0x94: {  	[sflag:s4] =	ssyncset.done $0x0  }
0x95: {  	s16 =	sld [smem:$0x12];
	[sflag:s4] =	ssyncadd.s32 $0xFFFFFFFF  }
0x96: {  	s17 =	sld [smem:$0x13];
	(tm) =	ssettm $0x1  }
0x97: {  	s18 =	sld [smem:$0x3FFB];
	_ =	sdelay $0x3  }
0x98: {  	_ =	strace s18  }
0x99: {  	s5 =	sld [smem:$0x3FFC];
	_ =	sdelay $0x3  }
0x9a: {  	_ =	strace s5  }
0x9b: {  	s5 =	sld [smem:$0x3FFD];
	_ =	sdelay $0x3  }
0x9c: {  	_ =	strace s5  }
0x9d: {  	_ =	strace $0x8FFFFFFF  }
0x9e: {  	s19 =	sld [smem:$0x3FDB];
	_ =	sdelay $0x1  }
0x9f: {  	s6 =	simm.s32 $_scs_section_size  }
0xa0: {  	s7 =	simm.s32 $_size__tile_overlayer_lowered;
	s8 =	simm.s32 $_tile_overlayer_lowered  }
0xa1: {  	s22 =	simm.s32 $0x1BFF;
	s21 =	sshll.u32 s8, $0x1;
	s5 =	sadd.s32 s6, s19  }
0xa2: {  	s9 =	simm.s32 $0x0;
	s20 =	sshll.u32 s7, $0x1;
	s7 =	sadd.s32 s21, s5  }
0xa3: {  	[timem:s9], [sflag:s22] =	dma.local [hbm:s7], s20  }
0xa4: {  	_ =	swait.ge [sflag:s22], s20  }
0xa5: {  	s6 =	ssub.s32 $0x0, s20;
	[sflag:s22] =	ssyncset.done $0x0  }
0xa6: {  	[sflag:s22] =	ssyncadd.s32 s6;
	_ =	sdelay $0x1  }
0xa7: {  	s23 =	simm.s32 $0x1B8B  }
0xa8: {  	_ =	swait.ge [sflag:s23], $0x1  }
0xa9: {  	[sflag:s23] =	ssyncset.done $0x0  }
0xaa: {  	s25 =	simm.s32 $0x1B8E;
	s24 =	sld [smem:$0x3FFE];
	[sflag:s23] =	ssyncadd.s32 $0xFFFFFFFF  }
0xab: {  	s26 =	simm.s32 $execute0_lowered;
	[smem:$0x3FD2] =	sst s25  }
0xac: {  	s7 =	sshll.u32 s26, $0x1;
	_ =	strace $0x80000046;
	[dreg:$0x1] =	wrdreg $0xFFFFFFFF  }
0xad: {  	s28 =	simm.s32 $_size_execute0_lowered;
	s5 =	sadd.s32 s5, s7;
	[dreg:$0x0] =	wrdreg $0x0  }
0xae: {  	s7 =	sshll.u32 s28, $0x1;
	[dreg:$0x2] =	wrdreg s5  }
0xaf: {  	[dreg:$0x3] =	wrdreg s7  }
0xb0: {  	[dreg:$0x4] =	wrdreg $0xC0  }
0xb1: {  	_ =	task [dreg:s9], $0x5FFFF  }
0xb2: {  	[dreg:$0x1] =	wrdreg $0xFFFFFFFF  }
0xb3: {  	[dreg:$0x0] =	wrdreg $0x60  }
0xb4: {  	[dreg:$0x2] =	wrdreg s15  }
0xb5: {  	[dreg:$0x3] =	wrdreg s17  }
0xb6: {  	[dreg:$0x4] =	wrdreg s16  }
0xb7: {  	[dreg:$0x5] =	wrdreg s24  }
0xb8: {  	[dreg:$0x6] =	wrdreg $0xA8000  }
0xb9: {  	[dreg:$0x7] =	wrdreg $0x9  }
0xba: {  	_ =	task.clear_ibuf [dreg:s9], $0x8FFFF;
	_ =	strace $0x90000046  }
0xbb: {  	s29 =	simm.s32 $0x9;
	_ =	strace $0x80000048  }
0xbc: {  	_ =	swait.ge [sflag:s29], $0x1  }
0xbd: {  	[sflag:s29] =	ssyncadd.s32 $0xFFFFFFFF  }
0xbe: {  	_ =	strace $0x90000048  }
0xbf: {  	_ =	sfence  }
0xc0: {  	s30 =	sld [smem:$0x0];
	_ =	sdelay $0x2  }
0xc1: {  	s31 =	sshll.u32 s1, $0xD;
	s1 =	sshrl.u32 s1, $0x2  }
0xc2: {  	s3 =	sand.u32 $0x4000, s31;
	s1 =	sadd.s32 s1, s30  }
0xc3: {  	s0 =	sor.u32 s3, s0;
	s1 =	sshll.u32 s1, $0x11  }
0xc4: {  	s0 =	sor.u32 s1, s0  }
0xc5: {  	s0 =	sadd.s32 $0x8F2B, s0  }
0xc6: {  	[sflag:s0] =	ssyncadd.remote.s32 $0x1  }
0xc7: {  	_ =	sfence.sel $0xFFFF  }
0xc8: {  	[dreg:$0x0] =	wrdreg $0xFFFFFFFF;
	(pc) =	sbr.abs _section_cstart, $3  }
0xc9: {  	[dreg:$0x1] =	wrdreg $0xFFFFFFFF  }
0xca: {  	_ =	task.clear_ibuf [dreg:s9], $0x2FFFF;
	_ =	strace $0x9FFFFFFF  }
0xcb: {  	(tm) =	ssettm $0x7FFFFFFF  }
tec
execute0_lowered:
.L_overlay_start_1:
0x0: {  	(tag) =	ssettag $0x1  }
0x1: {  	s0 =	rddreg [dreg:$0x0]  }
0x2: {  	s9 =	rddreg [dreg:$0x1]  }
0x3: {  	s10 =	rddreg [dreg:$0x2]  }
0x4: {  	s5 =	rddreg [dreg:$0x3]  }
0x5: {  	s3 =	rddreg [dreg:$0x4]  }
0x6: {  	s1 =	stileid.u32;
	s7 =	srdreg.scid  }
0x7: {  	s2 =	rddreg [dreg:$0x5];
	s4 =	simm.s32 $0x0;
	s17 =	simm.s32 $0x2800  }
0x8: {  	s18 =	simm.s32 $0x6800;
	s19 =	simm.s32 $0x1;
	s20 =	simm.s32 $0x2  }
0x9: {  	s21 =	simm.s32 $0x1380;
	s22 =	simm.s32 $0x2700;
	s23 =	simm.s32 $0x2780  }
0xa: {  	s24 =	simm.s32 $0x0;
	s6 =	smul.u32 $0x14000, s1;
	s7 =	sand.u32 $0x1, s7  }
0xb: {  	[smem:$0x7FF] =	sst s4;
	s25 =	sshll.u32 s1, $0x1;
	s12 =	smul.u32 $0x50000, s1  }
0xc: {  	s28 =	sshll.u32 s1, $0x6;
	s11 =	smul.u32 $0x140000, s7;
	_ =	strace $0x80000047  }
0xd: {  	s13 =	ssub.s32 $0x2, s7;
	s7 =	sor.u32 s7, s25;
	s8 =	sshrl.u32 s6, $0x3  }
0xe: {  	s26 =	sshrl.u32 s13, $0x1;
	s12 =	sshrl.u32 s12, $0x2;
	s14 =	smul.u32 $0x2800, s7  }
0xf: {  	s29 =	smul.u32 $0x500, s7;
	s8 =	sadd.s32 s8, s5;
	s6 =	sadd.s32 s6, s11  }
0x10: {  	s13 =	ssub.s32 s13, s26;
	s16 =	sadd.s32 s12, s3;
	s6 =	sshrl.u32 s6, $0x3  }
0x11: {  	s30 =	sshrl.u32 s14, $0x3;
	s7 =	sadd.s32 s9, s29;
	s12 =	smax.u32 s13, $0x1  }
0x12: {  	s13 =	sshrl.u32 s16, $0x3;
	s14 =	simm.s32 $0x3;
	s16 =	simm.s32 $0x80  }
0x13: {  	s15 =	sadd.s32 s6, s5;
	s5 =	sadd.s32 $0x7000, s8;
	s31 =	sadd.s32 $0x280, s30  }
0x14: {  	s6 =	sor.u32 $0x1C03, s28;
	s8 =	sadd.s32 s10, s29;
	s9 =	sadd.s32 s9, s31  }
0x15: {  	s10 =	sadd.s32 s10, s31;
	s11 =	sadd.s32 $0x2F000, s15;
	s15 =	simm.s32 $0x1400  }
.LBB2_1:
0x16: {  	[spmem:s13], [sflag:s6] =	dma.local [hbm:s5], $0x2800  }
0x17: {  	_ =	swait.ge [sflag:s14], $0x2800  }
0x18: {  	[sflag:s14] =	ssyncset.done $0x0  }
0x19: {  	[sflag:s14] =	ssyncadd.s32 $0xFFFFD800  }
0x1a: {  	[bflag:$0x0] =	sbarrier.arrive $0xFFFF  }
0x1b: {  	[tilespmem:s4], [sflag:$0x3] =	stream.linear.gather [hbm4b:s7+s4], $0x1400, $0x38;
	[tilespmem:$0x1E800] =	vst v63  }
0x1c: {  	_ =	swait.ge [sflag:s14], $0x1400  }
0x1d: {  	[sflag:s14] =	ssyncset.done $0x0  }
0x1e: {  	[sflag:s14] =	ssyncadd.s32 $0xFFFFEC00  }
0x1f: {  	[tilespmem:s15], [sflag:$0x3] =	stream.linear.gather [hbm4b:s8+s4], $0x1400, $0x38;
	[tilespmem:$0x1E800] =	vst v63  }
0x20: {  	_ =	swait.ge [sflag:s14], $0x1400  }
0x21: {  	[sflag:s14] =	ssyncset.done $0x0  }
0x22: {  	[sflag:s14] =	ssyncadd.s32 $0xFFFFEC00  }
0x23: {  	[tilespmem:s17], [sflag:$0x1] =	stream.indirect.gather [hbm4b:s0+s16], $0x80, s4, s16, $0xb8;
	[tilespmem:$0x1E800] =	vst v63  }
0x24: {  	s25 =	simm.s32 $0x80  }
0x25: {  	[tilespmem:s18], [sflag:$0x2] =	stream.indirect.gather [hbm4b:s0+s16], $0x80, s25, s16, $0xb8;
	[tilespmem:$0x1E800] =	vst v63  }
0x26: {  	_ =	swait.ge [sflag:s19], $0x4000  }
0x27: {  	[sflag:s19] =	ssyncset.done $0x0  }
0x28: {  	s29 =	simm.s32 $0x1400;
	[sflag:s19] =	ssyncadd.s32 $0xFFFFC000  }
0x29: {  	[spmem:s3] =	stream.indirect.scatter.add.f32 [tilespmem:s17], [sflag:$0x3], $0x80, s29, s16, $0xb8;
	[tilespmem:$0x1E800] =	vst v63  }
0x2a: {  	_ =	swait.ge [sflag:s14], $0x4000  }
0x2b: {  	[sflag:s14] =	ssyncset.done $0x0  }
0x2c: {  	s30 =	simm.s32 $0x100;
	[sflag:s14] =	ssyncadd.s32 $0xFFFFC000  }
0x2d: {  	[tilespmem:s17], [sflag:$0x1] =	stream.indirect.gather [hbm4b:s0+s16], $0x80, s30, s16, $0xb8;
	[tilespmem:$0x1E800] =	vst v63  }
0x2e: {  	_ =	swait.ge [sflag:s20], $0x4000  }
0x2f: {  	[sflag:s20] =	ssyncset.done $0x0  }
0x30: {  	s31 =	simm.s32 $0x1480;
	[sflag:s20] =	ssyncadd.s32 $0xFFFFC000  }
0x31: {  	[spmem:s3] =	stream.indirect.scatter.add.f32 [tilespmem:s18], [sflag:$0x3], $0x80, s31, s16, $0xb8;
	[tilespmem:$0x1E800] =	vst v63  }
0x32: {  	_ =	swait.ge [sflag:s14], $0x4000  }
0x33: {  	s26 =	simm.s32 $0x800;
	s25 =	simm.s32 $0x100;
	[sflag:s14] =	ssyncset.done $0x0  }
.LBB2_2:
0x34: {  	s28 =	sadd.s32 $0x80, s25  }
0x35: {  	[sflag:s14] =	ssyncadd.s32 $0xFFFFC000;
	s29 =	smov.u32 s26;
	s30 =	sadd.s32 $0x400, s26  }
0x36: {  	[tilespmem:s18], [sflag:$0x2] =	stream.indirect.gather [hbm4b:s0+s16], $0x80, s28, s16, $0xb8;
	[tilespmem:$0x1E800] =	vst v63  }
0x37: {  	p0 =	sne.s32 s26, $0x4800;
	_ =	swait.ge [sflag:s19], $0x4000  }
0x38: {  	[sflag:s19] =	ssyncset.done $0x0  }
0x39: {  	s26 =	sadd.s32 $0x1400, s25;
	[sflag:s19] =	ssyncadd.s32 $0xFFFFC000  }
0x3a: {  	[spmem:s3] =	stream.indirect.scatter.add.f32 [tilespmem:s17], [sflag:$0x3], $0x80, s26, s16, $0xb8;
	[tilespmem:$0x1E800] =	vst v63  }
0x3b: {  	_ =	swait.ge [sflag:s14], $0x4000  }
0x3c: {  	[sflag:s14] =	ssyncset.done $0x0  }
0x3d: {  	s26 =	sadd.s32 $0x100, s25;
	[sflag:s14] =	ssyncadd.s32 $0xFFFFC000  }
0x3e: {  	[tilespmem:s17], [sflag:$0x1] =	stream.indirect.gather [hbm4b:s0+s16], $0x80, s26, s16, $0xb8;
	[tilespmem:$0x1E800] =	vst v63  }
0x3f: {  	_ =	swait.ge [sflag:s20], $0x4000  }
.Ltmp0:
0x40: {  	[sflag:s20] =	ssyncset.done $0x0;
	(pc) =	sbr.rel @p0 .LBB2_2-.Ltmp0, $4  }
0x41: {  	s25 =	sadd.s32 $0x1480, s25;
	[sflag:s20] =	ssyncadd.s32 $0xFFFFC000  }
0x42: {  	[spmem:s3] =	stream.indirect.scatter.add.f32 [tilespmem:s18], [sflag:$0x3], $0x80, s25, s16, $0xb8;
	[tilespmem:$0x1E800] =	vst v63  }
0x43: {  	_ =	swait.ge [sflag:s14], $0x4000  }
0x44: {  	s26 =	smov.u32 s30;
	s25 =	sshra.s32 s29, $0x2;
	[sflag:s14] =	ssyncset.done $0x0  }
0x45: {  	s26 =	sadd.s32 $0x80, s25;
	[sflag:s14] =	ssyncadd.s32 $0xFFFFC000  }
0x46: {  	[tilespmem:s18], [sflag:$0x2] =	stream.indirect.gather [hbm4b:s0+s16], $0x80, s26, s16, $0xb8;
	[tilespmem:$0x1E800] =	vst v63  }
0x47: {  	_ =	swait.ge [sflag:s19], $0x4000  }
0x48: {  	[sflag:s19] =	ssyncset.done $0x0  }
0x49: {  	s29 =	sadd.s32 $0x1400, s25;
	[sflag:s19] =	ssyncadd.s32 $0xFFFFC000  }
0x4a: {  	[spmem:s3] =	stream.indirect.scatter.add.f32 [tilespmem:s17], [sflag:$0x3], $0x80, s29, s16, $0xb8;
	[tilespmem:$0x1E800] =	vst v63  }
0x4b: {  	_ =	swait.ge [sflag:s14], $0x4000  }
0x4c: {  	[sflag:s14] =	ssyncset.done $0x0  }
0x4d: {  	s30 =	sadd.s32 $0x100, s25;
	[sflag:s14] =	ssyncadd.s32 $0xFFFFC000  }
0x4e: {  	[tilespmem:s17], [sflag:$0x1] =	stream.indirect.gather [hbm4b:s0+s16], $0x80, s30, s16, $0xb8;
	[tilespmem:$0x1E800] =	vst v63  }
0x4f: {  	_ =	swait.ge [sflag:s20], $0x4000  }
0x50: {  	[sflag:s20] =	ssyncset.done $0x0  }
0x51: {  	s31 =	sadd.s32 $0x1480, s25;
	[sflag:s20] =	ssyncadd.s32 $0xFFFFC000  }
0x52: {  	[spmem:s3] =	stream.indirect.scatter.add.f32 [tilespmem:s18], [sflag:$0x3], $0x80, s31, s16, $0xb8;
	[tilespmem:$0x1E800] =	vst v63  }
0x53: {  	_ =	swait.ge [sflag:s14], $0x4000  }
0x54: {  	[sflag:s14] =	ssyncset.done $0x0  }
0x55: {  	[sflag:s14] =	ssyncadd.s32 $0xFFFFC000  }
0x56: {  	[tilespmem:s18], [sflag:$0x2] =	stream.indirect.gather [hbm4b:s0+s16], $0x80, s21, s16, $0xb8;
	[tilespmem:$0x1E800] =	vst v63  }
0x57: {  	_ =	swait.ge [sflag:s19], $0x4000  }
0x58: {  	[sflag:s19] =	ssyncset.done $0x0  }
0x59: {  	[sflag:s19] =	ssyncadd.s32 $0xFFFFC000  }
0x5a: {  	[spmem:s3] =	stream.indirect.scatter.add.f32 [tilespmem:s17], [sflag:$0x3], $0x80, s22, s16, $0xb8;
	[tilespmem:$0x1E800] =	vst v63  }
0x5b: {  	_ =	swait.ge [sflag:s14], $0x4000  }
0x5c: {  	[sflag:s14] =	ssyncset.done $0x0  }
0x5d: {  	[sflag:s14] =	ssyncadd.s32 $0xFFFFC000  }
0x5e: {  	_ =	swait.ge [sflag:s20], $0x4000  }
0x5f: {  	[sflag:s20] =	ssyncset.done $0x0  }
0x60: {  	[sflag:s20] =	ssyncadd.s32 $0xFFFFC000  }
0x61: {  	[spmem:s3] =	stream.indirect.scatter.add.f32 [tilespmem:s18], [sflag:$0x3], $0x80, s23, s16, $0xb8;
	[tilespmem:$0x1E800] =	vst v63  }
0x62: {  	_ =	swait.ge [sflag:s14], $0x4000  }
0x63: {  	[sflag:s14] =	ssyncset.done $0x0  }
0x64: {  	s26 =	simm.s32 $0x0;
	[sflag:s14] =	ssyncadd.s32 $0xFFFFC000  }
0x65: {  	[tilespmem:s26], [sflag:$0x3] =	stream.linear.gather [hbm4b:s9+s26], $0x1400, $0x38;
	[tilespmem:$0x1E800] =	vst v63  }
0x66: {  	_ =	swait.ge [sflag:s14], $0x1400  }
0x67: {  	[sflag:s14] =	ssyncset.done $0x0  }
0x68: {  	[sflag:s14] =	ssyncadd.s32 $0xFFFFEC00  }
0x69: {  	[tilespmem:s15], [sflag:$0x3] =	stream.linear.gather [hbm4b:s10+s26], $0x1400, $0x38;
	[tilespmem:$0x1E800] =	vst v63  }
0x6a: {  	_ =	swait.ge [sflag:s14], $0x1400  }
0x6b: {  	[sflag:s14] =	ssyncset.done $0x0  }
0x6c: {  	[sflag:s14] =	ssyncadd.s32 $0xFFFFEC00  }
0x6d: {  	[tilespmem:s17], [sflag:$0x1] =	stream.indirect.gather [hbm4b:s0+s16], $0x80, s26, s16, $0xb8;
	[tilespmem:$0x1E800] =	vst v63  }
0x6e: {  	s28 =	simm.s32 $0x80  }
0x6f: {  	[tilespmem:s18], [sflag:$0x2] =	stream.indirect.gather [hbm4b:s0+s16], $0x80, s28, s16, $0xb8;
	[tilespmem:$0x1E800] =	vst v63  }
0x70: {  	_ =	swait.ge [sflag:s19], $0x4000  }
0x71: {  	[sflag:s19] =	ssyncset.done $0x0  }
0x72: {  	s29 =	simm.s32 $0x1400;
	[sflag:s19] =	ssyncadd.s32 $0xFFFFC000  }
0x73: {  	[spmem:s3] =	stream.indirect.scatter.add.f32 [tilespmem:s17], [sflag:$0x3], $0x80, s29, s16, $0xb8;
	[tilespmem:$0x1E800] =	vst v63  }
0x74: {  	_ =	swait.ge [sflag:s14], $0x4000  }
0x75: {  	[sflag:s14] =	ssyncset.done $0x0  }
0x76: {  	s30 =	simm.s32 $0x100;
	[sflag:s14] =	ssyncadd.s32 $0xFFFFC000  }
0x77: {  	[tilespmem:s17], [sflag:$0x1] =	stream.indirect.gather [hbm4b:s0+s16], $0x80, s30, s16, $0xb8;
	[tilespmem:$0x1E800] =	vst v63  }
0x78: {  	_ =	swait.ge [sflag:s20], $0x4000  }
0x79: {  	[sflag:s20] =	ssyncset.done $0x0  }
0x7a: {  	s31 =	simm.s32 $0x1480;
	[sflag:s20] =	ssyncadd.s32 $0xFFFFC000  }
0x7b: {  	[spmem:s3] =	stream.indirect.scatter.add.f32 [tilespmem:s18], [sflag:$0x3], $0x80, s31, s16, $0xb8;
	[tilespmem:$0x1E800] =	vst v63  }
0x7c: {  	_ =	swait.ge [sflag:s14], $0x4000  }
0x7d: {  	s25 =	simm.s32 $0x100;
	s26 =	simm.s32 $0x800;
	[sflag:s14] =	ssyncset.done $0x0  }
.LBB2_4:
0x7e: {  	s28 =	sadd.s32 $0x80, s25  }
0x7f: {  	[sflag:s14] =	ssyncadd.s32 $0xFFFFC000;
	s29 =	smov.u32 s26;
	s30 =	sadd.s32 $0x400, s26  }
0x80: {  	[tilespmem:s18], [sflag:$0x2] =	stream.indirect.gather [hbm4b:s0+s16], $0x80, s28, s16, $0xb8;
	[tilespmem:$0x1E800] =	vst v63  }
0x81: {  	p0 =	sne.s32 s26, $0x4800;
	_ =	swait.ge [sflag:s19], $0x4000  }
0x82: {  	[sflag:s19] =	ssyncset.done $0x0  }
0x83: {  	s26 =	sadd.s32 $0x1400, s25;
	[sflag:s19] =	ssyncadd.s32 $0xFFFFC000  }
0x84: {  	[spmem:s3] =	stream.indirect.scatter.add.f32 [tilespmem:s17], [sflag:$0x3], $0x80, s26, s16, $0xb8;
	[tilespmem:$0x1E800] =	vst v63  }
0x85: {  	_ =	swait.ge [sflag:s14], $0x4000  }
0x86: {  	[sflag:s14] =	ssyncset.done $0x0  }
0x87: {  	s26 =	sadd.s32 $0x100, s25;
	[sflag:s14] =	ssyncadd.s32 $0xFFFFC000  }
0x88: {  	[tilespmem:s17], [sflag:$0x1] =	stream.indirect.gather [hbm4b:s0+s16], $0x80, s26, s16, $0xb8;
	[tilespmem:$0x1E800] =	vst v63  }
0x89: {  	_ =	swait.ge [sflag:s20], $0x4000  }
.Ltmp1:
0x8a: {  	[sflag:s20] =	ssyncset.done $0x0;
	(pc) =	sbr.rel @p0 .LBB2_4-.Ltmp1, $4  }
0x8b: {  	s25 =	sadd.s32 $0x1480, s25;
	[sflag:s20] =	ssyncadd.s32 $0xFFFFC000  }
0x8c: {  	[spmem:s3] =	stream.indirect.scatter.add.f32 [tilespmem:s18], [sflag:$0x3], $0x80, s25, s16, $0xb8;
	[tilespmem:$0x1E800] =	vst v63  }
0x8d: {  	_ =	swait.ge [sflag:s14], $0x4000  }
0x8e: {  	s26 =	smov.u32 s30;
	s25 =	sshra.s32 s29, $0x2;
	[sflag:s14] =	ssyncset.done $0x0  }
0x8f: {  	s26 =	sadd.s32 $0x80, s25;
	[sflag:s14] =	ssyncadd.s32 $0xFFFFC000  }
0x90: {  	[tilespmem:s18], [sflag:$0x2] =	stream.indirect.gather [hbm4b:s0+s16], $0x80, s26, s16, $0xb8;
	[tilespmem:$0x1E800] =	vst v63  }
0x91: {  	_ =	swait.ge [sflag:s19], $0x4000  }
0x92: {  	[sflag:s19] =	ssyncset.done $0x0  }
0x93: {  	s29 =	sadd.s32 $0x1400, s25;
	[sflag:s19] =	ssyncadd.s32 $0xFFFFC000  }
0x94: {  	[spmem:s3] =	stream.indirect.scatter.add.f32 [tilespmem:s17], [sflag:$0x3], $0x80, s29, s16, $0xb8;
	[tilespmem:$0x1E800] =	vst v63  }
0x95: {  	_ =	swait.ge [sflag:s14], $0x4000  }
0x96: {  	[sflag:s14] =	ssyncset.done $0x0  }
0x97: {  	s30 =	sadd.s32 $0x100, s25;
	[sflag:s14] =	ssyncadd.s32 $0xFFFFC000  }
0x98: {  	[tilespmem:s17], [sflag:$0x1] =	stream.indirect.gather [hbm4b:s0+s16], $0x80, s30, s16, $0xb8;
	[tilespmem:$0x1E800] =	vst v63  }
0x99: {  	_ =	swait.ge [sflag:s20], $0x4000  }
0x9a: {  	[sflag:s20] =	ssyncset.done $0x0  }
0x9b: {  	s31 =	sadd.s32 $0x1480, s25;
	[sflag:s20] =	ssyncadd.s32 $0xFFFFC000  }
0x9c: {  	[spmem:s3] =	stream.indirect.scatter.add.f32 [tilespmem:s18], [sflag:$0x3], $0x80, s31, s16, $0xb8;
	[tilespmem:$0x1E800] =	vst v63  }
0x9d: {  	_ =	swait.ge [sflag:s14], $0x4000  }
0x9e: {  	[sflag:s14] =	ssyncset.done $0x0  }
0x9f: {  	[sflag:s14] =	ssyncadd.s32 $0xFFFFC000  }
0xa0: {  	[tilespmem:s18], [sflag:$0x2] =	stream.indirect.gather [hbm4b:s0+s16], $0x80, s21, s16, $0xb8;
	[tilespmem:$0x1E800] =	vst v63  }
0xa1: {  	_ =	swait.ge [sflag:s19], $0x4000  }
0xa2: {  	[sflag:s19] =	ssyncset.done $0x0  }
0xa3: {  	[sflag:s19] =	ssyncadd.s32 $0xFFFFC000  }
0xa4: {  	[spmem:s3] =	stream.indirect.scatter.add.f32 [tilespmem:s17], [sflag:$0x3], $0x80, s22, s16, $0xb8;
	[tilespmem:$0x1E800] =	vst v63  }
0xa5: {  	_ =	swait.ge [sflag:s14], $0x4000  }
0xa6: {  	[sflag:s14] =	ssyncset.done $0x0  }
0xa7: {  	[sflag:s14] =	ssyncadd.s32 $0xFFFFC000  }
0xa8: {  	_ =	swait.ge [sflag:s20], $0x4000  }
0xa9: {  	[sflag:s20] =	ssyncset.done $0x0  }
0xaa: {  	[sflag:s20] =	ssyncadd.s32 $0xFFFFC000  }
0xab: {  	[spmem:s3] =	stream.indirect.scatter.add.f32 [tilespmem:s18], [sflag:$0x3], $0x80, s23, s16, $0xb8;
	[tilespmem:$0x1E800] =	vst v63  }
0xac: {  	_ =	swait.ge [sflag:s14], $0x4000  }
0xad: {  	s24 =	sadd.s32 $0x1, s24;
	[sflag:s14] =	ssyncset.done $0x0  }
0xae: {  	p0 =	sne.s32 s24, s12;
	[sflag:s14] =	ssyncadd.s32 $0xFFFFC000  }
.Ltmp2:
0xaf: {  	[bflag:$0x0] =	sbarrier.arrive $0xFFFF;
	(pc) =	sbr.rel @p0 .LBB2_1-.Ltmp2, $4  }
0xb0: {  	[hbm:s11], [sflag:s6] =	dma.local [spmem:s13], $0x2800  }
0xb1: {  	_ =	swait.ge [sflag:s14], $0x2800  }
0xb2: {  	[sflag:s14] =	ssyncset.done $0x0  }
0xb3: {  	[sflag:s14] =	ssyncadd.s32 $0xFFFFD800  }
0xb4: {  	_ =	sfence.sel $0x180000  }
0xb5: {  	[bflag:$0x0] =	sbarrier.arrive $0xFFFF  }
0xb6: {  	p0 =	sne.s32 s1, $0x0;
	_ =	strace $0x90000047  }
0xb7: {  	s0 =	sadd.s32 @!p0 $0x100000, s2;
	[bflag:$0x2] =	sbarrier.arrive $0xFFFF  }
0xb8: {  	[sflag:s0] =	ssyncadd.tile.s32 @!p0 $0x1;
	_ =	shalt  }
.Lfunc_end2:
_tile_overlayer_lowered:
.L_overlay_start_2:
0xb9: {  	(tag) =	ssettag $0x2  }
0xba: {  	s0 =	rddreg [dreg:$0x0];
	s2 =	stileid.u32  }
0xbb: {  	s1 =	rddreg [dreg:$0x1];
	p0 =	sne.s32 s2, $0x0  }
0xbc: {  	s3 =	rddreg [dreg:$0x2];
	[bflag:$0x3] =	sbarrier.arrive $0xFFFF;
	s2 =	simm.s32 @!p0 $0x1C03  }
0xbd: {  	[timem:s3], [sflag:s2] =	dma.local @!p0 [hbm:s0], s1  }
0xbe: {  	s0 =	simm.s32 @!p0 $0x3  }
0xbf: {  	_ =	swait.ge @!p0 [sflag:s0], s1  }
0xc0: {  	s1 =	ssub.s32 @!p0 $0x0, s1;
	[sflag:s0] =	ssyncset.done @!p0 $0x0  }
0xc1: {  	[sflag:s0] =	ssyncadd.s32 @!p0 s1  }
0xc2: {  	[bflag:$0x3] =	sbarrier.arrive $0xFFFF  }
0xc3: {  	_ =	shalt  }

// kernel: kernel.20.cloned.1.call-start
scs
__scs_entry_jumppad:
0x0: {  	(pc) =	sbr.rel $0x88, $3  }
0x1: {  	(tag) =	ssettag $0x0;
	lr =	simm.s32 $0x1  }
0x2: {  	[smem:$0x3F92] =	sst lr;
	_ =	strace $0xD0000000  }
0x3: {  	_ = 	snop  }
0x4: {  	_ = 	snop  }
0x5: {  	_ = 	snop  }
0x6: {  	_ = 	snop  }
0x7: {  	_ = 	snop  }
__scs_overlays_trampoline_lowered:
0x8: {  	[smem:$0x3FA1] =	sst s0  }
0x9: {  	[smem:$0x3FA2] =	sst s1  }
0xa: {  	[smem:$0x3FA3] =	sst s2  }
0xb: {  	[smem:$0x3FA4] =	sst s3  }
0xc: {  	[smem:$0x3FA5] =	sst s4  }
0xd: {  	[smem:$0x3FA6] =	sst s5  }
0xe: {  	[smem:$0x3FA7] =	sst s6  }
0xf: {  	[smem:$0x3FA8] =	sst s7  }
0x10: {  	[smem:$0x3FA9] =	sst s8  }
0x11: {  	[smem:$0x3FAA] =	sst s9;
	s0 =	simm.s32 @!p0 $0x0  }
0x12: {  	s1 =	sld [smem:$0x3F90];
	s0 =	simm.s32 @p0 $0x1  }
0x13: {  	[smem:$0x3FAB] =	sst s0;
	s0 =	simm.s32 @!p1 $0x0  }
0x14: {  	s2 =	sld [smem:$0x3F8F];
	s0 =	simm.s32 @p1 $0x1  }
0x15: {  	[smem:$0x3FAC] =	sst s0;
	s0 =	simm.s32 @!p2 $0x0  }
0x16: {  	s3 =	sld [smem:$0x3FDB];
	s0 =	simm.s32 @p2 $0x1  }
0x17: {  	s4 =	simm.s32 $0x1BF5;
	[smem:$0x3FAE] =	sst s0  }
0x18: {  	s0 =	sld [smem:$0x3F91];
	_ =	swait.ge [sflag:s4], $0x0  }
0x19: {  	s7 =	sld [smem:$0x3F92]  }
0x1a: {  	s8 =	sadd.s32 $0xFFFFE003, lr  }
0x1b: {  	s9 =	sadd.s32 $0xFFFFFEF7, lr;
	s5 =	simm.s32 $0xFFFFFFFF;
	p2 =	slt.u32 s8, $0xFFFFF086  }
0x1c: {  	p1 =	slt.u32 s9, $0xF7A;
	s5 =	simm.s32 @!p2 $0x0  }
0x1d: {  	s5 =	simm.s32 @p1 $0x1;
	p0 =	seq.s32 s7, s2  }
0x1e: {  	s7 =	smul.u32 @!p0 $0xF7A, s2;
	p2 =	seq.s32 @!p0 s5, $0x0  }
0x1f: {  	s9 =	smul.u32 $0xF7A, s1;
	s8 =	simm.s32 @!p0 $0x1BF5;
	p2 =	por !p2, p0  }
0x20: {  	[sflag:s8] =	ssyncset.s32 @!p0 $0xFFFFF086;
	s6 =	sadd.s32 @!p0 s3, s7;
	s7 =	simm.s32 @!p0 $0x108  }
0x21: {  	s3 =	sadd.s32 s3, s9;
	s6 =	sadd.s32 @!p0 $0x88, s6;
	s7 =	simm.s32 @p2 $0x1082  }
0x22: {  	[simem:s7], [sflag:s8] =	dma.local @!p0 [hbm:s6], $0xF7A  }
0x23: {  	s9 =	sor.u32 $0xD0000000, s2;
	s6 =	simm.s32 $0x108;
	_ =	swait.ge @!p0 [sflag:s8], $0x0  }
0x24: {  	s3 =	sadd.s32 $0x88, s3;
	s6 =	simm.s32 @!p1 $0x1082;
	[sflag:s4] =	ssyncset.s32 $0xFFFFF086  }
0x25: {  	[simem:s6], [sflag:s4] =	dma.local [hbm:s3], $0xF7A  }
0x26: {  	[smem:$0x3F92] =	sst s1;
	(tag) =	ssettag s2;
	_ =	strace s9  }
0x27: {  	s1 =	sld [smem:$0x3FA2]  }
0x28: {  	s2 =	sld [smem:$0x3FA3]  }
0x29: {  	s4 =	sld [smem:$0x3FA5]  }
0x2a: {  	p0 =	seq.s32 s5, $0x0;
	s5 =	sld [smem:$0x3FA6]  }
0x2b: {  	s6 =	sld [smem:$0x3FA7]  }
0x2c: {  	s7 =	sld [smem:$0x3FA8]  }
0x2d: {  	s3 =	simm.s32 $0x108;
	s8 =	sld [smem:$0x3FA9]  }
0x2e: {  	s3 =	simm.s32 @!p0 $0x1082;
	s9 =	sld [smem:$0x3FAA]  }
0x2f: {  	lr =	sadd.s32 s0, s3;
	s0 =	sld [smem:$0x3FA1]  }
0x30: {  	s3 =	sld [smem:$0x3FA4]  }
0x31: {  	[smem:$0x3FAD] =	sst s10  }
0x32: {  	s10 =	sld [smem:$0x3FAB];
	_ =	sdelay $0x3  }
0x33: {  	p0 =	seq.s32 s10, $0x1;
	s10 =	sld [smem:$0x3FAD];
	_ =	sdelay $0x3  }
0x34: {  	[smem:$0x3FAD] =	sst s10  }
0x35: {  	s10 =	sld [smem:$0x3FAC];
	_ =	sdelay $0x3  }
0x36: {  	p1 =	seq.s32 s10, $0x1;
	s10 =	sld [smem:$0x3FAD];
	_ =	sdelay $0x3  }
0x37: {  	[smem:$0x3FAD] =	sst s10  }
0x38: {  	s10 =	sld [smem:$0x3FAE]  }
0x39: {  	_ = 	snop;
	(pc) =	sbr.ind lr, $3  }
0x3a: {  	_ = 	snop  }
0x3b: {  	_ = 	snop  }
0x3c: {  	p2 =	seq.s32 s10, $0x1;
	s10 =	sld [smem:$0x3FAD]  }
0x3d: {  	_ =	shalt  }
0x3e: {  	_ =	shalt  }
0x3f: {  	_ =	shalt  }
0x40: {  	_ =	shalt  }
0x41: {  	_ =	shalt  }
0x42: {  	_ =	shalt  }
0x43: {  	_ =	shalt  }
0x44: {  	_ =	shalt  }
0x45: {  	_ =	shalt  }
0x46: {  	_ =	shalt  }
0x47: {  	_ =	shalt  }
0x48: {  	_ =	shalt  }
0x49: {  	_ =	shalt  }
0x4a: {  	_ =	shalt  }
0x4b: {  	_ =	shalt  }
0x4c: {  	_ =	shalt  }
0x4d: {  	_ =	shalt  }
0x4e: {  	_ =	shalt  }
0x4f: {  	_ =	shalt  }
0x50: {  	_ =	shalt  }
0x51: {  	_ =	shalt  }
0x52: {  	_ =	shalt  }
0x53: {  	_ =	shalt  }
0x54: {  	_ =	shalt  }
0x55: {  	_ =	shalt  }
0x56: {  	_ =	shalt  }
0x57: {  	_ =	shalt  }
0x58: {  	_ =	shalt  }
0x59: {  	_ =	shalt  }
0x5a: {  	_ =	shalt  }
0x5b: {  	_ =	shalt  }
0x5c: {  	_ =	shalt  }
0x5d: {  	_ =	shalt  }
0x5e: {  	_ =	shalt  }
0x5f: {  	_ =	shalt  }
0x60: {  	_ =	shalt  }
0x61: {  	_ =	shalt  }
0x62: {  	_ =	shalt  }
0x63: {  	_ =	shalt  }
0x64: {  	_ =	shalt  }
0x65: {  	_ =	shalt  }
0x66: {  	_ =	shalt  }
0x67: {  	_ =	shalt  }
0x68: {  	_ =	shalt  }
0x69: {  	_ =	shalt  }
0x6a: {  	_ =	shalt  }
0x6b: {  	_ =	shalt  }
0x6c: {  	_ =	shalt  }
0x6d: {  	_ =	shalt  }
0x6e: {  	_ =	shalt  }
0x6f: {  	_ =	shalt  }
0x70: {  	_ =	shalt  }
0x71: {  	_ =	shalt  }
0x72: {  	_ =	shalt  }
0x73: {  	_ =	shalt  }
0x74: {  	_ =	shalt  }
0x75: {  	_ =	shalt  }
0x76: {  	_ =	shalt  }
0x77: {  	_ =	shalt  }
0x78: {  	_ =	shalt  }
0x79: {  	_ =	shalt  }
0x7a: {  	_ =	shalt  }
0x7b: {  	_ =	shalt  }
0x7c: {  	_ =	shalt  }
0x7d: {  	_ =	shalt  }
0x7e: {  	_ =	shalt  }
0x7f: {  	_ =	shalt  }
0x80: {  	_ =	shalt  }
0x81: {  	_ =	shalt  }
0x82: {  	_ =	shalt  }
0x83: {  	_ =	shalt  }
0x84: {  	_ =	shalt  }
0x85: {  	_ =	shalt  }
0x86: {  	_ =	shalt  }
0x87: {  	_ =	shalt  }
.Lfunc_end0:
.L_simem_size_0:
called_computation.1_lowered:
.L_overlay_start_0:
0x88: {  	s2 =	sld [smem:$0x3FD9]  }
0x89: {  	s3 =	sld [smem:$0x3FFE];
	_ =	sdelay $0x1  }
0x8a: {  	s1 =	srdreg.scid  }
0x8b: {  	s0 =	sand.u32 $0x1, s1  }
0x8c: {  	s14 =	sshll.u32 s0, $0xA;
	s2 =	sadd.s32 s3, s2  }
0x8d: {  	s2 =	sadd.s32 s2, s14  }
0x8e: {  	[smem:$0x3FB9] =	sst s2  }
0x8f: {  	_ = 	snop  }
0x90: {  	s2 =	sld [smem:$0x3FD0];
	_ =	sdelay $0x2  }
0x91: {  	s15 =	simm.s32 $0xA;
	s4 =	simm.s32 $0x10  }
0x92: {  	[smem:s4], [sflag:s15] =	dma.local [hbm:s2], $0x1  }
0x93: {  	_ =	swait.eq [sflag:s15], $0x1  }
0x94: {  	[sflag:s15] =	ssyncset.done $0x0  }
0x95: {  	s16 =	sld [smem:$0x12];
	[sflag:s15] =	ssyncadd.s32 $0xFFFFFFFF  }
0x96: {  	s17 =	sld [smem:$0x13];
	(tm) =	ssettm $0x1  }
0x97: {  	s18 =	sld [smem:$0x3FFB];
	_ =	sdelay $0x3  }
0x98: {  	_ =	strace s18  }
0x99: {  	s4 =	sld [smem:$0x3FFC];
	_ =	sdelay $0x3  }
0x9a: {  	_ =	strace s4  }
0x9b: {  	s4 =	sld [smem:$0x3FFD];
	_ =	sdelay $0x3  }
0x9c: {  	_ =	strace s4  }
0x9d: {  	_ =	strace $0x8FFFFFFF  }
0x9e: {  	s19 =	sld [smem:$0x3FDB];
	_ =	sdelay $0x1  }
0x9f: {  	s5 =	simm.s32 $_scs_section_size  }
0xa0: {  	s6 =	simm.s32 $_size__tile_overlayer_lowered;
	s7 =	simm.s32 $_tile_overlayer_lowered  }
0xa1: {  	s22 =	simm.s32 $0x1BFF;
	s21 =	sshll.u32 s7, $0x1;
	s4 =	sadd.s32 s5, s19  }
0xa2: {  	s8 =	simm.s32 $0x0;
	s20 =	sshll.u32 s6, $0x1;
	s6 =	sadd.s32 s21, s4  }
0xa3: {  	[timem:s8], [sflag:s22] =	dma.local [hbm:s6], s20  }
0xa4: {  	_ =	swait.ge [sflag:s22], s20  }
0xa5: {  	s5 =	ssub.s32 $0x0, s20;
	[sflag:s22] =	ssyncset.done $0x0  }
0xa6: {  	[sflag:s22] =	ssyncadd.s32 s5;
	_ =	sdelay $0x1  }
0xa7: {  	s23 =	simm.s32 $0x1B8B  }
0xa8: {  	_ =	swait.ge [sflag:s23], $0x1  }
0xa9: {  	[sflag:s23] =	ssyncset.done $0x0  }
0xaa: {  	s25 =	simm.s32 $0x1B8E;
	s24 =	sld [smem:$0x3FFE];
	[sflag:s23] =	ssyncadd.s32 $0xFFFFFFFF  }
0xab: {  	s26 =	simm.s32 $execute0_lowered;
	[smem:$0x3FD2] =	sst s25  }
0xac: {  	s6 =	sshll.u32 s26, $0x1;
	_ =	strace $0x80000049;
	[dreg:$0x1] =	wrdreg $0xFFFFFFFF  }
0xad: {  	s28 =	simm.s32 $_size_execute0_lowered;
	s4 =	sadd.s32 s4, s6;
	[dreg:$0x0] =	wrdreg $0x0  }
0xae: {  	s6 =	sshll.u32 s28, $0x1;
	[dreg:$0x2] =	wrdreg s4  }
0xaf: {  	[dreg:$0x3] =	wrdreg s6  }
0xb0: {  	[dreg:$0x4] =	wrdreg $0xC0  }
0xb1: {  	_ =	task [dreg:s8], $0x5FFFF  }
0xb2: {  	[dreg:$0x1] =	wrdreg $0xFFFFFFFF  }
0xb3: {  	[dreg:$0x0] =	wrdreg $0x60  }
0xb4: {  	[dreg:$0x2] =	wrdreg s24  }
0xb5: {  	[dreg:$0x3] =	wrdreg s17  }
0xb6: {  	[dreg:$0x4] =	wrdreg s16  }
0xb7: {  	[dreg:$0x5] =	wrdreg $0xA8000  }
0xb8: {  	[dreg:$0x6] =	wrdreg $0x9  }
0xb9: {  	_ =	task.clear_ibuf [dreg:s8], $0x7FFFF;
	_ =	strace $0x90000049  }
0xba: {  	s29 =	simm.s32 $0x9;
	_ =	strace $0x8000004B  }
0xbb: {  	_ =	swait.ge [sflag:s29], $0x1  }
0xbc: {  	[sflag:s29] =	ssyncadd.s32 $0xFFFFFFFF  }
0xbd: {  	_ =	strace $0x9000004B  }
0xbe: {  	_ =	sfence  }
0xbf: {  	s30 =	sld [smem:$0x0];
	_ =	sdelay $0x2  }
0xc0: {  	s31 =	sshll.u32 s1, $0xD;
	s1 =	sshrl.u32 s1, $0x2  }
0xc1: {  	s3 =	sand.u32 $0x4000, s31;
	s1 =	sadd.s32 s1, s30  }
0xc2: {  	s0 =	sor.u32 s3, s0;
	s1 =	sshll.u32 s1, $0x11  }
0xc3: {  	s0 =	sor.u32 s1, s0  }
0xc4: {  	s0 =	sadd.s32 $0x8F2B, s0  }
0xc5: {  	[sflag:s0] =	ssyncadd.remote.s32 $0x1  }
0xc6: {  	_ =	sfence.sel $0xFFFF  }
0xc7: {  	[dreg:$0x0] =	wrdreg $0xFFFFFFFF;
	(pc) =	sbr.abs _section_cstart, $3  }
0xc8: {  	[dreg:$0x1] =	wrdreg $0xFFFFFFFF  }
0xc9: {  	_ =	task.clear_ibuf [dreg:s8], $0x2FFFF;
	_ =	strace $0x9FFFFFFF  }
0xca: {  	(tm) =	ssettm $0x7FFFFFFF  }
0xcb: {  	_ =	shalt  }
tec
execute0_lowered:
.L_overlay_start_1:
0x0: {  	(tag) =	ssettag $0x1  }
0x1: {  	s5 =	rddreg [dreg:$0x0]  }
0x2: {  	s9 =	rddreg [dreg:$0x1]  }
0x3: {  	s10 =	rddreg [dreg:$0x2]  }
0x4: {  	s2 =	rddreg [dreg:$0x3];
	s0 =	stileid.u32  }
0x5: {  	s4 =	srdreg.scid;
	s1 =	rddreg [dreg:$0x4]  }
0x6: {  	s3 =	simm.s32 $0x0;
	s17 =	simm.s32 $0x2800;
	s18 =	simm.s32 $0x6800  }
0x7: {  	s19 =	simm.s32 $0x1;
	s20 =	simm.s32 $0x2;
	s21 =	simm.s32 $0x1380  }
0x8: {  	s22 =	simm.s32 $0x2700;
	s23 =	simm.s32 $0x2780;
	s24 =	simm.s32 $0x0  }
0x9: {  	s6 =	smul.u32 $0x14000, s0;
	s7 =	sand.u32 $0x1, s4;
	[smem:$0x7FF] =	sst s3  }
0xa: {  	s4 =	sadd.s32 $0x2F000, s5;
	s25 =	sshll.u32 s0, $0x1;
	s12 =	smul.u32 $0x50000, s0  }
0xb: {  	s28 =	sshll.u32 s0, $0x6;
	s11 =	smul.u32 $0x140000, s7;
	_ =	strace $0x8000004A  }
0xc: {  	s13 =	ssub.s32 $0x2, s7;
	s7 =	sor.u32 s7, s25;
	s8 =	sshrl.u32 s6, $0x3  }
0xd: {  	s26 =	sshrl.u32 s13, $0x1;
	s12 =	sshrl.u32 s12, $0x2;
	s14 =	smul.u32 $0x2800, s7  }
0xe: {  	s29 =	smul.u32 $0x500, s7;
	s8 =	sadd.s32 s8, s5;
	s6 =	sadd.s32 s6, s11  }
0xf: {  	s13 =	ssub.s32 s13, s26;
	s16 =	sadd.s32 s12, s2;
	s6 =	sshrl.u32 s6, $0x3  }
0x10: {  	s30 =	sshrl.u32 s14, $0x3;
	s7 =	sadd.s32 s9, s29;
	s12 =	smax.u32 s13, $0x1  }
0x11: {  	s13 =	sshrl.u32 s16, $0x3;
	s14 =	simm.s32 $0x3;
	s16 =	simm.s32 $0x80  }
0x12: {  	s15 =	sadd.s32 s6, s5;
	s5 =	sadd.s32 $0x7000, s8;
	s31 =	sadd.s32 $0x280, s30  }
0x13: {  	s6 =	sor.u32 $0x1C03, s28;
	s8 =	sadd.s32 s10, s29;
	s9 =	sadd.s32 s9, s31  }
0x14: {  	s10 =	sadd.s32 s10, s31;
	s11 =	sadd.s32 $0x57000, s15;
	s15 =	simm.s32 $0x1400  }
.LBB2_1:
0x15: {  	[spmem:s13], [sflag:s6] =	dma.local [hbm:s5], $0x2800  }
0x16: {  	_ =	swait.ge [sflag:s14], $0x2800  }
0x17: {  	[sflag:s14] =	ssyncset.done $0x0  }
0x18: {  	[sflag:s14] =	ssyncadd.s32 $0xFFFFD800  }
0x19: {  	[bflag:$0x0] =	sbarrier.arrive $0xFFFF  }
0x1a: {  	[tilespmem:s3], [sflag:$0x3] =	stream.linear.gather [hbm4b:s7+s3], $0x1400, $0x38;
	[tilespmem:$0x1E800] =	vst v63  }
0x1b: {  	_ =	swait.ge [sflag:s14], $0x1400  }
0x1c: {  	[sflag:s14] =	ssyncset.done $0x0  }
0x1d: {  	[sflag:s14] =	ssyncadd.s32 $0xFFFFEC00  }
0x1e: {  	[tilespmem:s15], [sflag:$0x3] =	stream.linear.gather [hbm4b:s8+s3], $0x1400, $0x38;
	[tilespmem:$0x1E800] =	vst v63  }
0x1f: {  	_ =	swait.ge [sflag:s14], $0x1400  }
0x20: {  	[sflag:s14] =	ssyncset.done $0x0  }
0x21: {  	[sflag:s14] =	ssyncadd.s32 $0xFFFFEC00  }
0x22: {  	[tilespmem:s17], [sflag:$0x1] =	stream.indirect.gather [hbm4b:s4+s16], $0x80, s3, s16, $0xb8;
	[tilespmem:$0x1E800] =	vst v63  }
0x23: {  	s25 =	simm.s32 $0x80  }
0x24: {  	[tilespmem:s18], [sflag:$0x2] =	stream.indirect.gather [hbm4b:s4+s16], $0x80, s25, s16, $0xb8;
	[tilespmem:$0x1E800] =	vst v63  }
0x25: {  	_ =	swait.ge [sflag:s19], $0x4000  }
0x26: {  	[sflag:s19] =	ssyncset.done $0x0  }
0x27: {  	s29 =	simm.s32 $0x1400;
	[sflag:s19] =	ssyncadd.s32 $0xFFFFC000  }
0x28: {  	[spmem:s2] =	stream.indirect.scatter.add.f32 [tilespmem:s17], [sflag:$0x3], $0x80, s29, s16, $0xb8;
	[tilespmem:$0x1E800] =	vst v63  }
0x29: {  	_ =	swait.ge [sflag:s14], $0x4000  }
0x2a: {  	[sflag:s14] =	ssyncset.done $0x0  }
0x2b: {  	s30 =	simm.s32 $0x100;
	[sflag:s14] =	ssyncadd.s32 $0xFFFFC000  }
0x2c: {  	[tilespmem:s17], [sflag:$0x1] =	stream.indirect.gather [hbm4b:s4+s16], $0x80, s30, s16, $0xb8;
	[tilespmem:$0x1E800] =	vst v63  }
0x2d: {  	_ =	swait.ge [sflag:s20], $0x4000  }
0x2e: {  	[sflag:s20] =	ssyncset.done $0x0  }
0x2f: {  	s31 =	simm.s32 $0x1480;
	[sflag:s20] =	ssyncadd.s32 $0xFFFFC000  }
0x30: {  	[spmem:s2] =	stream.indirect.scatter.add.f32 [tilespmem:s18], [sflag:$0x3], $0x80, s31, s16, $0xb8;
	[tilespmem:$0x1E800] =	vst v63  }
0x31: {  	_ =	swait.ge [sflag:s14], $0x4000  }
0x32: {  	s26 =	simm.s32 $0x800;
	s25 =	simm.s32 $0x100;
	[sflag:s14] =	ssyncset.done $0x0  }
.LBB2_2:
0x33: {  	s28 =	sadd.s32 $0x80, s25  }
0x34: {  	[sflag:s14] =	ssyncadd.s32 $0xFFFFC000;
	s29 =	smov.u32 s26;
	s30 =	sadd.s32 $0x400, s26  }
0x35: {  	[tilespmem:s18], [sflag:$0x2] =	stream.indirect.gather [hbm4b:s4+s16], $0x80, s28, s16, $0xb8;
	[tilespmem:$0x1E800] =	vst v63  }
0x36: {  	p0 =	sne.s32 s26, $0x4800;
	_ =	swait.ge [sflag:s19], $0x4000  }
0x37: {  	[sflag:s19] =	ssyncset.done $0x0  }
0x38: {  	s26 =	sadd.s32 $0x1400, s25;
	[sflag:s19] =	ssyncadd.s32 $0xFFFFC000  }
0x39: {  	[spmem:s2] =	stream.indirect.scatter.add.f32 [tilespmem:s17], [sflag:$0x3], $0x80, s26, s16, $0xb8;
	[tilespmem:$0x1E800] =	vst v63  }
0x3a: {  	_ =	swait.ge [sflag:s14], $0x4000  }
0x3b: {  	[sflag:s14] =	ssyncset.done $0x0  }
0x3c: {  	s26 =	sadd.s32 $0x100, s25;
	[sflag:s14] =	ssyncadd.s32 $0xFFFFC000  }
0x3d: {  	[tilespmem:s17], [sflag:$0x1] =	stream.indirect.gather [hbm4b:s4+s16], $0x80, s26, s16, $0xb8;
	[tilespmem:$0x1E800] =	vst v63  }
0x3e: {  	_ =	swait.ge [sflag:s20], $0x4000  }
.Ltmp0:
0x3f: {  	[sflag:s20] =	ssyncset.done $0x0;
	(pc) =	sbr.rel @p0 .LBB2_2-.Ltmp0, $4  }
0x40: {  	s25 =	sadd.s32 $0x1480, s25;
	[sflag:s20] =	ssyncadd.s32 $0xFFFFC000  }
0x41: {  	[spmem:s2] =	stream.indirect.scatter.add.f32 [tilespmem:s18], [sflag:$0x3], $0x80, s25, s16, $0xb8;
	[tilespmem:$0x1E800] =	vst v63  }
0x42: {  	_ =	swait.ge [sflag:s14], $0x4000  }
0x43: {  	s26 =	smov.u32 s30;
	s25 =	sshra.s32 s29, $0x2;
	[sflag:s14] =	ssyncset.done $0x0  }
0x44: {  	s26 =	sadd.s32 $0x80, s25;
	[sflag:s14] =	ssyncadd.s32 $0xFFFFC000  }
0x45: {  	[tilespmem:s18], [sflag:$0x2] =	stream.indirect.gather [hbm4b:s4+s16], $0x80, s26, s16, $0xb8;
	[tilespmem:$0x1E800] =	vst v63  }
0x46: {  	_ =	swait.ge [sflag:s19], $0x4000  }
0x47: {  	[sflag:s19] =	ssyncset.done $0x0  }
0x48: {  	s29 =	sadd.s32 $0x1400, s25;
	[sflag:s19] =	ssyncadd.s32 $0xFFFFC000  }
0x49: {  	[spmem:s2] =	stream.indirect.scatter.add.f32 [tilespmem:s17], [sflag:$0x3], $0x80, s29, s16, $0xb8;
	[tilespmem:$0x1E800] =	vst v63  }
0x4a: {  	_ =	swait.ge [sflag:s14], $0x4000  }
0x4b: {  	[sflag:s14] =	ssyncset.done $0x0  }
0x4c: {  	s30 =	sadd.s32 $0x100, s25;
	[sflag:s14] =	ssyncadd.s32 $0xFFFFC000  }
0x4d: {  	[tilespmem:s17], [sflag:$0x1] =	stream.indirect.gather [hbm4b:s4+s16], $0x80, s30, s16, $0xb8;
	[tilespmem:$0x1E800] =	vst v63  }
0x4e: {  	_ =	swait.ge [sflag:s20], $0x4000  }
0x4f: {  	[sflag:s20] =	ssyncset.done $0x0  }
0x50: {  	s31 =	sadd.s32 $0x1480, s25;
	[sflag:s20] =	ssyncadd.s32 $0xFFFFC000  }
0x51: {  	[spmem:s2] =	stream.indirect.scatter.add.f32 [tilespmem:s18], [sflag:$0x3], $0x80, s31, s16, $0xb8;
	[tilespmem:$0x1E800] =	vst v63  }
0x52: {  	_ =	swait.ge [sflag:s14], $0x4000  }
0x53: {  	[sflag:s14] =	ssyncset.done $0x0  }
0x54: {  	[sflag:s14] =	ssyncadd.s32 $0xFFFFC000  }
0x55: {  	[tilespmem:s18], [sflag:$0x2] =	stream.indirect.gather [hbm4b:s4+s16], $0x80, s21, s16, $0xb8;
	[tilespmem:$0x1E800] =	vst v63  }
0x56: {  	_ =	swait.ge [sflag:s19], $0x4000  }
0x57: {  	[sflag:s19] =	ssyncset.done $0x0  }
0x58: {  	[sflag:s19] =	ssyncadd.s32 $0xFFFFC000  }
0x59: {  	[spmem:s2] =	stream.indirect.scatter.add.f32 [tilespmem:s17], [sflag:$0x3], $0x80, s22, s16, $0xb8;
	[tilespmem:$0x1E800] =	vst v63  }
0x5a: {  	_ =	swait.ge [sflag:s14], $0x4000  }
0x5b: {  	[sflag:s14] =	ssyncset.done $0x0  }
0x5c: {  	[sflag:s14] =	ssyncadd.s32 $0xFFFFC000  }
0x5d: {  	_ =	swait.ge [sflag:s20], $0x4000  }
0x5e: {  	[sflag:s20] =	ssyncset.done $0x0  }
0x5f: {  	[sflag:s20] =	ssyncadd.s32 $0xFFFFC000  }
0x60: {  	[spmem:s2] =	stream.indirect.scatter.add.f32 [tilespmem:s18], [sflag:$0x3], $0x80, s23, s16, $0xb8;
	[tilespmem:$0x1E800] =	vst v63  }
0x61: {  	_ =	swait.ge [sflag:s14], $0x4000  }
0x62: {  	[sflag:s14] =	ssyncset.done $0x0  }
0x63: {  	s26 =	simm.s32 $0x0;
	[sflag:s14] =	ssyncadd.s32 $0xFFFFC000  }
0x64: {  	[tilespmem:s26], [sflag:$0x3] =	stream.linear.gather [hbm4b:s9+s26], $0x1400, $0x38;
	[tilespmem:$0x1E800] =	vst v63  }
0x65: {  	_ =	swait.ge [sflag:s14], $0x1400  }
0x66: {  	[sflag:s14] =	ssyncset.done $0x0  }
0x67: {  	[sflag:s14] =	ssyncadd.s32 $0xFFFFEC00  }
0x68: {  	[tilespmem:s15], [sflag:$0x3] =	stream.linear.gather [hbm4b:s10+s26], $0x1400, $0x38;
	[tilespmem:$0x1E800] =	vst v63  }
0x69: {  	_ =	swait.ge [sflag:s14], $0x1400  }
0x6a: {  	[sflag:s14] =	ssyncset.done $0x0  }
0x6b: {  	[sflag:s14] =	ssyncadd.s32 $0xFFFFEC00  }
0x6c: {  	[tilespmem:s17], [sflag:$0x1] =	stream.indirect.gather [hbm4b:s4+s16], $0x80, s26, s16, $0xb8;
	[tilespmem:$0x1E800] =	vst v63  }
0x6d: {  	s28 =	simm.s32 $0x80  }
0x6e: {  	[tilespmem:s18], [sflag:$0x2] =	stream.indirect.gather [hbm4b:s4+s16], $0x80, s28, s16, $0xb8;
	[tilespmem:$0x1E800] =	vst v63  }
0x6f: {  	_ =	swait.ge [sflag:s19], $0x4000  }
0x70: {  	[sflag:s19] =	ssyncset.done $0x0  }
0x71: {  	s29 =	simm.s32 $0x1400;
	[sflag:s19] =	ssyncadd.s32 $0xFFFFC000  }
0x72: {  	[spmem:s2] =	stream.indirect.scatter.add.f32 [tilespmem:s17], [sflag:$0x3], $0x80, s29, s16, $0xb8;
	[tilespmem:$0x1E800] =	vst v63  }
0x73: {  	_ =	swait.ge [sflag:s14], $0x4000  }
0x74: {  	[sflag:s14] =	ssyncset.done $0x0  }
0x75: {  	s30 =	simm.s32 $0x100;
	[sflag:s14] =	ssyncadd.s32 $0xFFFFC000  }
0x76: {  	[tilespmem:s17], [sflag:$0x1] =	stream.indirect.gather [hbm4b:s4+s16], $0x80, s30, s16, $0xb8;
	[tilespmem:$0x1E800] =	vst v63  }
0x77: {  	_ =	swait.ge [sflag:s20], $0x4000  }
0x78: {  	[sflag:s20] =	ssyncset.done $0x0  }
0x79: {  	s31 =	simm.s32 $0x1480;
	[sflag:s20] =	ssyncadd.s32 $0xFFFFC000  }
0x7a: {  	[spmem:s2] =	stream.indirect.scatter.add.f32 [tilespmem:s18], [sflag:$0x3], $0x80, s31, s16, $0xb8;
	[tilespmem:$0x1E800] =	vst v63  }
0x7b: {  	_ =	swait.ge [sflag:s14], $0x4000  }
0x7c: {  	s25 =	simm.s32 $0x100;
	s26 =	simm.s32 $0x800;
	[sflag:s14] =	ssyncset.done $0x0  }
.LBB2_4:
0x7d: {  	s28 =	sadd.s32 $0x80, s25  }
0x7e: {  	[sflag:s14] =	ssyncadd.s32 $0xFFFFC000;
	s29 =	smov.u32 s26;
	s30 =	sadd.s32 $0x400, s26  }
0x7f: {  	[tilespmem:s18], [sflag:$0x2] =	stream.indirect.gather [hbm4b:s4+s16], $0x80, s28, s16, $0xb8;
	[tilespmem:$0x1E800] =	vst v63  }
0x80: {  	p0 =	sne.s32 s26, $0x4800;
	_ =	swait.ge [sflag:s19], $0x4000  }
0x81: {  	[sflag:s19] =	ssyncset.done $0x0  }
0x82: {  	s26 =	sadd.s32 $0x1400, s25;
	[sflag:s19] =	ssyncadd.s32 $0xFFFFC000  }
0x83: {  	[spmem:s2] =	stream.indirect.scatter.add.f32 [tilespmem:s17], [sflag:$0x3], $0x80, s26, s16, $0xb8;
	[tilespmem:$0x1E800] =	vst v63  }
0x84: {  	_ =	swait.ge [sflag:s14], $0x4000  }
0x85: {  	[sflag:s14] =	ssyncset.done $0x0  }
0x86: {  	s26 =	sadd.s32 $0x100, s25;
	[sflag:s14] =	ssyncadd.s32 $0xFFFFC000  }
0x87: {  	[tilespmem:s17], [sflag:$0x1] =	stream.indirect.gather [hbm4b:s4+s16], $0x80, s26, s16, $0xb8;
	[tilespmem:$0x1E800] =	vst v63  }
0x88: {  	_ =	swait.ge [sflag:s20], $0x4000  }
.Ltmp1:
0x89: {  	[sflag:s20] =	ssyncset.done $0x0;
	(pc) =	sbr.rel @p0 .LBB2_4-.Ltmp1, $4  }
0x8a: {  	s25 =	sadd.s32 $0x1480, s25;
	[sflag:s20] =	ssyncadd.s32 $0xFFFFC000  }
0x8b: {  	[spmem:s2] =	stream.indirect.scatter.add.f32 [tilespmem:s18], [sflag:$0x3], $0x80, s25, s16, $0xb8;
	[tilespmem:$0x1E800] =	vst v63  }
0x8c: {  	_ =	swait.ge [sflag:s14], $0x4000  }
0x8d: {  	s26 =	smov.u32 s30;
	s25 =	sshra.s32 s29, $0x2;
	[sflag:s14] =	ssyncset.done $0x0  }
0x8e: {  	s26 =	sadd.s32 $0x80, s25;
	[sflag:s14] =	ssyncadd.s32 $0xFFFFC000  }
0x8f: {  	[tilespmem:s18], [sflag:$0x2] =	stream.indirect.gather [hbm4b:s4+s16], $0x80, s26, s16, $0xb8;
	[tilespmem:$0x1E800] =	vst v63  }
0x90: {  	_ =	swait.ge [sflag:s19], $0x4000  }
0x91: {  	[sflag:s19] =	ssyncset.done $0x0  }
0x92: {  	s29 =	sadd.s32 $0x1400, s25;
	[sflag:s19] =	ssyncadd.s32 $0xFFFFC000  }
0x93: {  	[spmem:s2] =	stream.indirect.scatter.add.f32 [tilespmem:s17], [sflag:$0x3], $0x80, s29, s16, $0xb8;
	[tilespmem:$0x1E800] =	vst v63  }
0x94: {  	_ =	swait.ge [sflag:s14], $0x4000  }
0x95: {  	[sflag:s14] =	ssyncset.done $0x0  }
0x96: {  	s30 =	sadd.s32 $0x100, s25;
	[sflag:s14] =	ssyncadd.s32 $0xFFFFC000  }
0x97: {  	[tilespmem:s17], [sflag:$0x1] =	stream.indirect.gather [hbm4b:s4+s16], $0x80, s30, s16, $0xb8;
	[tilespmem:$0x1E800] =	vst v63  }
0x98: {  	_ =	swait.ge [sflag:s20], $0x4000  }
0x99: {  	[sflag:s20] =	ssyncset.done $0x0  }
0x9a: {  	s31 =	sadd.s32 $0x1480, s25;
	[sflag:s20] =	ssyncadd.s32 $0xFFFFC000  }
0x9b: {  	[spmem:s2] =	stream.indirect.scatter.add.f32 [tilespmem:s18], [sflag:$0x3], $0x80, s31, s16, $0xb8;
	[tilespmem:$0x1E800] =	vst v63  }
0x9c: {  	_ =	swait.ge [sflag:s14], $0x4000  }
0x9d: {  	[sflag:s14] =	ssyncset.done $0x0  }
0x9e: {  	[sflag:s14] =	ssyncadd.s32 $0xFFFFC000  }
0x9f: {  	[tilespmem:s18], [sflag:$0x2] =	stream.indirect.gather [hbm4b:s4+s16], $0x80, s21, s16, $0xb8;
	[tilespmem:$0x1E800] =	vst v63  }
0xa0: {  	_ =	swait.ge [sflag:s19], $0x4000  }
0xa1: {  	[sflag:s19] =	ssyncset.done $0x0  }
0xa2: {  	[sflag:s19] =	ssyncadd.s32 $0xFFFFC000  }
0xa3: {  	[spmem:s2] =	stream.indirect.scatter.add.f32 [tilespmem:s17], [sflag:$0x3], $0x80, s22, s16, $0xb8;
	[tilespmem:$0x1E800] =	vst v63  }
0xa4: {  	_ =	swait.ge [sflag:s14], $0x4000  }
0xa5: {  	[sflag:s14] =	ssyncset.done $0x0  }
0xa6: {  	[sflag:s14] =	ssyncadd.s32 $0xFFFFC000  }
0xa7: {  	_ =	swait.ge [sflag:s20], $0x4000  }
0xa8: {  	[sflag:s20] =	ssyncset.done $0x0  }
0xa9: {  	[sflag:s20] =	ssyncadd.s32 $0xFFFFC000  }
0xaa: {  	[spmem:s2] =	stream.indirect.scatter.add.f32 [tilespmem:s18], [sflag:$0x3], $0x80, s23, s16, $0xb8;
	[tilespmem:$0x1E800] =	vst v63  }
0xab: {  	_ =	swait.ge [sflag:s14], $0x4000  }
0xac: {  	s24 =	sadd.s32 $0x1, s24;
	[sflag:s14] =	ssyncset.done $0x0  }
0xad: {  	p0 =	sne.s32 s24, s12;
	[sflag:s14] =	ssyncadd.s32 $0xFFFFC000  }
.Ltmp2:
0xae: {  	[bflag:$0x0] =	sbarrier.arrive $0xFFFF;
	(pc) =	sbr.rel @p0 .LBB2_1-.Ltmp2, $4  }
0xaf: {  	[hbm:s11], [sflag:s6] =	dma.local [spmem:s13], $0x2800  }
0xb0: {  	_ =	swait.ge [sflag:s14], $0x2800  }
0xb1: {  	[sflag:s14] =	ssyncset.done $0x0  }
0xb2: {  	[sflag:s14] =	ssyncadd.s32 $0xFFFFD800  }
0xb3: {  	_ =	sfence.sel $0x180000  }
0xb4: {  	[bflag:$0x0] =	sbarrier.arrive $0xFFFF  }
0xb5: {  	p0 =	sne.s32 s0, $0x0;
	_ =	strace $0x9000004A  }
0xb6: {  	s0 =	sadd.s32 @!p0 $0x100000, s1;
	[bflag:$0x2] =	sbarrier.arrive $0xFFFF  }
0xb7: {  	[sflag:s0] =	ssyncadd.tile.s32 @!p0 $0x1;
	_ =	shalt  }
.Lfunc_end2:
_tile_overlayer_lowered:
.L_overlay_start_2:
0xb8: {  	(tag) =	ssettag $0x2  }
0xb9: {  	s0 =	rddreg [dreg:$0x0];
	s2 =	stileid.u32  }
0xba: {  	s1 =	rddreg [dreg:$0x1];
	p0 =	sne.s32 s2, $0x0  }
0xbb: {  	s3 =	rddreg [dreg:$0x2];
	[bflag:$0x3] =	sbarrier.arrive $0xFFFF;
	s2 =	simm.s32 @!p0 $0x1C03  }
0xbc: {  	[timem:s3], [sflag:s2] =	dma.local @!p0 [hbm:s0], s1  }
0xbd: {  	s0 =	simm.s32 @!p0 $0x3  }
0xbe: {  	_ =	swait.ge @!p0 [sflag:s0], s1  }
0xbf: {  	s1 =	ssub.s32 @!p0 $0x0, s1;
	[sflag:s0] =	ssyncset.done @!p0 $0x0  }
0xc0: {  	[sflag:s0] =	ssyncadd.s32 @!p0 s1  }
0xc1: {  	[bflag:$0x3] =	sbarrier.arrive $0xFFFF  }
0xc2: {  	_ =	shalt  }

// kernel: kernel.23.cloned.1.call-start
scs
__scs_entry_jumppad:
0x0: {  	(pc) =	sbr.rel $0x88, $3  }
0x1: {  	(tag) =	ssettag $0x0;
	lr =	simm.s32 $0x1  }
0x2: {  	[smem:$0x3F92] =	sst lr;
	_ =	strace $0xD0000000  }
0x3: {  	_ = 	snop  }
0x4: {  	_ = 	snop  }
0x5: {  	_ = 	snop  }
0x6: {  	_ = 	snop  }
0x7: {  	_ = 	snop  }
__scs_overlays_trampoline_lowered:
0x8: {  	[smem:$0x3FA1] =	sst s0  }
0x9: {  	[smem:$0x3FA2] =	sst s1  }
0xa: {  	[smem:$0x3FA3] =	sst s2  }
0xb: {  	[smem:$0x3FA4] =	sst s3  }
0xc: {  	[smem:$0x3FA5] =	sst s4  }
0xd: {  	[smem:$0x3FA6] =	sst s5  }
0xe: {  	[smem:$0x3FA7] =	sst s6  }
0xf: {  	[smem:$0x3FA8] =	sst s7  }
0x10: {  	[smem:$0x3FA9] =	sst s8  }
0x11: {  	[smem:$0x3FAA] =	sst s9;
	s0 =	simm.s32 @!p0 $0x0  }
0x12: {  	s1 =	sld [smem:$0x3F90];
	s0 =	simm.s32 @p0 $0x1  }
0x13: {  	[smem:$0x3FAB] =	sst s0;
	s0 =	simm.s32 @!p1 $0x0  }
0x14: {  	s2 =	sld [smem:$0x3F8F];
	s0 =	simm.s32 @p1 $0x1  }
0x15: {  	[smem:$0x3FAC] =	sst s0;
	s0 =	simm.s32 @!p2 $0x0  }
0x16: {  	s3 =	sld [smem:$0x3FDB];
	s0 =	simm.s32 @p2 $0x1  }
0x17: {  	s4 =	simm.s32 $0x1BF5;
	[smem:$0x3FAE] =	sst s0  }
0x18: {  	s0 =	sld [smem:$0x3F91];
	_ =	swait.ge [sflag:s4], $0x0  }
0x19: {  	s7 =	sld [smem:$0x3F92]  }
0x1a: {  	s8 =	sadd.s32 $0xFFFFE003, lr  }
0x1b: {  	s9 =	sadd.s32 $0xFFFFFEF7, lr;
	s5 =	simm.s32 $0xFFFFFFFF;
	p2 =	slt.u32 s8, $0xFFFFF086  }
0x1c: {  	p1 =	slt.u32 s9, $0xF7A;
	s5 =	simm.s32 @!p2 $0x0  }
0x1d: {  	s5 =	simm.s32 @p1 $0x1;
	p0 =	seq.s32 s7, s2  }
0x1e: {  	s7 =	smul.u32 @!p0 $0xF7A, s2;
	p2 =	seq.s32 @!p0 s5, $0x0  }
0x1f: {  	s9 =	smul.u32 $0xF7A, s1;
	s8 =	simm.s32 @!p0 $0x1BF5;
	p2 =	por !p2, p0  }
0x20: {  	[sflag:s8] =	ssyncset.s32 @!p0 $0xFFFFF086;
	s6 =	sadd.s32 @!p0 s3, s7;
	s7 =	simm.s32 @!p0 $0x108  }
0x21: {  	s3 =	sadd.s32 s3, s9;
	s6 =	sadd.s32 @!p0 $0x88, s6;
	s7 =	simm.s32 @p2 $0x1082  }
0x22: {  	[simem:s7], [sflag:s8] =	dma.local @!p0 [hbm:s6], $0xF7A  }
0x23: {  	s9 =	sor.u32 $0xD0000000, s2;
	s6 =	simm.s32 $0x108;
	_ =	swait.ge @!p0 [sflag:s8], $0x0  }
0x24: {  	s3 =	sadd.s32 $0x88, s3;
	s6 =	simm.s32 @!p1 $0x1082;
	[sflag:s4] =	ssyncset.s32 $0xFFFFF086  }
0x25: {  	[simem:s6], [sflag:s4] =	dma.local [hbm:s3], $0xF7A  }
0x26: {  	[smem:$0x3F92] =	sst s1;
	(tag) =	ssettag s2;
	_ =	strace s9  }
0x27: {  	s1 =	sld [smem:$0x3FA2]  }
0x28: {  	s2 =	sld [smem:$0x3FA3]  }
0x29: {  	s4 =	sld [smem:$0x3FA5]  }
0x2a: {  	p0 =	seq.s32 s5, $0x0;
	s5 =	sld [smem:$0x3FA6]  }
0x2b: {  	s6 =	sld [smem:$0x3FA7]  }
0x2c: {  	s7 =	sld [smem:$0x3FA8]  }
0x2d: {  	s3 =	simm.s32 $0x108;
	s8 =	sld [smem:$0x3FA9]  }
0x2e: {  	s3 =	simm.s32 @!p0 $0x1082;
	s9 =	sld [smem:$0x3FAA]  }
0x2f: {  	lr =	sadd.s32 s0, s3;
	s0 =	sld [smem:$0x3FA1]  }
0x30: {  	s3 =	sld [smem:$0x3FA4]  }
0x31: {  	[smem:$0x3FAD] =	sst s10  }
0x32: {  	s10 =	sld [smem:$0x3FAB];
	_ =	sdelay $0x3  }
0x33: {  	p0 =	seq.s32 s10, $0x1;
	s10 =	sld [smem:$0x3FAD];
	_ =	sdelay $0x3  }
0x34: {  	[smem:$0x3FAD] =	sst s10  }
0x35: {  	s10 =	sld [smem:$0x3FAC];
	_ =	sdelay $0x3  }
0x36: {  	p1 =	seq.s32 s10, $0x1;
	s10 =	sld [smem:$0x3FAD];
	_ =	sdelay $0x3  }
0x37: {  	[smem:$0x3FAD] =	sst s10  }
0x38: {  	s10 =	sld [smem:$0x3FAE]  }
0x39: {  	_ = 	snop;
	(pc) =	sbr.ind lr, $3  }
0x3a: {  	_ = 	snop  }
0x3b: {  	_ = 	snop  }
0x3c: {  	p2 =	seq.s32 s10, $0x1;
	s10 =	sld [smem:$0x3FAD]  }
0x3d: {  	_ =	shalt  }
0x3e: {  	_ =	shalt  }
0x3f: {  	_ =	shalt  }
0x40: {  	_ =	shalt  }
0x41: {  	_ =	shalt  }
0x42: {  	_ =	shalt  }
0x43: {  	_ =	shalt  }
0x44: {  	_ =	shalt  }
0x45: {  	_ =	shalt  }
0x46: {  	_ =	shalt  }
0x47: {  	_ =	shalt  }
0x48: {  	_ =	shalt  }
0x49: {  	_ =	shalt  }
0x4a: {  	_ =	shalt  }
0x4b: {  	_ =	shalt  }
0x4c: {  	_ =	shalt  }
0x4d: {  	_ =	shalt  }
0x4e: {  	_ =	shalt  }
0x4f: {  	_ =	shalt  }
0x50: {  	_ =	shalt  }
0x51: {  	_ =	shalt  }
0x52: {  	_ =	shalt  }
0x53: {  	_ =	shalt  }
0x54: {  	_ =	shalt  }
0x55: {  	_ =	shalt  }
0x56: {  	_ =	shalt  }
0x57: {  	_ =	shalt  }
0x58: {  	_ =	shalt  }
0x59: {  	_ =	shalt  }
0x5a: {  	_ =	shalt  }
0x5b: {  	_ =	shalt  }
0x5c: {  	_ =	shalt  }
0x5d: {  	_ =	shalt  }
0x5e: {  	_ =	shalt  }
0x5f: {  	_ =	shalt  }
0x60: {  	_ =	shalt  }
0x61: {  	_ =	shalt  }
0x62: {  	_ =	shalt  }
0x63: {  	_ =	shalt  }
0x64: {  	_ =	shalt  }
0x65: {  	_ =	shalt  }
0x66: {  	_ =	shalt  }
0x67: {  	_ =	shalt  }
0x68: {  	_ =	shalt  }
0x69: {  	_ =	shalt  }
0x6a: {  	_ =	shalt  }
0x6b: {  	_ =	shalt  }
0x6c: {  	_ =	shalt  }
0x6d: {  	_ =	shalt  }
0x6e: {  	_ =	shalt  }
0x6f: {  	_ =	shalt  }
0x70: {  	_ =	shalt  }
0x71: {  	_ =	shalt  }
0x72: {  	_ =	shalt  }
0x73: {  	_ =	shalt  }
0x74: {  	_ =	shalt  }
0x75: {  	_ =	shalt  }
0x76: {  	_ =	shalt  }
0x77: {  	_ =	shalt  }
0x78: {  	_ =	shalt  }
0x79: {  	_ =	shalt  }
0x7a: {  	_ =	shalt  }
0x7b: {  	_ =	shalt  }
0x7c: {  	_ =	shalt  }
0x7d: {  	_ =	shalt  }
0x7e: {  	_ =	shalt  }
0x7f: {  	_ =	shalt  }
0x80: {  	_ =	shalt  }
0x81: {  	_ =	shalt  }
0x82: {  	_ =	shalt  }
0x83: {  	_ =	shalt  }
0x84: {  	_ =	shalt  }
0x85: {  	_ =	shalt  }
0x86: {  	_ =	shalt  }
0x87: {  	_ =	shalt  }
.Lfunc_end0:
.L_simem_size_0:
called_computation.2_lowered:
.L_overlay_start_0:
0x88: {  	s2 =	sld [smem:$0x3FD9]  }
0x89: {  	s3 =	sld [smem:$0x3FFE];
	_ =	sdelay $0x1  }
0x8a: {  	s1 =	srdreg.scid  }
0x8b: {  	s0 =	sand.u32 $0x1, s1  }
0x8c: {  	s14 =	sshll.u32 s0, $0xA;
	s2 =	sadd.s32 s3, s2  }
0x8d: {  	s2 =	sadd.s32 s2, s14  }
0x8e: {  	[smem:$0x3FB9] =	sst s2  }
0x8f: {  	_ = 	snop  }
0x90: {  	s2 =	sld [smem:$0x3FD0];
	_ =	sdelay $0x2  }
0x91: {  	s15 =	simm.s32 $0xA;
	s4 =	simm.s32 $0x10  }
0x92: {  	[smem:s4], [sflag:s15] =	dma.local [hbm:s2], $0x1  }
0x93: {  	_ =	swait.eq [sflag:s15], $0x1  }
0x94: {  	[sflag:s15] =	ssyncset.done $0x0  }
0x95: {  	s16 =	sld [smem:$0x12];
	[sflag:s15] =	ssyncadd.s32 $0xFFFFFFFF  }
0x96: {  	s17 =	sld [smem:$0x13];
	(tm) =	ssettm $0x1  }
0x97: {  	s18 =	sld [smem:$0x3FFB];
	_ =	sdelay $0x3  }
0x98: {  	_ =	strace s18  }
0x99: {  	s4 =	sld [smem:$0x3FFC];
	_ =	sdelay $0x3  }
0x9a: {  	_ =	strace s4  }
0x9b: {  	s4 =	sld [smem:$0x3FFD];
	_ =	sdelay $0x3  }
0x9c: {  	_ =	strace s4  }
0x9d: {  	_ =	strace $0x8FFFFFFF  }
0x9e: {  	s19 =	sld [smem:$0x3FDB];
	_ =	sdelay $0x1  }
0x9f: {  	s5 =	simm.s32 $_scs_section_size  }
0xa0: {  	s6 =	simm.s32 $_size__tile_overlayer_lowered;
	s7 =	simm.s32 $_tile_overlayer_lowered  }
0xa1: {  	s22 =	simm.s32 $0x1BFF;
	s21 =	sshll.u32 s7, $0x1;
	s4 =	sadd.s32 s5, s19  }
0xa2: {  	s8 =	simm.s32 $0x0;
	s20 =	sshll.u32 s6, $0x1;
	s6 =	sadd.s32 s21, s4  }
0xa3: {  	[timem:s8], [sflag:s22] =	dma.local [hbm:s6], s20  }
0xa4: {  	_ =	swait.ge [sflag:s22], s20  }
0xa5: {  	s5 =	ssub.s32 $0x0, s20;
	[sflag:s22] =	ssyncset.done $0x0  }
0xa6: {  	[sflag:s22] =	ssyncadd.s32 s5;
	_ =	sdelay $0x1  }
0xa7: {  	s23 =	simm.s32 $0x1B8B  }
0xa8: {  	_ =	swait.ge [sflag:s23], $0x1  }
0xa9: {  	[sflag:s23] =	ssyncset.done $0x0  }
0xaa: {  	s25 =	simm.s32 $0x1B8E;
	s24 =	sld [smem:$0x3FFE];
	[sflag:s23] =	ssyncadd.s32 $0xFFFFFFFF  }
0xab: {  	s26 =	simm.s32 $execute0_lowered;
	[smem:$0x3FD2] =	sst s25  }
0xac: {  	s6 =	sshll.u32 s26, $0x1;
	_ =	strace $0x8000004C;
	[dreg:$0x1] =	wrdreg $0xFFFFFFFF  }
0xad: {  	s28 =	simm.s32 $_size_execute0_lowered;
	s4 =	sadd.s32 s4, s6;
	[dreg:$0x0] =	wrdreg $0x0  }
0xae: {  	s6 =	sshll.u32 s28, $0x1;
	[dreg:$0x2] =	wrdreg s4  }
0xaf: {  	[dreg:$0x3] =	wrdreg s6  }
0xb0: {  	[dreg:$0x4] =	wrdreg $0xC0  }
0xb1: {  	_ =	task [dreg:s8], $0x5FFFF  }
0xb2: {  	[dreg:$0x1] =	wrdreg $0xFFFFFFFF  }
0xb3: {  	[dreg:$0x0] =	wrdreg $0x60  }
0xb4: {  	[dreg:$0x2] =	wrdreg s24  }
0xb5: {  	[dreg:$0x3] =	wrdreg s17  }
0xb6: {  	[dreg:$0x4] =	wrdreg s16  }
0xb7: {  	[dreg:$0x5] =	wrdreg $0xA8000  }
0xb8: {  	[dreg:$0x6] =	wrdreg $0x9  }
0xb9: {  	_ =	task.clear_ibuf [dreg:s8], $0x7FFFF;
	_ =	strace $0x9000004C  }
0xba: {  	s29 =	simm.s32 $0x9;
	_ =	strace $0x8000004E  }
0xbb: {  	_ =	swait.ge [sflag:s29], $0x1  }
0xbc: {  	[sflag:s29] =	ssyncadd.s32 $0xFFFFFFFF  }
0xbd: {  	_ =	strace $0x9000004E  }
0xbe: {  	_ =	sfence  }
0xbf: {  	s30 =	sld [smem:$0x0];
	_ =	sdelay $0x2  }
0xc0: {  	s31 =	sshll.u32 s1, $0xD;
	s1 =	sshrl.u32 s1, $0x2  }
0xc1: {  	s3 =	sand.u32 $0x4000, s31;
	s1 =	sadd.s32 s1, s30  }
0xc2: {  	s0 =	sor.u32 s3, s0;
	s1 =	sshll.u32 s1, $0x11  }
0xc3: {  	s0 =	sor.u32 s1, s0  }
0xc4: {  	s0 =	sadd.s32 $0x8F2B, s0  }
0xc5: {  	[sflag:s0] =	ssyncadd.remote.s32 $0x1  }
0xc6: {  	_ =	sfence.sel $0xFFFF  }
0xc7: {  	[dreg:$0x0] =	wrdreg $0xFFFFFFFF;
	(pc) =	sbr.abs _section_cstart, $3  }
0xc8: {  	[dreg:$0x1] =	wrdreg $0xFFFFFFFF  }
0xc9: {  	_ =	task.clear_ibuf [dreg:s8], $0x2FFFF;
	_ =	strace $0x9FFFFFFF  }
0xca: {  	(tm) =	ssettm $0x7FFFFFFF  }
0xcb: {  	_ =	shalt  }
tec
execute0_lowered:
.L_overlay_start_1:
0x0: {  	(tag) =	ssettag $0x1  }
0x1: {  	s5 =	rddreg [dreg:$0x0]  }
0x2: {  	s9 =	rddreg [dreg:$0x1]  }
0x3: {  	s10 =	rddreg [dreg:$0x2]  }
0x4: {  	s2 =	rddreg [dreg:$0x3];
	s0 =	stileid.u32  }
0x5: {  	s4 =	srdreg.scid;
	s1 =	rddreg [dreg:$0x4]  }
0x6: {  	s3 =	simm.s32 $0x0;
	s17 =	simm.s32 $0x2800;
	s18 =	simm.s32 $0x6800  }
0x7: {  	s19 =	simm.s32 $0x1;
	s20 =	simm.s32 $0x2;
	s21 =	simm.s32 $0x1380  }
0x8: {  	s22 =	simm.s32 $0x2700;
	s23 =	simm.s32 $0x2780;
	s24 =	simm.s32 $0x0  }
0x9: {  	s6 =	smul.u32 $0x14000, s0;
	s7 =	sand.u32 $0x1, s4;
	[smem:$0x7FF] =	sst s3  }
0xa: {  	s4 =	sadd.s32 $0x57000, s5;
	s25 =	sshll.u32 s0, $0x1;
	s12 =	smul.u32 $0x50000, s0  }
0xb: {  	s28 =	sshll.u32 s0, $0x6;
	s11 =	smul.u32 $0x140000, s7;
	_ =	strace $0x8000004D  }
0xc: {  	s13 =	ssub.s32 $0x2, s7;
	s7 =	sor.u32 s7, s25;
	s8 =	sshrl.u32 s6, $0x3  }
0xd: {  	s26 =	sshrl.u32 s13, $0x1;
	s12 =	sshrl.u32 s12, $0x2;
	s14 =	smul.u32 $0x2800, s7  }
0xe: {  	s29 =	smul.u32 $0x500, s7;
	s8 =	sadd.s32 s8, s5;
	s6 =	sadd.s32 s6, s11  }
0xf: {  	s13 =	ssub.s32 s13, s26;
	s16 =	sadd.s32 s12, s2;
	s6 =	sshrl.u32 s6, $0x3  }
0x10: {  	s30 =	sshrl.u32 s14, $0x3;
	s7 =	sadd.s32 s9, s29;
	s12 =	smax.u32 s13, $0x1  }
0x11: {  	s13 =	sshrl.u32 s16, $0x3;
	s14 =	simm.s32 $0x3;
	s16 =	simm.s32 $0x80  }
0x12: {  	s15 =	sadd.s32 s6, s5;
	s5 =	sadd.s32 $0x7000, s8;
	s31 =	sadd.s32 $0x280, s30  }
0x13: {  	s6 =	sor.u32 $0x1C03, s28;
	s8 =	sadd.s32 s10, s29;
	s9 =	sadd.s32 s9, s31  }
0x14: {  	s10 =	sadd.s32 s10, s31;
	s11 =	sadd.s32 $0x7F000, s15;
	s15 =	simm.s32 $0x1400  }
.LBB2_1:
0x15: {  	[spmem:s13], [sflag:s6] =	dma.local [hbm:s5], $0x2800  }
0x16: {  	_ =	swait.ge [sflag:s14], $0x2800  }
0x17: {  	[sflag:s14] =	ssyncset.done $0x0  }
0x18: {  	[sflag:s14] =	ssyncadd.s32 $0xFFFFD800  }
0x19: {  	[bflag:$0x0] =	sbarrier.arrive $0xFFFF  }
0x1a: {  	[tilespmem:s3], [sflag:$0x3] =	stream.linear.gather [hbm4b:s7+s3], $0x1400, $0x38;
	[tilespmem:$0x1E800] =	vst v63  }
0x1b: {  	_ =	swait.ge [sflag:s14], $0x1400  }
0x1c: {  	[sflag:s14] =	ssyncset.done $0x0  }
0x1d: {  	[sflag:s14] =	ssyncadd.s32 $0xFFFFEC00  }
0x1e: {  	[tilespmem:s15], [sflag:$0x3] =	stream.linear.gather [hbm4b:s8+s3], $0x1400, $0x38;
	[tilespmem:$0x1E800] =	vst v63  }
0x1f: {  	_ =	swait.ge [sflag:s14], $0x1400  }
0x20: {  	[sflag:s14] =	ssyncset.done $0x0  }
0x21: {  	[sflag:s14] =	ssyncadd.s32 $0xFFFFEC00  }
0x22: {  	[tilespmem:s17], [sflag:$0x1] =	stream.indirect.gather [hbm4b:s4+s16], $0x80, s3, s16, $0xb8;
	[tilespmem:$0x1E800] =	vst v63  }
0x23: {  	s25 =	simm.s32 $0x80  }
0x24: {  	[tilespmem:s18], [sflag:$0x2] =	stream.indirect.gather [hbm4b:s4+s16], $0x80, s25, s16, $0xb8;
	[tilespmem:$0x1E800] =	vst v63  }
0x25: {  	_ =	swait.ge [sflag:s19], $0x4000  }
0x26: {  	[sflag:s19] =	ssyncset.done $0x0  }
0x27: {  	s29 =	simm.s32 $0x1400;
	[sflag:s19] =	ssyncadd.s32 $0xFFFFC000  }
0x28: {  	[spmem:s2] =	stream.indirect.scatter.add.f32 [tilespmem:s17], [sflag:$0x3], $0x80, s29, s16, $0xb8;
	[tilespmem:$0x1E800] =	vst v63  }
0x29: {  	_ =	swait.ge [sflag:s14], $0x4000  }
0x2a: {  	[sflag:s14] =	ssyncset.done $0x0  }
0x2b: {  	s30 =	simm.s32 $0x100;
	[sflag:s14] =	ssyncadd.s32 $0xFFFFC000  }
0x2c: {  	[tilespmem:s17], [sflag:$0x1] =	stream.indirect.gather [hbm4b:s4+s16], $0x80, s30, s16, $0xb8;
	[tilespmem:$0x1E800] =	vst v63  }
0x2d: {  	_ =	swait.ge [sflag:s20], $0x4000  }
0x2e: {  	[sflag:s20] =	ssyncset.done $0x0  }
0x2f: {  	s31 =	simm.s32 $0x1480;
	[sflag:s20] =	ssyncadd.s32 $0xFFFFC000  }
0x30: {  	[spmem:s2] =	stream.indirect.scatter.add.f32 [tilespmem:s18], [sflag:$0x3], $0x80, s31, s16, $0xb8;
	[tilespmem:$0x1E800] =	vst v63  }
0x31: {  	_ =	swait.ge [sflag:s14], $0x4000  }
0x32: {  	s26 =	simm.s32 $0x800;
	s25 =	simm.s32 $0x100;
	[sflag:s14] =	ssyncset.done $0x0  }
.LBB2_2:
0x33: {  	s28 =	sadd.s32 $0x80, s25  }
0x34: {  	[sflag:s14] =	ssyncadd.s32 $0xFFFFC000;
	s29 =	smov.u32 s26;
	s30 =	sadd.s32 $0x400, s26  }
0x35: {  	[tilespmem:s18], [sflag:$0x2] =	stream.indirect.gather [hbm4b:s4+s16], $0x80, s28, s16, $0xb8;
	[tilespmem:$0x1E800] =	vst v63  }
0x36: {  	p0 =	sne.s32 s26, $0x4800;
	_ =	swait.ge [sflag:s19], $0x4000  }
0x37: {  	[sflag:s19] =	ssyncset.done $0x0  }
0x38: {  	s26 =	sadd.s32 $0x1400, s25;
	[sflag:s19] =	ssyncadd.s32 $0xFFFFC000  }
0x39: {  	[spmem:s2] =	stream.indirect.scatter.add.f32 [tilespmem:s17], [sflag:$0x3], $0x80, s26, s16, $0xb8;
	[tilespmem:$0x1E800] =	vst v63  }
0x3a: {  	_ =	swait.ge [sflag:s14], $0x4000  }
0x3b: {  	[sflag:s14] =	ssyncset.done $0x0  }
0x3c: {  	s26 =	sadd.s32 $0x100, s25;
	[sflag:s14] =	ssyncadd.s32 $0xFFFFC000  }
0x3d: {  	[tilespmem:s17], [sflag:$0x1] =	stream.indirect.gather [hbm4b:s4+s16], $0x80, s26, s16, $0xb8;
	[tilespmem:$0x1E800] =	vst v63  }
0x3e: {  	_ =	swait.ge [sflag:s20], $0x4000  }
.Ltmp0:
0x3f: {  	[sflag:s20] =	ssyncset.done $0x0;
	(pc) =	sbr.rel @p0 .LBB2_2-.Ltmp0, $4  }
0x40: {  	s25 =	sadd.s32 $0x1480, s25;
	[sflag:s20] =	ssyncadd.s32 $0xFFFFC000  }
0x41: {  	[spmem:s2] =	stream.indirect.scatter.add.f32 [tilespmem:s18], [sflag:$0x3], $0x80, s25, s16, $0xb8;
	[tilespmem:$0x1E800] =	vst v63  }
0x42: {  	_ =	swait.ge [sflag:s14], $0x4000  }
0x43: {  	s26 =	smov.u32 s30;
	s25 =	sshra.s32 s29, $0x2;
	[sflag:s14] =	ssyncset.done $0x0  }
0x44: {  	s26 =	sadd.s32 $0x80, s25;
	[sflag:s14] =	ssyncadd.s32 $0xFFFFC000  }
0x45: {  	[tilespmem:s18], [sflag:$0x2] =	stream.indirect.gather [hbm4b:s4+s16], $0x80, s26, s16, $0xb8;
	[tilespmem:$0x1E800] =	vst v63  }
0x46: {  	_ =	swait.ge [sflag:s19], $0x4000  }
0x47: {  	[sflag:s19] =	ssyncset.done $0x0  }
0x48: {  	s29 =	sadd.s32 $0x1400, s25;
	[sflag:s19] =	ssyncadd.s32 $0xFFFFC000  }
0x49: {  	[spmem:s2] =	stream.indirect.scatter.add.f32 [tilespmem:s17], [sflag:$0x3], $0x80, s29, s16, $0xb8;
	[tilespmem:$0x1E800] =	vst v63  }
0x4a: {  	_ =	swait.ge [sflag:s14], $0x4000  }
0x4b: {  	[sflag:s14] =	ssyncset.done $0x0  }
0x4c: {  	s30 =	sadd.s32 $0x100, s25;
	[sflag:s14] =	ssyncadd.s32 $0xFFFFC000  }
0x4d: {  	[tilespmem:s17], [sflag:$0x1] =	stream.indirect.gather [hbm4b:s4+s16], $0x80, s30, s16, $0xb8;
	[tilespmem:$0x1E800] =	vst v63  }
0x4e: {  	_ =	swait.ge [sflag:s20], $0x4000  }
0x4f: {  	[sflag:s20] =	ssyncset.done $0x0  }
0x50: {  	s31 =	sadd.s32 $0x1480, s25;
	[sflag:s20] =	ssyncadd.s32 $0xFFFFC000  }
0x51: {  	[spmem:s2] =	stream.indirect.scatter.add.f32 [tilespmem:s18], [sflag:$0x3], $0x80, s31, s16, $0xb8;
	[tilespmem:$0x1E800] =	vst v63  }
0x52: {  	_ =	swait.ge [sflag:s14], $0x4000  }
0x53: {  	[sflag:s14] =	ssyncset.done $0x0  }
0x54: {  	[sflag:s14] =	ssyncadd.s32 $0xFFFFC000  }
0x55: {  	[tilespmem:s18], [sflag:$0x2] =	stream.indirect.gather [hbm4b:s4+s16], $0x80, s21, s16, $0xb8;
	[tilespmem:$0x1E800] =	vst v63  }
0x56: {  	_ =	swait.ge [sflag:s19], $0x4000  }
0x57: {  	[sflag:s19] =	ssyncset.done $0x0  }
0x58: {  	[sflag:s19] =	ssyncadd.s32 $0xFFFFC000  }
0x59: {  	[spmem:s2] =	stream.indirect.scatter.add.f32 [tilespmem:s17], [sflag:$0x3], $0x80, s22, s16, $0xb8;
	[tilespmem:$0x1E800] =	vst v63  }
0x5a: {  	_ =	swait.ge [sflag:s14], $0x4000  }
0x5b: {  	[sflag:s14] =	ssyncset.done $0x0  }
0x5c: {  	[sflag:s14] =	ssyncadd.s32 $0xFFFFC000  }
0x5d: {  	_ =	swait.ge [sflag:s20], $0x4000  }
0x5e: {  	[sflag:s20] =	ssyncset.done $0x0  }
0x5f: {  	[sflag:s20] =	ssyncadd.s32 $0xFFFFC000  }
0x60: {  	[spmem:s2] =	stream.indirect.scatter.add.f32 [tilespmem:s18], [sflag:$0x3], $0x80, s23, s16, $0xb8;
	[tilespmem:$0x1E800] =	vst v63  }
0x61: {  	_ =	swait.ge [sflag:s14], $0x4000  }
0x62: {  	[sflag:s14] =	ssyncset.done $0x0  }
0x63: {  	s26 =	simm.s32 $0x0;
	[sflag:s14] =	ssyncadd.s32 $0xFFFFC000  }
0x64: {  	[tilespmem:s26], [sflag:$0x3] =	stream.linear.gather [hbm4b:s9+s26], $0x1400, $0x38;
	[tilespmem:$0x1E800] =	vst v63  }
0x65: {  	_ =	swait.ge [sflag:s14], $0x1400  }
0x66: {  	[sflag:s14] =	ssyncset.done $0x0  }
0x67: {  	[sflag:s14] =	ssyncadd.s32 $0xFFFFEC00  }
0x68: {  	[tilespmem:s15], [sflag:$0x3] =	stream.linear.gather [hbm4b:s10+s26], $0x1400, $0x38;
	[tilespmem:$0x1E800] =	vst v63  }
0x69: {  	_ =	swait.ge [sflag:s14], $0x1400  }
0x6a: {  	[sflag:s14] =	ssyncset.done $0x0  }
0x6b: {  	[sflag:s14] =	ssyncadd.s32 $0xFFFFEC00  }
0x6c: {  	[tilespmem:s17], [sflag:$0x1] =	stream.indirect.gather [hbm4b:s4+s16], $0x80, s26, s16, $0xb8;
	[tilespmem:$0x1E800] =	vst v63  }
0x6d: {  	s28 =	simm.s32 $0x80  }
0x6e: {  	[tilespmem:s18], [sflag:$0x2] =	stream.indirect.gather [hbm4b:s4+s16], $0x80, s28, s16, $0xb8;
	[tilespmem:$0x1E800] =	vst v63  }
0x6f: {  	_ =	swait.ge [sflag:s19], $0x4000  }
0x70: {  	[sflag:s19] =	ssyncset.done $0x0  }
0x71: {  	s29 =	simm.s32 $0x1400;
	[sflag:s19] =	ssyncadd.s32 $0xFFFFC000  }
0x72: {  	[spmem:s2] =	stream.indirect.scatter.add.f32 [tilespmem:s17], [sflag:$0x3], $0x80, s29, s16, $0xb8;
	[tilespmem:$0x1E800] =	vst v63  }
0x73: {  	_ =	swait.ge [sflag:s14], $0x4000  }
0x74: {  	[sflag:s14] =	ssyncset.done $0x0  }
0x75: {  	s30 =	simm.s32 $0x100;
	[sflag:s14] =	ssyncadd.s32 $0xFFFFC000  }
0x76: {  	[tilespmem:s17], [sflag:$0x1] =	stream.indirect.gather [hbm4b:s4+s16], $0x80, s30, s16, $0xb8;
	[tilespmem:$0x1E800] =	vst v63  }
0x77: {  	_ =	swait.ge [sflag:s20], $0x4000  }
0x78: {  	[sflag:s20] =	ssyncset.done $0x0  }
0x79: {  	s31 =	simm.s32 $0x1480;
	[sflag:s20] =	ssyncadd.s32 $0xFFFFC000  }
0x7a: {  	[spmem:s2] =	stream.indirect.scatter.add.f32 [tilespmem:s18], [sflag:$0x3], $0x80, s31, s16, $0xb8;
	[tilespmem:$0x1E800] =	vst v63  }
0x7b: {  	_ =	swait.ge [sflag:s14], $0x4000  }
0x7c: {  	s25 =	simm.s32 $0x100;
	s26 =	simm.s32 $0x800;
	[sflag:s14] =	ssyncset.done $0x0  }
.LBB2_4:
0x7d: {  	s28 =	sadd.s32 $0x80, s25  }
0x7e: {  	[sflag:s14] =	ssyncadd.s32 $0xFFFFC000;
	s29 =	smov.u32 s26;
	s30 =	sadd.s32 $0x400, s26  }
0x7f: {  	[tilespmem:s18], [sflag:$0x2] =	stream.indirect.gather [hbm4b:s4+s16], $0x80, s28, s16, $0xb8;
	[tilespmem:$0x1E800] =	vst v63  }
0x80: {  	p0 =	sne.s32 s26, $0x4800;
	_ =	swait.ge [sflag:s19], $0x4000  }
0x81: {  	[sflag:s19] =	ssyncset.done $0x0  }
0x82: {  	s26 =	sadd.s32 $0x1400, s25;
	[sflag:s19] =	ssyncadd.s32 $0xFFFFC000  }
0x83: {  	[spmem:s2] =	stream.indirect.scatter.add.f32 [tilespmem:s17], [sflag:$0x3], $0x80, s26, s16, $0xb8;
	[tilespmem:$0x1E800] =	vst v63  }
0x84: {  	_ =	swait.ge [sflag:s14], $0x4000  }
0x85: {  	[sflag:s14] =	ssyncset.done $0x0  }
0x86: {  	s26 =	sadd.s32 $0x100, s25;
	[sflag:s14] =	ssyncadd.s32 $0xFFFFC000  }
0x87: {  	[tilespmem:s17], [sflag:$0x1] =	stream.indirect.gather [hbm4b:s4+s16], $0x80, s26, s16, $0xb8;
	[tilespmem:$0x1E800] =	vst v63  }
0x88: {  	_ =	swait.ge [sflag:s20], $0x4000  }
.Ltmp1:
0x89: {  	[sflag:s20] =	ssyncset.done $0x0;
	(pc) =	sbr.rel @p0 .LBB2_4-.Ltmp1, $4  }
0x8a: {  	s25 =	sadd.s32 $0x1480, s25;
	[sflag:s20] =	ssyncadd.s32 $0xFFFFC000  }
0x8b: {  	[spmem:s2] =	stream.indirect.scatter.add.f32 [tilespmem:s18], [sflag:$0x3], $0x80, s25, s16, $0xb8;
	[tilespmem:$0x1E800] =	vst v63  }
0x8c: {  	_ =	swait.ge [sflag:s14], $0x4000  }
0x8d: {  	s26 =	smov.u32 s30;
	s25 =	sshra.s32 s29, $0x2;
	[sflag:s14] =	ssyncset.done $0x0  }
0x8e: {  	s26 =	sadd.s32 $0x80, s25;
	[sflag:s14] =	ssyncadd.s32 $0xFFFFC000  }
0x8f: {  	[tilespmem:s18], [sflag:$0x2] =	stream.indirect.gather [hbm4b:s4+s16], $0x80, s26, s16, $0xb8;
	[tilespmem:$0x1E800] =	vst v63  }
0x90: {  	_ =	swait.ge [sflag:s19], $0x4000  }
0x91: {  	[sflag:s19] =	ssyncset.done $0x0  }
0x92: {  	s29 =	sadd.s32 $0x1400, s25;
	[sflag:s19] =	ssyncadd.s32 $0xFFFFC000  }
0x93: {  	[spmem:s2] =	stream.indirect.scatter.add.f32 [tilespmem:s17], [sflag:$0x3], $0x80, s29, s16, $0xb8;
	[tilespmem:$0x1E800] =	vst v63  }
0x94: {  	_ =	swait.ge [sflag:s14], $0x4000  }
0x95: {  	[sflag:s14] =	ssyncset.done $0x0  }
0x96: {  	s30 =	sadd.s32 $0x100, s25;
	[sflag:s14] =	ssyncadd.s32 $0xFFFFC000  }
0x97: {  	[tilespmem:s17], [sflag:$0x1] =	stream.indirect.gather [hbm4b:s4+s16], $0x80, s30, s16, $0xb8;
	[tilespmem:$0x1E800] =	vst v63  }
0x98: {  	_ =	swait.ge [sflag:s20], $0x4000  }
0x99: {  	[sflag:s20] =	ssyncset.done $0x0  }
0x9a: {  	s31 =	sadd.s32 $0x1480, s25;
	[sflag:s20] =	ssyncadd.s32 $0xFFFFC000  }
0x9b: {  	[spmem:s2] =	stream.indirect.scatter.add.f32 [tilespmem:s18], [sflag:$0x3], $0x80, s31, s16, $0xb8;
	[tilespmem:$0x1E800] =	vst v63  }
0x9c: {  	_ =	swait.ge [sflag:s14], $0x4000  }
0x9d: {  	[sflag:s14] =	ssyncset.done $0x0  }
0x9e: {  	[sflag:s14] =	ssyncadd.s32 $0xFFFFC000  }
0x9f: {  	[tilespmem:s18], [sflag:$0x2] =	stream.indirect.gather [hbm4b:s4+s16], $0x80, s21, s16, $0xb8;
	[tilespmem:$0x1E800] =	vst v63  }
0xa0: {  	_ =	swait.ge [sflag:s19], $0x4000  }
0xa1: {  	[sflag:s19] =	ssyncset.done $0x0  }
0xa2: {  	[sflag:s19] =	ssyncadd.s32 $0xFFFFC000  }
0xa3: {  	[spmem:s2] =	stream.indirect.scatter.add.f32 [tilespmem:s17], [sflag:$0x3], $0x80, s22, s16, $0xb8;
	[tilespmem:$0x1E800] =	vst v63  }
0xa4: {  	_ =	swait.ge [sflag:s14], $0x4000  }
0xa5: {  	[sflag:s14] =	ssyncset.done $0x0  }
0xa6: {  	[sflag:s14] =	ssyncadd.s32 $0xFFFFC000  }
0xa7: {  	_ =	swait.ge [sflag:s20], $0x4000  }
0xa8: {  	[sflag:s20] =	ssyncset.done $0x0  }
0xa9: {  	[sflag:s20] =	ssyncadd.s32 $0xFFFFC000  }
0xaa: {  	[spmem:s2] =	stream.indirect.scatter.add.f32 [tilespmem:s18], [sflag:$0x3], $0x80, s23, s16, $0xb8;
	[tilespmem:$0x1E800] =	vst v63  }
0xab: {  	_ =	swait.ge [sflag:s14], $0x4000  }
0xac: {  	s24 =	sadd.s32 $0x1, s24;
	[sflag:s14] =	ssyncset.done $0x0  }
0xad: {  	p0 =	sne.s32 s24, s12;
	[sflag:s14] =	ssyncadd.s32 $0xFFFFC000  }
.Ltmp2:
0xae: {  	[bflag:$0x0] =	sbarrier.arrive $0xFFFF;
	(pc) =	sbr.rel @p0 .LBB2_1-.Ltmp2, $4  }
0xaf: {  	[hbm:s11], [sflag:s6] =	dma.local [spmem:s13], $0x2800  }
0xb0: {  	_ =	swait.ge [sflag:s14], $0x2800  }
0xb1: {  	[sflag:s14] =	ssyncset.done $0x0  }
0xb2: {  	[sflag:s14] =	ssyncadd.s32 $0xFFFFD800  }
0xb3: {  	_ =	sfence.sel $0x180000  }
0xb4: {  	[bflag:$0x0] =	sbarrier.arrive $0xFFFF  }
0xb5: {  	p0 =	sne.s32 s0, $0x0;
	_ =	strace $0x9000004D  }
0xb6: {  	s0 =	sadd.s32 @!p0 $0x100000, s1;
	[bflag:$0x2] =	sbarrier.arrive $0xFFFF  }
0xb7: {  	[sflag:s0] =	ssyncadd.tile.s32 @!p0 $0x1;
	_ =	shalt  }
.Lfunc_end2:
_tile_overlayer_lowered:
.L_overlay_start_2:
0xb8: {  	(tag) =	ssettag $0x2  }
0xb9: {  	s0 =	rddreg [dreg:$0x0];
	s2 =	stileid.u32  }
0xba: {  	s1 =	rddreg [dreg:$0x1];
	p0 =	sne.s32 s2, $0x0  }
0xbb: {  	s3 =	rddreg [dreg:$0x2];
	[bflag:$0x3] =	sbarrier.arrive $0xFFFF;
	s2 =	simm.s32 @!p0 $0x1C03  }
0xbc: {  	[timem:s3], [sflag:s2] =	dma.local @!p0 [hbm:s0], s1  }
0xbd: {  	s0 =	simm.s32 @!p0 $0x3  }
0xbe: {  	_ =	swait.ge @!p0 [sflag:s0], s1  }
0xbf: {  	s1 =	ssub.s32 @!p0 $0x0, s1;
	[sflag:s0] =	ssyncset.done @!p0 $0x0  }
0xc0: {  	[sflag:s0] =	ssyncadd.s32 @!p0 s1  }
0xc1: {  	[bflag:$0x3] =	sbarrier.arrive $0xFFFF  }
0xc2: {  	_ =	shalt  }

// kernel: kernel.26.cloned.1.call-start
scs
__scs_entry_jumppad:
0x0: {  	(pc) =	sbr.rel $0x88, $3  }
0x1: {  	(tag) =	ssettag $0x0;
	lr =	simm.s32 $0x1  }
0x2: {  	[smem:$0x3F92] =	sst lr;
	_ =	strace $0xD0000000  }
0x3: {  	_ = 	snop  }
0x4: {  	_ = 	snop  }
0x5: {  	_ = 	snop  }
0x6: {  	_ = 	snop  }
0x7: {  	_ = 	snop  }
__scs_overlays_trampoline_lowered:
0x8: {  	[smem:$0x3FA1] =	sst s0  }
0x9: {  	[smem:$0x3FA2] =	sst s1  }
0xa: {  	[smem:$0x3FA3] =	sst s2  }
0xb: {  	[smem:$0x3FA4] =	sst s3  }
0xc: {  	[smem:$0x3FA5] =	sst s4  }
0xd: {  	[smem:$0x3FA6] =	sst s5  }
0xe: {  	[smem:$0x3FA7] =	sst s6  }
0xf: {  	[smem:$0x3FA8] =	sst s7  }
0x10: {  	[smem:$0x3FA9] =	sst s8  }
0x11: {  	[smem:$0x3FAA] =	sst s9;
	s0 =	simm.s32 @!p0 $0x0  }
0x12: {  	s1 =	sld [smem:$0x3F90];
	s0 =	simm.s32 @p0 $0x1  }
0x13: {  	[smem:$0x3FAB] =	sst s0;
	s0 =	simm.s32 @!p1 $0x0  }
0x14: {  	s2 =	sld [smem:$0x3F8F];
	s0 =	simm.s32 @p1 $0x1  }
0x15: {  	[smem:$0x3FAC] =	sst s0;
	s0 =	simm.s32 @!p2 $0x0  }
0x16: {  	s3 =	sld [smem:$0x3FDB];
	s0 =	simm.s32 @p2 $0x1  }
0x17: {  	s4 =	simm.s32 $0x1BF5;
	[smem:$0x3FAE] =	sst s0  }
0x18: {  	s0 =	sld [smem:$0x3F91];
	_ =	swait.ge [sflag:s4], $0x0  }
0x19: {  	s7 =	sld [smem:$0x3F92]  }
0x1a: {  	s8 =	sadd.s32 $0xFFFFE003, lr  }
0x1b: {  	s9 =	sadd.s32 $0xFFFFFEF7, lr;
	s5 =	simm.s32 $0xFFFFFFFF;
	p2 =	slt.u32 s8, $0xFFFFF086  }
0x1c: {  	p1 =	slt.u32 s9, $0xF7A;
	s5 =	simm.s32 @!p2 $0x0  }
0x1d: {  	s5 =	simm.s32 @p1 $0x1;
	p0 =	seq.s32 s7, s2  }
0x1e: {  	s7 =	smul.u32 @!p0 $0xF7A, s2;
	p2 =	seq.s32 @!p0 s5, $0x0  }
0x1f: {  	s9 =	smul.u32 $0xF7A, s1;
	s8 =	simm.s32 @!p0 $0x1BF5;
	p2 =	por !p2, p0  }
0x20: {  	[sflag:s8] =	ssyncset.s32 @!p0 $0xFFFFF086;
	s6 =	sadd.s32 @!p0 s3, s7;
	s7 =	simm.s32 @!p0 $0x108  }
0x21: {  	s3 =	sadd.s32 s3, s9;
	s6 =	sadd.s32 @!p0 $0x88, s6;
	s7 =	simm.s32 @p2 $0x1082  }
0x22: {  	[simem:s7], [sflag:s8] =	dma.local @!p0 [hbm:s6], $0xF7A  }
0x23: {  	s9 =	sor.u32 $0xD0000000, s2;
	s6 =	simm.s32 $0x108;
	_ =	swait.ge @!p0 [sflag:s8], $0x0  }
0x24: {  	s3 =	sadd.s32 $0x88, s3;
	s6 =	simm.s32 @!p1 $0x1082;
	[sflag:s4] =	ssyncset.s32 $0xFFFFF086  }
0x25: {  	[simem:s6], [sflag:s4] =	dma.local [hbm:s3], $0xF7A  }
0x26: {  	[smem:$0x3F92] =	sst s1;
	(tag) =	ssettag s2;
	_ =	strace s9  }
0x27: {  	s1 =	sld [smem:$0x3FA2]  }
0x28: {  	s2 =	sld [smem:$0x3FA3]  }
0x29: {  	s4 =	sld [smem:$0x3FA5]  }
0x2a: {  	p0 =	seq.s32 s5, $0x0;
	s5 =	sld [smem:$0x3FA6]  }
0x2b: {  	s6 =	sld [smem:$0x3FA7]  }
0x2c: {  	s7 =	sld [smem:$0x3FA8]  }
0x2d: {  	s3 =	simm.s32 $0x108;
	s8 =	sld [smem:$0x3FA9]  }
0x2e: {  	s3 =	simm.s32 @!p0 $0x1082;
	s9 =	sld [smem:$0x3FAA]  }
0x2f: {  	lr =	sadd.s32 s0, s3;
	s0 =	sld [smem:$0x3FA1]  }
0x30: {  	s3 =	sld [smem:$0x3FA4]  }
0x31: {  	[smem:$0x3FAD] =	sst s10  }
0x32: {  	s10 =	sld [smem:$0x3FAB];
	_ =	sdelay $0x3  }
0x33: {  	p0 =	seq.s32 s10, $0x1;
	s10 =	sld [smem:$0x3FAD];
	_ =	sdelay $0x3  }
0x34: {  	[smem:$0x3FAD] =	sst s10  }
0x35: {  	s10 =	sld [smem:$0x3FAC];
	_ =	sdelay $0x3  }
0x36: {  	p1 =	seq.s32 s10, $0x1;
	s10 =	sld [smem:$0x3FAD];
	_ =	sdelay $0x3  }
0x37: {  	[smem:$0x3FAD] =	sst s10  }
0x38: {  	s10 =	sld [smem:$0x3FAE]  }
0x39: {  	_ = 	snop;
	(pc) =	sbr.ind lr, $3  }
0x3a: {  	_ = 	snop  }
0x3b: {  	_ = 	snop  }
0x3c: {  	p2 =	seq.s32 s10, $0x1;
	s10 =	sld [smem:$0x3FAD]  }
0x3d: {  	_ =	shalt  }
0x3e: {  	_ =	shalt  }
0x3f: {  	_ =	shalt  }
0x40: {  	_ =	shalt  }
0x41: {  	_ =	shalt  }
0x42: {  	_ =	shalt  }
0x43: {  	_ =	shalt  }
0x44: {  	_ =	shalt  }
0x45: {  	_ =	shalt  }
0x46: {  	_ =	shalt  }
0x47: {  	_ =	shalt  }
0x48: {  	_ =	shalt  }
0x49: {  	_ =	shalt  }
0x4a: {  	_ =	shalt  }
0x4b: {  	_ =	shalt  }
0x4c: {  	_ =	shalt  }
0x4d: {  	_ =	shalt  }
0x4e: {  	_ =	shalt  }
0x4f: {  	_ =	shalt  }
0x50: {  	_ =	shalt  }
0x51: {  	_ =	shalt  }
0x52: {  	_ =	shalt  }
0x53: {  	_ =	shalt  }
0x54: {  	_ =	shalt  }
0x55: {  	_ =	shalt  }
0x56: {  	_ =	shalt  }
0x57: {  	_ =	shalt  }
0x58: {  	_ =	shalt  }
0x59: {  	_ =	shalt  }
0x5a: {  	_ =	shalt  }
0x5b: {  	_ =	shalt  }
0x5c: {  	_ =	shalt  }
0x5d: {  	_ =	shalt  }
0x5e: {  	_ =	shalt  }
0x5f: {  	_ =	shalt  }
0x60: {  	_ =	shalt  }
0x61: {  	_ =	shalt  }
0x62: {  	_ =	shalt  }
0x63: {  	_ =	shalt  }
0x64: {  	_ =	shalt  }
0x65: {  	_ =	shalt  }
0x66: {  	_ =	shalt  }
0x67: {  	_ =	shalt  }
0x68: {  	_ =	shalt  }
0x69: {  	_ =	shalt  }
0x6a: {  	_ =	shalt  }
0x6b: {  	_ =	shalt  }
0x6c: {  	_ =	shalt  }
0x6d: {  	_ =	shalt  }
0x6e: {  	_ =	shalt  }
0x6f: {  	_ =	shalt  }
0x70: {  	_ =	shalt  }
0x71: {  	_ =	shalt  }
0x72: {  	_ =	shalt  }
0x73: {  	_ =	shalt  }
0x74: {  	_ =	shalt  }
0x75: {  	_ =	shalt  }
0x76: {  	_ =	shalt  }
0x77: {  	_ =	shalt  }
0x78: {  	_ =	shalt  }
0x79: {  	_ =	shalt  }
0x7a: {  	_ =	shalt  }
0x7b: {  	_ =	shalt  }
0x7c: {  	_ =	shalt  }
0x7d: {  	_ =	shalt  }
0x7e: {  	_ =	shalt  }
0x7f: {  	_ =	shalt  }
0x80: {  	_ =	shalt  }
0x81: {  	_ =	shalt  }
0x82: {  	_ =	shalt  }
0x83: {  	_ =	shalt  }
0x84: {  	_ =	shalt  }
0x85: {  	_ =	shalt  }
0x86: {  	_ =	shalt  }
0x87: {  	_ =	shalt  }
.Lfunc_end0:
.L_simem_size_0:
called_computation.3_lowered:
.L_overlay_start_0:
0x88: {  	s2 =	sld [smem:$0x3FD9]  }
0x89: {  	s3 =	sld [smem:$0x3FFE];
	_ =	sdelay $0x1  }
0x8a: {  	s1 =	srdreg.scid  }
0x8b: {  	s0 =	sand.u32 $0x1, s1  }
0x8c: {  	s14 =	sshll.u32 s0, $0xA;
	s2 =	sadd.s32 s3, s2  }
0x8d: {  	s2 =	sadd.s32 s2, s14  }
0x8e: {  	[smem:$0x3FB9] =	sst s2  }
0x8f: {  	_ = 	snop  }
0x90: {  	s2 =	sld [smem:$0x3FD0];
	_ =	sdelay $0x2  }
0x91: {  	s4 =	simm.s32 $0xA;
	s5 =	simm.s32 $0x10;
	s15 =	sld [smem:$0x3FC9]  }
0x92: {  	[smem:s5], [sflag:s4] =	dma.local [hbm:s2], $0x1  }
0x93: {  	_ =	swait.eq [sflag:s4], $0x1  }
0x94: {  	[sflag:s4] =	ssyncset.done $0x0  }
0x95: {  	s16 =	sld [smem:$0x10];
	[sflag:s4] =	ssyncadd.s32 $0xFFFFFFFF  }
0x96: {  	s17 =	sld [smem:$0x12];
	(tm) =	ssettm $0x1  }
0x97: {  	s18 =	sld [smem:$0x3FFB];
	_ =	sdelay $0x3  }
0x98: {  	_ =	strace s18  }
0x99: {  	s5 =	sld [smem:$0x3FFC];
	_ =	sdelay $0x3  }
0x9a: {  	_ =	strace s5  }
0x9b: {  	s5 =	sld [smem:$0x3FFD];
	_ =	sdelay $0x3  }
0x9c: {  	_ =	strace s5  }
0x9d: {  	_ =	strace $0x8FFFFFFF  }
0x9e: {  	s19 =	sld [smem:$0x3FDB];
	_ =	sdelay $0x1  }
0x9f: {  	s6 =	simm.s32 $_scs_section_size  }
0xa0: {  	s7 =	simm.s32 $_size__tile_overlayer_lowered;
	s8 =	simm.s32 $_tile_overlayer_lowered  }
0xa1: {  	s22 =	simm.s32 $0x1BFF;
	s21 =	sshll.u32 s8, $0x1;
	s5 =	sadd.s32 s6, s19  }
0xa2: {  	s9 =	simm.s32 $0x0;
	s20 =	sshll.u32 s7, $0x1;
	s7 =	sadd.s32 s21, s5  }
0xa3: {  	[timem:s9], [sflag:s22] =	dma.local [hbm:s7], s20  }
0xa4: {  	_ =	swait.ge [sflag:s22], s20  }
0xa5: {  	s6 =	ssub.s32 $0x0, s20;
	[sflag:s22] =	ssyncset.done $0x0  }
0xa6: {  	[sflag:s22] =	ssyncadd.s32 s6;
	_ =	sdelay $0x1  }
0xa7: {  	s23 =	simm.s32 $0x1B8B  }
0xa8: {  	_ =	swait.ge [sflag:s23], $0x1  }
0xa9: {  	[sflag:s23] =	ssyncset.done $0x0  }
0xaa: {  	s25 =	simm.s32 $0x1B8E;
	s24 =	sld [smem:$0x3FFE];
	[sflag:s23] =	ssyncadd.s32 $0xFFFFFFFF  }
0xab: {  	s26 =	simm.s32 $execute0_lowered;
	[smem:$0x3FD2] =	sst s25  }
0xac: {  	s7 =	sshll.u32 s26, $0x1;
	_ =	strace $0x8000004F;
	[dreg:$0x1] =	wrdreg $0xFFFFFFFF  }
0xad: {  	s28 =	simm.s32 $_size_execute0_lowered;
	s5 =	sadd.s32 s5, s7;
	[dreg:$0x0] =	wrdreg $0x0  }
0xae: {  	s7 =	sshll.u32 s28, $0x1;
	[dreg:$0x2] =	wrdreg s5  }
0xaf: {  	[dreg:$0x3] =	wrdreg s7  }
0xb0: {  	[dreg:$0x4] =	wrdreg $0xC0  }
0xb1: {  	_ =	task [dreg:s9], $0x5FFFF  }
0xb2: {  	[dreg:$0x1] =	wrdreg $0xFFFFFFFF  }
0xb3: {  	[dreg:$0x0] =	wrdreg $0x60  }
0xb4: {  	[dreg:$0x2] =	wrdreg s24  }
0xb5: {  	[dreg:$0x3] =	wrdreg s15  }
0xb6: {  	[dreg:$0x4] =	wrdreg s16  }
0xb7: {  	[dreg:$0x5] =	wrdreg s17  }
0xb8: {  	[dreg:$0x6] =	wrdreg $0x9  }
0xb9: {  	_ =	task.clear_ibuf [dreg:s9], $0x7FFFF;
	_ =	strace $0x9000004F  }
0xba: {  	s29 =	simm.s32 $0x9;
	_ =	strace $0x80000051  }
0xbb: {  	_ =	swait.ge [sflag:s29], $0x1  }
0xbc: {  	[sflag:s29] =	ssyncadd.s32 $0xFFFFFFFF  }
0xbd: {  	_ =	strace $0x90000051  }
0xbe: {  	_ =	sfence  }
0xbf: {  	s30 =	sld [smem:$0x0];
	_ =	sdelay $0x2  }
0xc0: {  	s31 =	sshll.u32 s1, $0xD;
	s1 =	sshrl.u32 s1, $0x2  }
0xc1: {  	s3 =	sand.u32 $0x4000, s31;
	s1 =	sadd.s32 s1, s30  }
0xc2: {  	s0 =	sor.u32 s3, s0;
	s1 =	sshll.u32 s1, $0x11  }
0xc3: {  	s0 =	sor.u32 s1, s0  }
0xc4: {  	s0 =	sadd.s32 $0x8F2B, s0  }
0xc5: {  	[sflag:s0] =	ssyncadd.remote.s32 $0x1  }
0xc6: {  	_ =	sfence.sel $0xFFFF  }
0xc7: {  	[dreg:$0x0] =	wrdreg $0xFFFFFFFF;
	(pc) =	sbr.abs _section_cstart, $3  }
0xc8: {  	[dreg:$0x1] =	wrdreg $0xFFFFFFFF  }
0xc9: {  	_ =	task.clear_ibuf [dreg:s9], $0x2FFFF;
	_ =	strace $0x9FFFFFFF  }
0xca: {  	(tm) =	ssettm $0x7FFFFFFF  }
0xcb: {  	_ =	shalt  }
tec
execute0_lowered:
.L_overlay_start_1:
0x0: {  	(tag) =	ssettag $0x1  }
0x1: {  	s1 =	stileid.u32  }
0x2: {  	s13 =	rddreg [dreg:$0x0];
	p0 =	sgt.u32 s1, $0x7  }
.Ltmp0:
0x3: {  	s2 =	rddreg [dreg:$0x1];
	(pc) =	sbr.rel @p0 .LBB2_4-.Ltmp0, $4  }
0x4: {  	s4 =	rddreg [dreg:$0x2]  }
0x5: {  	s10 =	rddreg [dreg:$0x3];
	s3 =	simm.s32 $0x0  }
0x6: {  	[smem:$0x7FF] =	sst s3  }
0x7: {  	s0 =	rddreg [dreg:$0x4];
	_ =	strace $0x80000050  }
0x8: {  	s5 =	srdreg.scid  }
0x9: {  	s31 =	sshll.u32 s1, $0x1;
	s15 =	sand.u32 $0x1, s5  }
0xa: {  	s11 =	sor.u32 s15, s31  }
0xb: {  	s5 =	sadd.s32 s4, s11;
	s4 =	simm.s32 $0x2  }
0xc: {  	[tilespmem:s3], [sflag:$0x2] =	stream.linear.gather [hbm4b:s5+s3], $0x8, $0x38;
	[tilespmem:$0x480] =	vst v63  }
0xd: {  	_ =	swait.ge [sflag:s4], $0x8  }
0xe: {  	s6 =	sadd.s32 $0x7F000, s13;
	s7 =	simm.s32 $0x8;
	[sflag:s4] =	ssyncset.done $0x0  }
0xf: {  	s8 =	simm.s32 $0x80;
	s9 =	simm.s32 $0x1;
	[sflag:s4] =	ssyncadd.s32 $0xFFFFFFF8  }
0x10: {  	[tilespmem:s8], [sflag:$0x1] =	stream.indirect.gather [hbm4b:s6+s7], $0x80, s3, s7, $0xb8;
	[tilespmem:$0x480] =	vst v63  }
0x11: {  	_ =	swait.ge [sflag:s9], $0x400  }
0x12: {  	s11 =	sshll.u32 s11, $0x9;
	[sflag:s9] =	ssyncset.done $0x0  }
0x13: {  	s10 =	sadd.s32 s10, s11;
	[sflag:s9] =	ssyncadd.s32 $0xFFFFFC00  }
0x14: {  	[hbm4b:s10+s3] =	stream.linear.scatter [tilespmem:s8], [sflag:$0x2], $0x400, $0x38;
	[tilespmem:$0x480] =	vst v63  }
0x15: {  	_ =	swait.ge [sflag:s4], $0x400  }
0x16: {  	[sflag:s4] =	ssyncset.done $0x0  }
0x17: {  	s11 =	sadd.s32 $0x57000, s13;
	[sflag:s4] =	ssyncadd.s32 $0xFFFFFC00  }
0x18: {  	[tilespmem:s8], [sflag:$0x1] =	stream.indirect.gather [hbm4b:s11+s7], $0x80, s3, s7, $0xb8;
	[tilespmem:$0x480] =	vst v63  }
0x19: {  	_ =	swait.ge [sflag:s9], $0x400  }
0x1a: {  	[sflag:s9] =	ssyncset.done $0x0  }
0x1b: {  	s12 =	sadd.s32 $0x80, s10;
	[sflag:s9] =	ssyncadd.s32 $0xFFFFFC00  }
0x1c: {  	[hbm4b:s12+s3] =	stream.linear.scatter [tilespmem:s8], [sflag:$0x2], $0x400, $0x38;
	[tilespmem:$0x480] =	vst v63  }
0x1d: {  	_ =	swait.ge [sflag:s4], $0x400  }
0x1e: {  	[sflag:s4] =	ssyncset.done $0x0  }
0x1f: {  	s13 =	sadd.s32 $0x2F000, s13;
	[sflag:s4] =	ssyncadd.s32 $0xFFFFFC00  }
0x20: {  	[tilespmem:s8], [sflag:$0x1] =	stream.indirect.gather [hbm4b:s13+s7], $0x80, s3, s7, $0xb8;
	[tilespmem:$0x480] =	vst v63  }
0x21: {  	_ =	swait.ge [sflag:s9], $0x400  }
0x22: {  	[sflag:s9] =	ssyncset.done $0x0  }
0x23: {  	s15 =	ssub.s32 $0x2, s15;
	s14 =	sadd.s32 $0x100, s10;
	[sflag:s9] =	ssyncadd.s32 $0xFFFFFC00  }
0x24: {  	[hbm4b:s14+s3] =	stream.linear.scatter [tilespmem:s8], [sflag:$0x2], $0x400, $0x38;
	[tilespmem:$0x480] =	vst v63  }
0x25: {  	s16 =	sshrl.u32 s15, $0x1;
	_ =	swait.ge [sflag:s4], $0x400  }
0x26: {  	s16 =	ssub.s32 s15, s16;
	[sflag:s4] =	ssyncset.done $0x0  }
0x27: {  	s16 =	smax.u32 s16, $0x1;
	[sflag:s4] =	ssyncadd.s32 $0xFFFFFC00  }
0x28: {  	[tilespmem:s8], [sflag:$0x1] =	stream.indirect.gather [hbm4b:s2+s7], $0x80, s3, s7, $0xb8;
	[tilespmem:$0x480] =	vst v63  }
0x29: {  	p0 =	sne.s32 s16, $0x1;
	_ =	swait.ge [sflag:s9], $0x400  }
.Ltmp1:
0x2a: {  	[sflag:s9] =	ssyncset.done $0x0;
	(pc) =	sbr.rel @!p0 .LBB2_3-.Ltmp1, $4  }
0x2b: {  	s15 =	sadd.s32 $0x180, s10;
	[sflag:s9] =	ssyncadd.s32 $0xFFFFFC00  }
0x2c: {  	[hbm4b:s15+s3] =	stream.linear.scatter [tilespmem:s8], [sflag:$0x2], $0x400, $0x38;
	[tilespmem:$0x480] =	vst v63  }
0x2d: {  	_ =	swait.ge [sflag:s4], $0x400  }
0x2e: {  	s16 =	sadd.s32 $0xFFFFFFFF, s16;
	[sflag:s4] =	ssyncset.done $0x0  }
.LBB2_2:
0x2f: {  	p0 =	sne.s32 s16, $0x1;
	s16 =	sadd.s32 $0xFFFFFFFF, s16;
	[sflag:s4] =	ssyncadd.s32 $0xFFFFFC00  }
0x30: {  	[tilespmem:s3], [sflag:$0x2] =	stream.linear.gather [hbm4b:s5+s3], $0x8, $0x38;
	[tilespmem:$0x480] =	vst v63  }
0x31: {  	_ =	swait.ge [sflag:s4], $0x8  }
0x32: {  	[sflag:s4] =	ssyncset.done $0x0  }
0x33: {  	[sflag:s4] =	ssyncadd.s32 $0xFFFFFFF8  }
0x34: {  	[tilespmem:s8], [sflag:$0x1] =	stream.indirect.gather [hbm4b:s6+s7], $0x80, s3, s7, $0xb8;
	[tilespmem:$0x480] =	vst v63  }
0x35: {  	_ =	swait.ge [sflag:s9], $0x400  }
0x36: {  	[sflag:s9] =	ssyncset.done $0x0  }
0x37: {  	[sflag:s9] =	ssyncadd.s32 $0xFFFFFC00  }
0x38: {  	[hbm4b:s10+s3] =	stream.linear.scatter [tilespmem:s8], [sflag:$0x2], $0x400, $0x38;
	[tilespmem:$0x480] =	vst v63  }
0x39: {  	_ =	swait.ge [sflag:s4], $0x400  }
0x3a: {  	[sflag:s4] =	ssyncset.done $0x0  }
0x3b: {  	[sflag:s4] =	ssyncadd.s32 $0xFFFFFC00  }
0x3c: {  	[tilespmem:s8], [sflag:$0x1] =	stream.indirect.gather [hbm4b:s11+s7], $0x80, s3, s7, $0xb8;
	[tilespmem:$0x480] =	vst v63  }
0x3d: {  	_ =	swait.ge [sflag:s9], $0x400  }
0x3e: {  	[sflag:s9] =	ssyncset.done $0x0  }
0x3f: {  	[sflag:s9] =	ssyncadd.s32 $0xFFFFFC00  }
0x40: {  	[hbm4b:s12+s3] =	stream.linear.scatter [tilespmem:s8], [sflag:$0x2], $0x400, $0x38;
	[tilespmem:$0x480] =	vst v63  }
0x41: {  	_ =	swait.ge [sflag:s4], $0x400  }
0x42: {  	[sflag:s4] =	ssyncset.done $0x0  }
0x43: {  	[sflag:s4] =	ssyncadd.s32 $0xFFFFFC00  }
0x44: {  	[tilespmem:s8], [sflag:$0x1] =	stream.indirect.gather [hbm4b:s13+s7], $0x80, s3, s7, $0xb8;
	[tilespmem:$0x480] =	vst v63  }
0x45: {  	_ =	swait.ge [sflag:s9], $0x400  }
0x46: {  	[sflag:s9] =	ssyncset.done $0x0  }
0x47: {  	[sflag:s9] =	ssyncadd.s32 $0xFFFFFC00  }
0x48: {  	[hbm4b:s14+s3] =	stream.linear.scatter [tilespmem:s8], [sflag:$0x2], $0x400, $0x38;
	[tilespmem:$0x480] =	vst v63  }
0x49: {  	_ =	swait.ge [sflag:s4], $0x400  }
0x4a: {  	[sflag:s4] =	ssyncset.done $0x0  }
0x4b: {  	[sflag:s4] =	ssyncadd.s32 $0xFFFFFC00  }
0x4c: {  	[tilespmem:s8], [sflag:$0x1] =	stream.indirect.gather [hbm4b:s2+s7], $0x80, s3, s7, $0xb8;
	[tilespmem:$0x480] =	vst v63  }
0x4d: {  	_ =	swait.ge [sflag:s9], $0x400  }
.Ltmp2:
0x4e: {  	[sflag:s9] =	ssyncset.done $0x0;
	(pc) =	sbr.rel @p0 .LBB2_2-.Ltmp2, $4  }
0x4f: {  	[sflag:s9] =	ssyncadd.s32 $0xFFFFFC00  }
0x50: {  	[hbm4b:s15+s3] =	stream.linear.scatter [tilespmem:s8], [sflag:$0x2], $0x400, $0x38;
	[tilespmem:$0x480] =	vst v63  }
0x51: {  	_ =	swait.ge [sflag:s4], $0x400  }
0x52: {  	[sflag:s4] =	ssyncset.done $0x0  }
.LBB2_3:
0x53: {  	[sflag:s4] =	ssyncadd.s32 $0xFFFFFC00  }
.LBB2_4:
0x54: {  	_ =	sfence.sel $0x180000  }
0x55: {  	[bflag:$0x0] =	sbarrier.arrive $0xFFFF  }
0x56: {  	p0 =	sne.s32 s1, $0x0;
	_ =	strace $0x90000050  }
0x57: {  	s0 =	sadd.s32 @!p0 $0x100000, s0;
	[bflag:$0x2] =	sbarrier.arrive $0xFFFF  }
0x58: {  	[sflag:s0] =	ssyncadd.tile.s32 @!p0 $0x1;
	_ =	shalt  }
.Lfunc_end2:
_tile_overlayer_lowered:
.L_overlay_start_2:
0x59: {  	(tag) =	ssettag $0x2  }
0x5a: {  	s0 =	rddreg [dreg:$0x0];
	s2 =	stileid.u32  }
0x5b: {  	s1 =	rddreg [dreg:$0x1];
	p0 =	sne.s32 s2, $0x0  }
0x5c: {  	s3 =	rddreg [dreg:$0x2];
	[bflag:$0x3] =	sbarrier.arrive $0xFFFF;
	s2 =	simm.s32 @!p0 $0x1C02  }
0x5d: {  	[timem:s3], [sflag:s2] =	dma.local @!p0 [hbm:s0], s1  }
0x5e: {  	s0 =	simm.s32 @!p0 $0x2  }
0x5f: {  	_ =	swait.ge @!p0 [sflag:s0], s1  }
0x60: {  	s1 =	ssub.s32 @!p0 $0x0, s1;
	[sflag:s0] =	ssyncset.done @!p0 $0x0  }
0x61: {  	[sflag:s0] =	ssyncadd.s32 @!p0 s1  }
0x62: {  	[bflag:$0x3] =	sbarrier.arrive $0xFFFF  }
0x63: {  	_ =	shalt  }

// kernel: kernel.29.cloned.1.call-start
scs
__scs_entry_jumppad:
0x0: {  	(pc) =	sbr.rel $0x88, $3  }
0x1: {  	(tag) =	ssettag $0x0;
	lr =	simm.s32 $0x1  }
0x2: {  	[smem:$0x3F92] =	sst lr;
	_ =	strace $0xD0000000  }
0x3: {  	_ = 	snop  }
0x4: {  	_ = 	snop  }
0x5: {  	_ = 	snop  }
0x6: {  	_ = 	snop  }
0x7: {  	_ = 	snop  }
__scs_overlays_trampoline_lowered:
0x8: {  	[smem:$0x3FA1] =	sst s0  }
0x9: {  	[smem:$0x3FA2] =	sst s1  }
0xa: {  	[smem:$0x3FA3] =	sst s2  }
0xb: {  	[smem:$0x3FA4] =	sst s3  }
0xc: {  	[smem:$0x3FA5] =	sst s4  }
0xd: {  	[smem:$0x3FA6] =	sst s5  }
0xe: {  	[smem:$0x3FA7] =	sst s6  }
0xf: {  	[smem:$0x3FA8] =	sst s7  }
0x10: {  	[smem:$0x3FA9] =	sst s8  }
0x11: {  	[smem:$0x3FAA] =	sst s9;
	s0 =	simm.s32 @!p0 $0x0  }
0x12: {  	s1 =	sld [smem:$0x3F90];
	s0 =	simm.s32 @p0 $0x1  }
0x13: {  	[smem:$0x3FAB] =	sst s0;
	s0 =	simm.s32 @!p1 $0x0  }
0x14: {  	s2 =	sld [smem:$0x3F8F];
	s0 =	simm.s32 @p1 $0x1  }
0x15: {  	[smem:$0x3FAC] =	sst s0;
	s0 =	simm.s32 @!p2 $0x0  }
0x16: {  	s3 =	sld [smem:$0x3FDB];
	s0 =	simm.s32 @p2 $0x1  }
0x17: {  	s4 =	simm.s32 $0x1BF5;
	[smem:$0x3FAE] =	sst s0  }
0x18: {  	s0 =	sld [smem:$0x3F91];
	_ =	swait.ge [sflag:s4], $0x0  }
0x19: {  	s7 =	sld [smem:$0x3F92]  }
0x1a: {  	s8 =	sadd.s32 $0xFFFFE003, lr  }
0x1b: {  	s9 =	sadd.s32 $0xFFFFFEF7, lr;
	s5 =	simm.s32 $0xFFFFFFFF;
	p2 =	slt.u32 s8, $0xFFFFF086  }
0x1c: {  	p1 =	slt.u32 s9, $0xF7A;
	s5 =	simm.s32 @!p2 $0x0  }
0x1d: {  	s5 =	simm.s32 @p1 $0x1;
	p0 =	seq.s32 s7, s2  }
0x1e: {  	s7 =	smul.u32 @!p0 $0xF7A, s2;
	p2 =	seq.s32 @!p0 s5, $0x0  }
0x1f: {  	s9 =	smul.u32 $0xF7A, s1;
	s8 =	simm.s32 @!p0 $0x1BF5;
	p2 =	por !p2, p0  }
0x20: {  	[sflag:s8] =	ssyncset.s32 @!p0 $0xFFFFF086;
	s6 =	sadd.s32 @!p0 s3, s7;
	s7 =	simm.s32 @!p0 $0x108  }
0x21: {  	s3 =	sadd.s32 s3, s9;
	s6 =	sadd.s32 @!p0 $0x88, s6;
	s7 =	simm.s32 @p2 $0x1082  }
0x22: {  	[simem:s7], [sflag:s8] =	dma.local @!p0 [hbm:s6], $0xF7A  }
0x23: {  	s9 =	sor.u32 $0xD0000000, s2;
	s6 =	simm.s32 $0x108;
	_ =	swait.ge @!p0 [sflag:s8], $0x0  }
0x24: {  	s3 =	sadd.s32 $0x88, s3;
	s6 =	simm.s32 @!p1 $0x1082;
	[sflag:s4] =	ssyncset.s32 $0xFFFFF086  }
0x25: {  	[simem:s6], [sflag:s4] =	dma.local [hbm:s3], $0xF7A  }
0x26: {  	[smem:$0x3F92] =	sst s1;
	(tag) =	ssettag s2;
	_ =	strace s9  }
0x27: {  	s1 =	sld [smem:$0x3FA2]  }
0x28: {  	s2 =	sld [smem:$0x3FA3]  }
0x29: {  	s4 =	sld [smem:$0x3FA5]  }
0x2a: {  	p0 =	seq.s32 s5, $0x0;
	s5 =	sld [smem:$0x3FA6]  }
0x2b: {  	s6 =	sld [smem:$0x3FA7]  }
0x2c: {  	s7 =	sld [smem:$0x3FA8]  }
0x2d: {  	s3 =	simm.s32 $0x108;
	s8 =	sld [smem:$0x3FA9]  }
0x2e: {  	s3 =	simm.s32 @!p0 $0x1082;
	s9 =	sld [smem:$0x3FAA]  }
0x2f: {  	lr =	sadd.s32 s0, s3;
	s0 =	sld [smem:$0x3FA1]  }
0x30: {  	s3 =	sld [smem:$0x3FA4]  }
0x31: {  	[smem:$0x3FAD] =	sst s10  }
0x32: {  	s10 =	sld [smem:$0x3FAB];
	_ =	sdelay $0x3  }
0x33: {  	p0 =	seq.s32 s10, $0x1;
	s10 =	sld [smem:$0x3FAD];
	_ =	sdelay $0x3  }
0x34: {  	[smem:$0x3FAD] =	sst s10  }
0x35: {  	s10 =	sld [smem:$0x3FAC];
	_ =	sdelay $0x3  }
0x36: {  	p1 =	seq.s32 s10, $0x1;
	s10 =	sld [smem:$0x3FAD];
	_ =	sdelay $0x3  }
0x37: {  	[smem:$0x3FAD] =	sst s10  }
0x38: {  	s10 =	sld [smem:$0x3FAE]  }
0x39: {  	_ = 	snop;
	(pc) =	sbr.ind lr, $3  }
0x3a: {  	_ = 	snop  }
0x3b: {  	_ = 	snop  }
0x3c: {  	p2 =	seq.s32 s10, $0x1;
	s10 =	sld [smem:$0x3FAD]  }
0x3d: {  	_ =	shalt  }
0x3e: {  	_ =	shalt  }
0x3f: {  	_ =	shalt  }
0x40: {  	_ =	shalt  }
0x41: {  	_ =	shalt  }
0x42: {  	_ =	shalt  }
0x43: {  	_ =	shalt  }
0x44: {  	_ =	shalt  }
0x45: {  	_ =	shalt  }
0x46: {  	_ =	shalt  }
0x47: {  	_ =	shalt  }
0x48: {  	_ =	shalt  }
0x49: {  	_ =	shalt  }
0x4a: {  	_ =	shalt  }
0x4b: {  	_ =	shalt  }
0x4c: {  	_ =	shalt  }
0x4d: {  	_ =	shalt  }
0x4e: {  	_ =	shalt  }
0x4f: {  	_ =	shalt  }
0x50: {  	_ =	shalt  }
0x51: {  	_ =	shalt  }
0x52: {  	_ =	shalt  }
0x53: {  	_ =	shalt  }
0x54: {  	_ =	shalt  }
0x55: {  	_ =	shalt  }
0x56: {  	_ =	shalt  }
0x57: {  	_ =	shalt  }
0x58: {  	_ =	shalt  }
0x59: {  	_ =	shalt  }
0x5a: {  	_ =	shalt  }
0x5b: {  	_ =	shalt  }
0x5c: {  	_ =	shalt  }
0x5d: {  	_ =	shalt  }
0x5e: {  	_ =	shalt  }
0x5f: {  	_ =	shalt  }
0x60: {  	_ =	shalt  }
0x61: {  	_ =	shalt  }
0x62: {  	_ =	shalt  }
0x63: {  	_ =	shalt  }
0x64: {  	_ =	shalt  }
0x65: {  	_ =	shalt  }
0x66: {  	_ =	shalt  }
0x67: {  	_ =	shalt  }
0x68: {  	_ =	shalt  }
0x69: {  	_ =	shalt  }
0x6a: {  	_ =	shalt  }
0x6b: {  	_ =	shalt  }
0x6c: {  	_ =	shalt  }
0x6d: {  	_ =	shalt  }
0x6e: {  	_ =	shalt  }
0x6f: {  	_ =	shalt  }
0x70: {  	_ =	shalt  }
0x71: {  	_ =	shalt  }
0x72: {  	_ =	shalt  }
0x73: {  	_ =	shalt  }
0x74: {  	_ =	shalt  }
0x75: {  	_ =	shalt  }
0x76: {  	_ =	shalt  }
0x77: {  	_ =	shalt  }
0x78: {  	_ =	shalt  }
0x79: {  	_ =	shalt  }
0x7a: {  	_ =	shalt  }
0x7b: {  	_ =	shalt  }
0x7c: {  	_ =	shalt  }
0x7d: {  	_ =	shalt  }
0x7e: {  	_ =	shalt  }
0x7f: {  	_ =	shalt  }
0x80: {  	_ =	shalt  }
0x81: {  	_ =	shalt  }
0x82: {  	_ =	shalt  }
0x83: {  	_ =	shalt  }
0x84: {  	_ =	shalt  }
0x85: {  	_ =	shalt  }
0x86: {  	_ =	shalt  }
0x87: {  	_ =	shalt  }
.Lfunc_end0:
.L_simem_size_0:
called_computation.4_lowered:
.L_overlay_start_0:
0x88: {  	s2 =	sld [smem:$0x3FD9]  }
0x89: {  	s3 =	sld [smem:$0x3FFE];
	_ =	sdelay $0x1  }
0x8a: {  	s1 =	srdreg.scid  }
0x8b: {  	s0 =	sand.u32 $0x1, s1  }
0x8c: {  	s14 =	sshll.u32 s0, $0xA;
	s2 =	sadd.s32 s3, s2  }
0x8d: {  	s2 =	sadd.s32 s2, s14  }
0x8e: {  	[smem:$0x3FB9] =	sst s2  }
0x8f: {  	_ = 	snop  }
0x90: {  	s2 =	sld [smem:$0x3FD0];
	_ =	sdelay $0x2  }
0x91: {  	s15 =	simm.s32 $0xA;
	s4 =	simm.s32 $0x10  }
0x92: {  	[smem:s4], [sflag:s15] =	dma.local [hbm:s2], $0x1  }
0x93: {  	_ =	swait.eq [sflag:s15], $0x1  }
0x94: {  	[sflag:s15] =	ssyncset.done $0x0  }
0x95: {  	s16 =	sld [smem:$0x12];
	[sflag:s15] =	ssyncadd.s32 $0xFFFFFFFF  }
0x96: {  	s17 =	sld [smem:$0x13];
	(tm) =	ssettm $0x1  }
0x97: {  	s18 =	sld [smem:$0x3FFB];
	_ =	sdelay $0x3  }
0x98: {  	_ =	strace s18  }
0x99: {  	s4 =	sld [smem:$0x3FFC];
	_ =	sdelay $0x3  }
0x9a: {  	_ =	strace s4  }
0x9b: {  	s4 =	sld [smem:$0x3FFD];
	_ =	sdelay $0x3  }
0x9c: {  	_ =	strace s4  }
0x9d: {  	_ =	strace $0x8FFFFFFF  }
0x9e: {  	s19 =	sld [smem:$0x3FDB];
	_ =	sdelay $0x1  }
0x9f: {  	s5 =	simm.s32 $_scs_section_size  }
0xa0: {  	s6 =	simm.s32 $_size__tile_overlayer_lowered;
	s7 =	simm.s32 $_tile_overlayer_lowered  }
0xa1: {  	s22 =	simm.s32 $0x1BFF;
	s21 =	sshll.u32 s7, $0x1;
	s4 =	sadd.s32 s5, s19  }
0xa2: {  	s8 =	simm.s32 $0x0;
	s20 =	sshll.u32 s6, $0x1;
	s6 =	sadd.s32 s21, s4  }
0xa3: {  	[timem:s8], [sflag:s22] =	dma.local [hbm:s6], s20  }
0xa4: {  	_ =	swait.ge [sflag:s22], s20  }
0xa5: {  	s5 =	ssub.s32 $0x0, s20;
	[sflag:s22] =	ssyncset.done $0x0  }
0xa6: {  	[sflag:s22] =	ssyncadd.s32 s5;
	_ =	sdelay $0x1  }
0xa7: {  	s23 =	simm.s32 $0x1B8B  }
0xa8: {  	_ =	swait.ge [sflag:s23], $0x1  }
0xa9: {  	[sflag:s23] =	ssyncset.done $0x0  }
0xaa: {  	s25 =	simm.s32 $0x1B8E;
	s24 =	sld [smem:$0x3FFE];
	[sflag:s23] =	ssyncadd.s32 $0xFFFFFFFF  }
0xab: {  	s26 =	simm.s32 $execute0_lowered;
	[smem:$0x3FD2] =	sst s25  }
0xac: {  	s6 =	sshll.u32 s26, $0x1;
	_ =	strace $0x80000052;
	[dreg:$0x1] =	wrdreg $0xFFFFFFFF  }
0xad: {  	s28 =	simm.s32 $_size_execute0_lowered;
	s4 =	sadd.s32 s4, s6;
	[dreg:$0x0] =	wrdreg $0x0  }
0xae: {  	s6 =	sshll.u32 s28, $0x1;
	[dreg:$0x2] =	wrdreg s4  }
0xaf: {  	[dreg:$0x3] =	wrdreg s6  }
0xb0: {  	[dreg:$0x4] =	wrdreg $0xC0  }
0xb1: {  	_ =	task [dreg:s8], $0x5FFFF  }
0xb2: {  	[dreg:$0x1] =	wrdreg $0xFFFFFFFF  }
0xb3: {  	[dreg:$0x0] =	wrdreg $0x60  }
0xb4: {  	[dreg:$0x2] =	wrdreg s16  }
0xb5: {  	[dreg:$0x3] =	wrdreg s24  }
0xb6: {  	[dreg:$0x4] =	wrdreg s17  }
0xb7: {  	[dreg:$0x5] =	wrdreg $0x41000  }
0xb8: {  	[dreg:$0x6] =	wrdreg $0x9  }
0xb9: {  	_ =	task.clear_ibuf [dreg:s8], $0x7FFFF;
	_ =	strace $0x90000052  }
0xba: {  	s29 =	simm.s32 $0x9;
	_ =	strace $0x80000054  }
0xbb: {  	_ =	swait.ge [sflag:s29], $0x1  }
0xbc: {  	[sflag:s29] =	ssyncadd.s32 $0xFFFFFFFF  }
0xbd: {  	_ =	strace $0x90000054  }
0xbe: {  	_ =	sfence  }
0xbf: {  	s30 =	sld [smem:$0x0];
	_ =	sdelay $0x2  }
0xc0: {  	s31 =	sshll.u32 s1, $0xD;
	s1 =	sshrl.u32 s1, $0x2  }
0xc1: {  	s3 =	sand.u32 $0x4000, s31;
	s1 =	sadd.s32 s1, s30  }
0xc2: {  	s0 =	sor.u32 s3, s0;
	s1 =	sshll.u32 s1, $0x11  }
0xc3: {  	s0 =	sor.u32 s1, s0  }
0xc4: {  	s0 =	sadd.s32 $0x8F2B, s0  }
0xc5: {  	[sflag:s0] =	ssyncadd.remote.s32 $0x1  }
0xc6: {  	_ =	sfence.sel $0xFFFF  }
0xc7: {  	[dreg:$0x0] =	wrdreg $0xFFFFFFFF;
	(pc) =	sbr.abs _section_cstart, $3  }
0xc8: {  	[dreg:$0x1] =	wrdreg $0xFFFFFFFF  }
0xc9: {  	_ =	task.clear_ibuf [dreg:s8], $0x2FFFF;
	_ =	strace $0x9FFFFFFF  }
0xca: {  	(tm) =	ssettm $0x7FFFFFFF  }
0xcb: {  	_ =	shalt  }
tec
execute0_lowered:
.L_overlay_start_1:
0x0: {  	(tag) =	ssettag $0x1  }
0x1: {  	s2 =	rddreg [dreg:$0x0]  }
0x2: {  	s21 =	rddreg [dreg:$0x1]  }
0x3: {  	s3 =	rddreg [dreg:$0x2]  }
0x4: {  	s4 =	rddreg [dreg:$0x3];
	s1 =	stileid.u32  }
0x5: {  	s5 =	simm.s32 $0x0;
	s6 =	srdreg.scid;
	s30 =	smul.u32 $0x2800, s1  }
0x6: {  	[smem:$0x7FF] =	sst s5;
	s7 =	smul.u32 $0x50000, s1  }
0x7: {  	s0 =	rddreg [dreg:$0x4];
	s18 =	sand.u32 $0x1, s6;
	_ =	strace $0x80000053  }
0x8: {  	p0 =	sne.s32 s18, $0x0;
	s17 =	sadd.s32 s30, s21;
	s31 =	sshrl.u32 s7, $0x2  }
0x9: {  	s6 =	sshll.u32 @!p0 s1, $0x6;
	s8 =	simm.s32 @!p0 $0x2;
	s7 =	sadd.s32 s31, s4  }
0xa: {  	s5 =	sadd.s32 $0x7000, s17;
	s6 =	sor.u32 @!p0 $0x1C02, s6;
	s7 =	sshrl.u32 @!p0 s7, $0x3  }
0xb: {  	[spmem:s7], [sflag:s6] =	dma.local @!p0 [hbm:s5], $0x2800  }
0xc: {  	_ =	swait.ge @!p0 [sflag:s8], $0x2800  }
0xd: {  	[sflag:s8] =	ssyncset.done @!p0 $0x0  }
0xe: {  	s15 =	sadd.s32 $0x7F000, s21;
	s16 =	sshll.u32 s1, $0x5;
	[sflag:s8] =	ssyncadd.s32 @!p0 $0xFFFFD800  }
0xf: {  	s9 =	sadd.s32 s15, s16;
	s10 =	simm.s32 @!p0 $0x0;
	[bflag:$0x0] =	sbarrier.arrive @!p0 $0xFFFF  }
0x10: {  	[tilespmem:s10], [sflag:$0x2] =	stream.linear.gather @!p0 [hbm4b:s9+s10], $0x80, $0x38;
	[tilespmem:$0x18100] =	vst v63  }
0x11: {  	_ =	swait.ge @!p0 [sflag:s8], $0x80  }
0x12: {  	s19 =	sadd.s32 $0xA7000, s21;
	[sflag:s8] =	ssyncset.done @!p0 $0x0  }
0x13: {  	s11 =	sadd.s32 s19, s16;
	s12 =	simm.s32 @!p0 $0x80;
	[sflag:s8] =	ssyncadd.s32 @!p0 $0xFFFFFF80  }
0x14: {  	[tilespmem:s12], [sflag:$0x2] =	stream.linear.gather @!p0 [hbm4b:s11+s10], $0x80, $0x38;
	[tilespmem:$0x18100] =	vst v63  }
0x15: {  	_ =	swait.ge @!p0 [sflag:s8], $0x80  }
0x16: {  	[sflag:s8] =	ssyncset.done @!p0 $0x0  }
0x17: {  	s13 =	simm.s32 @!p0 $0x100;
	s14 =	simm.s32 @!p0 $0x1;
	[sflag:s8] =	ssyncadd.s32 @!p0 $0xFFFFFF80  }
0x18: {  	[tilespmem:s13], [sflag:$0x1] =	stream.indirect.gather @!p0 [hbm4b:s2+s12], $0x80, s10, s12, $0xb8;
	[tilespmem:$0x18100] =	vst v63  }
0x19: {  	_ =	swait.ge @!p0 [sflag:s14], $0x4000  }
0x1a: {  	[sflag:s14] =	ssyncset.done @!p0 $0x0  }
0x1b: {  	[sflag:s14] =	ssyncadd.s32 @!p0 $0xFFFFC000  }
0x1c: {  	[spmem:s4] =	stream.indirect.scatter.add.f32 @!p0 [tilespmem:s13], [sflag:$0x2], $0x80, s12, s12, $0xb8;
	[tilespmem:$0x18100] =	vst v63  }
0x1d: {  	_ =	swait.ge @!p0 [sflag:s8], $0x4000  }
0x1e: {  	s16 =	sor.u32 $0x10, s16;
	[sflag:s8] =	ssyncset.done @!p0 $0x0  }
0x1f: {  	s15 =	sadd.s32 s15, s16;
	[sflag:s8] =	ssyncadd.s32 @!p0 $0xFFFFC000  }
0x20: {  	[tilespmem:s10], [sflag:$0x2] =	stream.linear.gather @!p0 [hbm4b:s15+s10], $0x80, $0x38;
	[tilespmem:$0x18100] =	vst v63  }
0x21: {  	_ =	swait.ge @!p0 [sflag:s8], $0x80  }
0x22: {  	[sflag:s8] =	ssyncset.done @!p0 $0x0  }
0x23: {  	s16 =	sadd.s32 s19, s16;
	[sflag:s8] =	ssyncadd.s32 @!p0 $0xFFFFFF80  }
0x24: {  	[tilespmem:s12], [sflag:$0x2] =	stream.linear.gather @!p0 [hbm4b:s16+s10], $0x80, $0x38;
	[tilespmem:$0x18100] =	vst v63  }
0x25: {  	_ =	swait.ge @!p0 [sflag:s8], $0x80  }
0x26: {  	[sflag:s8] =	ssyncset.done @!p0 $0x0  }
0x27: {  	[sflag:s8] =	ssyncadd.s32 @!p0 $0xFFFFFF80  }
0x28: {  	[tilespmem:s13], [sflag:$0x1] =	stream.indirect.gather @!p0 [hbm4b:s2+s12], $0x80, s10, s12, $0xb8;
	[tilespmem:$0x18100] =	vst v63  }
0x29: {  	_ =	swait.ge @!p0 [sflag:s14], $0x4000  }
0x2a: {  	[sflag:s14] =	ssyncset.done @!p0 $0x0  }
0x2b: {  	[sflag:s14] =	ssyncadd.s32 @!p0 $0xFFFFC000  }
0x2c: {  	[spmem:s4] =	stream.indirect.scatter.add.f32 @!p0 [tilespmem:s13], [sflag:$0x2], $0x80, s12, s12, $0xb8;
	[tilespmem:$0x18100] =	vst v63  }
0x2d: {  	p2 =	seq.s32 s1, $0x0;
	_ =	swait.ge @!p0 [sflag:s8], $0x4000  }
0x2e: {  	p1 =	seq.s32 s18, $0x1;
	s22 =	ssub.s32 $0x2, s18;
	[sflag:s8] =	ssyncset.done @!p0 $0x0  }
0x2f: {  	p1 =	por !p2, !p1;
	s23 =	sshrl.u32 s22, $0x1;
	[sflag:s8] =	ssyncadd.s32 @!p0 $0xFFFFC000  }
0x30: {  	s17 =	sadd.s32 $0xA7200, s17;
	p1 =	por !p1, !p1;
	[bflag:$0x0] =	sbarrier.arrive @!p0 $0xFFFF  }
0x31: {  	[hbm:s17], [sflag:s6] =	dma.local @!p0 [spmem:s7], $0x2800  }
0x32: {  	s22 =	ssub.s32 s22, s23;
	s18 =	simm.s32 @p1 $0x2;
	_ =	swait.ge @!p0 [sflag:s8], $0x2800  }
0x33: {  	s19 =	simm.s32 @p1 $0x0;
	s22 =	smax.u32 s22, $0x1;
	[sflag:s8] =	ssyncset.done @!p0 $0x0  }
0x34: {  	s20 =	simm.s32 @p1 $0x100;
	s22 =	sadd.s32 $0xFFFFFFFF, s22;
	[sflag:s8] =	ssyncadd.s32 @!p0 $0xFFFFD800  }
0x35: {  	[tilespmem:s20], [sflag:$0x2] =	stream.linear.gather @p1 [hbm4b:s3+s19], $0x4000, $0x38;
	[tilespmem:$0x18100] =	vst v63  }
0x36: {  	p2 =	sne.s32 s22, $0x0;
	_ =	swait.ge @p1 [sflag:s18], $0x4000  }
.Ltmp0:
0x37: {  	[sflag:s18] =	ssyncset.done @p1 $0x0;
	(pc) =	sbr.rel @!p2 .LBB2_2-.Ltmp0, $4  }
0x38: {  	s21 =	sadd.s32 $0xCF200, s21;
	[sflag:s18] =	ssyncadd.s32 @p1 $0xFFFFC000  }
0x39: {  	[hbm4b:s21+s19] =	stream.linear.scatter @p1 [tilespmem:s20], [sflag:$0x2], $0x4000, $0x38;
	[tilespmem:$0x18100] =	vst v63  }
0x3a: {  	_ =	swait.ge @p1 [sflag:s18], $0x4000  }
0x3b: {  	[sflag:s18] =	ssyncset.done @p1 $0x0  }
.LBB2_1:
0x3c: {  	s22 =	sadd.s32 $0xFFFFFFFF, s22;
	[sflag:s18] =	ssyncadd.s32 @p1 $0xFFFFC000  }
0x3d: {  	[spmem:s7], [sflag:s6] =	dma.local @!p0 [hbm:s5], $0x2800  }
0x3e: {  	p2 =	sne.s32 s22, $0x0;
	_ =	swait.ge @!p0 [sflag:s8], $0x2800  }
0x3f: {  	[sflag:s8] =	ssyncset.done @!p0 $0x0  }
0x40: {  	[sflag:s8] =	ssyncadd.s32 @!p0 $0xFFFFD800  }
0x41: {  	[bflag:$0x0] =	sbarrier.arrive @!p0 $0xFFFF  }
0x42: {  	[tilespmem:s10], [sflag:$0x2] =	stream.linear.gather @!p0 [hbm4b:s9+s10], $0x80, $0x38;
	[tilespmem:$0x18100] =	vst v63  }
0x43: {  	_ =	swait.ge @!p0 [sflag:s8], $0x80  }
0x44: {  	[sflag:s8] =	ssyncset.done @!p0 $0x0  }
0x45: {  	[sflag:s8] =	ssyncadd.s32 @!p0 $0xFFFFFF80  }
0x46: {  	[tilespmem:s12], [sflag:$0x2] =	stream.linear.gather @!p0 [hbm4b:s11+s10], $0x80, $0x38;
	[tilespmem:$0x18100] =	vst v63  }
0x47: {  	_ =	swait.ge @!p0 [sflag:s8], $0x80  }
0x48: {  	[sflag:s8] =	ssyncset.done @!p0 $0x0  }
0x49: {  	[sflag:s8] =	ssyncadd.s32 @!p0 $0xFFFFFF80  }
0x4a: {  	[tilespmem:s13], [sflag:$0x1] =	stream.indirect.gather @!p0 [hbm4b:s2+s12], $0x80, s10, s12, $0xb8;
	[tilespmem:$0x18100] =	vst v63  }
0x4b: {  	_ =	swait.ge @!p0 [sflag:s14], $0x4000  }
0x4c: {  	[sflag:s14] =	ssyncset.done @!p0 $0x0  }
0x4d: {  	[sflag:s14] =	ssyncadd.s32 @!p0 $0xFFFFC000  }
0x4e: {  	[spmem:s4] =	stream.indirect.scatter.add.f32 @!p0 [tilespmem:s13], [sflag:$0x2], $0x80, s12, s12, $0xb8;
	[tilespmem:$0x18100] =	vst v63  }
0x4f: {  	_ =	swait.ge @!p0 [sflag:s8], $0x4000  }
0x50: {  	[sflag:s8] =	ssyncset.done @!p0 $0x0  }
0x51: {  	[sflag:s8] =	ssyncadd.s32 @!p0 $0xFFFFC000  }
0x52: {  	[tilespmem:s10], [sflag:$0x2] =	stream.linear.gather @!p0 [hbm4b:s15+s10], $0x80, $0x38;
	[tilespmem:$0x18100] =	vst v63  }
0x53: {  	_ =	swait.ge @!p0 [sflag:s8], $0x80  }
0x54: {  	[sflag:s8] =	ssyncset.done @!p0 $0x0  }
0x55: {  	[sflag:s8] =	ssyncadd.s32 @!p0 $0xFFFFFF80  }
0x56: {  	[tilespmem:s12], [sflag:$0x2] =	stream.linear.gather @!p0 [hbm4b:s16+s10], $0x80, $0x38;
	[tilespmem:$0x18100] =	vst v63  }
0x57: {  	_ =	swait.ge @!p0 [sflag:s8], $0x80  }
0x58: {  	[sflag:s8] =	ssyncset.done @!p0 $0x0  }
0x59: {  	[sflag:s8] =	ssyncadd.s32 @!p0 $0xFFFFFF80  }
0x5a: {  	[tilespmem:s13], [sflag:$0x1] =	stream.indirect.gather @!p0 [hbm4b:s2+s12], $0x80, s10, s12, $0xb8;
	[tilespmem:$0x18100] =	vst v63  }
0x5b: {  	_ =	swait.ge @!p0 [sflag:s14], $0x4000  }
0x5c: {  	[sflag:s14] =	ssyncset.done @!p0 $0x0  }
0x5d: {  	[sflag:s14] =	ssyncadd.s32 @!p0 $0xFFFFC000  }
0x5e: {  	[spmem:s4] =	stream.indirect.scatter.add.f32 @!p0 [tilespmem:s13], [sflag:$0x2], $0x80, s12, s12, $0xb8;
	[tilespmem:$0x18100] =	vst v63  }
0x5f: {  	_ =	swait.ge @!p0 [sflag:s8], $0x4000  }
0x60: {  	[sflag:s8] =	ssyncset.done @!p0 $0x0  }
0x61: {  	[sflag:s8] =	ssyncadd.s32 @!p0 $0xFFFFC000  }
0x62: {  	[bflag:$0x0] =	sbarrier.arrive @!p0 $0xFFFF  }
0x63: {  	[hbm:s17], [sflag:s6] =	dma.local @!p0 [spmem:s7], $0x2800  }
0x64: {  	_ =	swait.ge @!p0 [sflag:s8], $0x2800  }
0x65: {  	[sflag:s8] =	ssyncset.done @!p0 $0x0  }
0x66: {  	[sflag:s8] =	ssyncadd.s32 @!p0 $0xFFFFD800  }
0x67: {  	[tilespmem:s20], [sflag:$0x2] =	stream.linear.gather @p1 [hbm4b:s3+s19], $0x4000, $0x38;
	[tilespmem:$0x18100] =	vst v63  }
0x68: {  	_ =	swait.ge @p1 [sflag:s18], $0x4000  }
.Ltmp1:
0x69: {  	[sflag:s18] =	ssyncset.done @p1 $0x0;
	(pc) =	sbr.rel @p2 .LBB2_1-.Ltmp1, $4  }
0x6a: {  	[sflag:s18] =	ssyncadd.s32 @p1 $0xFFFFC000  }
0x6b: {  	[hbm4b:s21+s19] =	stream.linear.scatter @p1 [tilespmem:s20], [sflag:$0x2], $0x4000, $0x38;
	[tilespmem:$0x18100] =	vst v63  }
0x6c: {  	_ =	swait.ge @p1 [sflag:s18], $0x4000  }
0x6d: {  	[sflag:s18] =	ssyncset.done @p1 $0x0  }
.LBB2_2:
0x6e: {  	[sflag:s18] =	ssyncadd.s32 @p1 $0xFFFFC000  }
0x6f: {  	_ =	sfence.sel $0x180000  }
0x70: {  	[bflag:$0x0] =	sbarrier.arrive $0xFFFF  }
0x71: {  	p0 =	sne.s32 s1, $0x0;
	_ =	strace $0x90000053  }
0x72: {  	s0 =	sadd.s32 @!p0 $0x100000, s0;
	[bflag:$0x2] =	sbarrier.arrive $0xFFFF  }
0x73: {  	[sflag:s0] =	ssyncadd.tile.s32 @!p0 $0x1;
	_ =	shalt  }
.Lfunc_end2:
_tile_overlayer_lowered:
.L_overlay_start_2:
0x74: {  	(tag) =	ssettag $0x2  }
0x75: {  	s0 =	rddreg [dreg:$0x0];
	s2 =	stileid.u32  }
0x76: {  	s1 =	rddreg [dreg:$0x1];
	p0 =	sne.s32 s2, $0x0  }
0x77: {  	s3 =	rddreg [dreg:$0x2];
	[bflag:$0x3] =	sbarrier.arrive $0xFFFF;
	s2 =	simm.s32 @!p0 $0x1C02  }
0x78: {  	[timem:s3], [sflag:s2] =	dma.local @!p0 [hbm:s0], s1  }
0x79: {  	s0 =	simm.s32 @!p0 $0x2  }
0x7a: {  	_ =	swait.ge @!p0 [sflag:s0], s1  }
0x7b: {  	s1 =	ssub.s32 @!p0 $0x0, s1;
	[sflag:s0] =	ssyncset.done @!p0 $0x0  }
0x7c: {  	[sflag:s0] =	ssyncadd.s32 @!p0 s1  }
0x7d: {  	[bflag:$0x3] =	sbarrier.arrive $0xFFFF  }
0x7e: {  	_ =	shalt  }

// kernel: kernel.32.cloned.1.call-start
scs
__scs_entry_jumppad:
0x0: {  	(pc) =	sbr.rel $0x88, $3  }
0x1: {  	(tag) =	ssettag $0x0;
	lr =	simm.s32 $0x1  }
0x2: {  	[smem:$0x3F92] =	sst lr;
	_ =	strace $0xD0000000  }
0x3: {  	_ = 	snop  }
0x4: {  	_ = 	snop  }
0x5: {  	_ = 	snop  }
0x6: {  	_ = 	snop  }
0x7: {  	_ = 	snop  }
__scs_overlays_trampoline_lowered:
0x8: {  	[smem:$0x3FA1] =	sst s0  }
0x9: {  	[smem:$0x3FA2] =	sst s1  }
0xa: {  	[smem:$0x3FA3] =	sst s2  }
0xb: {  	[smem:$0x3FA4] =	sst s3  }
0xc: {  	[smem:$0x3FA5] =	sst s4  }
0xd: {  	[smem:$0x3FA6] =	sst s5  }
0xe: {  	[smem:$0x3FA7] =	sst s6  }
0xf: {  	[smem:$0x3FA8] =	sst s7  }
0x10: {  	[smem:$0x3FA9] =	sst s8  }
0x11: {  	[smem:$0x3FAA] =	sst s9;
	s0 =	simm.s32 @!p0 $0x0  }
0x12: {  	s1 =	sld [smem:$0x3F90];
	s0 =	simm.s32 @p0 $0x1  }
0x13: {  	[smem:$0x3FAB] =	sst s0;
	s0 =	simm.s32 @!p1 $0x0  }
0x14: {  	s2 =	sld [smem:$0x3F8F];
	s0 =	simm.s32 @p1 $0x1  }
0x15: {  	[smem:$0x3FAC] =	sst s0;
	s0 =	simm.s32 @!p2 $0x0  }
0x16: {  	s3 =	sld [smem:$0x3FDB];
	s0 =	simm.s32 @p2 $0x1  }
0x17: {  	s4 =	simm.s32 $0x1BF5;
	[smem:$0x3FAE] =	sst s0  }
0x18: {  	s0 =	sld [smem:$0x3F91];
	_ =	swait.ge [sflag:s4], $0x0  }
0x19: {  	s7 =	sld [smem:$0x3F92]  }
0x1a: {  	s8 =	sadd.s32 $0xFFFFE003, lr  }
0x1b: {  	s9 =	sadd.s32 $0xFFFFFEF7, lr;
	s5 =	simm.s32 $0xFFFFFFFF;
	p2 =	slt.u32 s8, $0xFFFFF086  }
0x1c: {  	p1 =	slt.u32 s9, $0xF7A;
	s5 =	simm.s32 @!p2 $0x0  }
0x1d: {  	s5 =	simm.s32 @p1 $0x1;
	p0 =	seq.s32 s7, s2  }
0x1e: {  	s7 =	smul.u32 @!p0 $0xF7A, s2;
	p2 =	seq.s32 @!p0 s5, $0x0  }
0x1f: {  	s9 =	smul.u32 $0xF7A, s1;
	s8 =	simm.s32 @!p0 $0x1BF5;
	p2 =	por !p2, p0  }
0x20: {  	[sflag:s8] =	ssyncset.s32 @!p0 $0xFFFFF086;
	s6 =	sadd.s32 @!p0 s3, s7;
	s7 =	simm.s32 @!p0 $0x108  }
0x21: {  	s3 =	sadd.s32 s3, s9;
	s6 =	sadd.s32 @!p0 $0x88, s6;
	s7 =	simm.s32 @p2 $0x1082  }
0x22: {  	[simem:s7], [sflag:s8] =	dma.local @!p0 [hbm:s6], $0xF7A  }
0x23: {  	s9 =	sor.u32 $0xD0000000, s2;
	s6 =	simm.s32 $0x108;
	_ =	swait.ge @!p0 [sflag:s8], $0x0  }
0x24: {  	s3 =	sadd.s32 $0x88, s3;
	s6 =	simm.s32 @!p1 $0x1082;
	[sflag:s4] =	ssyncset.s32 $0xFFFFF086  }
0x25: {  	[simem:s6], [sflag:s4] =	dma.local [hbm:s3], $0xF7A  }
0x26: {  	[smem:$0x3F92] =	sst s1;
	(tag) =	ssettag s2;
	_ =	strace s9  }
0x27: {  	s1 =	sld [smem:$0x3FA2]  }
0x28: {  	s2 =	sld [smem:$0x3FA3]  }
0x29: {  	s4 =	sld [smem:$0x3FA5]  }
0x2a: {  	p0 =	seq.s32 s5, $0x0;
	s5 =	sld [smem:$0x3FA6]  }
0x2b: {  	s6 =	sld [smem:$0x3FA7]  }
0x2c: {  	s7 =	sld [smem:$0x3FA8]  }
0x2d: {  	s3 =	simm.s32 $0x108;
	s8 =	sld [smem:$0x3FA9]  }
0x2e: {  	s3 =	simm.s32 @!p0 $0x1082;
	s9 =	sld [smem:$0x3FAA]  }
0x2f: {  	lr =	sadd.s32 s0, s3;
	s0 =	sld [smem:$0x3FA1]  }
0x30: {  	s3 =	sld [smem:$0x3FA4]  }
0x31: {  	[smem:$0x3FAD] =	sst s10  }
0x32: {  	s10 =	sld [smem:$0x3FAB];
	_ =	sdelay $0x3  }
0x33: {  	p0 =	seq.s32 s10, $0x1;
	s10 =	sld [smem:$0x3FAD];
	_ =	sdelay $0x3  }
0x34: {  	[smem:$0x3FAD] =	sst s10  }
0x35: {  	s10 =	sld [smem:$0x3FAC];
	_ =	sdelay $0x3  }
0x36: {  	p1 =	seq.s32 s10, $0x1;
	s10 =	sld [smem:$0x3FAD];
	_ =	sdelay $0x3  }
0x37: {  	[smem:$0x3FAD] =	sst s10  }
0x38: {  	s10 =	sld [smem:$0x3FAE]  }
0x39: {  	_ = 	snop;
	(pc) =	sbr.ind lr, $3  }
0x3a: {  	_ = 	snop  }
0x3b: {  	_ = 	snop  }
0x3c: {  	p2 =	seq.s32 s10, $0x1;
	s10 =	sld [smem:$0x3FAD]  }
0x3d: {  	_ =	shalt  }
0x3e: {  	_ =	shalt  }
0x3f: {  	_ =	shalt  }
0x40: {  	_ =	shalt  }
0x41: {  	_ =	shalt  }
0x42: {  	_ =	shalt  }
0x43: {  	_ =	shalt  }
0x44: {  	_ =	shalt  }
0x45: {  	_ =	shalt  }
0x46: {  	_ =	shalt  }
0x47: {  	_ =	shalt  }
0x48: {  	_ =	shalt  }
0x49: {  	_ =	shalt  }
0x4a: {  	_ =	shalt  }
0x4b: {  	_ =	shalt  }
0x4c: {  	_ =	shalt  }
0x4d: {  	_ =	shalt  }
0x4e: {  	_ =	shalt  }
0x4f: {  	_ =	shalt  }
0x50: {  	_ =	shalt  }
0x51: {  	_ =	shalt  }
0x52: {  	_ =	shalt  }
0x53: {  	_ =	shalt  }
0x54: {  	_ =	shalt  }
0x55: {  	_ =	shalt  }
0x56: {  	_ =	shalt  }
0x57: {  	_ =	shalt  }
0x58: {  	_ =	shalt  }
0x59: {  	_ =	shalt  }
0x5a: {  	_ =	shalt  }
0x5b: {  	_ =	shalt  }
0x5c: {  	_ =	shalt  }
0x5d: {  	_ =	shalt  }
0x5e: {  	_ =	shalt  }
0x5f: {  	_ =	shalt  }
0x60: {  	_ =	shalt  }
0x61: {  	_ =	shalt  }
0x62: {  	_ =	shalt  }
0x63: {  	_ =	shalt  }
0x64: {  	_ =	shalt  }
0x65: {  	_ =	shalt  }
0x66: {  	_ =	shalt  }
0x67: {  	_ =	shalt  }
0x68: {  	_ =	shalt  }
0x69: {  	_ =	shalt  }
0x6a: {  	_ =	shalt  }
0x6b: {  	_ =	shalt  }
0x6c: {  	_ =	shalt  }
0x6d: {  	_ =	shalt  }
0x6e: {  	_ =	shalt  }
0x6f: {  	_ =	shalt  }
0x70: {  	_ =	shalt  }
0x71: {  	_ =	shalt  }
0x72: {  	_ =	shalt  }
0x73: {  	_ =	shalt  }
0x74: {  	_ =	shalt  }
0x75: {  	_ =	shalt  }
0x76: {  	_ =	shalt  }
0x77: {  	_ =	shalt  }
0x78: {  	_ =	shalt  }
0x79: {  	_ =	shalt  }
0x7a: {  	_ =	shalt  }
0x7b: {  	_ =	shalt  }
0x7c: {  	_ =	shalt  }
0x7d: {  	_ =	shalt  }
0x7e: {  	_ =	shalt  }
0x7f: {  	_ =	shalt  }
0x80: {  	_ =	shalt  }
0x81: {  	_ =	shalt  }
0x82: {  	_ =	shalt  }
0x83: {  	_ =	shalt  }
0x84: {  	_ =	shalt  }
0x85: {  	_ =	shalt  }
0x86: {  	_ =	shalt  }
0x87: {  	_ =	shalt  }
.Lfunc_end0:
.L_simem_size_0:
called_computation.5_lowered:
.L_overlay_start_0:
0x88: {  	s2 =	sld [smem:$0x3FD9]  }
0x89: {  	s3 =	sld [smem:$0x3FFE];
	_ =	sdelay $0x1  }
0x8a: {  	s1 =	srdreg.scid  }
0x8b: {  	s0 =	sand.u32 $0x1, s1  }
0x8c: {  	s14 =	sshll.u32 s0, $0xA;
	s2 =	sadd.s32 s3, s2  }
0x8d: {  	s2 =	sadd.s32 s2, s14  }
0x8e: {  	[smem:$0x3FB9] =	sst s2  }
0x8f: {  	_ = 	snop  }
0x90: {  	s2 =	sld [smem:$0x3FD0];
	_ =	sdelay $0x2  }
0x91: {  	s15 =	simm.s32 $0xA;
	s4 =	simm.s32 $0x10  }
0x92: {  	[smem:s4], [sflag:s15] =	dma.local [hbm:s2], $0x1  }
0x93: {  	_ =	swait.eq [sflag:s15], $0x1  }
0x94: {  	[sflag:s15] =	ssyncset.done $0x0  }
0x95: {  	[sflag:s15] =	ssyncadd.s32 $0xFFFFFFFF  }
0x96: {  	s16 =	sld [smem:$0x11];
	(tm) =	ssettm $0x1  }
0x97: {  	s17 =	sld [smem:$0x3FFB];
	_ =	sdelay $0x3  }
0x98: {  	_ =	strace s17  }
0x99: {  	s3 =	sld [smem:$0x3FFC];
	_ =	sdelay $0x3  }
0x9a: {  	_ =	strace s3  }
0x9b: {  	s3 =	sld [smem:$0x3FFD];
	_ =	sdelay $0x3  }
0x9c: {  	_ =	strace s3  }
0x9d: {  	_ =	strace $0x8FFFFFFF  }
0x9e: {  	s18 =	sld [smem:$0x3FDB];
	_ =	sdelay $0x1  }
0x9f: {  	s19 =	simm.s32 $_scs_section_size  }
0xa0: {  	s5 =	simm.s32 $_size__tile_overlayer_lowered;
	s6 =	simm.s32 $_tile_overlayer_lowered  }
0xa1: {  	s22 =	simm.s32 $0x1BFF;
	s21 =	sshll.u32 s6, $0x1;
	s3 =	sadd.s32 s19, s18  }
0xa2: {  	s7 =	simm.s32 $0x0;
	s20 =	sshll.u32 s5, $0x1;
	s5 =	sadd.s32 s21, s3  }
0xa3: {  	[timem:s7], [sflag:s22] =	dma.local [hbm:s5], s20  }
0xa4: {  	_ =	swait.ge [sflag:s22], s20  }
0xa5: {  	s4 =	ssub.s32 $0x0, s20;
	[sflag:s22] =	ssyncset.done $0x0  }
0xa6: {  	[sflag:s22] =	ssyncadd.s32 s4;
	_ =	sdelay $0x1  }
0xa7: {  	s23 =	simm.s32 $0x1B8B  }
0xa8: {  	_ =	swait.ge [sflag:s23], $0x1  }
0xa9: {  	[sflag:s23] =	ssyncset.done $0x0  }
0xaa: {  	s25 =	simm.s32 $0x1B8E;
	s24 =	sld [smem:$0x3FFE];
	[sflag:s23] =	ssyncadd.s32 $0xFFFFFFFF  }
0xab: {  	s26 =	simm.s32 $execute0_lowered;
	[smem:$0x3FD2] =	sst s25  }
0xac: {  	s5 =	sshll.u32 s26, $0x1;
	_ =	strace $0x80000055;
	[dreg:$0x1] =	wrdreg $0xFFFFFFFF  }
0xad: {  	s28 =	simm.s32 $_size_execute0_lowered;
	s3 =	sadd.s32 s3, s5;
	[dreg:$0x0] =	wrdreg $0x0  }
0xae: {  	s5 =	sshll.u32 s28, $0x1;
	[dreg:$0x2] =	wrdreg s3  }
0xaf: {  	[dreg:$0x3] =	wrdreg s5  }
0xb0: {  	[dreg:$0x4] =	wrdreg $0xC0  }
0xb1: {  	_ =	task [dreg:s7], $0x5FFFF  }
0xb2: {  	[dreg:$0x1] =	wrdreg $0xFFFFFFFF  }
0xb3: {  	[dreg:$0x0] =	wrdreg $0x60  }
0xb4: {  	[dreg:$0x2] =	wrdreg s24  }
0xb5: {  	[dreg:$0x3] =	wrdreg s16  }
0xb6: {  	[dreg:$0x4] =	wrdreg $0xA8000  }
0xb7: {  	[dreg:$0x5] =	wrdreg $0x9  }
0xb8: {  	_ =	task.clear_ibuf [dreg:s7], $0x6FFFF;
	_ =	strace $0x90000055  }
0xb9: {  	s29 =	simm.s32 $0x9;
	_ =	strace $0x80000057  }
0xba: {  	_ =	swait.ge [sflag:s29], $0x1  }
0xbb: {  	[sflag:s29] =	ssyncadd.s32 $0xFFFFFFFF  }
0xbc: {  	_ =	strace $0x90000057  }
0xbd: {  	_ =	sfence  }
0xbe: {  	s30 =	sld [smem:$0x0];
	_ =	sdelay $0x2  }
0xbf: {  	s31 =	sshll.u32 s1, $0xD;
	s1 =	sshrl.u32 s1, $0x2  }
0xc0: {  	s3 =	sand.u32 $0x4000, s31;
	s1 =	sadd.s32 s1, s30  }
0xc1: {  	s0 =	sor.u32 s3, s0;
	s1 =	sshll.u32 s1, $0x11  }
0xc2: {  	s0 =	sor.u32 s1, s0  }
0xc3: {  	s0 =	sadd.s32 $0x8F2B, s0  }
0xc4: {  	[sflag:s0] =	ssyncadd.remote.s32 $0x1  }
0xc5: {  	_ =	sfence.sel $0xFFFF  }
0xc6: {  	[dreg:$0x0] =	wrdreg $0xFFFFFFFF;
	(pc) =	sbr.abs _section_cstart, $3  }
0xc7: {  	[dreg:$0x1] =	wrdreg $0xFFFFFFFF  }
0xc8: {  	_ =	task.clear_ibuf [dreg:s7], $0x2FFFF;
	_ =	strace $0x9FFFFFFF  }
0xc9: {  	(tm) =	ssettm $0x7FFFFFFF  }
tec
execute0_lowered:
.L_overlay_start_1:
0x0: {  	(tag) =	ssettag $0x1  }
0x1: {  	s5 =	rddreg [dreg:$0x0]  }
0x2: {  	s9 =	rddreg [dreg:$0x1]  }
0x3: {  	s2 =	rddreg [dreg:$0x2]  }
0x4: {  	s0 =	rddreg [dreg:$0x3]  }
0x5: {  	s1 =	stileid.u32;
	s3 =	simm.s32 $0x0;
	s4 =	srdreg.scid  }
0x6: {  	s17 =	simm.s32 $0x2800;
	s18 =	simm.s32 $0x6800;
	s19 =	simm.s32 $0x1  }
0x7: {  	s20 =	simm.s32 $0x2;
	s21 =	simm.s32 $0x1380;
	s22 =	simm.s32 $0x2700  }
0x8: {  	s23 =	simm.s32 $0x2780;
	s24 =	simm.s32 $0x0;
	s6 =	smul.u32 $0x14000, s1  }
0x9: {  	[smem:$0x7FF] =	sst s3;
	s7 =	sand.u32 $0x1, s4;
	s4 =	sadd.s32 $0xA7200, s5  }
0xa: {  	s11 =	sadd.s32 $0x7F200, s5;
	s25 =	sshll.u32 s1, $0x1;
	s12 =	smul.u32 $0x50000, s1  }
0xb: {  	s28 =	sshll.u32 s1, $0x6;
	_ =	strace $0x80000056;
	s10 =	smul.u32 $0x140000, s7  }
0xc: {  	s13 =	ssub.s32 $0x2, s7;
	s7 =	sor.u32 s7, s25;
	s8 =	sshrl.u32 s6, $0x3  }
0xd: {  	s26 =	sshrl.u32 s13, $0x1;
	s12 =	sshrl.u32 s12, $0x2;
	s14 =	smul.u32 $0x2800, s7  }
0xe: {  	s29 =	smul.u32 $0x500, s7;
	s8 =	sadd.s32 s8, s5;
	s6 =	sadd.s32 s6, s10  }
0xf: {  	s13 =	ssub.s32 s13, s26;
	s16 =	sadd.s32 s12, s2;
	s6 =	sshrl.u32 s6, $0x3  }
0x10: {  	s30 =	sshrl.u32 s14, $0x3;
	s7 =	sadd.s32 s9, s29;
	s12 =	smax.u32 s13, $0x1  }
0x11: {  	s13 =	sshrl.u32 s16, $0x3;
	s14 =	simm.s32 $0x3;
	s16 =	simm.s32 $0x80  }
0x12: {  	s15 =	sadd.s32 s6, s5;
	s5 =	sadd.s32 $0x7000, s8;
	s31 =	sadd.s32 $0x280, s30  }
0x13: {  	s6 =	sor.u32 $0x1C03, s28;
	s8 =	sadd.s32 s11, s29;
	s9 =	sadd.s32 s9, s31  }
0x14: {  	s10 =	sadd.s32 s11, s31;
	s11 =	sadd.s32 $0xCFA00, s15;
	s15 =	simm.s32 $0x1400  }
.LBB2_1:
0x15: {  	[spmem:s13], [sflag:s6] =	dma.local [hbm:s5], $0x2800  }
0x16: {  	_ =	swait.ge [sflag:s14], $0x2800  }
0x17: {  	[sflag:s14] =	ssyncset.done $0x0  }
0x18: {  	[sflag:s14] =	ssyncadd.s32 $0xFFFFD800  }
0x19: {  	[bflag:$0x0] =	sbarrier.arrive $0xFFFF  }
0x1a: {  	[tilespmem:s3], [sflag:$0x3] =	stream.linear.gather [hbm4b:s7+s3], $0x1400, $0x38;
	[tilespmem:$0x1E800] =	vst v63  }
0x1b: {  	_ =	swait.ge [sflag:s14], $0x1400  }
0x1c: {  	[sflag:s14] =	ssyncset.done $0x0  }
0x1d: {  	[sflag:s14] =	ssyncadd.s32 $0xFFFFEC00  }
0x1e: {  	[tilespmem:s15], [sflag:$0x3] =	stream.linear.gather [hbm4b:s8+s3], $0x1400, $0x38;
	[tilespmem:$0x1E800] =	vst v63  }
0x1f: {  	_ =	swait.ge [sflag:s14], $0x1400  }
0x20: {  	[sflag:s14] =	ssyncset.done $0x0  }
0x21: {  	[sflag:s14] =	ssyncadd.s32 $0xFFFFEC00  }
0x22: {  	[tilespmem:s17], [sflag:$0x1] =	stream.indirect.gather [hbm4b:s4+s16], $0x80, s3, s16, $0xb8;
	[tilespmem:$0x1E800] =	vst v63  }
0x23: {  	s25 =	simm.s32 $0x80  }
0x24: {  	[tilespmem:s18], [sflag:$0x2] =	stream.indirect.gather [hbm4b:s4+s16], $0x80, s25, s16, $0xb8;
	[tilespmem:$0x1E800] =	vst v63  }
0x25: {  	_ =	swait.ge [sflag:s19], $0x4000  }
0x26: {  	[sflag:s19] =	ssyncset.done $0x0  }
0x27: {  	s29 =	simm.s32 $0x1400;
	[sflag:s19] =	ssyncadd.s32 $0xFFFFC000  }
0x28: {  	[spmem:s2] =	stream.indirect.scatter.add.f32 [tilespmem:s17], [sflag:$0x3], $0x80, s29, s16, $0xb8;
	[tilespmem:$0x1E800] =	vst v63  }
0x29: {  	_ =	swait.ge [sflag:s14], $0x4000  }
0x2a: {  	[sflag:s14] =	ssyncset.done $0x0  }
0x2b: {  	s30 =	simm.s32 $0x100;
	[sflag:s14] =	ssyncadd.s32 $0xFFFFC000  }
0x2c: {  	[tilespmem:s17], [sflag:$0x1] =	stream.indirect.gather [hbm4b:s4+s16], $0x80, s30, s16, $0xb8;
	[tilespmem:$0x1E800] =	vst v63  }
0x2d: {  	_ =	swait.ge [sflag:s20], $0x4000  }
0x2e: {  	[sflag:s20] =	ssyncset.done $0x0  }
0x2f: {  	s31 =	simm.s32 $0x1480;
	[sflag:s20] =	ssyncadd.s32 $0xFFFFC000  }
0x30: {  	[spmem:s2] =	stream.indirect.scatter.add.f32 [tilespmem:s18], [sflag:$0x3], $0x80, s31, s16, $0xb8;
	[tilespmem:$0x1E800] =	vst v63  }
0x31: {  	_ =	swait.ge [sflag:s14], $0x4000  }
0x32: {  	s26 =	simm.s32 $0x800;
	s25 =	simm.s32 $0x100;
	[sflag:s14] =	ssyncset.done $0x0  }
.LBB2_2:
0x33: {  	s28 =	sadd.s32 $0x80, s25  }
0x34: {  	[sflag:s14] =	ssyncadd.s32 $0xFFFFC000;
	s29 =	smov.u32 s26;
	s30 =	sadd.s32 $0x400, s26  }
0x35: {  	[tilespmem:s18], [sflag:$0x2] =	stream.indirect.gather [hbm4b:s4+s16], $0x80, s28, s16, $0xb8;
	[tilespmem:$0x1E800] =	vst v63  }
0x36: {  	p0 =	sne.s32 s26, $0x4800;
	_ =	swait.ge [sflag:s19], $0x4000  }
0x37: {  	[sflag:s19] =	ssyncset.done $0x0  }
0x38: {  	s26 =	sadd.s32 $0x1400, s25;
	[sflag:s19] =	ssyncadd.s32 $0xFFFFC000  }
0x39: {  	[spmem:s2] =	stream.indirect.scatter.add.f32 [tilespmem:s17], [sflag:$0x3], $0x80, s26, s16, $0xb8;
	[tilespmem:$0x1E800] =	vst v63  }
0x3a: {  	_ =	swait.ge [sflag:s14], $0x4000  }
0x3b: {  	[sflag:s14] =	ssyncset.done $0x0  }
0x3c: {  	s26 =	sadd.s32 $0x100, s25;
	[sflag:s14] =	ssyncadd.s32 $0xFFFFC000  }
0x3d: {  	[tilespmem:s17], [sflag:$0x1] =	stream.indirect.gather [hbm4b:s4+s16], $0x80, s26, s16, $0xb8;
	[tilespmem:$0x1E800] =	vst v63  }
0x3e: {  	_ =	swait.ge [sflag:s20], $0x4000  }
.Ltmp0:
0x3f: {  	[sflag:s20] =	ssyncset.done $0x0;
	(pc) =	sbr.rel @p0 .LBB2_2-.Ltmp0, $4  }
0x40: {  	s25 =	sadd.s32 $0x1480, s25;
	[sflag:s20] =	ssyncadd.s32 $0xFFFFC000  }
0x41: {  	[spmem:s2] =	stream.indirect.scatter.add.f32 [tilespmem:s18], [sflag:$0x3], $0x80, s25, s16, $0xb8;
	[tilespmem:$0x1E800] =	vst v63  }
0x42: {  	_ =	swait.ge [sflag:s14], $0x4000  }
0x43: {  	s26 =	smov.u32 s30;
	s25 =	sshra.s32 s29, $0x2;
	[sflag:s14] =	ssyncset.done $0x0  }
0x44: {  	s26 =	sadd.s32 $0x80, s25;
	[sflag:s14] =	ssyncadd.s32 $0xFFFFC000  }
0x45: {  	[tilespmem:s18], [sflag:$0x2] =	stream.indirect.gather [hbm4b:s4+s16], $0x80, s26, s16, $0xb8;
	[tilespmem:$0x1E800] =	vst v63  }
0x46: {  	_ =	swait.ge [sflag:s19], $0x4000  }
0x47: {  	[sflag:s19] =	ssyncset.done $0x0  }
0x48: {  	s29 =	sadd.s32 $0x1400, s25;
	[sflag:s19] =	ssyncadd.s32 $0xFFFFC000  }
0x49: {  	[spmem:s2] =	stream.indirect.scatter.add.f32 [tilespmem:s17], [sflag:$0x3], $0x80, s29, s16, $0xb8;
	[tilespmem:$0x1E800] =	vst v63  }
0x4a: {  	_ =	swait.ge [sflag:s14], $0x4000  }
0x4b: {  	[sflag:s14] =	ssyncset.done $0x0  }
0x4c: {  	s30 =	sadd.s32 $0x100, s25;
	[sflag:s14] =	ssyncadd.s32 $0xFFFFC000  }
0x4d: {  	[tilespmem:s17], [sflag:$0x1] =	stream.indirect.gather [hbm4b:s4+s16], $0x80, s30, s16, $0xb8;
	[tilespmem:$0x1E800] =	vst v63  }
0x4e: {  	_ =	swait.ge [sflag:s20], $0x4000  }
0x4f: {  	[sflag:s20] =	ssyncset.done $0x0  }
0x50: {  	s31 =	sadd.s32 $0x1480, s25;
	[sflag:s20] =	ssyncadd.s32 $0xFFFFC000  }
0x51: {  	[spmem:s2] =	stream.indirect.scatter.add.f32 [tilespmem:s18], [sflag:$0x3], $0x80, s31, s16, $0xb8;
	[tilespmem:$0x1E800] =	vst v63  }
0x52: {  	_ =	swait.ge [sflag:s14], $0x4000  }
0x53: {  	[sflag:s14] =	ssyncset.done $0x0  }
0x54: {  	[sflag:s14] =	ssyncadd.s32 $0xFFFFC000  }
0x55: {  	[tilespmem:s18], [sflag:$0x2] =	stream.indirect.gather [hbm4b:s4+s16], $0x80, s21, s16, $0xb8;
	[tilespmem:$0x1E800] =	vst v63  }
0x56: {  	_ =	swait.ge [sflag:s19], $0x4000  }
0x57: {  	[sflag:s19] =	ssyncset.done $0x0  }
0x58: {  	[sflag:s19] =	ssyncadd.s32 $0xFFFFC000  }
0x59: {  	[spmem:s2] =	stream.indirect.scatter.add.f32 [tilespmem:s17], [sflag:$0x3], $0x80, s22, s16, $0xb8;
	[tilespmem:$0x1E800] =	vst v63  }
0x5a: {  	_ =	swait.ge [sflag:s14], $0x4000  }
0x5b: {  	[sflag:s14] =	ssyncset.done $0x0  }
0x5c: {  	[sflag:s14] =	ssyncadd.s32 $0xFFFFC000  }
0x5d: {  	_ =	swait.ge [sflag:s20], $0x4000  }
0x5e: {  	[sflag:s20] =	ssyncset.done $0x0  }
0x5f: {  	[sflag:s20] =	ssyncadd.s32 $0xFFFFC000  }
0x60: {  	[spmem:s2] =	stream.indirect.scatter.add.f32 [tilespmem:s18], [sflag:$0x3], $0x80, s23, s16, $0xb8;
	[tilespmem:$0x1E800] =	vst v63  }
0x61: {  	_ =	swait.ge [sflag:s14], $0x4000  }
0x62: {  	[sflag:s14] =	ssyncset.done $0x0  }
0x63: {  	s26 =	simm.s32 $0x0;
	[sflag:s14] =	ssyncadd.s32 $0xFFFFC000  }
0x64: {  	[tilespmem:s26], [sflag:$0x3] =	stream.linear.gather [hbm4b:s9+s26], $0x1400, $0x38;
	[tilespmem:$0x1E800] =	vst v63  }
0x65: {  	_ =	swait.ge [sflag:s14], $0x1400  }
0x66: {  	[sflag:s14] =	ssyncset.done $0x0  }
0x67: {  	[sflag:s14] =	ssyncadd.s32 $0xFFFFEC00  }
0x68: {  	[tilespmem:s15], [sflag:$0x3] =	stream.linear.gather [hbm4b:s10+s26], $0x1400, $0x38;
	[tilespmem:$0x1E800] =	vst v63  }
0x69: {  	_ =	swait.ge [sflag:s14], $0x1400  }
0x6a: {  	[sflag:s14] =	ssyncset.done $0x0  }
0x6b: {  	[sflag:s14] =	ssyncadd.s32 $0xFFFFEC00  }
0x6c: {  	[tilespmem:s17], [sflag:$0x1] =	stream.indirect.gather [hbm4b:s4+s16], $0x80, s26, s16, $0xb8;
	[tilespmem:$0x1E800] =	vst v63  }
0x6d: {  	s28 =	simm.s32 $0x80  }
0x6e: {  	[tilespmem:s18], [sflag:$0x2] =	stream.indirect.gather [hbm4b:s4+s16], $0x80, s28, s16, $0xb8;
	[tilespmem:$0x1E800] =	vst v63  }
0x6f: {  	_ =	swait.ge [sflag:s19], $0x4000  }
0x70: {  	[sflag:s19] =	ssyncset.done $0x0  }
0x71: {  	s29 =	simm.s32 $0x1400;
	[sflag:s19] =	ssyncadd.s32 $0xFFFFC000  }
0x72: {  	[spmem:s2] =	stream.indirect.scatter.add.f32 [tilespmem:s17], [sflag:$0x3], $0x80, s29, s16, $0xb8;
	[tilespmem:$0x1E800] =	vst v63  }
0x73: {  	_ =	swait.ge [sflag:s14], $0x4000  }
0x74: {  	[sflag:s14] =	ssyncset.done $0x0  }
0x75: {  	s30 =	simm.s32 $0x100;
	[sflag:s14] =	ssyncadd.s32 $0xFFFFC000  }
0x76: {  	[tilespmem:s17], [sflag:$0x1] =	stream.indirect.gather [hbm4b:s4+s16], $0x80, s30, s16, $0xb8;
	[tilespmem:$0x1E800] =	vst v63  }
0x77: {  	_ =	swait.ge [sflag:s20], $0x4000  }
0x78: {  	[sflag:s20] =	ssyncset.done $0x0  }
0x79: {  	s31 =	simm.s32 $0x1480;
	[sflag:s20] =	ssyncadd.s32 $0xFFFFC000  }
0x7a: {  	[spmem:s2] =	stream.indirect.scatter.add.f32 [tilespmem:s18], [sflag:$0x3], $0x80, s31, s16, $0xb8;
	[tilespmem:$0x1E800] =	vst v63  }
0x7b: {  	_ =	swait.ge [sflag:s14], $0x4000  }
0x7c: {  	s25 =	simm.s32 $0x100;
	s26 =	simm.s32 $0x800;
	[sflag:s14] =	ssyncset.done $0x0  }
.LBB2_4:
0x7d: {  	s28 =	sadd.s32 $0x80, s25  }
0x7e: {  	[sflag:s14] =	ssyncadd.s32 $0xFFFFC000;
	s29 =	smov.u32 s26;
	s30 =	sadd.s32 $0x400, s26  }
0x7f: {  	[tilespmem:s18], [sflag:$0x2] =	stream.indirect.gather [hbm4b:s4+s16], $0x80, s28, s16, $0xb8;
	[tilespmem:$0x1E800] =	vst v63  }
0x80: {  	p0 =	sne.s32 s26, $0x4800;
	_ =	swait.ge [sflag:s19], $0x4000  }
0x81: {  	[sflag:s19] =	ssyncset.done $0x0  }
0x82: {  	s26 =	sadd.s32 $0x1400, s25;
	[sflag:s19] =	ssyncadd.s32 $0xFFFFC000  }
0x83: {  	[spmem:s2] =	stream.indirect.scatter.add.f32 [tilespmem:s17], [sflag:$0x3], $0x80, s26, s16, $0xb8;
	[tilespmem:$0x1E800] =	vst v63  }
0x84: {  	_ =	swait.ge [sflag:s14], $0x4000  }
0x85: {  	[sflag:s14] =	ssyncset.done $0x0  }
0x86: {  	s26 =	sadd.s32 $0x100, s25;
	[sflag:s14] =	ssyncadd.s32 $0xFFFFC000  }
0x87: {  	[tilespmem:s17], [sflag:$0x1] =	stream.indirect.gather [hbm4b:s4+s16], $0x80, s26, s16, $0xb8;
	[tilespmem:$0x1E800] =	vst v63  }
0x88: {  	_ =	swait.ge [sflag:s20], $0x4000  }
.Ltmp1:
0x89: {  	[sflag:s20] =	ssyncset.done $0x0;
	(pc) =	sbr.rel @p0 .LBB2_4-.Ltmp1, $4  }
0x8a: {  	s25 =	sadd.s32 $0x1480, s25;
	[sflag:s20] =	ssyncadd.s32 $0xFFFFC000  }
0x8b: {  	[spmem:s2] =	stream.indirect.scatter.add.f32 [tilespmem:s18], [sflag:$0x3], $0x80, s25, s16, $0xb8;
	[tilespmem:$0x1E800] =	vst v63  }
0x8c: {  	_ =	swait.ge [sflag:s14], $0x4000  }
0x8d: {  	s26 =	smov.u32 s30;
	s25 =	sshra.s32 s29, $0x2;
	[sflag:s14] =	ssyncset.done $0x0  }
0x8e: {  	s26 =	sadd.s32 $0x80, s25;
	[sflag:s14] =	ssyncadd.s32 $0xFFFFC000  }
0x8f: {  	[tilespmem:s18], [sflag:$0x2] =	stream.indirect.gather [hbm4b:s4+s16], $0x80, s26, s16, $0xb8;
	[tilespmem:$0x1E800] =	vst v63  }
0x90: {  	_ =	swait.ge [sflag:s19], $0x4000  }
0x91: {  	[sflag:s19] =	ssyncset.done $0x0  }
0x92: {  	s29 =	sadd.s32 $0x1400, s25;
	[sflag:s19] =	ssyncadd.s32 $0xFFFFC000  }
0x93: {  	[spmem:s2] =	stream.indirect.scatter.add.f32 [tilespmem:s17], [sflag:$0x3], $0x80, s29, s16, $0xb8;
	[tilespmem:$0x1E800] =	vst v63  }
0x94: {  	_ =	swait.ge [sflag:s14], $0x4000  }
0x95: {  	[sflag:s14] =	ssyncset.done $0x0  }
0x96: {  	s30 =	sadd.s32 $0x100, s25;
	[sflag:s14] =	ssyncadd.s32 $0xFFFFC000  }
0x97: {  	[tilespmem:s17], [sflag:$0x1] =	stream.indirect.gather [hbm4b:s4+s16], $0x80, s30, s16, $0xb8;
	[tilespmem:$0x1E800] =	vst v63  }
0x98: {  	_ =	swait.ge [sflag:s20], $0x4000  }
0x99: {  	[sflag:s20] =	ssyncset.done $0x0  }
0x9a: {  	s31 =	sadd.s32 $0x1480, s25;
	[sflag:s20] =	ssyncadd.s32 $0xFFFFC000  }
0x9b: {  	[spmem:s2] =	stream.indirect.scatter.add.f32 [tilespmem:s18], [sflag:$0x3], $0x80, s31, s16, $0xb8;
	[tilespmem:$0x1E800] =	vst v63  }
0x9c: {  	_ =	swait.ge [sflag:s14], $0x4000  }
0x9d: {  	[sflag:s14] =	ssyncset.done $0x0  }
0x9e: {  	[sflag:s14] =	ssyncadd.s32 $0xFFFFC000  }
0x9f: {  	[tilespmem:s18], [sflag:$0x2] =	stream.indirect.gather [hbm4b:s4+s16], $0x80, s21, s16, $0xb8;
	[tilespmem:$0x1E800] =	vst v63  }
0xa0: {  	_ =	swait.ge [sflag:s19], $0x4000  }
0xa1: {  	[sflag:s19] =	ssyncset.done $0x0  }
0xa2: {  	[sflag:s19] =	ssyncadd.s32 $0xFFFFC000  }
0xa3: {  	[spmem:s2] =	stream.indirect.scatter.add.f32 [tilespmem:s17], [sflag:$0x3], $0x80, s22, s16, $0xb8;
	[tilespmem:$0x1E800] =	vst v63  }
0xa4: {  	_ =	swait.ge [sflag:s14], $0x4000  }
0xa5: {  	[sflag:s14] =	ssyncset.done $0x0  }
0xa6: {  	[sflag:s14] =	ssyncadd.s32 $0xFFFFC000  }
0xa7: {  	_ =	swait.ge [sflag:s20], $0x4000  }
0xa8: {  	[sflag:s20] =	ssyncset.done $0x0  }
0xa9: {  	[sflag:s20] =	ssyncadd.s32 $0xFFFFC000  }
0xaa: {  	[spmem:s2] =	stream.indirect.scatter.add.f32 [tilespmem:s18], [sflag:$0x3], $0x80, s23, s16, $0xb8;
	[tilespmem:$0x1E800] =	vst v63  }
0xab: {  	_ =	swait.ge [sflag:s14], $0x4000  }
0xac: {  	s24 =	sadd.s32 $0x1, s24;
	[sflag:s14] =	ssyncset.done $0x0  }
0xad: {  	p0 =	sne.s32 s24, s12;
	[sflag:s14] =	ssyncadd.s32 $0xFFFFC000  }
.Ltmp2:
0xae: {  	[bflag:$0x0] =	sbarrier.arrive $0xFFFF;
	(pc) =	sbr.rel @p0 .LBB2_1-.Ltmp2, $4  }
0xaf: {  	[hbm:s11], [sflag:s6] =	dma.local [spmem:s13], $0x2800  }
0xb0: {  	_ =	swait.ge [sflag:s14], $0x2800  }
0xb1: {  	[sflag:s14] =	ssyncset.done $0x0  }
0xb2: {  	[sflag:s14] =	ssyncadd.s32 $0xFFFFD800  }
0xb3: {  	_ =	sfence.sel $0x180000  }
0xb4: {  	[bflag:$0x0] =	sbarrier.arrive $0xFFFF  }
0xb5: {  	p0 =	sne.s32 s1, $0x0;
	_ =	strace $0x90000056  }
0xb6: {  	s0 =	sadd.s32 @!p0 $0x100000, s0;
	[bflag:$0x2] =	sbarrier.arrive $0xFFFF  }
0xb7: {  	[sflag:s0] =	ssyncadd.tile.s32 @!p0 $0x1;
	_ =	shalt  }
.Lfunc_end2:
_tile_overlayer_lowered:
.L_overlay_start_2:
0xb8: {  	(tag) =	ssettag $0x2  }
0xb9: {  	s0 =	rddreg [dreg:$0x0];
	s2 =	stileid.u32  }
0xba: {  	s1 =	rddreg [dreg:$0x1];
	p0 =	sne.s32 s2, $0x0  }
0xbb: {  	s3 =	rddreg [dreg:$0x2];
	[bflag:$0x3] =	sbarrier.arrive $0xFFFF;
	s2 =	simm.s32 @!p0 $0x1C03  }
0xbc: {  	[timem:s3], [sflag:s2] =	dma.local @!p0 [hbm:s0], s1  }
0xbd: {  	s0 =	simm.s32 @!p0 $0x3  }
0xbe: {  	_ =	swait.ge @!p0 [sflag:s0], s1  }
0xbf: {  	s1 =	ssub.s32 @!p0 $0x0, s1;
	[sflag:s0] =	ssyncset.done @!p0 $0x0  }
0xc0: {  	[sflag:s0] =	ssyncadd.s32 @!p0 s1  }
0xc1: {  	[bflag:$0x3] =	sbarrier.arrive $0xFFFF  }
0xc2: {  	_ =	shalt  }

// kernel: kernel.35.cloned.1.call-start
scs
__scs_entry_jumppad:
0x0: {  	(pc) =	sbr.rel $0x88, $3  }
0x1: {  	(tag) =	ssettag $0x0;
	lr =	simm.s32 $0x1  }
0x2: {  	[smem:$0x3F92] =	sst lr;
	_ =	strace $0xD0000000  }
0x3: {  	_ = 	snop  }
0x4: {  	_ = 	snop  }
0x5: {  	_ = 	snop  }
0x6: {  	_ = 	snop  }
0x7: {  	_ = 	snop  }
__scs_overlays_trampoline_lowered:
0x8: {  	[smem:$0x3FA1] =	sst s0  }
0x9: {  	[smem:$0x3FA2] =	sst s1  }
0xa: {  	[smem:$0x3FA3] =	sst s2  }
0xb: {  	[smem:$0x3FA4] =	sst s3  }
0xc: {  	[smem:$0x3FA5] =	sst s4  }
0xd: {  	[smem:$0x3FA6] =	sst s5  }
0xe: {  	[smem:$0x3FA7] =	sst s6  }
0xf: {  	[smem:$0x3FA8] =	sst s7  }
0x10: {  	[smem:$0x3FA9] =	sst s8  }
0x11: {  	[smem:$0x3FAA] =	sst s9;
	s0 =	simm.s32 @!p0 $0x0  }
0x12: {  	s1 =	sld [smem:$0x3F90];
	s0 =	simm.s32 @p0 $0x1  }
0x13: {  	[smem:$0x3FAB] =	sst s0;
	s0 =	simm.s32 @!p1 $0x0  }
0x14: {  	s2 =	sld [smem:$0x3F8F];
	s0 =	simm.s32 @p1 $0x1  }
0x15: {  	[smem:$0x3FAC] =	sst s0;
	s0 =	simm.s32 @!p2 $0x0  }
0x16: {  	s3 =	sld [smem:$0x3FDB];
	s0 =	simm.s32 @p2 $0x1  }
0x17: {  	s4 =	simm.s32 $0x1BF5;
	[smem:$0x3FAE] =	sst s0  }
0x18: {  	s0 =	sld [smem:$0x3F91];
	_ =	swait.ge [sflag:s4], $0x0  }
0x19: {  	s7 =	sld [smem:$0x3F92]  }
0x1a: {  	s8 =	sadd.s32 $0xFFFFE003, lr  }
0x1b: {  	s9 =	sadd.s32 $0xFFFFFEF7, lr;
	s5 =	simm.s32 $0xFFFFFFFF;
	p2 =	slt.u32 s8, $0xFFFFF086  }
0x1c: {  	p1 =	slt.u32 s9, $0xF7A;
	s5 =	simm.s32 @!p2 $0x0  }
0x1d: {  	s5 =	simm.s32 @p1 $0x1;
	p0 =	seq.s32 s7, s2  }
0x1e: {  	s7 =	smul.u32 @!p0 $0xF7A, s2;
	p2 =	seq.s32 @!p0 s5, $0x0  }
0x1f: {  	s9 =	smul.u32 $0xF7A, s1;
	s8 =	simm.s32 @!p0 $0x1BF5;
	p2 =	por !p2, p0  }
0x20: {  	[sflag:s8] =	ssyncset.s32 @!p0 $0xFFFFF086;
	s6 =	sadd.s32 @!p0 s3, s7;
	s7 =	simm.s32 @!p0 $0x108  }
0x21: {  	s3 =	sadd.s32 s3, s9;
	s6 =	sadd.s32 @!p0 $0x88, s6;
	s7 =	simm.s32 @p2 $0x1082  }
0x22: {  	[simem:s7], [sflag:s8] =	dma.local @!p0 [hbm:s6], $0xF7A  }
0x23: {  	s9 =	sor.u32 $0xD0000000, s2;
	s6 =	simm.s32 $0x108;
	_ =	swait.ge @!p0 [sflag:s8], $0x0  }
0x24: {  	s3 =	sadd.s32 $0x88, s3;
	s6 =	simm.s32 @!p1 $0x1082;
	[sflag:s4] =	ssyncset.s32 $0xFFFFF086  }
0x25: {  	[simem:s6], [sflag:s4] =	dma.local [hbm:s3], $0xF7A  }
0x26: {  	[smem:$0x3F92] =	sst s1;
	(tag) =	ssettag s2;
	_ =	strace s9  }
0x27: {  	s1 =	sld [smem:$0x3FA2]  }
0x28: {  	s2 =	sld [smem:$0x3FA3]  }
0x29: {  	s4 =	sld [smem:$0x3FA5]  }
0x2a: {  	p0 =	seq.s32 s5, $0x0;
	s5 =	sld [smem:$0x3FA6]  }
0x2b: {  	s6 =	sld [smem:$0x3FA7]  }
0x2c: {  	s7 =	sld [smem:$0x3FA8]  }
0x2d: {  	s3 =	simm.s32 $0x108;
	s8 =	sld [smem:$0x3FA9]  }
0x2e: {  	s3 =	simm.s32 @!p0 $0x1082;
	s9 =	sld [smem:$0x3FAA]  }
0x2f: {  	lr =	sadd.s32 s0, s3;
	s0 =	sld [smem:$0x3FA1]  }
0x30: {  	s3 =	sld [smem:$0x3FA4]  }
0x31: {  	[smem:$0x3FAD] =	sst s10  }
0x32: {  	s10 =	sld [smem:$0x3FAB];
	_ =	sdelay $0x3  }
0x33: {  	p0 =	seq.s32 s10, $0x1;
	s10 =	sld [smem:$0x3FAD];
	_ =	sdelay $0x3  }
0x34: {  	[smem:$0x3FAD] =	sst s10  }
0x35: {  	s10 =	sld [smem:$0x3FAC];
	_ =	sdelay $0x3  }
0x36: {  	p1 =	seq.s32 s10, $0x1;
	s10 =	sld [smem:$0x3FAD];
	_ =	sdelay $0x3  }
0x37: {  	[smem:$0x3FAD] =	sst s10  }
0x38: {  	s10 =	sld [smem:$0x3FAE]  }
0x39: {  	_ = 	snop;
	(pc) =	sbr.ind lr, $3  }
0x3a: {  	_ = 	snop  }
0x3b: {  	_ = 	snop  }
0x3c: {  	p2 =	seq.s32 s10, $0x1;
	s10 =	sld [smem:$0x3FAD]  }
0x3d: {  	_ =	shalt  }
0x3e: {  	_ =	shalt  }
0x3f: {  	_ =	shalt  }
0x40: {  	_ =	shalt  }
0x41: {  	_ =	shalt  }
0x42: {  	_ =	shalt  }
0x43: {  	_ =	shalt  }
0x44: {  	_ =	shalt  }
0x45: {  	_ =	shalt  }
0x46: {  	_ =	shalt  }
0x47: {  	_ =	shalt  }
0x48: {  	_ =	shalt  }
0x49: {  	_ =	shalt  }
0x4a: {  	_ =	shalt  }
0x4b: {  	_ =	shalt  }
0x4c: {  	_ =	shalt  }
0x4d: {  	_ =	shalt  }
0x4e: {  	_ =	shalt  }
0x4f: {  	_ =	shalt  }
0x50: {  	_ =	shalt  }
0x51: {  	_ =	shalt  }
0x52: {  	_ =	shalt  }
0x53: {  	_ =	shalt  }
0x54: {  	_ =	shalt  }
0x55: {  	_ =	shalt  }
0x56: {  	_ =	shalt  }
0x57: {  	_ =	shalt  }
0x58: {  	_ =	shalt  }
0x59: {  	_ =	shalt  }
0x5a: {  	_ =	shalt  }
0x5b: {  	_ =	shalt  }
0x5c: {  	_ =	shalt  }
0x5d: {  	_ =	shalt  }
0x5e: {  	_ =	shalt  }
0x5f: {  	_ =	shalt  }
0x60: {  	_ =	shalt  }
0x61: {  	_ =	shalt  }
0x62: {  	_ =	shalt  }
0x63: {  	_ =	shalt  }
0x64: {  	_ =	shalt  }
0x65: {  	_ =	shalt  }
0x66: {  	_ =	shalt  }
0x67: {  	_ =	shalt  }
0x68: {  	_ =	shalt  }
0x69: {  	_ =	shalt  }
0x6a: {  	_ =	shalt  }
0x6b: {  	_ =	shalt  }
0x6c: {  	_ =	shalt  }
0x6d: {  	_ =	shalt  }
0x6e: {  	_ =	shalt  }
0x6f: {  	_ =	shalt  }
0x70: {  	_ =	shalt  }
0x71: {  	_ =	shalt  }
0x72: {  	_ =	shalt  }
0x73: {  	_ =	shalt  }
0x74: {  	_ =	shalt  }
0x75: {  	_ =	shalt  }
0x76: {  	_ =	shalt  }
0x77: {  	_ =	shalt  }
0x78: {  	_ =	shalt  }
0x79: {  	_ =	shalt  }
0x7a: {  	_ =	shalt  }
0x7b: {  	_ =	shalt  }
0x7c: {  	_ =	shalt  }
0x7d: {  	_ =	shalt  }
0x7e: {  	_ =	shalt  }
0x7f: {  	_ =	shalt  }
0x80: {  	_ =	shalt  }
0x81: {  	_ =	shalt  }
0x82: {  	_ =	shalt  }
0x83: {  	_ =	shalt  }
0x84: {  	_ =	shalt  }
0x85: {  	_ =	shalt  }
0x86: {  	_ =	shalt  }
0x87: {  	_ =	shalt  }
.Lfunc_end0:
.L_simem_size_0:
called_computation.6_lowered:
.L_overlay_start_0:
0x88: {  	s2 =	sld [smem:$0x3FD9]  }
0x89: {  	s3 =	sld [smem:$0x3FFE];
	_ =	sdelay $0x1  }
0x8a: {  	s1 =	srdreg.scid  }
0x8b: {  	s0 =	sand.u32 $0x1, s1  }
0x8c: {  	s14 =	sshll.u32 s0, $0xA;
	s2 =	sadd.s32 s3, s2  }
0x8d: {  	s2 =	sadd.s32 s2, s14  }
0x8e: {  	[smem:$0x3FB9] =	sst s2  }
0x8f: {  	_ = 	snop  }
0x90: {  	s2 =	sld [smem:$0x3FD0];
	_ =	sdelay $0x2  }
0x91: {  	s15 =	simm.s32 $0xA;
	s4 =	simm.s32 $0x10  }
0x92: {  	[smem:s4], [sflag:s15] =	dma.local [hbm:s2], $0x1  }
0x93: {  	_ =	swait.eq [sflag:s15], $0x1  }
0x94: {  	[sflag:s15] =	ssyncset.done $0x0  }
0x95: {  	[sflag:s15] =	ssyncadd.s32 $0xFFFFFFFF  }
0x96: {  	s16 =	sld [smem:$0x11];
	(tm) =	ssettm $0x1  }
0x97: {  	s17 =	sld [smem:$0x3FFB];
	_ =	sdelay $0x3  }
0x98: {  	_ =	strace s17  }
0x99: {  	s3 =	sld [smem:$0x3FFC];
	_ =	sdelay $0x3  }
0x9a: {  	_ =	strace s3  }
0x9b: {  	s3 =	sld [smem:$0x3FFD];
	_ =	sdelay $0x3  }
0x9c: {  	_ =	strace s3  }
0x9d: {  	_ =	strace $0x8FFFFFFF  }
0x9e: {  	s18 =	sld [smem:$0x3FDB];
	_ =	sdelay $0x1  }
0x9f: {  	s19 =	simm.s32 $_scs_section_size  }
0xa0: {  	s5 =	simm.s32 $_size__tile_overlayer_lowered;
	s6 =	simm.s32 $_tile_overlayer_lowered  }
0xa1: {  	s22 =	simm.s32 $0x1BFF;
	s21 =	sshll.u32 s6, $0x1;
	s3 =	sadd.s32 s19, s18  }
0xa2: {  	s7 =	simm.s32 $0x0;
	s20 =	sshll.u32 s5, $0x1;
	s5 =	sadd.s32 s21, s3  }
0xa3: {  	[timem:s7], [sflag:s22] =	dma.local [hbm:s5], s20  }
0xa4: {  	_ =	swait.ge [sflag:s22], s20  }
0xa5: {  	s4 =	ssub.s32 $0x0, s20;
	[sflag:s22] =	ssyncset.done $0x0  }
0xa6: {  	[sflag:s22] =	ssyncadd.s32 s4;
	_ =	sdelay $0x1  }
0xa7: {  	s23 =	simm.s32 $0x1B8B  }
0xa8: {  	_ =	swait.ge [sflag:s23], $0x1  }
0xa9: {  	[sflag:s23] =	ssyncset.done $0x0  }
0xaa: {  	s25 =	simm.s32 $0x1B8E;
	s24 =	sld [smem:$0x3FFE];
	[sflag:s23] =	ssyncadd.s32 $0xFFFFFFFF  }
0xab: {  	s26 =	simm.s32 $execute0_lowered;
	[smem:$0x3FD2] =	sst s25  }
0xac: {  	s5 =	sshll.u32 s26, $0x1;
	_ =	strace $0x80000058;
	[dreg:$0x1] =	wrdreg $0xFFFFFFFF  }
0xad: {  	s28 =	simm.s32 $_size_execute0_lowered;
	s3 =	sadd.s32 s3, s5;
	[dreg:$0x0] =	wrdreg $0x0  }
0xae: {  	s5 =	sshll.u32 s28, $0x1;
	[dreg:$0x2] =	wrdreg s3  }
0xaf: {  	[dreg:$0x3] =	wrdreg s5  }
0xb0: {  	[dreg:$0x4] =	wrdreg $0xC0  }
0xb1: {  	_ =	task [dreg:s7], $0x5FFFF  }
0xb2: {  	[dreg:$0x1] =	wrdreg $0xFFFFFFFF  }
0xb3: {  	[dreg:$0x0] =	wrdreg $0x60  }
0xb4: {  	[dreg:$0x2] =	wrdreg s24  }
0xb5: {  	[dreg:$0x3] =	wrdreg s16  }
0xb6: {  	[dreg:$0x4] =	wrdreg $0xA8000  }
0xb7: {  	[dreg:$0x5] =	wrdreg $0x9  }
0xb8: {  	_ =	task.clear_ibuf [dreg:s7], $0x6FFFF;
	_ =	strace $0x90000058  }
0xb9: {  	s29 =	simm.s32 $0x9;
	_ =	strace $0x8000005A  }
0xba: {  	_ =	swait.ge [sflag:s29], $0x1  }
0xbb: {  	[sflag:s29] =	ssyncadd.s32 $0xFFFFFFFF  }
0xbc: {  	_ =	strace $0x9000005A  }
0xbd: {  	_ =	sfence  }
0xbe: {  	s30 =	sld [smem:$0x0];
	_ =	sdelay $0x2  }
0xbf: {  	s31 =	sshll.u32 s1, $0xD;
	s1 =	sshrl.u32 s1, $0x2  }
0xc0: {  	s3 =	sand.u32 $0x4000, s31;
	s1 =	sadd.s32 s1, s30  }
0xc1: {  	s0 =	sor.u32 s3, s0;
	s1 =	sshll.u32 s1, $0x11  }
0xc2: {  	s0 =	sor.u32 s1, s0  }
0xc3: {  	s0 =	sadd.s32 $0x8F2B, s0  }
0xc4: {  	[sflag:s0] =	ssyncadd.remote.s32 $0x1  }
0xc5: {  	_ =	sfence.sel $0xFFFF  }
0xc6: {  	[dreg:$0x0] =	wrdreg $0xFFFFFFFF;
	(pc) =	sbr.abs _section_cstart, $3  }
0xc7: {  	[dreg:$0x1] =	wrdreg $0xFFFFFFFF  }
0xc8: {  	_ =	task.clear_ibuf [dreg:s7], $0x2FFFF;
	_ =	strace $0x9FFFFFFF  }
0xc9: {  	(tm) =	ssettm $0x7FFFFFFF  }
tec
execute0_lowered:
.L_overlay_start_1:
0x0: {  	(tag) =	ssettag $0x1  }
0x1: {  	s5 =	rddreg [dreg:$0x0]  }
0x2: {  	s9 =	rddreg [dreg:$0x1]  }
0x3: {  	s2 =	rddreg [dreg:$0x2]  }
0x4: {  	s0 =	rddreg [dreg:$0x3]  }
0x5: {  	s1 =	stileid.u32;
	s3 =	simm.s32 $0x0;
	s4 =	srdreg.scid  }
0x6: {  	s17 =	simm.s32 $0x2800;
	s18 =	simm.s32 $0x6800;
	s19 =	simm.s32 $0x1  }
0x7: {  	s20 =	simm.s32 $0x2;
	s21 =	simm.s32 $0x1380;
	s22 =	simm.s32 $0x2700  }
0x8: {  	s23 =	simm.s32 $0x2780;
	s24 =	simm.s32 $0x0;
	s6 =	smul.u32 $0x14000, s1  }
0x9: {  	[smem:$0x7FF] =	sst s3;
	s7 =	sand.u32 $0x1, s4;
	s4 =	sadd.s32 $0x89200, s5  }
0xa: {  	s11 =	sadd.s32 $0x7F200, s5;
	s25 =	sshll.u32 s1, $0x1;
	s12 =	smul.u32 $0x50000, s1  }
0xb: {  	s28 =	sshll.u32 s1, $0x6;
	_ =	strace $0x80000059;
	s10 =	smul.u32 $0x140000, s7  }
0xc: {  	s13 =	ssub.s32 $0x2, s7;
	s7 =	sor.u32 s7, s25;
	s8 =	sshrl.u32 s6, $0x3  }
0xd: {  	s26 =	sshrl.u32 s13, $0x1;
	s12 =	sshrl.u32 s12, $0x2;
	s14 =	smul.u32 $0x2800, s7  }
0xe: {  	s29 =	smul.u32 $0x500, s7;
	s8 =	sadd.s32 s8, s5;
	s6 =	sadd.s32 s6, s10  }
0xf: {  	s13 =	ssub.s32 s13, s26;
	s16 =	sadd.s32 s12, s2;
	s6 =	sshrl.u32 s6, $0x3  }
0x10: {  	s30 =	sshrl.u32 s14, $0x3;
	s7 =	sadd.s32 s9, s29;
	s12 =	smax.u32 s13, $0x1  }
0x11: {  	s13 =	sshrl.u32 s16, $0x3;
	s14 =	simm.s32 $0x3;
	s16 =	simm.s32 $0x80  }
0x12: {  	s15 =	sadd.s32 s6, s5;
	s5 =	sadd.s32 $0x7000, s8;
	s31 =	sadd.s32 $0x280, s30  }
0x13: {  	s6 =	sor.u32 $0x1C03, s28;
	s8 =	sadd.s32 s11, s29;
	s9 =	sadd.s32 s9, s31  }
0x14: {  	s10 =	sadd.s32 s11, s31;
	s11 =	sadd.s32 $0xB1A00, s15;
	s15 =	simm.s32 $0x1400  }
.LBB2_1:
0x15: {  	[spmem:s13], [sflag:s6] =	dma.local [hbm:s5], $0x2800  }
0x16: {  	_ =	swait.ge [sflag:s14], $0x2800  }
0x17: {  	[sflag:s14] =	ssyncset.done $0x0  }
0x18: {  	[sflag:s14] =	ssyncadd.s32 $0xFFFFD800  }
0x19: {  	[bflag:$0x0] =	sbarrier.arrive $0xFFFF  }
0x1a: {  	[tilespmem:s3], [sflag:$0x3] =	stream.linear.gather [hbm4b:s7+s3], $0x1400, $0x38;
	[tilespmem:$0x1E800] =	vst v63  }
0x1b: {  	_ =	swait.ge [sflag:s14], $0x1400  }
0x1c: {  	[sflag:s14] =	ssyncset.done $0x0  }
0x1d: {  	[sflag:s14] =	ssyncadd.s32 $0xFFFFEC00  }
0x1e: {  	[tilespmem:s15], [sflag:$0x3] =	stream.linear.gather [hbm4b:s8+s3], $0x1400, $0x38;
	[tilespmem:$0x1E800] =	vst v63  }
0x1f: {  	_ =	swait.ge [sflag:s14], $0x1400  }
0x20: {  	[sflag:s14] =	ssyncset.done $0x0  }
0x21: {  	[sflag:s14] =	ssyncadd.s32 $0xFFFFEC00  }
0x22: {  	[tilespmem:s17], [sflag:$0x1] =	stream.indirect.gather [hbm4b:s4+s16], $0x80, s3, s16, $0xb8;
	[tilespmem:$0x1E800] =	vst v63  }
0x23: {  	s25 =	simm.s32 $0x80  }
0x24: {  	[tilespmem:s18], [sflag:$0x2] =	stream.indirect.gather [hbm4b:s4+s16], $0x80, s25, s16, $0xb8;
	[tilespmem:$0x1E800] =	vst v63  }
0x25: {  	_ =	swait.ge [sflag:s19], $0x4000  }
0x26: {  	[sflag:s19] =	ssyncset.done $0x0  }
0x27: {  	s29 =	simm.s32 $0x1400;
	[sflag:s19] =	ssyncadd.s32 $0xFFFFC000  }
0x28: {  	[spmem:s2] =	stream.indirect.scatter.add.f32 [tilespmem:s17], [sflag:$0x3], $0x80, s29, s16, $0xb8;
	[tilespmem:$0x1E800] =	vst v63  }
0x29: {  	_ =	swait.ge [sflag:s14], $0x4000  }
0x2a: {  	[sflag:s14] =	ssyncset.done $0x0  }
0x2b: {  	s30 =	simm.s32 $0x100;
	[sflag:s14] =	ssyncadd.s32 $0xFFFFC000  }
0x2c: {  	[tilespmem:s17], [sflag:$0x1] =	stream.indirect.gather [hbm4b:s4+s16], $0x80, s30, s16, $0xb8;
	[tilespmem:$0x1E800] =	vst v63  }
0x2d: {  	_ =	swait.ge [sflag:s20], $0x4000  }
0x2e: {  	[sflag:s20] =	ssyncset.done $0x0  }
0x2f: {  	s31 =	simm.s32 $0x1480;
	[sflag:s20] =	ssyncadd.s32 $0xFFFFC000  }
0x30: {  	[spmem:s2] =	stream.indirect.scatter.add.f32 [tilespmem:s18], [sflag:$0x3], $0x80, s31, s16, $0xb8;
	[tilespmem:$0x1E800] =	vst v63  }
0x31: {  	_ =	swait.ge [sflag:s14], $0x4000  }
0x32: {  	s26 =	simm.s32 $0x800;
	s25 =	simm.s32 $0x100;
	[sflag:s14] =	ssyncset.done $0x0  }
.LBB2_2:
0x33: {  	s28 =	sadd.s32 $0x80, s25  }
0x34: {  	[sflag:s14] =	ssyncadd.s32 $0xFFFFC000;
	s29 =	smov.u32 s26;
	s30 =	sadd.s32 $0x400, s26  }
0x35: {  	[tilespmem:s18], [sflag:$0x2] =	stream.indirect.gather [hbm4b:s4+s16], $0x80, s28, s16, $0xb8;
	[tilespmem:$0x1E800] =	vst v63  }
0x36: {  	p0 =	sne.s32 s26, $0x4800;
	_ =	swait.ge [sflag:s19], $0x4000  }
0x37: {  	[sflag:s19] =	ssyncset.done $0x0  }
0x38: {  	s26 =	sadd.s32 $0x1400, s25;
	[sflag:s19] =	ssyncadd.s32 $0xFFFFC000  }
0x39: {  	[spmem:s2] =	stream.indirect.scatter.add.f32 [tilespmem:s17], [sflag:$0x3], $0x80, s26, s16, $0xb8;
	[tilespmem:$0x1E800] =	vst v63  }
0x3a: {  	_ =	swait.ge [sflag:s14], $0x4000  }
0x3b: {  	[sflag:s14] =	ssyncset.done $0x0  }
0x3c: {  	s26 =	sadd.s32 $0x100, s25;
	[sflag:s14] =	ssyncadd.s32 $0xFFFFC000  }
0x3d: {  	[tilespmem:s17], [sflag:$0x1] =	stream.indirect.gather [hbm4b:s4+s16], $0x80, s26, s16, $0xb8;
	[tilespmem:$0x1E800] =	vst v63  }
0x3e: {  	_ =	swait.ge [sflag:s20], $0x4000  }
.Ltmp0:
0x3f: {  	[sflag:s20] =	ssyncset.done $0x0;
	(pc) =	sbr.rel @p0 .LBB2_2-.Ltmp0, $4  }
0x40: {  	s25 =	sadd.s32 $0x1480, s25;
	[sflag:s20] =	ssyncadd.s32 $0xFFFFC000  }
0x41: {  	[spmem:s2] =	stream.indirect.scatter.add.f32 [tilespmem:s18], [sflag:$0x3], $0x80, s25, s16, $0xb8;
	[tilespmem:$0x1E800] =	vst v63  }
0x42: {  	_ =	swait.ge [sflag:s14], $0x4000  }
0x43: {  	s26 =	smov.u32 s30;
	s25 =	sshra.s32 s29, $0x2;
	[sflag:s14] =	ssyncset.done $0x0  }
0x44: {  	s26 =	sadd.s32 $0x80, s25;
	[sflag:s14] =	ssyncadd.s32 $0xFFFFC000  }
0x45: {  	[tilespmem:s18], [sflag:$0x2] =	stream.indirect.gather [hbm4b:s4+s16], $0x80, s26, s16, $0xb8;
	[tilespmem:$0x1E800] =	vst v63  }
0x46: {  	_ =	swait.ge [sflag:s19], $0x4000  }
0x47: {  	[sflag:s19] =	ssyncset.done $0x0  }
0x48: {  	s29 =	sadd.s32 $0x1400, s25;
	[sflag:s19] =	ssyncadd.s32 $0xFFFFC000  }
0x49: {  	[spmem:s2] =	stream.indirect.scatter.add.f32 [tilespmem:s17], [sflag:$0x3], $0x80, s29, s16, $0xb8;
	[tilespmem:$0x1E800] =	vst v63  }
0x4a: {  	_ =	swait.ge [sflag:s14], $0x4000  }
0x4b: {  	[sflag:s14] =	ssyncset.done $0x0  }
0x4c: {  	s30 =	sadd.s32 $0x100, s25;
	[sflag:s14] =	ssyncadd.s32 $0xFFFFC000  }
0x4d: {  	[tilespmem:s17], [sflag:$0x1] =	stream.indirect.gather [hbm4b:s4+s16], $0x80, s30, s16, $0xb8;
	[tilespmem:$0x1E800] =	vst v63  }
0x4e: {  	_ =	swait.ge [sflag:s20], $0x4000  }
0x4f: {  	[sflag:s20] =	ssyncset.done $0x0  }
0x50: {  	s31 =	sadd.s32 $0x1480, s25;
	[sflag:s20] =	ssyncadd.s32 $0xFFFFC000  }
0x51: {  	[spmem:s2] =	stream.indirect.scatter.add.f32 [tilespmem:s18], [sflag:$0x3], $0x80, s31, s16, $0xb8;
	[tilespmem:$0x1E800] =	vst v63  }
0x52: {  	_ =	swait.ge [sflag:s14], $0x4000  }
0x53: {  	[sflag:s14] =	ssyncset.done $0x0  }
0x54: {  	[sflag:s14] =	ssyncadd.s32 $0xFFFFC000  }
0x55: {  	[tilespmem:s18], [sflag:$0x2] =	stream.indirect.gather [hbm4b:s4+s16], $0x80, s21, s16, $0xb8;
	[tilespmem:$0x1E800] =	vst v63  }
0x56: {  	_ =	swait.ge [sflag:s19], $0x4000  }
0x57: {  	[sflag:s19] =	ssyncset.done $0x0  }
0x58: {  	[sflag:s19] =	ssyncadd.s32 $0xFFFFC000  }
0x59: {  	[spmem:s2] =	stream.indirect.scatter.add.f32 [tilespmem:s17], [sflag:$0x3], $0x80, s22, s16, $0xb8;
	[tilespmem:$0x1E800] =	vst v63  }
0x5a: {  	_ =	swait.ge [sflag:s14], $0x4000  }
0x5b: {  	[sflag:s14] =	ssyncset.done $0x0  }
0x5c: {  	[sflag:s14] =	ssyncadd.s32 $0xFFFFC000  }
0x5d: {  	_ =	swait.ge [sflag:s20], $0x4000  }
0x5e: {  	[sflag:s20] =	ssyncset.done $0x0  }
0x5f: {  	[sflag:s20] =	ssyncadd.s32 $0xFFFFC000  }
0x60: {  	[spmem:s2] =	stream.indirect.scatter.add.f32 [tilespmem:s18], [sflag:$0x3], $0x80, s23, s16, $0xb8;
	[tilespmem:$0x1E800] =	vst v63  }
0x61: {  	_ =	swait.ge [sflag:s14], $0x4000  }
0x62: {  	[sflag:s14] =	ssyncset.done $0x0  }
0x63: {  	s26 =	simm.s32 $0x0;
	[sflag:s14] =	ssyncadd.s32 $0xFFFFC000  }
0x64: {  	[tilespmem:s26], [sflag:$0x3] =	stream.linear.gather [hbm4b:s9+s26], $0x1400, $0x38;
	[tilespmem:$0x1E800] =	vst v63  }
0x65: {  	_ =	swait.ge [sflag:s14], $0x1400  }
0x66: {  	[sflag:s14] =	ssyncset.done $0x0  }
0x67: {  	[sflag:s14] =	ssyncadd.s32 $0xFFFFEC00  }
0x68: {  	[tilespmem:s15], [sflag:$0x3] =	stream.linear.gather [hbm4b:s10+s26], $0x1400, $0x38;
	[tilespmem:$0x1E800] =	vst v63  }
0x69: {  	_ =	swait.ge [sflag:s14], $0x1400  }
0x6a: {  	[sflag:s14] =	ssyncset.done $0x0  }
0x6b: {  	[sflag:s14] =	ssyncadd.s32 $0xFFFFEC00  }
0x6c: {  	[tilespmem:s17], [sflag:$0x1] =	stream.indirect.gather [hbm4b:s4+s16], $0x80, s26, s16, $0xb8;
	[tilespmem:$0x1E800] =	vst v63  }
0x6d: {  	s28 =	simm.s32 $0x80  }
0x6e: {  	[tilespmem:s18], [sflag:$0x2] =	stream.indirect.gather [hbm4b:s4+s16], $0x80, s28, s16, $0xb8;
	[tilespmem:$0x1E800] =	vst v63  }
0x6f: {  	_ =	swait.ge [sflag:s19], $0x4000  }
0x70: {  	[sflag:s19] =	ssyncset.done $0x0  }
0x71: {  	s29 =	simm.s32 $0x1400;
	[sflag:s19] =	ssyncadd.s32 $0xFFFFC000  }
0x72: {  	[spmem:s2] =	stream.indirect.scatter.add.f32 [tilespmem:s17], [sflag:$0x3], $0x80, s29, s16, $0xb8;
	[tilespmem:$0x1E800] =	vst v63  }
0x73: {  	_ =	swait.ge [sflag:s14], $0x4000  }
0x74: {  	[sflag:s14] =	ssyncset.done $0x0  }
0x75: {  	s30 =	simm.s32 $0x100;
	[sflag:s14] =	ssyncadd.s32 $0xFFFFC000  }
0x76: {  	[tilespmem:s17], [sflag:$0x1] =	stream.indirect.gather [hbm4b:s4+s16], $0x80, s30, s16, $0xb8;
	[tilespmem:$0x1E800] =	vst v63  }
0x77: {  	_ =	swait.ge [sflag:s20], $0x4000  }
0x78: {  	[sflag:s20] =	ssyncset.done $0x0  }
0x79: {  	s31 =	simm.s32 $0x1480;
	[sflag:s20] =	ssyncadd.s32 $0xFFFFC000  }
0x7a: {  	[spmem:s2] =	stream.indirect.scatter.add.f32 [tilespmem:s18], [sflag:$0x3], $0x80, s31, s16, $0xb8;
	[tilespmem:$0x1E800] =	vst v63  }
0x7b: {  	_ =	swait.ge [sflag:s14], $0x4000  }
0x7c: {  	s25 =	simm.s32 $0x100;
	s26 =	simm.s32 $0x800;
	[sflag:s14] =	ssyncset.done $0x0  }
.LBB2_4:
0x7d: {  	s28 =	sadd.s32 $0x80, s25  }
0x7e: {  	[sflag:s14] =	ssyncadd.s32 $0xFFFFC000;
	s29 =	smov.u32 s26;
	s30 =	sadd.s32 $0x400, s26  }
0x7f: {  	[tilespmem:s18], [sflag:$0x2] =	stream.indirect.gather [hbm4b:s4+s16], $0x80, s28, s16, $0xb8;
	[tilespmem:$0x1E800] =	vst v63  }
0x80: {  	p0 =	sne.s32 s26, $0x4800;
	_ =	swait.ge [sflag:s19], $0x4000  }
0x81: {  	[sflag:s19] =	ssyncset.done $0x0  }
0x82: {  	s26 =	sadd.s32 $0x1400, s25;
	[sflag:s19] =	ssyncadd.s32 $0xFFFFC000  }
0x83: {  	[spmem:s2] =	stream.indirect.scatter.add.f32 [tilespmem:s17], [sflag:$0x3], $0x80, s26, s16, $0xb8;
	[tilespmem:$0x1E800] =	vst v63  }
0x84: {  	_ =	swait.ge [sflag:s14], $0x4000  }
0x85: {  	[sflag:s14] =	ssyncset.done $0x0  }
0x86: {  	s26 =	sadd.s32 $0x100, s25;
	[sflag:s14] =	ssyncadd.s32 $0xFFFFC000  }
0x87: {  	[tilespmem:s17], [sflag:$0x1] =	stream.indirect.gather [hbm4b:s4+s16], $0x80, s26, s16, $0xb8;
	[tilespmem:$0x1E800] =	vst v63  }
0x88: {  	_ =	swait.ge [sflag:s20], $0x4000  }
.Ltmp1:
0x89: {  	[sflag:s20] =	ssyncset.done $0x0;
	(pc) =	sbr.rel @p0 .LBB2_4-.Ltmp1, $4  }
0x8a: {  	s25 =	sadd.s32 $0x1480, s25;
	[sflag:s20] =	ssyncadd.s32 $0xFFFFC000  }
0x8b: {  	[spmem:s2] =	stream.indirect.scatter.add.f32 [tilespmem:s18], [sflag:$0x3], $0x80, s25, s16, $0xb8;
	[tilespmem:$0x1E800] =	vst v63  }
0x8c: {  	_ =	swait.ge [sflag:s14], $0x4000  }
0x8d: {  	s26 =	smov.u32 s30;
	s25 =	sshra.s32 s29, $0x2;
	[sflag:s14] =	ssyncset.done $0x0  }
0x8e: {  	s26 =	sadd.s32 $0x80, s25;
	[sflag:s14] =	ssyncadd.s32 $0xFFFFC000  }
0x8f: {  	[tilespmem:s18], [sflag:$0x2] =	stream.indirect.gather [hbm4b:s4+s16], $0x80, s26, s16, $0xb8;
	[tilespmem:$0x1E800] =	vst v63  }
0x90: {  	_ =	swait.ge [sflag:s19], $0x4000  }
0x91: {  	[sflag:s19] =	ssyncset.done $0x0  }
0x92: {  	s29 =	sadd.s32 $0x1400, s25;
	[sflag:s19] =	ssyncadd.s32 $0xFFFFC000  }
0x93: {  	[spmem:s2] =	stream.indirect.scatter.add.f32 [tilespmem:s17], [sflag:$0x3], $0x80, s29, s16, $0xb8;
	[tilespmem:$0x1E800] =	vst v63  }
0x94: {  	_ =	swait.ge [sflag:s14], $0x4000  }
0x95: {  	[sflag:s14] =	ssyncset.done $0x0  }
0x96: {  	s30 =	sadd.s32 $0x100, s25;
	[sflag:s14] =	ssyncadd.s32 $0xFFFFC000  }
0x97: {  	[tilespmem:s17], [sflag:$0x1] =	stream.indirect.gather [hbm4b:s4+s16], $0x80, s30, s16, $0xb8;
	[tilespmem:$0x1E800] =	vst v63  }
0x98: {  	_ =	swait.ge [sflag:s20], $0x4000  }
0x99: {  	[sflag:s20] =	ssyncset.done $0x0  }
0x9a: {  	s31 =	sadd.s32 $0x1480, s25;
	[sflag:s20] =	ssyncadd.s32 $0xFFFFC000  }
0x9b: {  	[spmem:s2] =	stream.indirect.scatter.add.f32 [tilespmem:s18], [sflag:$0x3], $0x80, s31, s16, $0xb8;
	[tilespmem:$0x1E800] =	vst v63  }
0x9c: {  	_ =	swait.ge [sflag:s14], $0x4000  }
0x9d: {  	[sflag:s14] =	ssyncset.done $0x0  }
0x9e: {  	[sflag:s14] =	ssyncadd.s32 $0xFFFFC000  }
0x9f: {  	[tilespmem:s18], [sflag:$0x2] =	stream.indirect.gather [hbm4b:s4+s16], $0x80, s21, s16, $0xb8;
	[tilespmem:$0x1E800] =	vst v63  }
0xa0: {  	_ =	swait.ge [sflag:s19], $0x4000  }
0xa1: {  	[sflag:s19] =	ssyncset.done $0x0  }
0xa2: {  	[sflag:s19] =	ssyncadd.s32 $0xFFFFC000  }
0xa3: {  	[spmem:s2] =	stream.indirect.scatter.add.f32 [tilespmem:s17], [sflag:$0x3], $0x80, s22, s16, $0xb8;
	[tilespmem:$0x1E800] =	vst v63  }
0xa4: {  	_ =	swait.ge [sflag:s14], $0x4000  }
0xa5: {  	[sflag:s14] =	ssyncset.done $0x0  }
0xa6: {  	[sflag:s14] =	ssyncadd.s32 $0xFFFFC000  }
0xa7: {  	_ =	swait.ge [sflag:s20], $0x4000  }
0xa8: {  	[sflag:s20] =	ssyncset.done $0x0  }
0xa9: {  	[sflag:s20] =	ssyncadd.s32 $0xFFFFC000  }
0xaa: {  	[spmem:s2] =	stream.indirect.scatter.add.f32 [tilespmem:s18], [sflag:$0x3], $0x80, s23, s16, $0xb8;
	[tilespmem:$0x1E800] =	vst v63  }
0xab: {  	_ =	swait.ge [sflag:s14], $0x4000  }
0xac: {  	s24 =	sadd.s32 $0x1, s24;
	[sflag:s14] =	ssyncset.done $0x0  }
0xad: {  	p0 =	sne.s32 s24, s12;
	[sflag:s14] =	ssyncadd.s32 $0xFFFFC000  }
.Ltmp2:
0xae: {  	[bflag:$0x0] =	sbarrier.arrive $0xFFFF;
	(pc) =	sbr.rel @p0 .LBB2_1-.Ltmp2, $4  }
0xaf: {  	[hbm:s11], [sflag:s6] =	dma.local [spmem:s13], $0x2800  }
0xb0: {  	_ =	swait.ge [sflag:s14], $0x2800  }
0xb1: {  	[sflag:s14] =	ssyncset.done $0x0  }
0xb2: {  	[sflag:s14] =	ssyncadd.s32 $0xFFFFD800  }
0xb3: {  	_ =	sfence.sel $0x180000  }
0xb4: {  	[bflag:$0x0] =	sbarrier.arrive $0xFFFF  }
0xb5: {  	p0 =	sne.s32 s1, $0x0;
	_ =	strace $0x90000059  }
0xb6: {  	s0 =	sadd.s32 @!p0 $0x100000, s0;
	[bflag:$0x2] =	sbarrier.arrive $0xFFFF  }
0xb7: {  	[sflag:s0] =	ssyncadd.tile.s32 @!p0 $0x1;
	_ =	shalt  }
.Lfunc_end2:
_tile_overlayer_lowered:
.L_overlay_start_2:
0xb8: {  	(tag) =	ssettag $0x2  }
0xb9: {  	s0 =	rddreg [dreg:$0x0];
	s2 =	stileid.u32  }
0xba: {  	s1 =	rddreg [dreg:$0x1];
	p0 =	sne.s32 s2, $0x0  }
0xbb: {  	s3 =	rddreg [dreg:$0x2];
	[bflag:$0x3] =	sbarrier.arrive $0xFFFF;
	s2 =	simm.s32 @!p0 $0x1C03  }
0xbc: {  	[timem:s3], [sflag:s2] =	dma.local @!p0 [hbm:s0], s1  }
0xbd: {  	s0 =	simm.s32 @!p0 $0x3  }
0xbe: {  	_ =	swait.ge @!p0 [sflag:s0], s1  }
0xbf: {  	s1 =	ssub.s32 @!p0 $0x0, s1;
	[sflag:s0] =	ssyncset.done @!p0 $0x0  }
0xc0: {  	[sflag:s0] =	ssyncadd.s32 @!p0 s1  }
0xc1: {  	[bflag:$0x3] =	sbarrier.arrive $0xFFFF  }
0xc2: {  	_ =	shalt  }

// kernel: kernel.38.cloned.1.call-start
scs
__scs_entry_jumppad:
0x0: {  	(pc) =	sbr.rel $0x88, $3  }
0x1: {  	(tag) =	ssettag $0x0;
	lr =	simm.s32 $0x1  }
0x2: {  	[smem:$0x3F92] =	sst lr;
	_ =	strace $0xD0000000  }
0x3: {  	_ = 	snop  }
0x4: {  	_ = 	snop  }
0x5: {  	_ = 	snop  }
0x6: {  	_ = 	snop  }
0x7: {  	_ = 	snop  }
__scs_overlays_trampoline_lowered:
0x8: {  	[smem:$0x3FA1] =	sst s0  }
0x9: {  	[smem:$0x3FA2] =	sst s1  }
0xa: {  	[smem:$0x3FA3] =	sst s2  }
0xb: {  	[smem:$0x3FA4] =	sst s3  }
0xc: {  	[smem:$0x3FA5] =	sst s4  }
0xd: {  	[smem:$0x3FA6] =	sst s5  }
0xe: {  	[smem:$0x3FA7] =	sst s6  }
0xf: {  	[smem:$0x3FA8] =	sst s7  }
0x10: {  	[smem:$0x3FA9] =	sst s8  }
0x11: {  	[smem:$0x3FAA] =	sst s9;
	s0 =	simm.s32 @!p0 $0x0  }
0x12: {  	s1 =	sld [smem:$0x3F90];
	s0 =	simm.s32 @p0 $0x1  }
0x13: {  	[smem:$0x3FAB] =	sst s0;
	s0 =	simm.s32 @!p1 $0x0  }
0x14: {  	s2 =	sld [smem:$0x3F8F];
	s0 =	simm.s32 @p1 $0x1  }
0x15: {  	[smem:$0x3FAC] =	sst s0;
	s0 =	simm.s32 @!p2 $0x0  }
0x16: {  	s3 =	sld [smem:$0x3FDB];
	s0 =	simm.s32 @p2 $0x1  }
0x17: {  	s4 =	simm.s32 $0x1BF5;
	[smem:$0x3FAE] =	sst s0  }
0x18: {  	s0 =	sld [smem:$0x3F91];
	_ =	swait.ge [sflag:s4], $0x0  }
0x19: {  	s7 =	sld [smem:$0x3F92]  }
0x1a: {  	s8 =	sadd.s32 $0xFFFFE003, lr  }
0x1b: {  	s9 =	sadd.s32 $0xFFFFFEF7, lr;
	s5 =	simm.s32 $0xFFFFFFFF;
	p2 =	slt.u32 s8, $0xFFFFF086  }
0x1c: {  	p1 =	slt.u32 s9, $0xF7A;
	s5 =	simm.s32 @!p2 $0x0  }
0x1d: {  	s5 =	simm.s32 @p1 $0x1;
	p0 =	seq.s32 s7, s2  }
0x1e: {  	s7 =	smul.u32 @!p0 $0xF7A, s2;
	p2 =	seq.s32 @!p0 s5, $0x0  }
0x1f: {  	s9 =	smul.u32 $0xF7A, s1;
	s8 =	simm.s32 @!p0 $0x1BF5;
	p2 =	por !p2, p0  }
0x20: {  	[sflag:s8] =	ssyncset.s32 @!p0 $0xFFFFF086;
	s6 =	sadd.s32 @!p0 s3, s7;
	s7 =	simm.s32 @!p0 $0x108  }
0x21: {  	s3 =	sadd.s32 s3, s9;
	s6 =	sadd.s32 @!p0 $0x88, s6;
	s7 =	simm.s32 @p2 $0x1082  }
0x22: {  	[simem:s7], [sflag:s8] =	dma.local @!p0 [hbm:s6], $0xF7A  }
0x23: {  	s9 =	sor.u32 $0xD0000000, s2;
	s6 =	simm.s32 $0x108;
	_ =	swait.ge @!p0 [sflag:s8], $0x0  }
0x24: {  	s3 =	sadd.s32 $0x88, s3;
	s6 =	simm.s32 @!p1 $0x1082;
	[sflag:s4] =	ssyncset.s32 $0xFFFFF086  }
0x25: {  	[simem:s6], [sflag:s4] =	dma.local [hbm:s3], $0xF7A  }
0x26: {  	[smem:$0x3F92] =	sst s1;
	(tag) =	ssettag s2;
	_ =	strace s9  }
0x27: {  	s1 =	sld [smem:$0x3FA2]  }
0x28: {  	s2 =	sld [smem:$0x3FA3]  }
0x29: {  	s4 =	sld [smem:$0x3FA5]  }
0x2a: {  	p0 =	seq.s32 s5, $0x0;
	s5 =	sld [smem:$0x3FA6]  }
0x2b: {  	s6 =	sld [smem:$0x3FA7]  }
0x2c: {  	s7 =	sld [smem:$0x3FA8]  }
0x2d: {  	s3 =	simm.s32 $0x108;
	s8 =	sld [smem:$0x3FA9]  }
0x2e: {  	s3 =	simm.s32 @!p0 $0x1082;
	s9 =	sld [smem:$0x3FAA]  }
0x2f: {  	lr =	sadd.s32 s0, s3;
	s0 =	sld [smem:$0x3FA1]  }
0x30: {  	s3 =	sld [smem:$0x3FA4]  }
0x31: {  	[smem:$0x3FAD] =	sst s10  }
0x32: {  	s10 =	sld [smem:$0x3FAB];
	_ =	sdelay $0x3  }
0x33: {  	p0 =	seq.s32 s10, $0x1;
	s10 =	sld [smem:$0x3FAD];
	_ =	sdelay $0x3  }
0x34: {  	[smem:$0x3FAD] =	sst s10  }
0x35: {  	s10 =	sld [smem:$0x3FAC];
	_ =	sdelay $0x3  }
0x36: {  	p1 =	seq.s32 s10, $0x1;
	s10 =	sld [smem:$0x3FAD];
	_ =	sdelay $0x3  }
0x37: {  	[smem:$0x3FAD] =	sst s10  }
0x38: {  	s10 =	sld [smem:$0x3FAE]  }
0x39: {  	_ = 	snop;
	(pc) =	sbr.ind lr, $3  }
0x3a: {  	_ = 	snop  }
0x3b: {  	_ = 	snop  }
0x3c: {  	p2 =	seq.s32 s10, $0x1;
	s10 =	sld [smem:$0x3FAD]  }
0x3d: {  	_ =	shalt  }
0x3e: {  	_ =	shalt  }
0x3f: {  	_ =	shalt  }
0x40: {  	_ =	shalt  }
0x41: {  	_ =	shalt  }
0x42: {  	_ =	shalt  }
0x43: {  	_ =	shalt  }
0x44: {  	_ =	shalt  }
0x45: {  	_ =	shalt  }
0x46: {  	_ =	shalt  }
0x47: {  	_ =	shalt  }
0x48: {  	_ =	shalt  }
0x49: {  	_ =	shalt  }
0x4a: {  	_ =	shalt  }
0x4b: {  	_ =	shalt  }
0x4c: {  	_ =	shalt  }
0x4d: {  	_ =	shalt  }
0x4e: {  	_ =	shalt  }
0x4f: {  	_ =	shalt  }
0x50: {  	_ =	shalt  }
0x51: {  	_ =	shalt  }
0x52: {  	_ =	shalt  }
0x53: {  	_ =	shalt  }
0x54: {  	_ =	shalt  }
0x55: {  	_ =	shalt  }
0x56: {  	_ =	shalt  }
0x57: {  	_ =	shalt  }
0x58: {  	_ =	shalt  }
0x59: {  	_ =	shalt  }
0x5a: {  	_ =	shalt  }
0x5b: {  	_ =	shalt  }
0x5c: {  	_ =	shalt  }
0x5d: {  	_ =	shalt  }
0x5e: {  	_ =	shalt  }
0x5f: {  	_ =	shalt  }
0x60: {  	_ =	shalt  }
0x61: {  	_ =	shalt  }
0x62: {  	_ =	shalt  }
0x63: {  	_ =	shalt  }
0x64: {  	_ =	shalt  }
0x65: {  	_ =	shalt  }
0x66: {  	_ =	shalt  }
0x67: {  	_ =	shalt  }
0x68: {  	_ =	shalt  }
0x69: {  	_ =	shalt  }
0x6a: {  	_ =	shalt  }
0x6b: {  	_ =	shalt  }
0x6c: {  	_ =	shalt  }
0x6d: {  	_ =	shalt  }
0x6e: {  	_ =	shalt  }
0x6f: {  	_ =	shalt  }
0x70: {  	_ =	shalt  }
0x71: {  	_ =	shalt  }
0x72: {  	_ =	shalt  }
0x73: {  	_ =	shalt  }
0x74: {  	_ =	shalt  }
0x75: {  	_ =	shalt  }
0x76: {  	_ =	shalt  }
0x77: {  	_ =	shalt  }
0x78: {  	_ =	shalt  }
0x79: {  	_ =	shalt  }
0x7a: {  	_ =	shalt  }
0x7b: {  	_ =	shalt  }
0x7c: {  	_ =	shalt  }
0x7d: {  	_ =	shalt  }
0x7e: {  	_ =	shalt  }
0x7f: {  	_ =	shalt  }
0x80: {  	_ =	shalt  }
0x81: {  	_ =	shalt  }
0x82: {  	_ =	shalt  }
0x83: {  	_ =	shalt  }
0x84: {  	_ =	shalt  }
0x85: {  	_ =	shalt  }
0x86: {  	_ =	shalt  }
0x87: {  	_ =	shalt  }
.Lfunc_end0:
.L_simem_size_0:
called_computation.7_lowered:
.L_overlay_start_0:
0x88: {  	s2 =	sld [smem:$0x3FD9]  }
0x89: {  	s3 =	sld [smem:$0x3FFE];
	_ =	sdelay $0x1  }
0x8a: {  	s1 =	srdreg.scid  }
0x8b: {  	s0 =	sand.u32 $0x1, s1  }
0x8c: {  	s14 =	sshll.u32 s0, $0xA;
	s2 =	sadd.s32 s3, s2  }
0x8d: {  	s2 =	sadd.s32 s2, s14  }
0x8e: {  	[smem:$0x3FB9] =	sst s2  }
0x8f: {  	_ = 	snop  }
0x90: {  	s2 =	sld [smem:$0x3FD0];
	_ =	sdelay $0x2  }
0x91: {  	s15 =	simm.s32 $0xA;
	s4 =	simm.s32 $0x10  }
0x92: {  	[smem:s4], [sflag:s15] =	dma.local [hbm:s2], $0x1  }
0x93: {  	_ =	swait.eq [sflag:s15], $0x1  }
0x94: {  	[sflag:s15] =	ssyncset.done $0x0  }
0x95: {  	[sflag:s15] =	ssyncadd.s32 $0xFFFFFFFF  }
0x96: {  	s16 =	sld [smem:$0x11];
	(tm) =	ssettm $0x1  }
0x97: {  	s17 =	sld [smem:$0x3FFB];
	_ =	sdelay $0x3  }
0x98: {  	_ =	strace s17  }
0x99: {  	s3 =	sld [smem:$0x3FFC];
	_ =	sdelay $0x3  }
0x9a: {  	_ =	strace s3  }
0x9b: {  	s3 =	sld [smem:$0x3FFD];
	_ =	sdelay $0x3  }
0x9c: {  	_ =	strace s3  }
0x9d: {  	_ =	strace $0x8FFFFFFF  }
0x9e: {  	s18 =	sld [smem:$0x3FDB];
	_ =	sdelay $0x1  }
0x9f: {  	s19 =	simm.s32 $_scs_section_size  }
0xa0: {  	s5 =	simm.s32 $_size__tile_overlayer_lowered;
	s6 =	simm.s32 $_tile_overlayer_lowered  }
0xa1: {  	s22 =	simm.s32 $0x1BFF;
	s21 =	sshll.u32 s6, $0x1;
	s3 =	sadd.s32 s19, s18  }
0xa2: {  	s7 =	simm.s32 $0x0;
	s20 =	sshll.u32 s5, $0x1;
	s5 =	sadd.s32 s21, s3  }
0xa3: {  	[timem:s7], [sflag:s22] =	dma.local [hbm:s5], s20  }
0xa4: {  	_ =	swait.ge [sflag:s22], s20  }
0xa5: {  	s4 =	ssub.s32 $0x0, s20;
	[sflag:s22] =	ssyncset.done $0x0  }
0xa6: {  	[sflag:s22] =	ssyncadd.s32 s4;
	_ =	sdelay $0x1  }
0xa7: {  	s23 =	simm.s32 $0x1B8B  }
0xa8: {  	_ =	swait.ge [sflag:s23], $0x1  }
0xa9: {  	[sflag:s23] =	ssyncset.done $0x0  }
0xaa: {  	s25 =	simm.s32 $0x1B8E;
	s24 =	sld [smem:$0x3FFE];
	[sflag:s23] =	ssyncadd.s32 $0xFFFFFFFF  }
0xab: {  	s26 =	simm.s32 $execute0_lowered;
	[smem:$0x3FD2] =	sst s25  }
0xac: {  	s5 =	sshll.u32 s26, $0x1;
	_ =	strace $0x8000005B;
	[dreg:$0x1] =	wrdreg $0xFFFFFFFF  }
0xad: {  	s28 =	simm.s32 $_size_execute0_lowered;
	s3 =	sadd.s32 s3, s5;
	[dreg:$0x0] =	wrdreg $0x0  }
0xae: {  	s5 =	sshll.u32 s28, $0x1;
	[dreg:$0x2] =	wrdreg s3  }
0xaf: {  	[dreg:$0x3] =	wrdreg s5  }
0xb0: {  	[dreg:$0x4] =	wrdreg $0xC0  }
0xb1: {  	_ =	task [dreg:s7], $0x5FFFF  }
0xb2: {  	[dreg:$0x1] =	wrdreg $0xFFFFFFFF  }
0xb3: {  	[dreg:$0x0] =	wrdreg $0x60  }
0xb4: {  	[dreg:$0x2] =	wrdreg s24  }
0xb5: {  	[dreg:$0x3] =	wrdreg s16  }
0xb6: {  	[dreg:$0x4] =	wrdreg $0xA8000  }
0xb7: {  	[dreg:$0x5] =	wrdreg $0x9  }
0xb8: {  	_ =	task.clear_ibuf [dreg:s7], $0x6FFFF;
	_ =	strace $0x9000005B  }
0xb9: {  	s29 =	simm.s32 $0x9;
	_ =	strace $0x8000005D  }
0xba: {  	_ =	swait.ge [sflag:s29], $0x1  }
0xbb: {  	[sflag:s29] =	ssyncadd.s32 $0xFFFFFFFF  }
0xbc: {  	_ =	strace $0x9000005D  }
0xbd: {  	_ =	sfence  }
0xbe: {  	s30 =	sld [smem:$0x0];
	_ =	sdelay $0x2  }
0xbf: {  	s31 =	sshll.u32 s1, $0xD;
	s1 =	sshrl.u32 s1, $0x2  }
0xc0: {  	s3 =	sand.u32 $0x4000, s31;
	s1 =	sadd.s32 s1, s30  }
0xc1: {  	s0 =	sor.u32 s3, s0;
	s1 =	sshll.u32 s1, $0x11  }
0xc2: {  	s0 =	sor.u32 s1, s0  }
0xc3: {  	s0 =	sadd.s32 $0x8F2B, s0  }
0xc4: {  	[sflag:s0] =	ssyncadd.remote.s32 $0x1  }
0xc5: {  	_ =	sfence.sel $0xFFFF  }
0xc6: {  	[dreg:$0x0] =	wrdreg $0xFFFFFFFF;
	(pc) =	sbr.abs _section_cstart, $3  }
0xc7: {  	[dreg:$0x1] =	wrdreg $0xFFFFFFFF  }
0xc8: {  	_ =	task.clear_ibuf [dreg:s7], $0x2FFFF;
	_ =	strace $0x9FFFFFFF  }
0xc9: {  	(tm) =	ssettm $0x7FFFFFFF  }
tec
execute0_lowered:
.L_overlay_start_1:
0x0: {  	(tag) =	ssettag $0x1  }
0x1: {  	s5 =	rddreg [dreg:$0x0]  }
0x2: {  	s9 =	rddreg [dreg:$0x1]  }
0x3: {  	s2 =	rddreg [dreg:$0x2]  }
0x4: {  	s0 =	rddreg [dreg:$0x3]  }
0x5: {  	s1 =	stileid.u32;
	s3 =	simm.s32 $0x0;
	s4 =	srdreg.scid  }
0x6: {  	s17 =	simm.s32 $0x2800;
	s18 =	simm.s32 $0x6800;
	s19 =	simm.s32 $0x1  }
0x7: {  	s20 =	simm.s32 $0x2;
	s21 =	simm.s32 $0x1380;
	s22 =	simm.s32 $0x2700  }
0x8: {  	s23 =	simm.s32 $0x2780;
	s24 =	simm.s32 $0x0;
	s6 =	smul.u32 $0x14000, s1  }
0x9: {  	[smem:$0x7FF] =	sst s3;
	s7 =	sand.u32 $0x1, s4;
	s4 =	sadd.s32 $0x2F000, s5  }
0xa: {  	s11 =	sadd.s32 $0x7F200, s5;
	s25 =	sshll.u32 s1, $0x1;
	s12 =	smul.u32 $0x50000, s1  }
0xb: {  	s28 =	sshll.u32 s1, $0x6;
	_ =	strace $0x8000005C;
	s10 =	smul.u32 $0x140000, s7  }
0xc: {  	s13 =	ssub.s32 $0x2, s7;
	s7 =	sor.u32 s7, s25;
	s8 =	sshrl.u32 s6, $0x3  }
0xd: {  	s26 =	sshrl.u32 s13, $0x1;
	s12 =	sshrl.u32 s12, $0x2;
	s14 =	smul.u32 $0x2800, s7  }
0xe: {  	s29 =	smul.u32 $0x500, s7;
	s8 =	sadd.s32 s8, s5;
	s6 =	sadd.s32 s6, s10  }
0xf: {  	s13 =	ssub.s32 s13, s26;
	s16 =	sadd.s32 s12, s2;
	s6 =	sshrl.u32 s6, $0x3  }
0x10: {  	s30 =	sshrl.u32 s14, $0x3;
	s7 =	sadd.s32 s9, s29;
	s12 =	smax.u32 s13, $0x1  }
0x11: {  	s13 =	sshrl.u32 s16, $0x3;
	s14 =	simm.s32 $0x3;
	s16 =	simm.s32 $0x80  }
0x12: {  	s15 =	sadd.s32 s6, s5;
	s5 =	sadd.s32 $0x7000, s8;
	s31 =	sadd.s32 $0x280, s30  }
0x13: {  	s6 =	sor.u32 $0x1C03, s28;
	s8 =	sadd.s32 s11, s29;
	s9 =	sadd.s32 s9, s31  }
0x14: {  	s10 =	sadd.s32 s11, s31;
	s11 =	sadd.s32 $0x89200, s15;
	s15 =	simm.s32 $0x1400  }
.LBB2_1:
0x15: {  	[spmem:s13], [sflag:s6] =	dma.local [hbm:s5], $0x2800  }
0x16: {  	_ =	swait.ge [sflag:s14], $0x2800  }
0x17: {  	[sflag:s14] =	ssyncset.done $0x0  }
0x18: {  	[sflag:s14] =	ssyncadd.s32 $0xFFFFD800  }
0x19: {  	[bflag:$0x0] =	sbarrier.arrive $0xFFFF  }
0x1a: {  	[tilespmem:s3], [sflag:$0x3] =	stream.linear.gather [hbm4b:s7+s3], $0x1400, $0x38;
	[tilespmem:$0x1E800] =	vst v63  }
0x1b: {  	_ =	swait.ge [sflag:s14], $0x1400  }
0x1c: {  	[sflag:s14] =	ssyncset.done $0x0  }
0x1d: {  	[sflag:s14] =	ssyncadd.s32 $0xFFFFEC00  }
0x1e: {  	[tilespmem:s15], [sflag:$0x3] =	stream.linear.gather [hbm4b:s8+s3], $0x1400, $0x38;
	[tilespmem:$0x1E800] =	vst v63  }
0x1f: {  	_ =	swait.ge [sflag:s14], $0x1400  }
0x20: {  	[sflag:s14] =	ssyncset.done $0x0  }
0x21: {  	[sflag:s14] =	ssyncadd.s32 $0xFFFFEC00  }
0x22: {  	[tilespmem:s17], [sflag:$0x1] =	stream.indirect.gather [hbm4b:s4+s16], $0x80, s3, s16, $0xb8;
	[tilespmem:$0x1E800] =	vst v63  }
0x23: {  	s25 =	simm.s32 $0x80  }
0x24: {  	[tilespmem:s18], [sflag:$0x2] =	stream.indirect.gather [hbm4b:s4+s16], $0x80, s25, s16, $0xb8;
	[tilespmem:$0x1E800] =	vst v63  }
0x25: {  	_ =	swait.ge [sflag:s19], $0x4000  }
0x26: {  	[sflag:s19] =	ssyncset.done $0x0  }
0x27: {  	s29 =	simm.s32 $0x1400;
	[sflag:s19] =	ssyncadd.s32 $0xFFFFC000  }
0x28: {  	[spmem:s2] =	stream.indirect.scatter.add.f32 [tilespmem:s17], [sflag:$0x3], $0x80, s29, s16, $0xb8;
	[tilespmem:$0x1E800] =	vst v63  }
0x29: {  	_ =	swait.ge [sflag:s14], $0x4000  }
0x2a: {  	[sflag:s14] =	ssyncset.done $0x0  }
0x2b: {  	s30 =	simm.s32 $0x100;
	[sflag:s14] =	ssyncadd.s32 $0xFFFFC000  }
0x2c: {  	[tilespmem:s17], [sflag:$0x1] =	stream.indirect.gather [hbm4b:s4+s16], $0x80, s30, s16, $0xb8;
	[tilespmem:$0x1E800] =	vst v63  }
0x2d: {  	_ =	swait.ge [sflag:s20], $0x4000  }
0x2e: {  	[sflag:s20] =	ssyncset.done $0x0  }
0x2f: {  	s31 =	simm.s32 $0x1480;
	[sflag:s20] =	ssyncadd.s32 $0xFFFFC000  }
0x30: {  	[spmem:s2] =	stream.indirect.scatter.add.f32 [tilespmem:s18], [sflag:$0x3], $0x80, s31, s16, $0xb8;
	[tilespmem:$0x1E800] =	vst v63  }
0x31: {  	_ =	swait.ge [sflag:s14], $0x4000  }
0x32: {  	s26 =	simm.s32 $0x800;
	s25 =	simm.s32 $0x100;
	[sflag:s14] =	ssyncset.done $0x0  }
.LBB2_2:
0x33: {  	s28 =	sadd.s32 $0x80, s25  }
0x34: {  	[sflag:s14] =	ssyncadd.s32 $0xFFFFC000;
	s29 =	smov.u32 s26;
	s30 =	sadd.s32 $0x400, s26  }
0x35: {  	[tilespmem:s18], [sflag:$0x2] =	stream.indirect.gather [hbm4b:s4+s16], $0x80, s28, s16, $0xb8;
	[tilespmem:$0x1E800] =	vst v63  }
0x36: {  	p0 =	sne.s32 s26, $0x4800;
	_ =	swait.ge [sflag:s19], $0x4000  }
0x37: {  	[sflag:s19] =	ssyncset.done $0x0  }
0x38: {  	s26 =	sadd.s32 $0x1400, s25;
	[sflag:s19] =	ssyncadd.s32 $0xFFFFC000  }
0x39: {  	[spmem:s2] =	stream.indirect.scatter.add.f32 [tilespmem:s17], [sflag:$0x3], $0x80, s26, s16, $0xb8;
	[tilespmem:$0x1E800] =	vst v63  }
0x3a: {  	_ =	swait.ge [sflag:s14], $0x4000  }
0x3b: {  	[sflag:s14] =	ssyncset.done $0x0  }
0x3c: {  	s26 =	sadd.s32 $0x100, s25;
	[sflag:s14] =	ssyncadd.s32 $0xFFFFC000  }
0x3d: {  	[tilespmem:s17], [sflag:$0x1] =	stream.indirect.gather [hbm4b:s4+s16], $0x80, s26, s16, $0xb8;
	[tilespmem:$0x1E800] =	vst v63  }
0x3e: {  	_ =	swait.ge [sflag:s20], $0x4000  }
.Ltmp0:
0x3f: {  	[sflag:s20] =	ssyncset.done $0x0;
	(pc) =	sbr.rel @p0 .LBB2_2-.Ltmp0, $4  }
0x40: {  	s25 =	sadd.s32 $0x1480, s25;
	[sflag:s20] =	ssyncadd.s32 $0xFFFFC000  }
0x41: {  	[spmem:s2] =	stream.indirect.scatter.add.f32 [tilespmem:s18], [sflag:$0x3], $0x80, s25, s16, $0xb8;
	[tilespmem:$0x1E800] =	vst v63  }
0x42: {  	_ =	swait.ge [sflag:s14], $0x4000  }
0x43: {  	s26 =	smov.u32 s30;
	s25 =	sshra.s32 s29, $0x2;
	[sflag:s14] =	ssyncset.done $0x0  }
0x44: {  	s26 =	sadd.s32 $0x80, s25;
	[sflag:s14] =	ssyncadd.s32 $0xFFFFC000  }
0x45: {  	[tilespmem:s18], [sflag:$0x2] =	stream.indirect.gather [hbm4b:s4+s16], $0x80, s26, s16, $0xb8;
	[tilespmem:$0x1E800] =	vst v63  }
0x46: {  	_ =	swait.ge [sflag:s19], $0x4000  }
0x47: {  	[sflag:s19] =	ssyncset.done $0x0  }
0x48: {  	s29 =	sadd.s32 $0x1400, s25;
	[sflag:s19] =	ssyncadd.s32 $0xFFFFC000  }
0x49: {  	[spmem:s2] =	stream.indirect.scatter.add.f32 [tilespmem:s17], [sflag:$0x3], $0x80, s29, s16, $0xb8;
	[tilespmem:$0x1E800] =	vst v63  }
0x4a: {  	_ =	swait.ge [sflag:s14], $0x4000  }
0x4b: {  	[sflag:s14] =	ssyncset.done $0x0  }
0x4c: {  	s30 =	sadd.s32 $0x100, s25;
	[sflag:s14] =	ssyncadd.s32 $0xFFFFC000  }
0x4d: {  	[tilespmem:s17], [sflag:$0x1] =	stream.indirect.gather [hbm4b:s4+s16], $0x80, s30, s16, $0xb8;
	[tilespmem:$0x1E800] =	vst v63  }
0x4e: {  	_ =	swait.ge [sflag:s20], $0x4000  }
0x4f: {  	[sflag:s20] =	ssyncset.done $0x0  }
0x50: {  	s31 =	sadd.s32 $0x1480, s25;
	[sflag:s20] =	ssyncadd.s32 $0xFFFFC000  }
0x51: {  	[spmem:s2] =	stream.indirect.scatter.add.f32 [tilespmem:s18], [sflag:$0x3], $0x80, s31, s16, $0xb8;
	[tilespmem:$0x1E800] =	vst v63  }
0x52: {  	_ =	swait.ge [sflag:s14], $0x4000  }
0x53: {  	[sflag:s14] =	ssyncset.done $0x0  }
0x54: {  	[sflag:s14] =	ssyncadd.s32 $0xFFFFC000  }
0x55: {  	[tilespmem:s18], [sflag:$0x2] =	stream.indirect.gather [hbm4b:s4+s16], $0x80, s21, s16, $0xb8;
	[tilespmem:$0x1E800] =	vst v63  }
0x56: {  	_ =	swait.ge [sflag:s19], $0x4000  }
0x57: {  	[sflag:s19] =	ssyncset.done $0x0  }
0x58: {  	[sflag:s19] =	ssyncadd.s32 $0xFFFFC000  }
0x59: {  	[spmem:s2] =	stream.indirect.scatter.add.f32 [tilespmem:s17], [sflag:$0x3], $0x80, s22, s16, $0xb8;
	[tilespmem:$0x1E800] =	vst v63  }
0x5a: {  	_ =	swait.ge [sflag:s14], $0x4000  }
0x5b: {  	[sflag:s14] =	ssyncset.done $0x0  }
0x5c: {  	[sflag:s14] =	ssyncadd.s32 $0xFFFFC000  }
0x5d: {  	_ =	swait.ge [sflag:s20], $0x4000  }
0x5e: {  	[sflag:s20] =	ssyncset.done $0x0  }
0x5f: {  	[sflag:s20] =	ssyncadd.s32 $0xFFFFC000  }
0x60: {  	[spmem:s2] =	stream.indirect.scatter.add.f32 [tilespmem:s18], [sflag:$0x3], $0x80, s23, s16, $0xb8;
	[tilespmem:$0x1E800] =	vst v63  }
0x61: {  	_ =	swait.ge [sflag:s14], $0x4000  }
0x62: {  	[sflag:s14] =	ssyncset.done $0x0  }
0x63: {  	s26 =	simm.s32 $0x0;
	[sflag:s14] =	ssyncadd.s32 $0xFFFFC000  }
0x64: {  	[tilespmem:s26], [sflag:$0x3] =	stream.linear.gather [hbm4b:s9+s26], $0x1400, $0x38;
	[tilespmem:$0x1E800] =	vst v63  }
0x65: {  	_ =	swait.ge [sflag:s14], $0x1400  }
0x66: {  	[sflag:s14] =	ssyncset.done $0x0  }
0x67: {  	[sflag:s14] =	ssyncadd.s32 $0xFFFFEC00  }
0x68: {  	[tilespmem:s15], [sflag:$0x3] =	stream.linear.gather [hbm4b:s10+s26], $0x1400, $0x38;
	[tilespmem:$0x1E800] =	vst v63  }
0x69: {  	_ =	swait.ge [sflag:s14], $0x1400  }
0x6a: {  	[sflag:s14] =	ssyncset.done $0x0  }
0x6b: {  	[sflag:s14] =	ssyncadd.s32 $0xFFFFEC00  }
0x6c: {  	[tilespmem:s17], [sflag:$0x1] =	stream.indirect.gather [hbm4b:s4+s16], $0x80, s26, s16, $0xb8;
	[tilespmem:$0x1E800] =	vst v63  }
0x6d: {  	s28 =	simm.s32 $0x80  }
0x6e: {  	[tilespmem:s18], [sflag:$0x2] =	stream.indirect.gather [hbm4b:s4+s16], $0x80, s28, s16, $0xb8;
	[tilespmem:$0x1E800] =	vst v63  }
0x6f: {  	_ =	swait.ge [sflag:s19], $0x4000  }
0x70: {  	[sflag:s19] =	ssyncset.done $0x0  }
0x71: {  	s29 =	simm.s32 $0x1400;
	[sflag:s19] =	ssyncadd.s32 $0xFFFFC000  }
0x72: {  	[spmem:s2] =	stream.indirect.scatter.add.f32 [tilespmem:s17], [sflag:$0x3], $0x80, s29, s16, $0xb8;
	[tilespmem:$0x1E800] =	vst v63  }
0x73: {  	_ =	swait.ge [sflag:s14], $0x4000  }
0x74: {  	[sflag:s14] =	ssyncset.done $0x0  }
0x75: {  	s30 =	simm.s32 $0x100;
	[sflag:s14] =	ssyncadd.s32 $0xFFFFC000  }
0x76: {  	[tilespmem:s17], [sflag:$0x1] =	stream.indirect.gather [hbm4b:s4+s16], $0x80, s30, s16, $0xb8;
	[tilespmem:$0x1E800] =	vst v63  }
0x77: {  	_ =	swait.ge [sflag:s20], $0x4000  }
0x78: {  	[sflag:s20] =	ssyncset.done $0x0  }
0x79: {  	s31 =	simm.s32 $0x1480;
	[sflag:s20] =	ssyncadd.s32 $0xFFFFC000  }
0x7a: {  	[spmem:s2] =	stream.indirect.scatter.add.f32 [tilespmem:s18], [sflag:$0x3], $0x80, s31, s16, $0xb8;
	[tilespmem:$0x1E800] =	vst v63  }
0x7b: {  	_ =	swait.ge [sflag:s14], $0x4000  }
0x7c: {  	s25 =	simm.s32 $0x100;
	s26 =	simm.s32 $0x800;
	[sflag:s14] =	ssyncset.done $0x0  }
.LBB2_4:
0x7d: {  	s28 =	sadd.s32 $0x80, s25  }
0x7e: {  	[sflag:s14] =	ssyncadd.s32 $0xFFFFC000;
	s29 =	smov.u32 s26;
	s30 =	sadd.s32 $0x400, s26  }
0x7f: {  	[tilespmem:s18], [sflag:$0x2] =	stream.indirect.gather [hbm4b:s4+s16], $0x80, s28, s16, $0xb8;
	[tilespmem:$0x1E800] =	vst v63  }
0x80: {  	p0 =	sne.s32 s26, $0x4800;
	_ =	swait.ge [sflag:s19], $0x4000  }
0x81: {  	[sflag:s19] =	ssyncset.done $0x0  }
0x82: {  	s26 =	sadd.s32 $0x1400, s25;
	[sflag:s19] =	ssyncadd.s32 $0xFFFFC000  }
0x83: {  	[spmem:s2] =	stream.indirect.scatter.add.f32 [tilespmem:s17], [sflag:$0x3], $0x80, s26, s16, $0xb8;
	[tilespmem:$0x1E800] =	vst v63  }
0x84: {  	_ =	swait.ge [sflag:s14], $0x4000  }
0x85: {  	[sflag:s14] =	ssyncset.done $0x0  }
0x86: {  	s26 =	sadd.s32 $0x100, s25;
	[sflag:s14] =	ssyncadd.s32 $0xFFFFC000  }
0x87: {  	[tilespmem:s17], [sflag:$0x1] =	stream.indirect.gather [hbm4b:s4+s16], $0x80, s26, s16, $0xb8;
	[tilespmem:$0x1E800] =	vst v63  }
0x88: {  	_ =	swait.ge [sflag:s20], $0x4000  }
.Ltmp1:
0x89: {  	[sflag:s20] =	ssyncset.done $0x0;
	(pc) =	sbr.rel @p0 .LBB2_4-.Ltmp1, $4  }
0x8a: {  	s25 =	sadd.s32 $0x1480, s25;
	[sflag:s20] =	ssyncadd.s32 $0xFFFFC000  }
0x8b: {  	[spmem:s2] =	stream.indirect.scatter.add.f32 [tilespmem:s18], [sflag:$0x3], $0x80, s25, s16, $0xb8;
	[tilespmem:$0x1E800] =	vst v63  }
0x8c: {  	_ =	swait.ge [sflag:s14], $0x4000  }
0x8d: {  	s26 =	smov.u32 s30;
	s25 =	sshra.s32 s29, $0x2;
	[sflag:s14] =	ssyncset.done $0x0  }
0x8e: {  	s26 =	sadd.s32 $0x80, s25;
	[sflag:s14] =	ssyncadd.s32 $0xFFFFC000  }
0x8f: {  	[tilespmem:s18], [sflag:$0x2] =	stream.indirect.gather [hbm4b:s4+s16], $0x80, s26, s16, $0xb8;
	[tilespmem:$0x1E800] =	vst v63  }
0x90: {  	_ =	swait.ge [sflag:s19], $0x4000  }
0x91: {  	[sflag:s19] =	ssyncset.done $0x0  }
0x92: {  	s29 =	sadd.s32 $0x1400, s25;
	[sflag:s19] =	ssyncadd.s32 $0xFFFFC000  }
0x93: {  	[spmem:s2] =	stream.indirect.scatter.add.f32 [tilespmem:s17], [sflag:$0x3], $0x80, s29, s16, $0xb8;
	[tilespmem:$0x1E800] =	vst v63  }
0x94: {  	_ =	swait.ge [sflag:s14], $0x4000  }
0x95: {  	[sflag:s14] =	ssyncset.done $0x0  }
0x96: {  	s30 =	sadd.s32 $0x100, s25;
	[sflag:s14] =	ssyncadd.s32 $0xFFFFC000  }
0x97: {  	[tilespmem:s17], [sflag:$0x1] =	stream.indirect.gather [hbm4b:s4+s16], $0x80, s30, s16, $0xb8;
	[tilespmem:$0x1E800] =	vst v63  }
0x98: {  	_ =	swait.ge [sflag:s20], $0x4000  }
0x99: {  	[sflag:s20] =	ssyncset.done $0x0  }
0x9a: {  	s31 =	sadd.s32 $0x1480, s25;
	[sflag:s20] =	ssyncadd.s32 $0xFFFFC000  }
0x9b: {  	[spmem:s2] =	stream.indirect.scatter.add.f32 [tilespmem:s18], [sflag:$0x3], $0x80, s31, s16, $0xb8;
	[tilespmem:$0x1E800] =	vst v63  }
0x9c: {  	_ =	swait.ge [sflag:s14], $0x4000  }
0x9d: {  	[sflag:s14] =	ssyncset.done $0x0  }
0x9e: {  	[sflag:s14] =	ssyncadd.s32 $0xFFFFC000  }
0x9f: {  	[tilespmem:s18], [sflag:$0x2] =	stream.indirect.gather [hbm4b:s4+s16], $0x80, s21, s16, $0xb8;
	[tilespmem:$0x1E800] =	vst v63  }
0xa0: {  	_ =	swait.ge [sflag:s19], $0x4000  }
0xa1: {  	[sflag:s19] =	ssyncset.done $0x0  }
0xa2: {  	[sflag:s19] =	ssyncadd.s32 $0xFFFFC000  }
0xa3: {  	[spmem:s2] =	stream.indirect.scatter.add.f32 [tilespmem:s17], [sflag:$0x3], $0x80, s22, s16, $0xb8;
	[tilespmem:$0x1E800] =	vst v63  }
0xa4: {  	_ =	swait.ge [sflag:s14], $0x4000  }
0xa5: {  	[sflag:s14] =	ssyncset.done $0x0  }
0xa6: {  	[sflag:s14] =	ssyncadd.s32 $0xFFFFC000  }
0xa7: {  	_ =	swait.ge [sflag:s20], $0x4000  }
0xa8: {  	[sflag:s20] =	ssyncset.done $0x0  }
0xa9: {  	[sflag:s20] =	ssyncadd.s32 $0xFFFFC000  }
0xaa: {  	[spmem:s2] =	stream.indirect.scatter.add.f32 [tilespmem:s18], [sflag:$0x3], $0x80, s23, s16, $0xb8;
	[tilespmem:$0x1E800] =	vst v63  }
0xab: {  	_ =	swait.ge [sflag:s14], $0x4000  }
0xac: {  	s24 =	sadd.s32 $0x1, s24;
	[sflag:s14] =	ssyncset.done $0x0  }
0xad: {  	p0 =	sne.s32 s24, s12;
	[sflag:s14] =	ssyncadd.s32 $0xFFFFC000  }
.Ltmp2:
0xae: {  	[bflag:$0x0] =	sbarrier.arrive $0xFFFF;
	(pc) =	sbr.rel @p0 .LBB2_1-.Ltmp2, $4  }
0xaf: {  	[hbm:s11], [sflag:s6] =	dma.local [spmem:s13], $0x2800  }
0xb0: {  	_ =	swait.ge [sflag:s14], $0x2800  }
0xb1: {  	[sflag:s14] =	ssyncset.done $0x0  }
0xb2: {  	[sflag:s14] =	ssyncadd.s32 $0xFFFFD800  }
0xb3: {  	_ =	sfence.sel $0x180000  }
0xb4: {  	[bflag:$0x0] =	sbarrier.arrive $0xFFFF  }
0xb5: {  	p0 =	sne.s32 s1, $0x0;
	_ =	strace $0x9000005C  }
0xb6: {  	s0 =	sadd.s32 @!p0 $0x100000, s0;
	[bflag:$0x2] =	sbarrier.arrive $0xFFFF  }
0xb7: {  	[sflag:s0] =	ssyncadd.tile.s32 @!p0 $0x1;
	_ =	shalt  }
.Lfunc_end2:
_tile_overlayer_lowered:
.L_overlay_start_2:
0xb8: {  	(tag) =	ssettag $0x2  }
0xb9: {  	s0 =	rddreg [dreg:$0x0];
	s2 =	stileid.u32  }
0xba: {  	s1 =	rddreg [dreg:$0x1];
	p0 =	sne.s32 s2, $0x0  }
0xbb: {  	s3 =	rddreg [dreg:$0x2];
	[bflag:$0x3] =	sbarrier.arrive $0xFFFF;
	s2 =	simm.s32 @!p0 $0x1C03  }
0xbc: {  	[timem:s3], [sflag:s2] =	dma.local @!p0 [hbm:s0], s1  }
0xbd: {  	s0 =	simm.s32 @!p0 $0x3  }
0xbe: {  	_ =	swait.ge @!p0 [sflag:s0], s1  }
0xbf: {  	s1 =	ssub.s32 @!p0 $0x0, s1;
	[sflag:s0] =	ssyncset.done @!p0 $0x0  }
0xc0: {  	[sflag:s0] =	ssyncadd.s32 @!p0 s1  }
0xc1: {  	[bflag:$0x3] =	sbarrier.arrive $0xFFFF  }
0xc2: {  	_ =	shalt  }

</sc_bundles>
